<compile_context>
chip_gen: v7x
topology: tpu7x:2x2x1
jax: 0.10.2.dev20260603
libtpu: 0.0.44.dev20260713+nightly
codegen_flags: <defaults>
</compile_context>

<pallas_src>
import functools

import jax
import jax.numpy as jnp
from jax import lax
from jax.experimental import pallas as pl
from jax.experimental.pallas import tpu as pltpu
from jax.experimental.pallas import tpu_sc as plsc

T, C, H, E = 2048, 768, 12, 8
F = 4 * C
DH = C // H
BR = 256
BRA = 2048
KB = 2048
BLK = 256
MAXB = 23
MAXB32 = 32
NSLOT = MAXB * BLK
NW = 32
TPW = T // NW
NEG = -1e30


def _ln_qkv_body(x_ref, g_ref, b_ref, w_ref, qkv_ref):
    xb = x_ref[...]
    mu = jnp.mean(xb, axis=1, keepdims=True)
    var = jnp.mean((xb - mu) ** 2, axis=1, keepdims=True)
    xn = (xb - mu) * lax.rsqrt(var + 1e-5) * g_ref[...] + b_ref[...]
    qkv_ref[...] = jnp.dot(xn.astype(jnp.bfloat16), w_ref[...],
                           preferred_element_type=jnp.float32
                           ).astype(jnp.bfloat16)


def _ln_qkv(x2, g1, b1, wqkv_b):
    return pl.pallas_call(
        _ln_qkv_body,
        grid=(T // BR,),
        in_specs=[
            pl.BlockSpec((BR, C), lambda i: (i, 0)),
            pl.BlockSpec((1, C), lambda i: (0, 0)),
            pl.BlockSpec((1, C), lambda i: (0, 0)),
            pl.BlockSpec((C, 3 * C), lambda i: (0, 0)),
        ],
        out_specs=pl.BlockSpec((BR, 3 * C), lambda i: (i, 0)),
        out_shape=jax.ShapeDtypeStruct((T, 3 * C), jnp.bfloat16),
    )(x2, g1, b1, wqkv_b)


def _attn_body(q_ref, k_ref, v_ref, o_ref):
    iq = pl.program_id(1)
    scale = DH ** -0.5
    nd = BRA // KB
    outs = []
    for off in (0, DH):
        q = q_ref[:, off:off + DH]

        def _online(carry, s, vb):
            m, l, acc = carry
            m2 = jnp.maximum(m, jnp.max(s, axis=1, keepdims=True))
            p = jnp.exp(s - m2)
            alpha = jnp.exp(m - m2)
            l2 = l * alpha + jnp.sum(p, axis=1, keepdims=True)
            pv = lax.dot_general(p.astype(jnp.bfloat16), vb,
                                 (((1,), (0,)), ((), ())),
                                 preferred_element_type=jnp.float32)
            return m2, l2, acc * alpha + pv

        def full_step(j, carry):
            kb = k_ref[pl.ds(j * KB, KB), off:off + DH]
            s = lax.dot_general(q, kb, (((1,), (1,)), ((), ())),
                                preferred_element_type=jnp.float32) * scale
            vb = v_ref[pl.ds(j * KB, KB), off:off + DH]
            return _online(carry, s, vb)

        m0 = jnp.full((BRA, 1), NEG, jnp.float32)
        l0 = jnp.zeros((BRA, 1), jnp.float32)
        a0 = jnp.zeros((BRA, DH), jnp.float32)
        carry = lax.fori_loop(0, iq * nd, full_step, (m0, l0, a0))
        for d in range(nd):
            j = iq * nd + d
            kb = k_ref[pl.ds(j * KB, KB), off:off + DH]
            s = lax.dot_general(q, kb, (((1,), (1,)), ((), ())),
                                preferred_element_type=jnp.float32) * scale
            row = lax.broadcasted_iota(jnp.int32, (BRA, KB), 0)
            col = d * KB + lax.broadcasted_iota(jnp.int32, (BRA, KB), 1)
            s = jnp.where(col <= row, s, NEG)
            vb = v_ref[pl.ds(j * KB, KB), off:off + DH]
            carry = _online(carry, s, vb)
        m, l, acc = carry
        outs.append(acc / l)
    o_ref[...] = jnp.concatenate(outs, axis=1).astype(jnp.bfloat16)


def _attn(qkv):
    hp = H // 2
    return pl.pallas_call(
        _attn_body,
        grid=(hp, T // BRA),
        in_specs=[
            pl.BlockSpec((BRA, 2 * DH), lambda h, iq: (iq, h)),
            pl.BlockSpec((T, 2 * DH), lambda h, iq: (0, hp + h)),
            pl.BlockSpec((T, 2 * DH), lambda h, iq: (0, 2 * hp + h)),
        ],
        out_specs=pl.BlockSpec((BRA, 2 * DH), lambda h, iq: (iq, h)),
        out_shape=jax.ShapeDtypeStruct((T, C), jnp.bfloat16),
        compiler_params=pltpu.CompilerParams(
            vmem_limit_bytes=100 * 1024 * 1024),
    )(qkv, qkv, qkv)


def _router_body(y_ref, x_ref, wp_ref, g_ref, b_ref, wr_ref, br_ref,
                 x1_ref, xn2_ref, meta_ref, cnt_ref, gsum_ref, aux_ref,
                 bte_ref):
    i = pl.program_id(0)
    nb = pl.num_programs(0)
    x1 = x_ref[...] + jnp.dot(y_ref[...], wp_ref[...],
                              preferred_element_type=jnp.float32)
    x1_ref[...] = x1
    mu = jnp.mean(x1, axis=1, keepdims=True)
    var = jnp.mean((x1 - mu) ** 2, axis=1, keepdims=True)
    xn2 = (x1 - mu) * lax.rsqrt(var + 1e-5) * g_ref[...] + b_ref[...]
    xn2_ref[...] = xn2
    logits = jnp.dot(xn2, wr_ref[...],
                     preferred_element_type=jnp.float32) + br_ref[...]
    lmax = jnp.max(logits, axis=1, keepdims=True)
    ex = jnp.exp(logits - lmax)
    gates = ex / jnp.sum(ex, axis=1, keepdims=True)

    @pl.when(i == 0)
    def _():
        cnt_ref[...] = jnp.zeros_like(cnt_ref)
        gsum_ref[...] = jnp.zeros_like(gsum_ref)

    gsum_ref[...] += jnp.sum(gates, axis=0, keepdims=True)

    iotaf = lax.broadcasted_iota(jnp.int32, (BR, E), 1).astype(jnp.float32)
    p0 = jnp.max(gates, axis=1, keepdims=True)
    e0 = jnp.min(jnp.where(gates == p0, iotaf, float(E)), axis=1,
                 keepdims=True)
    oh0 = (iotaf == e0).astype(jnp.float32)
    g2m = jnp.where(oh0 > 0, -1.0, gates)
    p1 = jnp.max(g2m, axis=1, keepdims=True)
    e1 = jnp.min(jnp.where(g2m == p1, iotaf, float(E)), axis=1,
                 keepdims=True)
    oh1 = (iotaf == e1).astype(jnp.float32)

    tril = (lax.broadcasted_iota(jnp.int32, (BR, BR), 0)
            > lax.broadcasted_iota(jnp.int32, (BR, BR), 1)
            ).astype(jnp.float32)
    cnts = cnt_ref[0:1, 0:E]
    r0m = jnp.dot(tril, oh0, preferred_element_type=jnp.float32) + cnts
    rank0 = jnp.sum(r0m * oh0, axis=1, keepdims=True)
    cmid = cnts + jnp.sum(oh0, axis=0, keepdims=True)
    r1m = jnp.dot(tril, oh1, preferred_element_type=jnp.float32) + cmid
    rank1 = jnp.sum(r1m * oh1, axis=1, keepdims=True)
    cnt_ref[0:1, 0:E] = cmid + jnp.sum(oh1, axis=0, keepdims=True)

    zz = jnp.zeros((BR, 1), jnp.float32)
    meta_ref[...] = jnp.concatenate(
        [p0, p1, e0, e1, rank0, rank1, zz, zz], axis=1)

    @pl.when(i == nb - 1)
    def _():
        mg = gsum_ref[...] * (1.0 / T) - 1.0 / E
        aux_ref[...] = jnp.sum(mg * mg, axis=1, keepdims=True) * (1.0 / E)
        cntf = cnt_ref[...]
        blocks = jnp.floor((cntf + (BLK - 1)) * (1.0 / BLK))
        tri = (lax.broadcasted_iota(jnp.int32, (16, 16), 0)
               <= lax.broadcasted_iota(jnp.int32, (16, 16), 1)
               ).astype(jnp.float32)
        cum = jnp.dot(blocks, tri, preferred_element_type=jnp.float32)
        biota = lax.broadcasted_iota(jnp.int32, (MAXB32, 16), 0
                                     ).astype(jnp.float32)
        ge = (biota >= jnp.broadcast_to(cum, (MAXB32, 16))
              ).astype(jnp.float32)
        bte_ref[...] = jnp.minimum(jnp.sum(ge, axis=1, keepdims=True),
                                   float(E - 1))


def _router(y, x2, wproj_b, g2, b2, wr, brr):
    return pl.pallas_call(
        _router_body,
        grid=(T // BR,),
        in_specs=[
            pl.BlockSpec((BR, C), lambda i: (i, 0)),
            pl.BlockSpec((BR, C), lambda i: (i, 0)),
            pl.BlockSpec((C, C), lambda i: (0, 0)),
            pl.BlockSpec((1, C), lambda i: (0, 0)),
            pl.BlockSpec((1, C), lambda i: (0, 0)),
            pl.BlockSpec((C, E), lambda i: (0, 0)),
            pl.BlockSpec((1, E), lambda i: (0, 0)),
        ],
        out_specs=[
            pl.BlockSpec((BR, C), lambda i: (i, 0)),
            pl.BlockSpec((BR, C), lambda i: (i, 0)),
            pl.BlockSpec((BR, E), lambda i: (i, 0)),
            pl.BlockSpec((1, 16), lambda i: (0, 0)),
            pl.BlockSpec((1, E), lambda i: (0, 0)),
            pl.BlockSpec((1, 1), lambda i: (0, 0)),
            pl.BlockSpec((MAXB32, 1), lambda i: (0, 0)),
        ],
        out_shape=[
            jax.ShapeDtypeStruct((T, C), jnp.float32),
            jax.ShapeDtypeStruct((T, C), jnp.float32),
            jax.ShapeDtypeStruct((T, E), jnp.float32),
            jax.ShapeDtypeStruct((1, 16), jnp.float32),
            jax.ShapeDtypeStruct((1, E), jnp.float32),
            jax.ShapeDtypeStruct((1, 1), jnp.float32),
            jax.ShapeDtypeStruct((MAXB32, 1), jnp.float32),
        ],
    )(y, x2, wproj_b, g2, b2, wr, brr)


def _splat(v, dtype=jnp.int32):
    return jnp.full((16,), v, dtype)


def _sca_body(xn2_hbm, meta_hbm, cnt_hbm, xs_hbm, slots_hbm,
              cnt_v, cum_v, base_v, meta_v, rows_v, s0_v, s1_v, sem):
    cid = lax.axis_index("c")
    sid = lax.axis_index("s")
    wid = sid * 2 + cid

    pltpu.sync_copy(cnt_hbm.at[0], cnt_v)
    ci = cnt_v[...].astype(jnp.int32)
    blocks = (ci + (BLK - 1)) // BLK
    cum = plsc.cumsum(blocks)
    cum_v[...] = cum
    base_v[...] = (cum - blocks) * BLK

    base_t = wid * TPW
    pltpu.sync_copy(meta_hbm.at[pl.ds(base_t, TPW), :], meta_v)
    iota16 = lax.broadcasted_iota(jnp.int32, (16,), 0)
    for g in range(TPW // 16):
        ridx = iota16 + g * 16
        e0 = plsc.load_gather(meta_v, [ridx, _splat(2)]).astype(jnp.int32)
        e1 = plsc.load_gather(meta_v, [ridx, _splat(3)]).astype(jnp.int32)
        r0 = plsc.load_gather(meta_v, [ridx, _splat(4)]).astype(jnp.int32)
        r1 = plsc.load_gather(meta_v, [ridx, _splat(5)]).astype(jnp.int32)
        s0_v[pl.ds(g * 16, 16)] = plsc.load_gather(base_v, [e0]) + r0
        s1_v[pl.ds(g * 16, 16)] = plsc.load_gather(base_v, [e1]) + r1

    pltpu.sync_copy(xn2_hbm.at[pl.ds(base_t, TPW), :], rows_v)
    pltpu.async_copy(rows_v, xs_hbm.at[s0_v], sem).wait()
    pltpu.async_copy(rows_v, xs_hbm.at[s1_v], sem).wait()
    pltpu.sync_copy(s0_v, slots_hbm.at[0, pl.ds(base_t, TPW)])
    pltpu.sync_copy(s1_v, slots_hbm.at[1, pl.ds(base_t, TPW)])


@functools.cache
def _sca():
    return pl.kernel(
        _sca_body,
        out_type=[
            jax.ShapeDtypeStruct((NSLOT, C), jnp.float32),
            jax.ShapeDtypeStruct((2, T), jnp.int32),
        ],
        mesh=plsc.VectorSubcoreMesh(core_axis_name="c",
                                    subcore_axis_name="s"),
        compiler_params=pltpu.CompilerParams(needs_layout_passes=False),
        scratch_types=[
            pltpu.VMEM((16,), jnp.float32),
            pltpu.VMEM((16,), jnp.int32),
            pltpu.VMEM((16,), jnp.int32),
            pltpu.VMEM((TPW, E), jnp.float32),
            pltpu.VMEM((TPW, C), jnp.float32),
            pltpu.VMEM((TPW,), jnp.int32),
            pltpu.VMEM((TPW,), jnp.int32),
            pltpu.SemaphoreType.DMA,
        ],
    )


def _ffn_body(bte_ref, xs_ref, w1_ref, b1_ref, w2_ref, b2_ref, ys_ref):
    xb = xs_ref[...].astype(jnp.bfloat16)
    h = jnp.dot(xb, w1_ref[0].astype(jnp.bfloat16),
                preferred_element_type=jnp.float32)
    h = h + b1_ref[0]
    h = 0.5 * h * (1.0 + lax.erf(h * (2.0 ** -0.5)))
    y = jnp.dot(h.astype(jnp.bfloat16), w2_ref[0].astype(jnp.bfloat16),
                preferred_element_type=jnp.float32)
    ys_ref[...] = y + b2_ref[0]


def _ffn(bte, xs, w1, bb1, w2, bb2):
    grid_spec = pltpu.PrefetchScalarGridSpec(
        num_scalar_prefetch=1,
        grid=(MAXB,),
        in_specs=[
            pl.BlockSpec((BLK, C), lambda b, s: (b, 0)),
            pl.BlockSpec((1, C, F), lambda b, s: (s[b], 0, 0)),
            pl.BlockSpec((1, 1, F), lambda b, s: (s[b], 0, 0)),
            pl.BlockSpec((1, F, C), lambda b, s: (s[b], 0, 0)),
            pl.BlockSpec((1, 1, C), lambda b, s: (s[b], 0, 0)),
        ],
        out_specs=pl.BlockSpec((BLK, C), lambda b, s: (b, 0)),
    )
    return pl.pallas_call(
        _ffn_body,
        grid_spec=grid_spec,
        out_shape=jax.ShapeDtypeStruct((NSLOT, C), jnp.float32),
        compiler_params=pltpu.CompilerParams(
            vmem_limit_bytes=100 * 1024 * 1024),
    )(bte, xs, w1, bb1.reshape(E, 1, F), w2, bb2.reshape(E, 1, C))


def _scb_body(x1_hbm, ys_hbm, meta_hbm, slots_hbm, xo_hbm,
              s0_v, s1_v, meta_v, x1_v, r0_v, r1_v, sem):
    cid = lax.axis_index("c")
    sid = lax.axis_index("s")
    wid = sid * 2 + cid
    for sub in range(TPW // 32):
        base_t = wid * TPW + sub * 32
        pltpu.sync_copy(slots_hbm.at[0, pl.ds(base_t, 32)], s0_v)
        pltpu.sync_copy(slots_hbm.at[1, pl.ds(base_t, 32)], s1_v)
        pltpu.sync_copy(meta_hbm.at[pl.ds(base_t, 32), :], meta_v)
        pltpu.sync_copy(x1_hbm.at[pl.ds(base_t, 32), :], x1_v)
        pltpu.async_copy(ys_hbm.at[s0_v], r0_v, sem).wait()
        pltpu.async_copy(ys_hbm.at[s1_v], r1_v, sem).wait()

        def tok_body(j, _):
            p0 = plsc.load_gather(meta_v, [_splat(j), _splat(0)])
            p1 = plsc.load_gather(meta_v, [_splat(j), _splat(1)])
            for k2 in range(C // 16):
                sl = pl.ds(k2 * 16, 16)
                x1_v[j, sl] = (x1_v[j, sl] + p0 * r0_v[j, sl]
                               + p1 * r1_v[j, sl])
            return 0

        lax.fori_loop(0, 32, tok_body, 0)
        pltpu.sync_copy(x1_v, xo_hbm.at[pl.ds(base_t, 32), :])


@functools.cache
def _scb():
    return pl.kernel(
        _scb_body,
        out_type=jax.ShapeDtypeStruct((T, C), jnp.float32),
        mesh=plsc.VectorSubcoreMesh(core_axis_name="c",
                                    subcore_axis_name="s"),
        compiler_params=pltpu.CompilerParams(needs_layout_passes=False),
        scratch_types=[
            pltpu.VMEM((32,), jnp.int32),
            pltpu.VMEM((32,), jnp.int32),
            pltpu.VMEM((32, E), jnp.float32),
            pltpu.VMEM((32, C), jnp.float32),
            pltpu.VMEM((32, C), jnp.float32),
            pltpu.VMEM((32, C), jnp.float32),
            pltpu.SemaphoreType.DMA,
        ],
    )


def kernel(x, g1, b1, g2, b2, Wqkv, Wproj, Wr, br, W1, bb1, W2, bb2):
    x2 = x.reshape(T, C)
    qkv = _ln_qkv(x2, g1.reshape(1, C), b1.reshape(1, C),
                  Wqkv.astype(jnp.bfloat16))
    y = _attn(qkv)
    x1, xn2, meta, cnt16, gsum, auxv, btef = _router(
        y, x2, Wproj.astype(jnp.bfloat16), g2.reshape(1, C),
        b2.reshape(1, C), Wr, br.reshape(1, E))
    del gsum
    bte = btef.reshape(MAXB32).astype(jnp.int32)
    xs, slots = _sca()(xn2, meta, cnt16)
    ys = _ffn(bte, xs, W1, bb1, W2, bb2)
    xo = _scb()(x1, ys, meta, slots)
    return xo.reshape(1, T, C), auxv[0, 0]

# --- scband reference (transcript-rebuilt; emitter-appended) ---
"""Pipeline reference for scband-block-51505247813860 (READ-ONLY COPY).

The authoritative reference and input builder live on the scoring server;
editing this copy changes nothing except your own understanding.
"""

import jax, jax.numpy as jnp
import numpy as np

B, T, C, H, E = 1, 2048, 768, 12, 8
F = 4 * C
DH = C // H

def setup_inputs(seed: int = 0) -> dict:
    key = jax.random.key(seed)
    ks = jax.random.split(key, 16)
    s = 0.02
    return {
        "x": jax.random.normal(ks[0], (B, T, C), dtype=jnp.float32),
        "g1": jnp.ones((C,), jnp.float32),
        "b1": jnp.zeros((C,), jnp.float32),
        "g2": jnp.ones((C,), jnp.float32),
        "b2": jnp.zeros((C,), jnp.float32),
        "Wqkv": jax.random.normal(ks[1], (C, 3 * C), jnp.float32) * s,
        "Wproj": jax.random.normal(ks[2], (C, C), jnp.float32) * s,
        "Wr": jax.random.normal(ks[3], (C, E), jnp.float32) * s,
        "br": jnp.zeros((E,), jnp.float32),
        "W1": jax.random.normal(ks[4], (E, C, F), jnp.float32) * s,
        "bb1": jnp.zeros((E, F), jnp.float32),
        "W2": jax.random.normal(ks[5], (E, F, C), jnp.float32) * s,
        "bb2": jnp.zeros((E, C), jnp.float32),
    }

def _ln(x, g, b, eps=1e-5):
    mu = jnp.mean(x, axis=-1, keepdims=True)
    var = jnp.var(x, axis=-1, keepdims=True)
    return (x - mu) / jnp.sqrt(var + eps) * g + b

def reference(x, g1, b1, g2, b2, Wqkv, Wproj, Wr, br, W1, bb1, W2, bb2):
    # attention block
    xn = _ln(x, g1, b1)
    qkv = xn @ Wqkv
    q, k, v = jnp.split(qkv, 3, axis=-1)
    q = q.reshape(B, T, H, DH).transpose(0, 2, 1, 3)
    k = k.reshape(B, T, H, DH).transpose(0, 2, 1, 3)
    v = v.reshape(B, T, H, DH).transpose(0, 2, 1, 3)
    scale = DH ** (-0.5)
    att = (q @ k.transpose(0, 1, 3, 2)) * scale
    mask = jnp.tril(jnp.ones((T, T), jnp.float32))[None, None, :, :]
    att = jnp.where(mask == 0, -jnp.inf, att)
    att = jax.nn.softmax(att, axis=-1)
    y = att @ v
    y = y.transpose(0, 2, 1, 3).reshape(B, T, C)
    y = y @ Wproj
    x = x + y
    # MoE FFN (top-2)
    xn2 = _ln(x, g2, b2)
    xflat = xn2.reshape(B * T, C)
    logits = xflat @ Wr + br
    gates = jax.nn.softmax(logits, axis=-1)
    probs, idx = jax.lax.top_k(gates, 2)
    combine = (jax.nn.one_hot(idx[:, 0], E, dtype=jnp.float32) * probs[:, 0:1]
               + jax.nn.one_hot(idx[:, 1], E, dtype=jnp.float32) * probs[:, 1:2])
    h = jax.nn.gelu(jnp.einsum('nc,ecf->enf', xflat, W1) + bb1[:, None, :], approximate=False)
    ye = jnp.einsum('enf,efc->enc', h, W2) + bb2[:, None, :]
    out = jnp.einsum('enc,ne->nc', ye, combine)
    mean_gates = jnp.mean(gates, axis=0)
    uniform = jnp.full_like(mean_gates, 1.0 / E)
    aux = jnp.mean((mean_gates - uniform) ** 2)
    x = x + out.reshape(B, T, C)
    return (x, aux)

if __name__ == "__main__":
    import jax
    _d = setup_inputs()
    print(jax.jit(kernel)(*tuple(_d.values())))

</pallas_src>

<mosaic_0001>
#map = affine_map<(d0, d1) -> (0, 0)>
module attributes {stable_mosaic.version = 14 : i64} {
  func.func @_sca_body(%arg0: i32, %arg1: i32, %arg2: memref<2048x768xf32, #tpu.memory_space<hbm>>, %arg3: memref<2048x8xf32, #tpu.memory_space<hbm>>, %arg4: memref<1x16xf32, #tpu.memory_space<hbm>>, %arg5: memref<5888x768xf32, #tpu.memory_space<hbm>>, %arg6: memref<2x2048xi32, #tpu.memory_space<hbm>>, %arg7: memref<16xf32, #tpu.memory_space<vmem>>, %arg8: memref<16xi32, #tpu.memory_space<vmem>>, %arg9: memref<16xi32, #tpu.memory_space<vmem>>, %arg10: memref<64x8xf32, #tpu.memory_space<vmem>>, %arg11: memref<64x768xf32, #tpu.memory_space<vmem>>, %arg12: memref<64xi32, #tpu.memory_space<vmem>>, %arg13: memref<64xi32, #tpu.memory_space<vmem>>, %arg14: memref<!tpu.dma_semaphore, #tpu.memory_space<semaphore_mem>>) attributes {dimension_semantics = [#tpu.dimension_semantics<core_parallel>, #tpu.dimension_semantics<subcore_parallel>], iteration_bounds = array<i64: 2, 16>, scalar_prefetch = 0 : i64, scratch_operands = 8 : i64, tpu.core_type = #tpu.core_type<sc_vector_subcore>, window_params = [{transform_indices = #map}, {transform_indices = #map}, {transform_indices = #map}, {transform_indices = #map}, {transform_indices = #map}]} {
    %mul3A = arith.constant 2 : i32
    %mul3A_0 = arith.muli %arg1, %mul3A : i32
    %add3A = arith.addi %mul3A_0, %arg0 : i32
    %run_scoped3A = arith.constant 0 : i32
    "tpu.region"() ({
      %run_scoped3A_157 = tpu.sem_alloc : memref<!tpu.dma_semaphore, #tpu.memory_space<semaphore_mem>>
      %dma_start3A_158 = arith.constant 0 : i32
      %dma_start3A_159 = tpu.memref_slice %arg4[%run_scoped3A, %dma_start3A_158] : memref<1x16xf32, #tpu.memory_space<hbm>> -> memref<1x16xf32, #tpu.memory_space<hbm>>
      %dma_start3A_160 = tpu.memref_squeeze %dma_start3A_159 : memref<1x16xf32, #tpu.memory_space<hbm>> -> memref<16xf32, #tpu.memory_space<hbm>>
      %dma_start3A_161 = arith.constant 0 : i32
      %dma_start3A_162 = tpu.memref_slice %arg4[%run_scoped3A, %dma_start3A_161] : memref<1x16xf32, #tpu.memory_space<hbm>> -> memref<1x16xf32, #tpu.memory_space<hbm>>
      %dma_start3A_163 = tpu.memref_squeeze %dma_start3A_162 : memref<1x16xf32, #tpu.memory_space<hbm>> -> memref<16xf32, #tpu.memory_space<hbm>>
      tpu.enqueue_dma source(%dma_start3A_163 : memref<16xf32, #tpu.memory_space<hbm>>) target(%arg7 : memref<16xf32, #tpu.memory_space<vmem>>) target_semaphore(%run_scoped3A_157 : memref<!tpu.dma_semaphore, #tpu.memory_space<semaphore_mem>>)
      %dma_wait3A_164 = arith.constant 0 : i32
      %dma_wait3A_165 = tpu.memref_slice %arg4[%run_scoped3A, %dma_wait3A_164] : memref<1x16xf32, #tpu.memory_space<hbm>> -> memref<1x16xf32, #tpu.memory_space<hbm>>
      %dma_wait3A_166 = tpu.memref_squeeze %dma_wait3A_165 : memref<1x16xf32, #tpu.memory_space<hbm>> -> memref<16xf32, #tpu.memory_space<hbm>>
      %dma_wait3A_167 = arith.constant 0 : i32
      %dma_wait3A_168 = tpu.memref_slice %arg4[%run_scoped3A, %dma_wait3A_167] : memref<1x16xf32, #tpu.memory_space<hbm>> -> memref<1x16xf32, #tpu.memory_space<hbm>>
      %dma_wait3A_169 = tpu.memref_squeeze %dma_wait3A_168 : memref<1x16xf32, #tpu.memory_space<hbm>> -> memref<16xf32, #tpu.memory_space<hbm>>
      tpu.wait_dma2 semaphore(%run_scoped3A_157 : memref<!tpu.dma_semaphore, #tpu.memory_space<semaphore_mem>>) src(%dma_wait3A_169 : memref<16xf32, #tpu.memory_space<hbm>>) dst(%arg7 : memref<16xf32, #tpu.memory_space<vmem>>)
      tpu.yield
    }) : () -> ()
    %get3A = arith.constant 0 : index
    %get3A_1 = tpu.vector_load %arg7[%get3A] {strides = array<i32>} : memref<16xf32, #tpu.memory_space<vmem>>, vector<16xf32>,
    %convert_element_type3A = arith.fptosi %get3A_1 : vector<16xf32> to vector<16xi32>
    %add3A_2 = arith.constant 255 : i32
    %add3A_3 = vector.broadcast %add3A_2 : i32 to vector<16xi32>
    %add3A_4 = arith.addi %convert_element_type3A, %add3A_3 : vector<16xi32>
    %jit3A = arith.constant 256 : i32
    %div3A = vector.broadcast %jit3A : i32 to vector<16xi32>
    %div3A_5 = arith.divsi %add3A_4, %div3A : vector<16xi32>
    %sign3A = arith.constant 0 : i32
    %sign3A_6 = vector.broadcast %sign3A : i32 to vector<16xi32>
    %sign3A_7 = arith.cmpi sgt, %add3A_4, %sign3A_6 : vector<16xi32>
    %sign3A_8 = arith.extui %sign3A_7 : vector<16xi1> to vector<16xi32>
    %sign3A_9 = arith.constant 0 : i32
    %sign3A_10 = vector.broadcast %sign3A_9 : i32 to vector<16xi32>
    %sign3A_11 = arith.cmpi slt, %add3A_4, %sign3A_10 : vector<16xi32>
    %sign3A_12 = arith.extui %sign3A_11 : vector<16xi1> to vector<16xi32>
    %sign3A_13 = arith.subi %sign3A_8, %sign3A_12 : vector<16xi32>
    %sign3A_14 = arith.constant 0 : i32
    %sign3A_15 = arith.cmpi sgt, %jit3A, %sign3A_14 : i32
    %sign3A_16 = arith.extui %sign3A_15 : i1 to i32
    %sign3A_17 = arith.constant 0 : i32
    %sign3A_18 = arith.cmpi slt, %jit3A, %sign3A_17 : i32
    %sign3A_19 = arith.extui %sign3A_18 : i1 to i32
    %sign3A_20 = arith.subi %sign3A_16, %sign3A_19 : i32
    %ne3A = vector.broadcast %sign3A_20 : i32 to vector<16xi32>
    %ne3A_21 = arith.cmpi ne, %sign3A_13, %ne3A : vector<16xi32>
    %rem3A = vector.broadcast %jit3A : i32 to vector<16xi32>
    %rem3A_22 = arith.remsi %add3A_4, %rem3A : vector<16xi32>
    %ne3A_23 = arith.constant 0 : i32
    %ne3A_24 = vector.broadcast %ne3A_23 : i32 to vector<16xi32>
    %ne3A_25 = arith.cmpi ne, %rem3A_22, %ne3A_24 : vector<16xi32>
    %and3A = arith.andi %ne3A_21, %ne3A_25 : vector<16xi1>
    %sub3A = arith.constant 1 : i32
    %sub3A_26 = vector.broadcast %sub3A : i32 to vector<16xi32>
    %sub3A_27 = arith.subi %div3A_5, %sub3A_26 : vector<16xi32>
    %select_n3A = arith.select %and3A, %sub3A_27, %div3A_5 : vector<16xi1>, vector<16xi32>
    %broadcast_in_dim3A = arith.constant true
    %broadcast_in_dim3A_28 = vector.broadcast %broadcast_in_dim3A : i1 to vector<16xi1>
    %masked_cumsum3A = tpu.scan <sum>, %select_n3A masked %broadcast_in_dim3A_28 : vector<16xi32>, vector<16xi1> -> vector<16xi32>
    %swap3A = arith.constant 0 : index
    %swap3A_29 = tpu.vector_load %arg8[%swap3A] {strides = array<i32>} : memref<16xi32, #tpu.memory_space<vmem>>, vector<16xi32>,
    tpu.vector_store %arg8[%swap3A], %masked_cumsum3A {strides = array<i32>} : memref<16xi32, #tpu.memory_space<vmem>>, vector<16xi32>,
    %sub3A_30 = arith.subi %masked_cumsum3A, %select_n3A : vector<16xi32>
    %mul3A_31 = arith.constant 256 : i32
    %mul3A_32 = vector.broadcast %mul3A_31 : i32 to vector<16xi32>
    %mul3A_33 = arith.muli %sub3A_30, %mul3A_32 : vector<16xi32>
    %swap3A_34 = arith.constant 0 : index
    %swap3A_35 = tpu.vector_load %arg9[%swap3A_34] {strides = array<i32>} : memref<16xi32, #tpu.memory_space<vmem>>, vector<16xi32>,
    tpu.vector_store %arg9[%swap3A_34], %mul3A_33 {strides = array<i32>} : memref<16xi32, #tpu.memory_space<vmem>>, vector<16xi32>,
    %mul3A_36 = arith.constant 64 : i32
    %mul3A_37 = arith.muli %add3A, %mul3A_36 : i32
    "tpu.region"() ({
      %run_scoped3A_157 = tpu.sem_alloc : memref<!tpu.dma_semaphore, #tpu.memory_space<semaphore_mem>>
      %dma_start3A_158 = arith.constant 0 : i32
      %dma_start3A_159 = tpu.memref_slice %arg3[%mul3A_37, %dma_start3A_158] : memref<2048x8xf32, #tpu.memory_space<hbm>> -> memref<64x8xf32, #tpu.memory_space<hbm>>
      %dma_start3A_160 = arith.constant 0 : i32
      %dma_start3A_161 = tpu.memref_slice %arg3[%mul3A_37, %dma_start3A_160] : memref<2048x8xf32, #tpu.memory_space<hbm>> -> memref<64x8xf32, #tpu.memory_space<hbm>>
      tpu.enqueue_dma source(%dma_start3A_161 : memref<64x8xf32, #tpu.memory_space<hbm>>) target(%arg10 : memref<64x8xf32, #tpu.memory_space<vmem>>) target_semaphore(%run_scoped3A_157 : memref<!tpu.dma_semaphore, #tpu.memory_space<semaphore_mem>>)
      %dma_wait3A_162 = arith.constant 0 : i32
      %dma_wait3A_163 = tpu.memref_slice %arg3[%mul3A_37, %dma_wait3A_162] : memref<2048x8xf32, #tpu.memory_space<hbm>> -> memref<64x8xf32, #tpu.memory_space<hbm>>
      %dma_wait3A_164 = arith.constant 0 : i32
      %dma_wait3A_165 = tpu.memref_slice %arg3[%mul3A_37, %dma_wait3A_164] : memref<2048x8xf32, #tpu.memory_space<hbm>> -> memref<64x8xf32, #tpu.memory_space<hbm>>
      tpu.wait_dma2 semaphore(%run_scoped3A_157 : memref<!tpu.dma_semaphore, #tpu.memory_space<semaphore_mem>>) src(%dma_wait3A_165 : memref<64x8xf32, #tpu.memory_space<hbm>>) dst(%arg10 : memref<64x8xf32, #tpu.memory_space<vmem>>)
      tpu.yield
    }) : () -> ()
    %iota3A = tpu.iota {dimensions = array<i32: 0>} : vector<16xi32>
    %add3A_38 = arith.constant 0 : i32
    %add3A_39 = vector.broadcast %add3A_38 : i32 to vector<16xi32>
    %add3A_40 = arith.addi %iota3A, %add3A_39 : vector<16xi32>
    %broadcast_in_dim3A_41 = arith.constant 2 : i32
    %broadcast_in_dim3A_42 = vector.broadcast %broadcast_in_dim3A_41 : i32 to vector<16xi32>
    %gather3A = tpu.vector_load_idx %arg10[%add3A_40, %broadcast_in_dim3A_42] : memref<64x8xf32, #tpu.memory_space<vmem>>[vector<16xi32>, vector<16xi32>], vector<16xf32>,
    %convert_element_type3A_43 = arith.fptosi %gather3A : vector<16xf32> to vector<16xi32>
    %broadcast_in_dim3A_44 = arith.constant 3 : i32
    %broadcast_in_dim3A_45 = vector.broadcast %broadcast_in_dim3A_44 : i32 to vector<16xi32>
    %gather3A_46 = tpu.vector_load_idx %arg10[%add3A_40, %broadcast_in_dim3A_45] : memref<64x8xf32, #tpu.memory_space<vmem>>[vector<16xi32>, vector<16xi32>], vector<16xf32>,
    %convert_element_type3A_47 = arith.fptosi %gather3A_46 : vector<16xf32> to vector<16xi32>
    %broadcast_in_dim3A_48 = arith.constant 4 : i32
    %broadcast_in_dim3A_49 = vector.broadcast %broadcast_in_dim3A_48 : i32 to vector<16xi32>
    %gather3A_50 = tpu.vector_load_idx %arg10[%add3A_40, %broadcast_in_dim3A_49] : memref<64x8xf32, #tpu.memory_space<vmem>>[vector<16xi32>, vector<16xi32>], vector<16xf32>,
    %convert_element_type3A_51 = arith.fptosi %gather3A_50 : vector<16xf32> to vector<16xi32>
    %broadcast_in_dim3A_52 = arith.constant 5 : i32
    %broadcast_in_dim3A_53 = vector.broadcast %broadcast_in_dim3A_52 : i32 to vector<16xi32>
    %gather3A_54 = tpu.vector_load_idx %arg10[%add3A_40, %broadcast_in_dim3A_53] : memref<64x8xf32, #tpu.memory_space<vmem>>[vector<16xi32>, vector<16xi32>], vector<16xf32>,
    %convert_element_type3A_55 = arith.fptosi %gather3A_54 : vector<16xf32> to vector<16xi32>
    %gather3A_56 = tpu.vector_load_idx %arg9[%convert_element_type3A_43] : memref<16xi32, #tpu.memory_space<vmem>>[vector<16xi32>], vector<16xi32>,
    %add3A_57 = arith.addi %gather3A_56, %convert_element_type3A_51 : vector<16xi32>
    %swap3A_58 = arith.constant 0 : index
    %swap3A_59 = tpu.vector_load %arg12[%swap3A_58] {strides = array<i32>} : memref<64xi32, #tpu.memory_space<vmem>>, vector<16xi32>,
    tpu.vector_store %arg12[%swap3A_58], %add3A_57 {strides = array<i32>} : memref<64xi32, #tpu.memory_space<vmem>>, vector<16xi32>,
    %gather3A_60 = tpu.vector_load_idx %arg9[%convert_element_type3A_47] : memref<16xi32, #tpu.memory_space<vmem>>[vector<16xi32>], vector<16xi32>,
    %add3A_61 = arith.addi %gather3A_60, %convert_element_type3A_55 : vector<16xi32>
    %swap3A_62 = arith.constant 0 : index
    %swap3A_63 = tpu.vector_load %arg13[%swap3A_62] {strides = array<i32>} : memref<64xi32, #tpu.memory_space<vmem>>, vector<16xi32>,
    tpu.vector_store %arg13[%swap3A_62], %add3A_61 {strides = array<i32>} : memref<64xi32, #tpu.memory_space<vmem>>, vector<16xi32>,
    %add3A_64 = arith.constant 16 : i32
    %add3A_65 = vector.broadcast %add3A_64 : i32 to vector<16xi32>
    %add3A_66 = arith.addi %iota3A, %add3A_65 : vector<16xi32>
    %broadcast_in_dim3A_67 = arith.constant 2 : i32
    %broadcast_in_dim3A_68 = vector.broadcast %broadcast_in_dim3A_67 : i32 to vector<16xi32>
    %gather3A_69 = tpu.vector_load_idx %arg10[%add3A_66, %broadcast_in_dim3A_68] : memref<64x8xf32, #tpu.memory_space<vmem>>[vector<16xi32>, vector<16xi32>], vector<16xf32>,
    %convert_element_type3A_70 = arith.fptosi %gather3A_69 : vector<16xf32> to vector<16xi32>
    %broadcast_in_dim3A_71 = arith.constant 3 : i32
    %broadcast_in_dim3A_72 = vector.broadcast %broadcast_in_dim3A_71 : i32 to vector<16xi32>
    %gather3A_73 = tpu.vector_load_idx %arg10[%add3A_66, %broadcast_in_dim3A_72] : memref<64x8xf32, #tpu.memory_space<vmem>>[vector<16xi32>, vector<16xi32>], vector<16xf32>,
    %convert_element_type3A_74 = arith.fptosi %gather3A_73 : vector<16xf32> to vector<16xi32>
    %broadcast_in_dim3A_75 = arith.constant 4 : i32
    %broadcast_in_dim3A_76 = vector.broadcast %broadcast_in_dim3A_75 : i32 to vector<16xi32>
    %gather3A_77 = tpu.vector_load_idx %arg10[%add3A_66, %broadcast_in_dim3A_76] : memref<64x8xf32, #tpu.memory_space<vmem>>[vector<16xi32>, vector<16xi32>], vector<16xf32>,
    %convert_element_type3A_78 = arith.fptosi %gather3A_77 : vector<16xf32> to vector<16xi32>
    %broadcast_in_dim3A_79 = arith.constant 5 : i32
    %broadcast_in_dim3A_80 = vector.broadcast %broadcast_in_dim3A_79 : i32 to vector<16xi32>
    %gather3A_81 = tpu.vector_load_idx %arg10[%add3A_66, %broadcast_in_dim3A_80] : memref<64x8xf32, #tpu.memory_space<vmem>>[vector<16xi32>, vector<16xi32>], vector<16xf32>,
    %convert_element_type3A_82 = arith.fptosi %gather3A_81 : vector<16xf32> to vector<16xi32>
    %gather3A_83 = tpu.vector_load_idx %arg9[%convert_element_type3A_70] : memref<16xi32, #tpu.memory_space<vmem>>[vector<16xi32>], vector<16xi32>,
    %add3A_84 = arith.addi %gather3A_83, %convert_element_type3A_78 : vector<16xi32>
    %swap3A_85 = arith.constant 16 : index
    %swap3A_86 = tpu.vector_load %arg12[%swap3A_85] {strides = array<i32>} : memref<64xi32, #tpu.memory_space<vmem>>, vector<16xi32>,
    tpu.vector_store %arg12[%swap3A_85], %add3A_84 {strides = array<i32>} : memref<64xi32, #tpu.memory_space<vmem>>, vector<16xi32>,
    %gather3A_87 = tpu.vector_load_idx %arg9[%convert_element_type3A_74] : memref<16xi32, #tpu.memory_space<vmem>>[vector<16xi32>], vector<16xi32>,
    %add3A_88 = arith.addi %gather3A_87, %convert_element_type3A_82 : vector<16xi32>
    %swap3A_89 = arith.constant 16 : index
    %swap3A_90 = tpu.vector_load %arg13[%swap3A_89] {strides = array<i32>} : memref<64xi32, #tpu.memory_space<vmem>>, vector<16xi32>,
    tpu.vector_store %arg13[%swap3A_89], %add3A_88 {strides = array<i32>} : memref<64xi32, #tpu.memory_space<vmem>>, vector<16xi32>,
    %add3A_91 = arith.constant 32 : i32
    %add3A_92 = vector.broadcast %add3A_91 : i32 to vector<16xi32>
    %add3A_93 = arith.addi %iota3A, %add3A_92 : vector<16xi32>
    %broadcast_in_dim3A_94 = arith.constant 2 : i32
    %broadcast_in_dim3A_95 = vector.broadcast %broadcast_in_dim3A_94 : i32 to vector<16xi32>
    %gather3A_96 = tpu.vector_load_idx %arg10[%add3A_93, %broadcast_in_dim3A_95] : memref<64x8xf32, #tpu.memory_space<vmem>>[vector<16xi32>, vector<16xi32>], vector<16xf32>,
    %convert_element_type3A_97 = arith.fptosi %gather3A_96 : vector<16xf32> to vector<16xi32>
    %broadcast_in_dim3A_98 = arith.constant 3 : i32
    %broadcast_in_dim3A_99 = vector.broadcast %broadcast_in_dim3A_98 : i32 to vector<16xi32>
    %gather3A_100 = tpu.vector_load_idx %arg10[%add3A_93, %broadcast_in_dim3A_99] : memref<64x8xf32, #tpu.memory_space<vmem>>[vector<16xi32>, vector<16xi32>], vector<16xf32>,
    %convert_element_type3A_101 = arith.fptosi %gather3A_100 : vector<16xf32> to vector<16xi32>
    %broadcast_in_dim3A_102 = arith.constant 4 : i32
    %broadcast_in_dim3A_103 = vector.broadcast %broadcast_in_dim3A_102 : i32 to vector<16xi32>
    %gather3A_104 = tpu.vector_load_idx %arg10[%add3A_93, %broadcast_in_dim3A_103] : memref<64x8xf32, #tpu.memory_space<vmem>>[vector<16xi32>, vector<16xi32>], vector<16xf32>,
    %convert_element_type3A_105 = arith.fptosi %gather3A_104 : vector<16xf32> to vector<16xi32>
    %broadcast_in_dim3A_106 = arith.constant 5 : i32
    %broadcast_in_dim3A_107 = vector.broadcast %broadcast_in_dim3A_106 : i32 to vector<16xi32>
    %gather3A_108 = tpu.vector_load_idx %arg10[%add3A_93, %broadcast_in_dim3A_107] : memref<64x8xf32, #tpu.memory_space<vmem>>[vector<16xi32>, vector<16xi32>], vector<16xf32>,
    %convert_element_type3A_109 = arith.fptosi %gather3A_108 : vector<16xf32> to vector<16xi32>
    %gather3A_110 = tpu.vector_load_idx %arg9[%convert_element_type3A_97] : memref<16xi32, #tpu.memory_space<vmem>>[vector<16xi32>], vector<16xi32>,
    %add3A_111 = arith.addi %gather3A_110, %convert_element_type3A_105 : vector<16xi32>
    %swap3A_112 = arith.constant 32 : index
    %swap3A_113 = tpu.vector_load %arg12[%swap3A_112] {strides = array<i32>} : memref<64xi32, #tpu.memory_space<vmem>>, vector<16xi32>,
    tpu.vector_store %arg12[%swap3A_112], %add3A_111 {strides = array<i32>} : memref<64xi32, #tpu.memory_space<vmem>>, vector<16xi32>,
    %gather3A_114 = tpu.vector_load_idx %arg9[%convert_element_type3A_101] : memref<16xi32, #tpu.memory_space<vmem>>[vector<16xi32>], vector<16xi32>,
    %add3A_115 = arith.addi %gather3A_114, %convert_element_type3A_109 : vector<16xi32>
    %swap3A_116 = arith.constant 32 : index
    %swap3A_117 = tpu.vector_load %arg13[%swap3A_116] {strides = array<i32>} : memref<64xi32, #tpu.memory_space<vmem>>, vector<16xi32>,
    tpu.vector_store %arg13[%swap3A_116], %add3A_115 {strides = array<i32>} : memref<64xi32, #tpu.memory_space<vmem>>, vector<16xi32>,
    %add3A_118 = arith.constant 48 : i32
    %add3A_119 = vector.broadcast %add3A_118 : i32 to vector<16xi32>
    %add3A_120 = arith.addi %iota3A, %add3A_119 : vector<16xi32>
    %broadcast_in_dim3A_121 = arith.constant 2 : i32
    %broadcast_in_dim3A_122 = vector.broadcast %broadcast_in_dim3A_121 : i32 to vector<16xi32>
    %gather3A_123 = tpu.vector_load_idx %arg10[%add3A_120, %broadcast_in_dim3A_122] : memref<64x8xf32, #tpu.memory_space<vmem>>[vector<16xi32>, vector<16xi32>], vector<16xf32>,
    %convert_element_type3A_124 = arith.fptosi %gather3A_123 : vector<16xf32> to vector<16xi32>
    %broadcast_in_dim3A_125 = arith.constant 3 : i32
    %broadcast_in_dim3A_126 = vector.broadcast %broadcast_in_dim3A_125 : i32 to vector<16xi32>
    %gather3A_127 = tpu.vector_load_idx %arg10[%add3A_120, %broadcast_in_dim3A_126] : memref<64x8xf32, #tpu.memory_space<vmem>>[vector<16xi32>, vector<16xi32>], vector<16xf32>,
    %convert_element_type3A_128 = arith.fptosi %gather3A_127 : vector<16xf32> to vector<16xi32>
    %broadcast_in_dim3A_129 = arith.constant 4 : i32
    %broadcast_in_dim3A_130 = vector.broadcast %broadcast_in_dim3A_129 : i32 to vector<16xi32>
    %gather3A_131 = tpu.vector_load_idx %arg10[%add3A_120, %broadcast_in_dim3A_130] : memref<64x8xf32, #tpu.memory_space<vmem>>[vector<16xi32>, vector<16xi32>], vector<16xf32>,
    %convert_element_type3A_132 = arith.fptosi %gather3A_131 : vector<16xf32> to vector<16xi32>
    %broadcast_in_dim3A_133 = arith.constant 5 : i32
    %broadcast_in_dim3A_134 = vector.broadcast %broadcast_in_dim3A_133 : i32 to vector<16xi32>
    %gather3A_135 = tpu.vector_load_idx %arg10[%add3A_120, %broadcast_in_dim3A_134] : memref<64x8xf32, #tpu.memory_space<vmem>>[vector<16xi32>, vector<16xi32>], vector<16xf32>,
    %convert_element_type3A_136 = arith.fptosi %gather3A_135 : vector<16xf32> to vector<16xi32>
    %gather3A_137 = tpu.vector_load_idx %arg9[%convert_element_type3A_124] : memref<16xi32, #tpu.memory_space<vmem>>[vector<16xi32>], vector<16xi32>,
    %add3A_138 = arith.addi %gather3A_137, %convert_element_type3A_132 : vector<16xi32>
    %swap3A_139 = arith.constant 48 : index
    %swap3A_140 = tpu.vector_load %arg12[%swap3A_139] {strides = array<i32>} : memref<64xi32, #tpu.memory_space<vmem>>, vector<16xi32>,
    tpu.vector_store %arg12[%swap3A_139], %add3A_138 {strides = array<i32>} : memref<64xi32, #tpu.memory_space<vmem>>, vector<16xi32>,
    %gather3A_141 = tpu.vector_load_idx %arg9[%convert_element_type3A_128] : memref<16xi32, #tpu.memory_space<vmem>>[vector<16xi32>], vector<16xi32>,
    %add3A_142 = arith.addi %gather3A_141, %convert_element_type3A_136 : vector<16xi32>
    %swap3A_143 = arith.constant 48 : index
    %swap3A_144 = tpu.vector_load %arg13[%swap3A_143] {strides = array<i32>} : memref<64xi32, #tpu.memory_space<vmem>>, vector<16xi32>,
    tpu.vector_store %arg13[%swap3A_143], %add3A_142 {strides = array<i32>} : memref<64xi32, #tpu.memory_space<vmem>>, vector<16xi32>,
    "tpu.region"() ({
      %run_scoped3A_157 = tpu.sem_alloc : memref<!tpu.dma_semaphore, #tpu.memory_space<semaphore_mem>>
      %dma_start3A_158 = arith.constant 0 : i32
      %dma_start3A_159 = tpu.memref_slice %arg2[%mul3A_37, %dma_start3A_158] : memref<2048x768xf32, #tpu.memory_space<hbm>> -> memref<64x768xf32, #tpu.memory_space<hbm>>
      %dma_start3A_160 = arith.constant 0 : i32
      %dma_start3A_161 = tpu.memref_slice %arg2[%mul3A_37, %dma_start3A_160] : memref<2048x768xf32, #tpu.memory_space<hbm>> -> memref<64x768xf32, #tpu.memory_space<hbm>>
      tpu.enqueue_dma source(%dma_start3A_161 : memref<64x768xf32, #tpu.memory_space<hbm>>) target(%arg11 : memref<64x768xf32, #tpu.memory_space<vmem>>) target_semaphore(%run_scoped3A_157 : memref<!tpu.dma_semaphore, #tpu.memory_space<semaphore_mem>>)
      %dma_wait3A_162 = arith.constant 0 : i32
      %dma_wait3A_163 = tpu.memref_slice %arg2[%mul3A_37, %dma_wait3A_162] : memref<2048x768xf32, #tpu.memory_space<hbm>> -> memref<64x768xf32, #tpu.memory_space<hbm>>
      %dma_wait3A_164 = arith.constant 0 : i32
      %dma_wait3A_165 = tpu.memref_slice %arg2[%mul3A_37, %dma_wait3A_164] : memref<2048x768xf32, #tpu.memory_space<hbm>> -> memref<64x768xf32, #tpu.memory_space<hbm>>
      tpu.wait_dma2 semaphore(%run_scoped3A_157 : memref<!tpu.dma_semaphore, #tpu.memory_space<semaphore_mem>>) src(%dma_wait3A_165 : memref<64x768xf32, #tpu.memory_space<hbm>>) dst(%arg11 : memref<64x768xf32, #tpu.memory_space<vmem>>)
      tpu.yield
    }) : () -> ()
    %dma_start3A = arith.constant 0 : i32
    %dma_start3A_145 = arith.constant 0 : i32
    %dma_start3A_146 = tpu.memref_slice %arg5[%dma_start3A, %dma_start3A_145] : memref<5888x768xf32, #tpu.memory_space<hbm>> -> memref<5888x768xf32, #tpu.memory_space<hbm>>
    tpu.enqueue_indirect_dma source(%arg11 : memref<64x768xf32, #tpu.memory_space<vmem>>) target(%dma_start3A_146 : memref<5888x768xf32, #tpu.memory_space<hbm>>) offsets(%arg12 : memref<64xi32, #tpu.memory_space<vmem>>) semaphore(%arg14 : memref<!tpu.dma_semaphore, #tpu.memory_space<semaphore_mem>>)
    %dma_wait3A = arith.constant 0 : i32
    %dma_wait3A_147 = arith.constant 0 : i32
    %dma_wait3A_148 = tpu.memref_slice %arg5[%dma_wait3A, %dma_wait3A_147] : memref<5888x768xf32, #tpu.memory_space<hbm>> -> memref<5888x768xf32, #tpu.memory_space<hbm>>
    tpu.wait_indirect_dma semaphore(%arg14 : memref<!tpu.dma_semaphore, #tpu.memory_space<semaphore_mem>>) src(%arg11 : memref<64x768xf32, #tpu.memory_space<vmem>>) dst(%dma_wait3A_148 : memref<5888x768xf32, #tpu.memory_space<hbm>>)
    %dma_start3A_149 = arith.constant 0 : i32
    %dma_start3A_150 = arith.constant 0 : i32
    %dma_start3A_151 = tpu.memref_slice %arg5[%dma_start3A_149, %dma_start3A_150] : memref<5888x768xf32, #tpu.memory_space<hbm>> -> memref<5888x768xf32, #tpu.memory_space<hbm>>
    tpu.enqueue_indirect_dma source(%arg11 : memref<64x768xf32, #tpu.memory_space<vmem>>) target(%dma_start3A_151 : memref<5888x768xf32, #tpu.memory_space<hbm>>) offsets(%arg13 : memref<64xi32, #tpu.memory_space<vmem>>) semaphore(%arg14 : memref<!tpu.dma_semaphore, #tpu.memory_space<semaphore_mem>>)
    %dma_wait3A_152 = arith.constant 0 : i32
    %dma_wait3A_153 = arith.constant 0 : i32
    %dma_wait3A_154 = tpu.memref_slice %arg5[%dma_wait3A_152, %dma_wait3A_153] : memref<5888x768xf32, #tpu.memory_space<hbm>> -> memref<5888x768xf32, #tpu.memory_space<hbm>>
    tpu.wait_indirect_dma semaphore(%arg14 : memref<!tpu.dma_semaphore, #tpu.memory_space<semaphore_mem>>) src(%arg11 : memref<64x768xf32, #tpu.memory_space<vmem>>) dst(%dma_wait3A_154 : memref<5888x768xf32, #tpu.memory_space<hbm>>)
    %run_scoped3A_155 = arith.constant 0 : i32
    "tpu.region"() ({
      %run_scoped3A_157 = tpu.sem_alloc : memref<!tpu.dma_semaphore, #tpu.memory_space<semaphore_mem>>
      %dma_start3A_158 = tpu.memref_slice %arg6[%run_scoped3A_155, %mul3A_37] : memref<2x2048xi32, #tpu.memory_space<hbm>> -> memref<1x64xi32, #tpu.memory_space<hbm>>
      %dma_start3A_159 = tpu.memref_squeeze %dma_start3A_158 : memref<1x64xi32, #tpu.memory_space<hbm>> -> memref<64xi32, #tpu.memory_space<hbm>>
      %dma_start3A_160 = tpu.memref_slice %arg6[%run_scoped3A_155, %mul3A_37] : memref<2x2048xi32, #tpu.memory_space<hbm>> -> memref<1x64xi32, #tpu.memory_space<hbm>>
      %dma_start3A_161 = tpu.memref_squeeze %dma_start3A_160 : memref<1x64xi32, #tpu.memory_space<hbm>> -> memref<64xi32, #tpu.memory_space<hbm>>
      tpu.enqueue_dma source(%arg12 : memref<64xi32, #tpu.memory_space<vmem>>) target(%dma_start3A_161 : memref<64xi32, #tpu.memory_space<hbm>>) target_semaphore(%run_scoped3A_157 : memref<!tpu.dma_semaphore, #tpu.memory_space<semaphore_mem>>)
      %dma_wait3A_162 = tpu.memref_slice %arg6[%run_scoped3A_155, %mul3A_37] : memref<2x2048xi32, #tpu.memory_space<hbm>> -> memref<1x64xi32, #tpu.memory_space<hbm>>
      %dma_wait3A_163 = tpu.memref_squeeze %dma_wait3A_162 : memref<1x64xi32, #tpu.memory_space<hbm>> -> memref<64xi32, #tpu.memory_space<hbm>>
      %dma_wait3A_164 = tpu.memref_slice %arg6[%run_scoped3A_155, %mul3A_37] : memref<2x2048xi32, #tpu.memory_space<hbm>> -> memref<1x64xi32, #tpu.memory_space<hbm>>
      %dma_wait3A_165 = tpu.memref_squeeze %dma_wait3A_164 : memref<1x64xi32, #tpu.memory_space<hbm>> -> memref<64xi32, #tpu.memory_space<hbm>>
      tpu.wait_dma2 semaphore(%run_scoped3A_157 : memref<!tpu.dma_semaphore, #tpu.memory_space<semaphore_mem>>) src(%arg12 : memref<64xi32, #tpu.memory_space<vmem>>) dst(%dma_wait3A_165 : memref<64xi32, #tpu.memory_space<hbm>>)
      tpu.yield
    }) : () -> ()
    %run_scoped3A_156 = arith.constant 1 : i32
    "tpu.region"() ({
      %run_scoped3A_157 = tpu.sem_alloc : memref<!tpu.dma_semaphore, #tpu.memory_space<semaphore_mem>>
      %dma_start3A_158 = tpu.memref_slice %arg6[%run_scoped3A_156, %mul3A_37] : memref<2x2048xi32, #tpu.memory_space<hbm>> -> memref<1x64xi32, #tpu.memory_space<hbm>>
      %dma_start3A_159 = tpu.memref_squeeze %dma_start3A_158 : memref<1x64xi32, #tpu.memory_space<hbm>> -> memref<64xi32, #tpu.memory_space<hbm>>
      %dma_start3A_160 = tpu.memref_slice %arg6[%run_scoped3A_156, %mul3A_37] : memref<2x2048xi32, #tpu.memory_space<hbm>> -> memref<1x64xi32, #tpu.memory_space<hbm>>
      %dma_start3A_161 = tpu.memref_squeeze %dma_start3A_160 : memref<1x64xi32, #tpu.memory_space<hbm>> -> memref<64xi32, #tpu.memory_space<hbm>>
      tpu.enqueue_dma source(%arg13 : memref<64xi32, #tpu.memory_space<vmem>>) target(%dma_start3A_161 : memref<64xi32, #tpu.memory_space<hbm>>) target_semaphore(%run_scoped3A_157 : memref<!tpu.dma_semaphore, #tpu.memory_space<semaphore_mem>>)
      %dma_wait3A_162 = tpu.memref_slice %arg6[%run_scoped3A_156, %mul3A_37] : memref<2x2048xi32, #tpu.memory_space<hbm>> -> memref<1x64xi32, #tpu.memory_space<hbm>>
      %dma_wait3A_163 = tpu.memref_squeeze %dma_wait3A_162 : memref<1x64xi32, #tpu.memory_space<hbm>> -> memref<64xi32, #tpu.memory_space<hbm>>
      %dma_wait3A_164 = tpu.memref_slice %arg6[%run_scoped3A_156, %mul3A_37] : memref<2x2048xi32, #tpu.memory_space<hbm>> -> memref<1x64xi32, #tpu.memory_space<hbm>>
      %dma_wait3A_165 = tpu.memref_squeeze %dma_wait3A_164 : memref<1x64xi32, #tpu.memory_space<hbm>> -> memref<64xi32, #tpu.memory_space<hbm>>
      tpu.wait_dma2 semaphore(%run_scoped3A_157 : memref<!tpu.dma_semaphore, #tpu.memory_space<semaphore_mem>>) src(%arg13 : memref<64xi32, #tpu.memory_space<vmem>>) dst(%dma_wait3A_165 : memref<64xi32, #tpu.memory_space<hbm>>)
      tpu.yield
    }) : () -> ()
    return
  }
}

#map = affine_map<(d0, d1) -> (0, 0)>
module attributes {stable_mosaic.version = 14 : i64} {
  func.func @_scb_body(%arg0: i32, %arg1: i32, %arg2: memref<2048x768xf32, #tpu.memory_space<hbm>>, %arg3: memref<5888x768xf32, #tpu.memory_space<hbm>>, %arg4: memref<2048x8xf32, #tpu.memory_space<hbm>>, %arg5: memref<2x2048xi32, #tpu.memory_space<hbm>>, %arg6: memref<2048x768xf32, #tpu.memory_space<hbm>>, %arg7: memref<32xi32, #tpu.memory_space<vmem>>, %arg8: memref<32xi32, #tpu.memory_space<vmem>>, %arg9: memref<32x8xf32, #tpu.memory_space<vmem>>, %arg10: memref<32x768xf32, #tpu.memory_space<vmem>>, %arg11: memref<32x768xf32, #tpu.memory_space<vmem>>, %arg12: memref<32x768xf32, #tpu.memory_space<vmem>>, %arg13: memref<!tpu.dma_semaphore, #tpu.memory_space<semaphore_mem>>) attributes {dimension_semantics = [#tpu.dimension_semantics<core_parallel>, #tpu.dimension_semantics<subcore_parallel>], iteration_bounds = array<i64: 2, 16>, scalar_prefetch = 0 : i64, scratch_operands = 7 : i64, tpu.core_type = #tpu.core_type<sc_vector_subcore>, window_params = [{transform_indices = #map}, {transform_indices = #map}, {transform_indices = #map}, {transform_indices = #map}, {transform_indices = #map}]} {
    %mul3A = arith.constant 2 : i32
    %mul3A_0 = arith.muli %arg1, %mul3A : i32
    %add3A = arith.addi %mul3A_0, %arg0 : i32
    %mul3A_1 = arith.constant 64 : i32
    %mul3A_2 = arith.muli %add3A, %mul3A_1 : i32
    %add3A_3 = arith.constant 0 : i32
    %add3A_4 = arith.addi %mul3A_2, %add3A_3 : i32
    %run_scoped3A = arith.constant 0 : i32
    "tpu.region"() ({
      %run_scoped3A_47 = tpu.sem_alloc : memref<!tpu.dma_semaphore, #tpu.memory_space<semaphore_mem>>
      %dma_start3A_48 = tpu.memref_slice %arg5[%run_scoped3A, %add3A_4] : memref<2x2048xi32, #tpu.memory_space<hbm>> -> memref<1x32xi32, #tpu.memory_space<hbm>>
      %dma_start3A_49 = tpu.memref_squeeze %dma_start3A_48 : memref<1x32xi32, #tpu.memory_space<hbm>> -> memref<32xi32, #tpu.memory_space<hbm>>
      %dma_start3A_50 = tpu.memref_slice %arg5[%run_scoped3A, %add3A_4] : memref<2x2048xi32, #tpu.memory_space<hbm>> -> memref<1x32xi32, #tpu.memory_space<hbm>>
      %dma_start3A_51 = tpu.memref_squeeze %dma_start3A_50 : memref<1x32xi32, #tpu.memory_space<hbm>> -> memref<32xi32, #tpu.memory_space<hbm>>
      tpu.enqueue_dma source(%dma_start3A_51 : memref<32xi32, #tpu.memory_space<hbm>>) target(%arg7 : memref<32xi32, #tpu.memory_space<vmem>>) target_semaphore(%run_scoped3A_47 : memref<!tpu.dma_semaphore, #tpu.memory_space<semaphore_mem>>)
      %dma_wait3A_52 = tpu.memref_slice %arg5[%run_scoped3A, %add3A_4] : memref<2x2048xi32, #tpu.memory_space<hbm>> -> memref<1x32xi32, #tpu.memory_space<hbm>>
      %dma_wait3A_53 = tpu.memref_squeeze %dma_wait3A_52 : memref<1x32xi32, #tpu.memory_space<hbm>> -> memref<32xi32, #tpu.memory_space<hbm>>
      %dma_wait3A_54 = tpu.memref_slice %arg5[%run_scoped3A, %add3A_4] : memref<2x2048xi32, #tpu.memory_space<hbm>> -> memref<1x32xi32, #tpu.memory_space<hbm>>
      %dma_wait3A_55 = tpu.memref_squeeze %dma_wait3A_54 : memref<1x32xi32, #tpu.memory_space<hbm>> -> memref<32xi32, #tpu.memory_space<hbm>>
      tpu.wait_dma2 semaphore(%run_scoped3A_47 : memref<!tpu.dma_semaphore, #tpu.memory_space<semaphore_mem>>) src(%dma_wait3A_55 : memref<32xi32, #tpu.memory_space<hbm>>) dst(%arg7 : memref<32xi32, #tpu.memory_space<vmem>>)
      tpu.yield
    }) : () -> ()
    %run_scoped3A_5 = arith.constant 1 : i32
    "tpu.region"() ({
      %run_scoped3A_47 = tpu.sem_alloc : memref<!tpu.dma_semaphore, #tpu.memory_space<semaphore_mem>>
      %dma_start3A_48 = tpu.memref_slice %arg5[%run_scoped3A_5, %add3A_4] : memref<2x2048xi32, #tpu.memory_space<hbm>> -> memref<1x32xi32, #tpu.memory_space<hbm>>
      %dma_start3A_49 = tpu.memref_squeeze %dma_start3A_48 : memref<1x32xi32, #tpu.memory_space<hbm>> -> memref<32xi32, #tpu.memory_space<hbm>>
      %dma_start3A_50 = tpu.memref_slice %arg5[%run_scoped3A_5, %add3A_4] : memref<2x2048xi32, #tpu.memory_space<hbm>> -> memref<1x32xi32, #tpu.memory_space<hbm>>
      %dma_start3A_51 = tpu.memref_squeeze %dma_start3A_50 : memref<1x32xi32, #tpu.memory_space<hbm>> -> memref<32xi32, #tpu.memory_space<hbm>>
      tpu.enqueue_dma source(%dma_start3A_51 : memref<32xi32, #tpu.memory_space<hbm>>) target(%arg8 : memref<32xi32, #tpu.memory_space<vmem>>) target_semaphore(%run_scoped3A_47 : memref<!tpu.dma_semaphore, #tpu.memory_space<semaphore_mem>>)
      %dma_wait3A_52 = tpu.memref_slice %arg5[%run_scoped3A_5, %add3A_4] : memref<2x2048xi32, #tpu.memory_space<hbm>> -> memref<1x32xi32, #tpu.memory_space<hbm>>
      %dma_wait3A_53 = tpu.memref_squeeze %dma_wait3A_52 : memref<1x32xi32, #tpu.memory_space<hbm>> -> memref<32xi32, #tpu.memory_space<hbm>>
      %dma_wait3A_54 = tpu.memref_slice %arg5[%run_scoped3A_5, %add3A_4] : memref<2x2048xi32, #tpu.memory_space<hbm>> -> memref<1x32xi32, #tpu.memory_space<hbm>>
      %dma_wait3A_55 = tpu.memref_squeeze %dma_wait3A_54 : memref<1x32xi32, #tpu.memory_space<hbm>> -> memref<32xi32, #tpu.memory_space<hbm>>
      tpu.wait_dma2 semaphore(%run_scoped3A_47 : memref<!tpu.dma_semaphore, #tpu.memory_space<semaphore_mem>>) src(%dma_wait3A_55 : memref<32xi32, #tpu.memory_space<hbm>>) dst(%arg8 : memref<32xi32, #tpu.memory_space<vmem>>)
      tpu.yield
    }) : () -> ()
    "tpu.region"() ({
      %run_scoped3A_47 = tpu.sem_alloc : memref<!tpu.dma_semaphore, #tpu.memory_space<semaphore_mem>>
      %dma_start3A_48 = arith.constant 0 : i32
      %dma_start3A_49 = tpu.memref_slice %arg4[%add3A_4, %dma_start3A_48] : memref<2048x8xf32, #tpu.memory_space<hbm>> -> memref<32x8xf32, #tpu.memory_space<hbm>>
      %dma_start3A_50 = arith.constant 0 : i32
      %dma_start3A_51 = tpu.memref_slice %arg4[%add3A_4, %dma_start3A_50] : memref<2048x8xf32, #tpu.memory_space<hbm>> -> memref<32x8xf32, #tpu.memory_space<hbm>>
      tpu.enqueue_dma source(%dma_start3A_51 : memref<32x8xf32, #tpu.memory_space<hbm>>) target(%arg9 : memref<32x8xf32, #tpu.memory_space<vmem>>) target_semaphore(%run_scoped3A_47 : memref<!tpu.dma_semaphore, #tpu.memory_space<semaphore_mem>>)
      %dma_wait3A_52 = arith.constant 0 : i32
      %dma_wait3A_53 = tpu.memref_slice %arg4[%add3A_4, %dma_wait3A_52] : memref<2048x8xf32, #tpu.memory_space<hbm>> -> memref<32x8xf32, #tpu.memory_space<hbm>>
      %dma_wait3A_54 = arith.constant 0 : i32
      %dma_wait3A_55 = tpu.memref_slice %arg4[%add3A_4, %dma_wait3A_54] : memref<2048x8xf32, #tpu.memory_space<hbm>> -> memref<32x8xf32, #tpu.memory_space<hbm>>
      tpu.wait_dma2 semaphore(%run_scoped3A_47 : memref<!tpu.dma_semaphore, #tpu.memory_space<semaphore_mem>>) src(%dma_wait3A_55 : memref<32x8xf32, #tpu.memory_space<hbm>>) dst(%arg9 : memref<32x8xf32, #tpu.memory_space<vmem>>)
      tpu.yield
    }) : () -> ()
    "tpu.region"() ({
      %run_scoped3A_47 = tpu.sem_alloc : memref<!tpu.dma_semaphore, #tpu.memory_space<semaphore_mem>>
      %dma_start3A_48 = arith.constant 0 : i32
      %dma_start3A_49 = tpu.memref_slice %arg2[%add3A_4, %dma_start3A_48] : memref<2048x768xf32, #tpu.memory_space<hbm>> -> memref<32x768xf32, #tpu.memory_space<hbm>>
      %dma_start3A_50 = arith.constant 0 : i32
      %dma_start3A_51 = tpu.memref_slice %arg2[%add3A_4, %dma_start3A_50] : memref<2048x768xf32, #tpu.memory_space<hbm>> -> memref<32x768xf32, #tpu.memory_space<hbm>>
      tpu.enqueue_dma source(%dma_start3A_51 : memref<32x768xf32, #tpu.memory_space<hbm>>) target(%arg10 : memref<32x768xf32, #tpu.memory_space<vmem>>) target_semaphore(%run_scoped3A_47 : memref<!tpu.dma_semaphore, #tpu.memory_space<semaphore_mem>>)
      %dma_wait3A_52 = arith.constant 0 : i32
      %dma_wait3A_53 = tpu.memref_slice %arg2[%add3A_4, %dma_wait3A_52] : memref<2048x768xf32, #tpu.memory_space<hbm>> -> memref<32x768xf32, #tpu.memory_space<hbm>>
      %dma_wait3A_54 = arith.constant 0 : i32
      %dma_wait3A_55 = tpu.memref_slice %arg2[%add3A_4, %dma_wait3A_54] : memref<2048x768xf32, #tpu.memory_space<hbm>> -> memref<32x768xf32, #tpu.memory_space<hbm>>
      tpu.wait_dma2 semaphore(%run_scoped3A_47 : memref<!tpu.dma_semaphore, #tpu.memory_space<semaphore_mem>>) src(%dma_wait3A_55 : memref<32x768xf32, #tpu.memory_space<hbm>>) dst(%arg10 : memref<32x768xf32, #tpu.memory_space<vmem>>)
      tpu.yield
    }) : () -> ()
    %dma_start3A = arith.constant 0 : i32
    %dma_start3A_6 = arith.constant 0 : i32
    %dma_start3A_7 = tpu.memref_slice %arg3[%dma_start3A, %dma_start3A_6] : memref<5888x768xf32, #tpu.memory_space<hbm>> -> memref<5888x768xf32, #tpu.memory_space<hbm>>
    tpu.enqueue_indirect_dma source(%dma_start3A_7 : memref<5888x768xf32, #tpu.memory_space<hbm>>) target(%arg11 : memref<32x768xf32, #tpu.memory_space<vmem>>) offsets(%arg7 : memref<32xi32, #tpu.memory_space<vmem>>) semaphore(%arg13 : memref<!tpu.dma_semaphore, #tpu.memory_space<semaphore_mem>>)
    %dma_wait3A = arith.constant 0 : i32
    %dma_wait3A_8 = arith.constant 0 : i32
    %dma_wait3A_9 = tpu.memref_slice %arg3[%dma_wait3A, %dma_wait3A_8] : memref<5888x768xf32, #tpu.memory_space<hbm>> -> memref<5888x768xf32, #tpu.memory_space<hbm>>
    tpu.wait_indirect_dma semaphore(%arg13 : memref<!tpu.dma_semaphore, #tpu.memory_space<semaphore_mem>>) src(%dma_wait3A_9 : memref<5888x768xf32, #tpu.memory_space<hbm>>) dst(%arg11 : memref<32x768xf32, #tpu.memory_space<vmem>>)
    %dma_start3A_10 = arith.constant 0 : i32
    %dma_start3A_11 = arith.constant 0 : i32
    %dma_start3A_12 = tpu.memref_slice %arg3[%dma_start3A_10, %dma_start3A_11] : memref<5888x768xf32, #tpu.memory_space<hbm>> -> memref<5888x768xf32, #tpu.memory_space<hbm>>
    tpu.enqueue_indirect_dma source(%dma_start3A_12 : memref<5888x768xf32, #tpu.memory_space<hbm>>) target(%arg12 : memref<32x768xf32, #tpu.memory_space<vmem>>) offsets(%arg8 : memref<32xi32, #tpu.memory_space<vmem>>) semaphore(%arg13 : memref<!tpu.dma_semaphore, #tpu.memory_space<semaphore_mem>>)
    %dma_wait3A_13 = arith.constant 0 : i32
    %dma_wait3A_14 = arith.constant 0 : i32
    %dma_wait3A_15 = tpu.memref_slice %arg3[%dma_wait3A_13, %dma_wait3A_14] : memref<5888x768xf32, #tpu.memory_space<hbm>> -> memref<5888x768xf32, #tpu.memory_space<hbm>>
    tpu.wait_indirect_dma semaphore(%arg13 : memref<!tpu.dma_semaphore, #tpu.memory_space<semaphore_mem>>) src(%dma_wait3A_15 : memref<5888x768xf32, #tpu.memory_space<hbm>>) dst(%arg12 : memref<32x768xf32, #tpu.memory_space<vmem>>)
    %scan3A = arith.constant 0 : i32
    %scan3A_16 = arith.constant 0 : i32
    %scan3A_17 = arith.constant 32 : i32
    %scan3A_18 = arith.addi %scan3A_16, %scan3A_17 : i32
    %scan3A_19 = arith.constant 1 : i32
    %scan3A_20 = scf.for %scan3A_47 = %scan3A_16 to %scan3A_18 step %scan3A_19 iter_args(%scan3A_48 = %scan3A) -> (i32)  : i32 {
      %broadcast_in_dim3A = vector.broadcast %scan3A_47 : i32 to vector<16xi32>
      %broadcast_in_dim3A_49 = arith.constant 0 : i32
      %broadcast_in_dim3A_50 = vector.broadcast %broadcast_in_dim3A_49 : i32 to vector<16xi32>
      %gather3A = tpu.vector_load_idx %arg9[%broadcast_in_dim3A, %broadcast_in_dim3A_50] : memref<32x8xf32, #tpu.memory_space<vmem>>[vector<16xi32>, vector<16xi32>], vector<16xf32>,
      %broadcast_in_dim3A_51 = vector.broadcast %scan3A_47 : i32 to vector<16xi32>
      %broadcast_in_dim3A_52 = arith.constant 1 : i32
      %broadcast_in_dim3A_53 = vector.broadcast %broadcast_in_dim3A_52 : i32 to vector<16xi32>
      %gather3A_54 = tpu.vector_load_idx %arg9[%broadcast_in_dim3A_51, %broadcast_in_dim3A_53] : memref<32x8xf32, #tpu.memory_space<vmem>>[vector<16xi32>, vector<16xi32>], vector<16xf32>,
      %get3A = arith.index_cast %scan3A_47 : i32 to index
      %get3A_55 = arith.constant 0 : index
      %get3A_56 = tpu.vector_load %arg10[%get3A, %get3A_55] {strides = array<i32>} : memref<32x768xf32, #tpu.memory_space<vmem>>, vector<16xf32>,
      %get3A_57 = arith.index_cast %scan3A_47 : i32 to index
      %get3A_58 = arith.constant 0 : index
      %get3A_59 = tpu.vector_load %arg11[%get3A_57, %get3A_58] {strides = array<i32>} : memref<32x768xf32, #tpu.memory_space<vmem>>, vector<16xf32>,
      %mul3A_60 = arith.mulf %gather3A, %get3A_59 : vector<16xf32>
      %add3A_61 = arith.addf %get3A_56, %mul3A_60 : vector<16xf32>
      %get3A_62 = arith.index_cast %scan3A_47 : i32 to index
      %get3A_63 = arith.constant 0 : index
      %get3A_64 = tpu.vector_load %arg12[%get3A_62, %get3A_63] {strides = array<i32>} : memref<32x768xf32, #tpu.memory_space<vmem>>, vector<16xf32>,
      %mul3A_65 = arith.mulf %gather3A_54, %get3A_64 : vector<16xf32>
      %add3A_66 = arith.addf %add3A_61, %mul3A_65 : vector<16xf32>
      %swap3A = arith.index_cast %scan3A_47 : i32 to index
      %swap3A_67 = arith.constant 0 : index
      %swap3A_68 = tpu.vector_load %arg10[%swap3A, %swap3A_67] {strides = array<i32>} : memref<32x768xf32, #tpu.memory_space<vmem>>, vector<16xf32>,
      tpu.vector_store %arg10[%swap3A, %swap3A_67], %add3A_66 {strides = array<i32>} : memref<32x768xf32, #tpu.memory_space<vmem>>, vector<16xf32>,
      %get3A_69 = arith.index_cast %scan3A_47 : i32 to index
      %get3A_70 = arith.constant 16 : index
      %get3A_71 = tpu.vector_load %arg10[%get3A_69, %get3A_70] {strides = array<i32>} : memref<32x768xf32, #tpu.memory_space<vmem>>, vector<16xf32>,
      %get3A_72 = arith.index_cast %scan3A_47 : i32 to index
      %get3A_73 = arith.constant 16 : index
      %get3A_74 = tpu.vector_load %arg11[%get3A_72, %get3A_73] {strides = array<i32>} : memref<32x768xf32, #tpu.memory_space<vmem>>, vector<16xf32>,
      %mul3A_75 = arith.mulf %gather3A, %get3A_74 : vector<16xf32>
      %add3A_76 = arith.addf %get3A_71, %mul3A_75 : vector<16xf32>
      %get3A_77 = arith.index_cast %scan3A_47 : i32 to index
      %get3A_78 = arith.constant 16 : index
      %get3A_79 = tpu.vector_load %arg12[%get3A_77, %get3A_78] {strides = array<i32>} : memref<32x768xf32, #tpu.memory_space<vmem>>, vector<16xf32>,
      %mul3A_80 = arith.mulf %gather3A_54, %get3A_79 : vector<16xf32>
      %add3A_81 = arith.addf %add3A_76, %mul3A_80 : vector<16xf32>
      %swap3A_82 = arith.index_cast %scan3A_47 : i32 to index
      %swap3A_83 = arith.constant 16 : index
      %swap3A_84 = tpu.vector_load %arg10[%swap3A_82, %swap3A_83] {strides = array<i32>} : memref<32x768xf32, #tpu.memory_space<vmem>>, vector<16xf32>,
      tpu.vector_store %arg10[%swap3A_82, %swap3A_83], %add3A_81 {strides = array<i32>} : memref<32x768xf32, #tpu.memory_space<vmem>>, vector<16xf32>,
      %get3A_85 = arith.index_cast %scan3A_47 : i32 to index
      %get3A_86 = arith.constant 32 : index
      %get3A_87 = tpu.vector_load %arg10[%get3A_85, %get3A_86] {strides = array<i32>} : memref<32x768xf32, #tpu.memory_space<vmem>>, vector<16xf32>,
      %get3A_88 = arith.index_cast %scan3A_47 : i32 to index
      %get3A_89 = arith.constant 32 : index
      %get3A_90 = tpu.vector_load %arg11[%get3A_88, %get3A_89] {strides = array<i32>} : memref<32x768xf32, #tpu.memory_space<vmem>>, vector<16xf32>,
      %mul3A_91 = arith.mulf %gather3A, %get3A_90 : vector<16xf32>
      %add3A_92 = arith.addf %get3A_87, %mul3A_91 : vector<16xf32>
      %get3A_93 = arith.index_cast %scan3A_47 : i32 to index
      %get3A_94 = arith.constant 32 : index
      %get3A_95 = tpu.vector_load %arg12[%get3A_93, %get3A_94] {strides = array<i32>} : memref<32x768xf32, #tpu.memory_space<vmem>>, vector<16xf32>,
      %mul3A_96 = arith.mulf %gather3A_54, %get3A_95 : vector<16xf32>
      %add3A_97 = arith.addf %add3A_92, %mul3A_96 : vector<16xf32>
      %swap3A_98 = arith.index_cast %scan3A_47 : i32 to index
      %swap3A_99 = arith.constant 32 : index
      %swap3A_100 = tpu.vector_load %arg10[%swap3A_98, %swap3A_99] {strides = array<i32>} : memref<32x768xf32, #tpu.memory_space<vmem>>, vector<16xf32>,
      tpu.vector_store %arg10[%swap3A_98, %swap3A_99], %add3A_97 {strides = array<i32>} : memref<32x768xf32, #tpu.memory_space<vmem>>, vector<16xf32>,
      %get3A_101 = arith.index_cast %scan3A_47 : i32 to index
      %get3A_102 = arith.constant 48 : index
      %get3A_103 = tpu.vector_load %arg10[%get3A_101, %get3A_102] {strides = array<i32>} : memref<32x768xf32, #tpu.memory_space<vmem>>, vector<16xf32>,
      %get3A_104 = arith.index_cast %scan3A_47 : i32 to index
      %get3A_105 = arith.constant 48 : index
      %get3A_106 = tpu.vector_load %arg11[%get3A_104, %get3A_105] {strides = array<i32>} : memref<32x768xf32, #tpu.memory_space<vmem>>, vector<16xf32>,
      %mul3A_107 = arith.mulf %gather3A, %get3A_106 : vector<16xf32>
      %add3A_108 = arith.addf %get3A_103, %mul3A_107 : vector<16xf32>
      %get3A_109 = arith.index_cast %scan3A_47 : i32 to index
      %get3A_110 = arith.constant 48 : index
      %get3A_111 = tpu.vector_load %arg12[%get3A_109, %get3A_110] {strides = array<i32>} : memref<32x768xf32, #tpu.memory_space<vmem>>, vector<16xf32>,
      %mul3A_112 = arith.mulf %gather3A_54, %get3A_111 : vector<16xf32>
      %add3A_113 = arith.addf %add3A_108, %mul3A_112 : vector<16xf32>
      %swap3A_114 = arith.index_cast %scan3A_47 : i32 to index
      %swap3A_115 = arith.constant 48 : index
      %swap3A_116 = tpu.vector_load %arg10[%swap3A_114, %swap3A_115] {strides = array<i32>} : memref<32x768xf32, #tpu.memory_space<vmem>>, vector<16xf32>,
      tpu.vector_store %arg10[%swap3A_114, %swap3A_115], %add3A_113 {strides = array<i32>} : memref<32x768xf32, #tpu.memory_space<vmem>>, vector<16xf32>,
      %get3A_117 = arith.index_cast %scan3A_47 : i32 to index
      %get3A_118 = arith.constant 64 : index
      %get3A_119 = tpu.vector_load %arg10[%get3A_117, %get3A_118] {strides = array<i32>} : memref<32x768xf32, #tpu.memory_space<vmem>>, vector<16xf32>,
      %get3A_120 = arith.index_cast %scan3A_47 : i32 to index
      %get3A_121 = arith.constant 64 : index
      %get3A_122 = tpu.vector_load %arg11[%get3A_120, %get3A_121] {strides = array<i32>} : memref<32x768xf32, #tpu.memory_space<vmem>>, vector<16xf32>,
      %mul3A_123 = arith.mulf %gather3A, %get3A_122 : vector<16xf32>
      %add3A_124 = arith.addf %get3A_119, %mul3A_123 : vector<16xf32>
      %get3A_125 = arith.index_cast %scan3A_47 : i32 to index
      %get3A_126 = arith.constant 64 : index
      %get3A_127 = tpu.vector_load %arg12[%get3A_125, %get3A_126] {strides = array<i32>} : memref<32x768xf32, #tpu.memory_space<vmem>>, vector<16xf32>,
      %mul3A_128 = arith.mulf %gather3A_54, %get3A_127 : vector<16xf32>
      %add3A_129 = arith.addf %add3A_124, %mul3A_128 : vector<16xf32>
      %swap3A_130 = arith.index_cast %scan3A_47 : i32 to index
      %swap3A_131 = arith.constant 64 : index
      %swap3A_132 = tpu.vector_load %arg10[%swap3A_130, %swap3A_131] {strides = array<i32>} : memref<32x768xf32, #tpu.memory_space<vmem>>, vector<16xf32>,
      tpu.vector_store %arg10[%swap3A_130, %swap3A_131], %add3A_129 {strides = array<i32>} : memref<32x768xf32, #tpu.memory_space<vmem>>, vector<16xf32>,
      %get3A_133 = arith.index_cast %scan3A_47 : i32 to index
      %get3A_134 = arith.constant 80 : index
      %get3A_135 = tpu.vector_load %arg10[%get3A_133, %get3A_134] {strides = array<i32>} : memref<32x768xf32, #tpu.memory_space<vmem>>, vector<16xf32>,
      %get3A_136 = arith.index_cast %scan3A_47 : i32 to index
      %get3A_137 = arith.constant 80 : index
      %get3A_138 = tpu.vector_load %arg11[%get3A_136, %get3A_137] {strides = array<i32>} : memref<32x768xf32, #tpu.memory_space<vmem>>, vector<16xf32>,
      %mul3A_139 = arith.mulf %gather3A, %get3A_138 : vector<16xf32>
      %add3A_140 = arith.addf %get3A_135, %mul3A_139 : vector<16xf32>
      %get3A_141 = arith.index_cast %scan3A_47 : i32 to index
      %get3A_142 = arith.constant 80 : index
      %get3A_143 = tpu.vector_load %arg12[%get3A_141, %get3A_142] {strides = array<i32>} : memref<32x768xf32, #tpu.memory_space<vmem>>, vector<16xf32>,
      %mul3A_144 = arith.mulf %gather3A_54, %get3A_143 : vector<16xf32>
      %add3A_145 = arith.addf %add3A_140, %mul3A_144 : vector<16xf32>
      %swap3A_146 = arith.index_cast %scan3A_47 : i32 to index
      %swap3A_147 = arith.constant 80 : index
      %swap3A_148 = tpu.vector_load %arg10[%swap3A_146, %swap3A_147] {strides = array<i32>} : memref<32x768xf32, #tpu.memory_space<vmem>>, vector<16xf32>,
      tpu.vector_store %arg10[%swap3A_146, %swap3A_147], %add3A_145 {strides = array<i32>} : memref<32x768xf32, #tpu.memory_space<vmem>>, vector<16xf32>,
      %get3A_149 = arith.index_cast %scan3A_47 : i32 to index
      %get3A_150 = arith.constant 96 : index
      %get3A_151 = tpu.vector_load %arg10[%get3A_149, %get3A_150] {strides = array<i32>} : memref<32x768xf32, #tpu.memory_space<vmem>>, vector<16xf32>,
      %get3A_152 = arith.index_cast %scan3A_47 : i32 to index
      %get3A_153 = arith.constant 96 : index
      %get3A_154 = tpu.vector_load %arg11[%get3A_152, %get3A_153] {strides = array<i32>} : memref<32x768xf32, #tpu.memory_space<vmem>>, vector<16xf32>,
      %mul3A_155 = arith.mulf %gather3A, %get3A_154 : vector<16xf32>
      %add3A_156 = arith.addf %get3A_151, %mul3A_155 : vector<16xf32>
      %get3A_157 = arith.index_cast %scan3A_47 : i32 to index
      %get3A_158 = arith.constant 96 : index
      %get3A_159 = tpu.vector_load %arg12[%get3A_157, %get3A_158] {strides = array<i32>} : memref<32x768xf32, #tpu.memory_space<vmem>>, vector<16xf32>,
      %mul3A_160 = arith.mulf %gather3A_54, %get3A_159 : vector<16xf32>
      %add3A_161 = arith.addf %add3A_156, %mul3A_160 : vector<16xf32>
      %swap3A_162 = arith.index_cast %scan3A_47 : i32 to index
      %swap3A_163 = arith.constant 96 : index
      %swap3A_164 = tpu.vector_load %arg10[%swap3A_162, %swap3A_163] {strides = array<i32>} : memref<32x768xf32, #tpu.memory_space<vmem>>, vector<16xf32>,
      tpu.vector_store %arg10[%swap3A_162, %swap3A_163], %add3A_161 {strides = array<i32>} : memref<32x768xf32, #tpu.memory_space<vmem>>, vector<16xf32>,
      %get3A_165 = arith.index_cast %scan3A_47 : i32 to index
      %get3A_166 = arith.constant 112 : index
      %get3A_167 = tpu.vector_load %arg10[%get3A_165, %get3A_166] {strides = array<i32>} : memref<32x768xf32, #tpu.memory_space<vmem>>, vector<16xf32>,
      %get3A_168 = arith.index_cast %scan3A_47 : i32 to index
      %get3A_169 = arith.constant 112 : index
      %get3A_170 = tpu.vector_load %arg11[%get3A_168, %get3A_169] {strides = array<i32>} : memref<32x768xf32, #tpu.memory_space<vmem>>, vector<16xf32>,
      %mul3A_171 = arith.mulf %gather3A, %get3A_170 : vector<16xf32>
      %add3A_172 = arith.addf %get3A_167, %mul3A_171 : vector<16xf32>
      %get3A_173 = arith.index_cast %scan3A_47 : i32 to index
      %get3A_174 = arith.constant 112 : index
      %get3A_175 = tpu.vector_load %arg12[%get3A_173, %get3A_174] {strides = array<i32>} : memref<32x768xf32, #tpu.memory_space<vmem>>, vector<16xf32>,
      %mul3A_176 = arith.mulf %gather3A_54, %get3A_175 : vector<16xf32>
      %add3A_177 = arith.addf %add3A_172, %mul3A_176 : vector<16xf32>
      %swap3A_178 = arith.index_cast %scan3A_47 : i32 to index
      %swap3A_179 = arith.constant 112 : index
      %swap3A_180 = tpu.vector_load %arg10[%swap3A_178, %swap3A_179] {strides = array<i32>} : memref<32x768xf32, #tpu.memory_space<vmem>>, vector<16xf32>,
      tpu.vector_store %arg10[%swap3A_178, %swap3A_179], %add3A_177 {strides = array<i32>} : memref<32x768xf32, #tpu.memory_space<vmem>>, vector<16xf32>,
      %get3A_181 = arith.index_cast %scan3A_47 : i32 to index
      %get3A_182 = arith.constant 128 : index
      %get3A_183 = tpu.vector_load %arg10[%get3A_181, %get3A_182] {strides = array<i32>} : memref<32x768xf32, #tpu.memory_space<vmem>>, vector<16xf32>,
      %get3A_184 = arith.index_cast %scan3A_47 : i32 to index
      %get3A_185 = arith.constant 128 : index
      %get3A_186 = tpu.vector_load %arg11[%get3A_184, %get3A_185] {strides = array<i32>} : memref<32x768xf32, #tpu.memory_space<vmem>>, vector<16xf32>,
      %mul3A_187 = arith.mulf %gather3A, %get3A_186 : vector<16xf32>
      %add3A_188 = arith.addf %get3A_183, %mul3A_187 : vector<16xf32>
      %get3A_189 = arith.index_cast %scan3A_47 : i32 to index
      %get3A_190 = arith.constant 128 : index
      %get3A_191 = tpu.vector_load %arg12[%get3A_189, %get3A_190] {strides = array<i32>} : memref<32x768xf32, #tpu.memory_space<vmem>>, vector<16xf32>,
      %mul3A_192 = arith.mulf %gather3A_54, %get3A_191 : vector<16xf32>
      %add3A_193 = arith.addf %add3A_188, %mul3A_192 : vector<16xf32>
      %swap3A_194 = arith.index_cast %scan3A_47 : i32 to index
      %swap3A_195 = arith.constant 128 : index
      %swap3A_196 = tpu.vector_load %arg10[%swap3A_194, %swap3A_195] {strides = array<i32>} : memref<32x768xf32, #tpu.memory_space<vmem>>, vector<16xf32>,
      tpu.vector_store %arg10[%swap3A_194, %swap3A_195], %add3A_193 {strides = array<i32>} : memref<32x768xf32, #tpu.memory_space<vmem>>, vector<16xf32>,
      %get3A_197 = arith.index_cast %scan3A_47 : i32 to index
      %get3A_198 = arith.constant 144 : index
      %get3A_199 = tpu.vector_load %arg10[%get3A_197, %get3A_198] {strides = array<i32>} : memref<32x768xf32, #tpu.memory_space<vmem>>, vector<16xf32>,
      %get3A_200 = arith.index_cast %scan3A_47 : i32 to index
      %get3A_201 = arith.constant 144 : index
      %get3A_202 = tpu.vector_load %arg11[%get3A_200, %get3A_201] {strides = array<i32>} : memref<32x768xf32, #tpu.memory_space<vmem>>, vector<16xf32>,
      %mul3A_203 = arith.mulf %gather3A, %get3A_202 : vector<16xf32>
      %add3A_204 = arith.addf %get3A_199, %mul3A_203 : vector<16xf32>
      %get3A_205 = arith.index_cast %scan3A_47 : i32 to index
      %get3A_206 = arith.constant 144 : index
      %get3A_207 = tpu.vector_load %arg12[%get3A_205, %get3A_206] {strides = array<i32>} : memref<32x768xf32, #tpu.memory_space<vmem>>, vector<16xf32>,
      %mul3A_208 = arith.mulf %gather3A_54, %get3A_207 : vector<16xf32>
      %add3A_209 = arith.addf %add3A_204, %mul3A_208 : vector<16xf32>
      %swap3A_210 = arith.index_cast %scan3A_47 : i32 to index
      %swap3A_211 = arith.constant 144 : index
      %swap3A_212 = tpu.vector_load %arg10[%swap3A_210, %swap3A_211] {strides = array<i32>} : memref<32x768xf32, #tpu.memory_space<vmem>>, vector<16xf32>,
      tpu.vector_store %arg10[%swap3A_210, %swap3A_211], %add3A_209 {strides = array<i32>} : memref<32x768xf32, #tpu.memory_space<vmem>>, vector<16xf32>,
      %get3A_213 = arith.index_cast %scan3A_47 : i32 to index
      %get3A_214 = arith.constant 160 : index
      %get3A_215 = tpu.vector_load %arg10[%get3A_213, %get3A_214] {strides = array<i32>} : memref<32x768xf32, #tpu.memory_space<vmem>>, vector<16xf32>,
      %get3A_216 = arith.index_cast %scan3A_47 : i32 to index
      %get3A_217 = arith.constant 160 : index
      %get3A_218 = tpu.vector_load %arg11[%get3A_216, %get3A_217] {strides = array<i32>} : memref<32x768xf32, #tpu.memory_space<vmem>>, vector<16xf32>,
      %mul3A_219 = arith.mulf %gather3A, %get3A_218 : vector<16xf32>
      %add3A_220 = arith.addf %get3A_215, %mul3A_219 : vector<16xf32>
      %get3A_221 = arith.index_cast %scan3A_47 : i32 to index
      %get3A_222 = arith.constant 160 : index
      %get3A_223 = tpu.vector_load %arg12[%get3A_221, %get3A_222] {strides = array<i32>} : memref<32x768xf32, #tpu.memory_space<vmem>>, vector<16xf32>,
      %mul3A_224 = arith.mulf %gather3A_54, %get3A_223 : vector<16xf32>
      %add3A_225 = arith.addf %add3A_220, %mul3A_224 : vector<16xf32>
      %swap3A_226 = arith.index_cast %scan3A_47 : i32 to index
      %swap3A_227 = arith.constant 160 : index
      %swap3A_228 = tpu.vector_load %arg10[%swap3A_226, %swap3A_227] {strides = array<i32>} : memref<32x768xf32, #tpu.memory_space<vmem>>, vector<16xf32>,
      tpu.vector_store %arg10[%swap3A_226, %swap3A_227], %add3A_225 {strides = array<i32>} : memref<32x768xf32, #tpu.memory_space<vmem>>, vector<16xf32>,
      %get3A_229 = arith.index_cast %scan3A_47 : i32 to index
      %get3A_230 = arith.constant 176 : index
      %get3A_231 = tpu.vector_load %arg10[%get3A_229, %get3A_230] {strides = array<i32>} : memref<32x768xf32, #tpu.memory_space<vmem>>, vector<16xf32>,
      %get3A_232 = arith.index_cast %scan3A_47 : i32 to index
      %get3A_233 = arith.constant 176 : index
      %get3A_234 = tpu.vector_load %arg11[%get3A_232, %get3A_233] {strides = array<i32>} : memref<32x768xf32, #tpu.memory_space<vmem>>, vector<16xf32>,
      %mul3A_235 = arith.mulf %gather3A, %get3A_234 : vector<16xf32>
      %add3A_236 = arith.addf %get3A_231, %mul3A_235 : vector<16xf32>
      %get3A_237 = arith.index_cast %scan3A_47 : i32 to index
      %get3A_238 = arith.constant 176 : index
      %get3A_239 = tpu.vector_load %arg12[%get3A_237, %get3A_238] {strides = array<i32>} : memref<32x768xf32, #tpu.memory_space<vmem>>, vector<16xf32>,
      %mul3A_240 = arith.mulf %gather3A_54, %get3A_239 : vector<16xf32>
      %add3A_241 = arith.addf %add3A_236, %mul3A_240 : vector<16xf32>
      %swap3A_242 = arith.index_cast %scan3A_47 : i32 to index
      %swap3A_243 = arith.constant 176 : index
      %swap3A_244 = tpu.vector_load %arg10[%swap3A_242, %swap3A_243] {strides = array<i32>} : memref<32x768xf32, #tpu.memory_space<vmem>>, vector<16xf32>,
      tpu.vector_store %arg10[%swap3A_242, %swap3A_243], %add3A_241 {strides = array<i32>} : memref<32x768xf32, #tpu.memory_space<vmem>>, vector<16xf32>,
      %get3A_245 = arith.index_cast %scan3A_47 : i32 to index
      %get3A_246 = arith.constant 192 : index
      %get3A_247 = tpu.vector_load %arg10[%get3A_245, %get3A_246] {strides = array<i32>} : memref<32x768xf32, #tpu.memory_space<vmem>>, vector<16xf32>,
      %get3A_248 = arith.index_cast %scan3A_47 : i32 to index
      %get3A_249 = arith.constant 192 : index
      %get3A_250 = tpu.vector_load %arg11[%get3A_248, %get3A_249] {strides = array<i32>} : memref<32x768xf32, #tpu.memory_space<vmem>>, vector<16xf32>,
      %mul3A_251 = arith.mulf %gather3A, %get3A_250 : vector<16xf32>
      %add3A_252 = arith.addf %get3A_247, %mul3A_251 : vector<16xf32>
      %get3A_253 = arith.index_cast %scan3A_47 : i32 to index
      %get3A_254 = arith.constant 192 : index
      %get3A_255 = tpu.vector_load %arg12[%get3A_253, %get3A_254] {strides = array<i32>} : memref<32x768xf32, #tpu.memory_space<vmem>>, vector<16xf32>,
      %mul3A_256 = arith.mulf %gather3A_54, %get3A_255 : vector<16xf32>
      %add3A_257 = arith.addf %add3A_252, %mul3A_256 : vector<16xf32>
      %swap3A_258 = arith.index_cast %scan3A_47 : i32 to index
      %swap3A_259 = arith.constant 192 : index
      %swap3A_260 = tpu.vector_load %arg10[%swap3A_258, %swap3A_259] {strides = array<i32>} : memref<32x768xf32, #tpu.memory_space<vmem>>, vector<16xf32>,
      tpu.vector_store %arg10[%swap3A_258, %swap3A_259], %add3A_257 {strides = array<i32>} : memref<32x768xf32, #tpu.memory_space<vmem>>, vector<16xf32>,
      %get3A_261 = arith.index_cast %scan3A_47 : i32 to index
      %get3A_262 = arith.constant 208 : index
      %get3A_263 = tpu.vector_load %arg10[%get3A_261, %get3A_262] {strides = array<i32>} : memref<32x768xf32, #tpu.memory_space<vmem>>, vector<16xf32>,
      %get3A_264 = arith.index_cast %scan3A_47 : i32 to index
      %get3A_265 = arith.constant 208 : index
      %get3A_266 = tpu.vector_load %arg11[%get3A_264, %get3A_265] {strides = array<i32>} : memref<32x768xf32, #tpu.memory_space<vmem>>, vector<16xf32>,
      %mul3A_267 = arith.mulf %gather3A, %get3A_266 : vector<16xf32>
      %add3A_268 = arith.addf %get3A_263, %mul3A_267 : vector<16xf32>
      %get3A_269 = arith.index_cast %scan3A_47 : i32 to index
      %get3A_270 = arith.constant 208 : index
      %get3A_271 = tpu.vector_load %arg12[%get3A_269, %get3A_270] {strides = array<i32>} : memref<32x768xf32, #tpu.memory_space<vmem>>, vector<16xf32>,
      %mul3A_272 = arith.mulf %gather3A_54, %get3A_271 : vector<16xf32>
      %add3A_273 = arith.addf %add3A_268, %mul3A_272 : vector<16xf32>
      %swap3A_274 = arith.index_cast %scan3A_47 : i32 to index
      %swap3A_275 = arith.constant 208 : index
      %swap3A_276 = tpu.vector_load %arg10[%swap3A_274, %swap3A_275] {strides = array<i32>} : memref<32x768xf32, #tpu.memory_space<vmem>>, vector<16xf32>,
      tpu.vector_store %arg10[%swap3A_274, %swap3A_275], %add3A_273 {strides = array<i32>} : memref<32x768xf32, #tpu.memory_space<vmem>>, vector<16xf32>,
      %get3A_277 = arith.index_cast %scan3A_47 : i32 to index
      %get3A_278 = arith.constant 224 : index
      %get3A_279 = tpu.vector_load %arg10[%get3A_277, %get3A_278] {strides = array<i32>} : memref<32x768xf32, #tpu.memory_space<vmem>>, vector<16xf32>,
      %get3A_280 = arith.index_cast %scan3A_47 : i32 to index
      %get3A_281 = arith.constant 224 : index
      %get3A_282 = tpu.vector_load %arg11[%get3A_280, %get3A_281] {strides = array<i32>} : memref<32x768xf32, #tpu.memory_space<vmem>>, vector<16xf32>,
      %mul3A_283 = arith.mulf %gather3A, %get3A_282 : vector<16xf32>
      %add3A_284 = arith.addf %get3A_279, %mul3A_283 : vector<16xf32>
      %get3A_285 = arith.index_cast %scan3A_47 : i32 to index
      %get3A_286 = arith.constant 224 : index
      %get3A_287 = tpu.vector_load %arg12[%get3A_285, %get3A_286] {strides = array<i32>} : memref<32x768xf32, #tpu.memory_space<vmem>>, vector<16xf32>,
      %mul3A_288 = arith.mulf %gather3A_54, %get3A_287 : vector<16xf32>
      %add3A_289 = arith.addf %add3A_284, %mul3A_288 : vector<16xf32>
      %swap3A_290 = arith.index_cast %scan3A_47 : i32 to index
      %swap3A_291 = arith.constant 224 : index
      %swap3A_292 = tpu.vector_load %arg10[%swap3A_290, %swap3A_291] {strides = array<i32>} : memref<32x768xf32, #tpu.memory_space<vmem>>, vector<16xf32>,
      tpu.vector_store %arg10[%swap3A_290, %swap3A_291], %add3A_289 {strides = array<i32>} : memref<32x768xf32, #tpu.memory_space<vmem>>, vector<16xf32>,
      %get3A_293 = arith.index_cast %scan3A_47 : i32 to index
      %get3A_294 = arith.constant 240 : index
      %get3A_295 = tpu.vector_load %arg10[%get3A_293, %get3A_294] {strides = array<i32>} : memref<32x768xf32, #tpu.memory_space<vmem>>, vector<16xf32>,
      %get3A_296 = arith.index_cast %scan3A_47 : i32 to index
      %get3A_297 = arith.constant 240 : index
      %get3A_298 = tpu.vector_load %arg11[%get3A_296, %get3A_297] {strides = array<i32>} : memref<32x768xf32, #tpu.memory_space<vmem>>, vector<16xf32>,
      %mul3A_299 = arith.mulf %gather3A, %get3A_298 : vector<16xf32>
      %add3A_300 = arith.addf %get3A_295, %mul3A_299 : vector<16xf32>
      %get3A_301 = arith.index_cast %scan3A_47 : i32 to index
      %get3A_302 = arith.constant 240 : index
      %get3A_303 = tpu.vector_load %arg12[%get3A_301, %get3A_302] {strides = array<i32>} : memref<32x768xf32, #tpu.memory_space<vmem>>, vector<16xf32>,
      %mul3A_304 = arith.mulf %gather3A_54, %get3A_303 : vector<16xf32>
      %add3A_305 = arith.addf %add3A_300, %mul3A_304 : vector<16xf32>
      %swap3A_306 = arith.index_cast %scan3A_47 : i32 to index
      %swap3A_307 = arith.constant 240 : index
      %swap3A_308 = tpu.vector_load %arg10[%swap3A_306, %swap3A_307] {strides = array<i32>} : memref<32x768xf32, #tpu.memory_space<vmem>>, vector<16xf32>,
      tpu.vector_store %arg10[%swap3A_306, %swap3A_307], %add3A_305 {strides = array<i32>} : memref<32x768xf32, #tpu.memory_space<vmem>>, vector<16xf32>,
      %get3A_309 = arith.index_cast %scan3A_47 : i32 to index
      %get3A_310 = arith.constant 256 : index
      %get3A_311 = tpu.vector_load %arg10[%get3A_309, %get3A_310] {strides = array<i32>} : memref<32x768xf32, #tpu.memory_space<vmem>>, vector<16xf32>,
      %get3A_312 = arith.index_cast %scan3A_47 : i32 to index
      %get3A_313 = arith.constant 256 : index
      %get3A_314 = tpu.vector_load %arg11[%get3A_312, %get3A_313] {strides = array<i32>} : memref<32x768xf32, #tpu.memory_space<vmem>>, vector<16xf32>,
      %mul3A_315 = arith.mulf %gather3A, %get3A_314 : vector<16xf32>
      %add3A_316 = arith.addf %get3A_311, %mul3A_315 : vector<16xf32>
      %get3A_317 = arith.index_cast %scan3A_47 : i32 to index
      %get3A_318 = arith.constant 256 : index
      %get3A_319 = tpu.vector_load %arg12[%get3A_317, %get3A_318] {strides = array<i32>} : memref<32x768xf32, #tpu.memory_space<vmem>>, vector<16xf32>,
      %mul3A_320 = arith.mulf %gather3A_54, %get3A_319 : vector<16xf32>
      %add3A_321 = arith.addf %add3A_316, %mul3A_320 : vector<16xf32>
      %swap3A_322 = arith.index_cast %scan3A_47 : i32 to index
      %swap3A_323 = arith.constant 256 : index
      %swap3A_324 = tpu.vector_load %arg10[%swap3A_322, %swap3A_323] {strides = array<i32>} : memref<32x768xf32, #tpu.memory_space<vmem>>, vector<16xf32>,
      tpu.vector_store %arg10[%swap3A_322, %swap3A_323], %add3A_321 {strides = array<i32>} : memref<32x768xf32, #tpu.memory_space<vmem>>, vector<16xf32>,
      %get3A_325 = arith.index_cast %scan3A_47 : i32 to index
      %get3A_326 = arith.constant 272 : index
      %get3A_327 = tpu.vector_load %arg10[%get3A_325, %get3A_326] {strides = array<i32>} : memref<32x768xf32, #tpu.memory_space<vmem>>, vector<16xf32>,
      %get3A_328 = arith.index_cast %scan3A_47 : i32 to index
      %get3A_329 = arith.constant 272 : index
      %get3A_330 = tpu.vector_load %arg11[%get3A_328, %get3A_329] {strides = array<i32>} : memref<32x768xf32, #tpu.memory_space<vmem>>, vector<16xf32>,
      %mul3A_331 = arith.mulf %gather3A, %get3A_330 : vector<16xf32>
      %add3A_332 = arith.addf %get3A_327, %mul3A_331 : vector<16xf32>
      %get3A_333 = arith.index_cast %scan3A_47 : i32 to index
      %get3A_334 = arith.constant 272 : index
      %get3A_335 = tpu.vector_load %arg12[%get3A_333, %get3A_334] {strides = array<i32>} : memref<32x768xf32, #tpu.memory_space<vmem>>, vector<16xf32>,
      %mul3A_336 = arith.mulf %gather3A_54, %get3A_335 : vector<16xf32>
      %add3A_337 = arith.addf %add3A_332, %mul3A_336 : vector<16xf32>
      %swap3A_338 = arith.index_cast %scan3A_47 : i32 to index
      %swap3A_339 = arith.constant 272 : index
      %swap3A_340 = tpu.vector_load %arg10[%swap3A_338, %swap3A_339] {strides = array<i32>} : memref<32x768xf32, #tpu.memory_space<vmem>>, vector<16xf32>,
      tpu.vector_store %arg10[%swap3A_338, %swap3A_339], %add3A_337 {strides = array<i32>} : memref<32x768xf32, #tpu.memory_space<vmem>>, vector<16xf32>,
      %get3A_341 = arith.index_cast %scan3A_47 : i32 to index
      %get3A_342 = arith.constant 288 : index
      %get3A_343 = tpu.vector_load %arg10[%get3A_341, %get3A_342] {strides = array<i32>} : memref<32x768xf32, #tpu.memory_space<vmem>>, vector<16xf32>,
      %get3A_344 = arith.index_cast %scan3A_47 : i32 to index
      %get3A_345 = arith.constant 288 : index
      %get3A_346 = tpu.vector_load %arg11[%get3A_344, %get3A_345] {strides = array<i32>} : memref<32x768xf32, #tpu.memory_space<vmem>>, vector<16xf32>,
      %mul3A_347 = arith.mulf %gather3A, %get3A_346 : vector<16xf32>
      %add3A_348 = arith.addf %get3A_343, %mul3A_347 : vector<16xf32>
      %get3A_349 = arith.index_cast %scan3A_47 : i32 to index
      %get3A_350 = arith.constant 288 : index
      %get3A_351 = tpu.vector_load %arg12[%get3A_349, %get3A_350] {strides = array<i32>} : memref<32x768xf32, #tpu.memory_space<vmem>>, vector<16xf32>,
      %mul3A_352 = arith.mulf %gather3A_54, %get3A_351 : vector<16xf32>
      %add3A_353 = arith.addf %add3A_348, %mul3A_352 : vector<16xf32>
      %swap3A_354 = arith.index_cast %scan3A_47 : i32 to index
      %swap3A_355 = arith.constant 288 : index
      %swap3A_356 = tpu.vector_load %arg10[%swap3A_354, %swap3A_355] {strides = array<i32>} : memref<32x768xf32, #tpu.memory_space<vmem>>, vector<16xf32>,
      tpu.vector_store %arg10[%swap3A_354, %swap3A_355], %add3A_353 {strides = array<i32>} : memref<32x768xf32, #tpu.memory_space<vmem>>, vector<16xf32>,
      %get3A_357 = arith.index_cast %scan3A_47 : i32 to index
      %get3A_358 = arith.constant 304 : index
      %get3A_359 = tpu.vector_load %arg10[%get3A_357, %get3A_358] {strides = array<i32>} : memref<32x768xf32, #tpu.memory_space<vmem>>, vector<16xf32>,
      %get3A_360 = arith.index_cast %scan3A_47 : i32 to index
      %get3A_361 = arith.constant 304 : index
      %get3A_362 = tpu.vector_load %arg11[%get3A_360, %get3A_361] {strides = array<i32>} : memref<32x768xf32, #tpu.memory_space<vmem>>, vector<16xf32>,
      %mul3A_363 = arith.mulf %gather3A, %get3A_362 : vector<16xf32>
      %add3A_364 = arith.addf %get3A_359, %mul3A_363 : vector<16xf32>
      %get3A_365 = arith.index_cast %scan3A_47 : i32 to index
      %get3A_366 = arith.constant 304 : index
      %get3A_367 = tpu.vector_load %arg12[%get3A_365, %get3A_366] {strides = array<i32>} : memref<32x768xf32, #tpu.memory_space<vmem>>, vector<16xf32>,
      %mul3A_368 = arith.mulf %gather3A_54, %get3A_367 : vector<16xf32>
      %add3A_369 = arith.addf %add3A_364, %mul3A_368 : vector<16xf32>
      %swap3A_370 = arith.index_cast %scan3A_47 : i32 to index
      %swap3A_371 = arith.constant 304 : index
      %swap3A_372 = tpu.vector_load %arg10[%swap3A_370, %swap3A_371] {strides = array<i32>} : memref<32x768xf32, #tpu.memory_space<vmem>>, vector<16xf32>,
      tpu.vector_store %arg10[%swap3A_370, %swap3A_371], %add3A_369 {strides = array<i32>} : memref<32x768xf32, #tpu.memory_space<vmem>>, vector<16xf32>,
      %get3A_373 = arith.index_cast %scan3A_47 : i32 to index
      %get3A_374 = arith.constant 320 : index
      %get3A_375 = tpu.vector_load %arg10[%get3A_373, %get3A_374] {strides = array<i32>} : memref<32x768xf32, #tpu.memory_space<vmem>>, vector<16xf32>,
      %get3A_376 = arith.index_cast %scan3A_47 : i32 to index
      %get3A_377 = arith.constant 320 : index
      %get3A_378 = tpu.vector_load %arg11[%get3A_376, %get3A_377] {strides = array<i32>} : memref<32x768xf32, #tpu.memory_space<vmem>>, vector<16xf32>,
      %mul3A_379 = arith.mulf %gather3A, %get3A_378 : vector<16xf32>
      %add3A_380 = arith.addf %get3A_375, %mul3A_379 : vector<16xf32>
      %get3A_381 = arith.index_cast %scan3A_47 : i32 to index
      %get3A_382 = arith.constant 320 : index
      %get3A_383 = tpu.vector_load %arg12[%get3A_381, %get3A_382] {strides = array<i32>} : memref<32x768xf32, #tpu.memory_space<vmem>>, vector<16xf32>,
      %mul3A_384 = arith.mulf %gather3A_54, %get3A_383 : vector<16xf32>
      %add3A_385 = arith.addf %add3A_380, %mul3A_384 : vector<16xf32>
      %swap3A_386 = arith.index_cast %scan3A_47 : i32 to index
      %swap3A_387 = arith.constant 320 : index
      %swap3A_388 = tpu.vector_load %arg10[%swap3A_386, %swap3A_387] {strides = array<i32>} : memref<32x768xf32, #tpu.memory_space<vmem>>, vector<16xf32>,
      tpu.vector_store %arg10[%swap3A_386, %swap3A_387], %add3A_385 {strides = array<i32>} : memref<32x768xf32, #tpu.memory_space<vmem>>, vector<16xf32>,
      %get3A_389 = arith.index_cast %scan3A_47 : i32 to index
      %get3A_390 = arith.constant 336 : index
      %get3A_391 = tpu.vector_load %arg10[%get3A_389, %get3A_390] {strides = array<i32>} : memref<32x768xf32, #tpu.memory_space<vmem>>, vector<16xf32>,
      %get3A_392 = arith.index_cast %scan3A_47 : i32 to index
      %get3A_393 = arith.constant 336 : index
      %get3A_394 = tpu.vector_load %arg11[%get3A_392, %get3A_393] {strides = array<i32>} : memref<32x768xf32, #tpu.memory_space<vmem>>, vector<16xf32>,
      %mul3A_395 = arith.mulf %gather3A, %get3A_394 : vector<16xf32>
      %add3A_396 = arith.addf %get3A_391, %mul3A_395 : vector<16xf32>
      %get3A_397 = arith.index_cast %scan3A_47 : i32 to index
      %get3A_398 = arith.constant 336 : index
      %get3A_399 = tpu.vector_load %arg12[%get3A_397, %get3A_398] {strides = array<i32>} : memref<32x768xf32, #tpu.memory_space<vmem>>, vector<16xf32>,
      %mul3A_400 = arith.mulf %gather3A_54, %get3A_399 : vector<16xf32>
      %add3A_401 = arith.addf %add3A_396, %mul3A_400 : vector<16xf32>
      %swap3A_402 = arith.index_cast %scan3A_47 : i32 to index
      %swap3A_403 = arith.constant 336 : index
      %swap3A_404 = tpu.vector_load %arg10[%swap3A_402, %swap3A_403] {strides = array<i32>} : memref<32x768xf32, #tpu.memory_space<vmem>>, vector<16xf32>,
      tpu.vector_store %arg10[%swap3A_402, %swap3A_403], %add3A_401 {strides = array<i32>} : memref<32x768xf32, #tpu.memory_space<vmem>>, vector<16xf32>,
      %get3A_405 = arith.index_cast %scan3A_47 : i32 to index
      %get3A_406 = arith.constant 352 : index
      %get3A_407 = tpu.vector_load %arg10[%get3A_405, %get3A_406] {strides = array<i32>} : memref<32x768xf32, #tpu.memory_space<vmem>>, vector<16xf32>,
      %get3A_408 = arith.index_cast %scan3A_47 : i32 to index
      %get3A_409 = arith.constant 352 : index
      %get3A_410 = tpu.vector_load %arg11[%get3A_408, %get3A_409] {strides = array<i32>} : memref<32x768xf32, #tpu.memory_space<vmem>>, vector<16xf32>,
      %mul3A_411 = arith.mulf %gather3A, %get3A_410 : vector<16xf32>
      %add3A_412 = arith.addf %get3A_407, %mul3A_411 : vector<16xf32>
      %get3A_413 = arith.index_cast %scan3A_47 : i32 to index
      %get3A_414 = arith.constant 352 : index
      %get3A_415 = tpu.vector_load %arg12[%get3A_413, %get3A_414] {strides = array<i32>} : memref<32x768xf32, #tpu.memory_space<vmem>>, vector<16xf32>,
      %mul3A_416 = arith.mulf %gather3A_54, %get3A_415 : vector<16xf32>
      %add3A_417 = arith.addf %add3A_412, %mul3A_416 : vector<16xf32>
      %swap3A_418 = arith.index_cast %scan3A_47 : i32 to index
      %swap3A_419 = arith.constant 352 : index
      %swap3A_420 = tpu.vector_load %arg10[%swap3A_418, %swap3A_419] {strides = array<i32>} : memref<32x768xf32, #tpu.memory_space<vmem>>, vector<16xf32>,
      tpu.vector_store %arg10[%swap3A_418, %swap3A_419], %add3A_417 {strides = array<i32>} : memref<32x768xf32, #tpu.memory_space<vmem>>, vector<16xf32>,
      %get3A_421 = arith.index_cast %scan3A_47 : i32 to index
      %get3A_422 = arith.constant 368 : index
      %get3A_423 = tpu.vector_load %arg10[%get3A_421, %get3A_422] {strides = array<i32>} : memref<32x768xf32, #tpu.memory_space<vmem>>, vector<16xf32>,
      %get3A_424 = arith.index_cast %scan3A_47 : i32 to index
      %get3A_425 = arith.constant 368 : index
      %get3A_426 = tpu.vector_load %arg11[%get3A_424, %get3A_425] {strides = array<i32>} : memref<32x768xf32, #tpu.memory_space<vmem>>, vector<16xf32>,
      %mul3A_427 = arith.mulf %gather3A, %get3A_426 : vector<16xf32>
      %add3A_428 = arith.addf %get3A_423, %mul3A_427 : vector<16xf32>
      %get3A_429 = arith.index_cast %scan3A_47 : i32 to index
      %get3A_430 = arith.constant 368 : index
      %get3A_431 = tpu.vector_load %arg12[%get3A_429, %get3A_430] {strides = array<i32>} : memref<32x768xf32, #tpu.memory_space<vmem>>, vector<16xf32>,
      %mul3A_432 = arith.mulf %gather3A_54, %get3A_431 : vector<16xf32>
      %add3A_433 = arith.addf %add3A_428, %mul3A_432 : vector<16xf32>
      %swap3A_434 = arith.index_cast %scan3A_47 : i32 to index
      %swap3A_435 = arith.constant 368 : index
      %swap3A_436 = tpu.vector_load %arg10[%swap3A_434, %swap3A_435] {strides = array<i32>} : memref<32x768xf32, #tpu.memory_space<vmem>>, vector<16xf32>,
      tpu.vector_store %arg10[%swap3A_434, %swap3A_435], %add3A_433 {strides = array<i32>} : memref<32x768xf32, #tpu.memory_space<vmem>>, vector<16xf32>,
      %get3A_437 = arith.index_cast %scan3A_47 : i32 to index
      %get3A_438 = arith.constant 384 : index
      %get3A_439 = tpu.vector_load %arg10[%get3A_437, %get3A_438] {strides = array<i32>} : memref<32x768xf32, #tpu.memory_space<vmem>>, vector<16xf32>,
      %get3A_440 = arith.index_cast %scan3A_47 : i32 to index
      %get3A_441 = arith.constant 384 : index
      %get3A_442 = tpu.vector_load %arg11[%get3A_440, %get3A_441] {strides = array<i32>} : memref<32x768xf32, #tpu.memory_space<vmem>>, vector<16xf32>,
      %mul3A_443 = arith.mulf %gather3A, %get3A_442 : vector<16xf32>
      %add3A_444 = arith.addf %get3A_439, %mul3A_443 : vector<16xf32>
      %get3A_445 = arith.index_cast %scan3A_47 : i32 to index
      %get3A_446 = arith.constant 384 : index
      %get3A_447 = tpu.vector_load %arg12[%get3A_445, %get3A_446] {strides = array<i32>} : memref<32x768xf32, #tpu.memory_space<vmem>>, vector<16xf32>,
      %mul3A_448 = arith.mulf %gather3A_54, %get3A_447 : vector<16xf32>
      %add3A_449 = arith.addf %add3A_444, %mul3A_448 : vector<16xf32>
      %swap3A_450 = arith.index_cast %scan3A_47 : i32 to index
      %swap3A_451 = arith.constant 384 : index
      %swap3A_452 = tpu.vector_load %arg10[%swap3A_450, %swap3A_451] {strides = array<i32>} : memref<32x768xf32, #tpu.memory_space<vmem>>, vector<16xf32>,
      tpu.vector_store %arg10[%swap3A_450, %swap3A_451], %add3A_449 {strides = array<i32>} : memref<32x768xf32, #tpu.memory_space<vmem>>, vector<16xf32>,
      %get3A_453 = arith.index_cast %scan3A_47 : i32 to index
      %get3A_454 = arith.constant 400 : index
      %get3A_455 = tpu.vector_load %arg10[%get3A_453, %get3A_454] {strides = array<i32>} : memref<32x768xf32, #tpu.memory_space<vmem>>, vector<16xf32>,
      %get3A_456 = arith.index_cast %scan3A_47 : i32 to index
      %get3A_457 = arith.constant 400 : index
      %get3A_458 = tpu.vector_load %arg11[%get3A_456, %get3A_457] {strides = array<i32>} : memref<32x768xf32, #tpu.memory_space<vmem>>, vector<16xf32>,
      %mul3A_459 = arith.mulf %gather3A, %get3A_458 : vector<16xf32>
      %add3A_460 = arith.addf %get3A_455, %mul3A_459 : vector<16xf32>
      %get3A_461 = arith.index_cast %scan3A_47 : i32 to index
      %get3A_462 = arith.constant 400 : index
      %get3A_463 = tpu.vector_load %arg12[%get3A_461, %get3A_462] {strides = array<i32>} : memref<32x768xf32, #tpu.memory_space<vmem>>, vector<16xf32>,
      %mul3A_464 = arith.mulf %gather3A_54, %get3A_463 : vector<16xf32>
      %add3A_465 = arith.addf %add3A_460, %mul3A_464 : vector<16xf32>
      %swap3A_466 = arith.index_cast %scan3A_47 : i32 to index
      %swap3A_467 = arith.constant 400 : index
      %swap3A_468 = tpu.vector_load %arg10[%swap3A_466, %swap3A_467] {strides = array<i32>} : memref<32x768xf32, #tpu.memory_space<vmem>>, vector<16xf32>,
      tpu.vector_store %arg10[%swap3A_466, %swap3A_467], %add3A_465 {strides = array<i32>} : memref<32x768xf32, #tpu.memory_space<vmem>>, vector<16xf32>,
      %get3A_469 = arith.index_cast %scan3A_47 : i32 to index
      %get3A_470 = arith.constant 416 : index
      %get3A_471 = tpu.vector_load %arg10[%get3A_469, %get3A_470] {strides = array<i32>} : memref<32x768xf32, #tpu.memory_space<vmem>>, vector<16xf32>,
      %get3A_472 = arith.index_cast %scan3A_47 : i32 to index
      %get3A_473 = arith.constant 416 : index
      %get3A_474 = tpu.vector_load %arg11[%get3A_472, %get3A_473] {strides = array<i32>} : memref<32x768xf32, #tpu.memory_space<vmem>>, vector<16xf32>,
      %mul3A_475 = arith.mulf %gather3A, %get3A_474 : vector<16xf32>
      %add3A_476 = arith.addf %get3A_471, %mul3A_475 : vector<16xf32>
      %get3A_477 = arith.index_cast %scan3A_47 : i32 to index
      %get3A_478 = arith.constant 416 : index
      %get3A_479 = tpu.vector_load %arg12[%get3A_477, %get3A_478] {strides = array<i32>} : memref<32x768xf32, #tpu.memory_space<vmem>>, vector<16xf32>,
      %mul3A_480 = arith.mulf %gather3A_54, %get3A_479 : vector<16xf32>
      %add3A_481 = arith.addf %add3A_476, %mul3A_480 : vector<16xf32>
      %swap3A_482 = arith.index_cast %scan3A_47 : i32 to index
      %swap3A_483 = arith.constant 416 : index
      %swap3A_484 = tpu.vector_load %arg10[%swap3A_482, %swap3A_483] {strides = array<i32>} : memref<32x768xf32, #tpu.memory_space<vmem>>, vector<16xf32>,
      tpu.vector_store %arg10[%swap3A_482, %swap3A_483], %add3A_481 {strides = array<i32>} : memref<32x768xf32, #tpu.memory_space<vmem>>, vector<16xf32>,
      %get3A_485 = arith.index_cast %scan3A_47 : i32 to index
      %get3A_486 = arith.constant 432 : index
      %get3A_487 = tpu.vector_load %arg10[%get3A_485, %get3A_486] {strides = array<i32>} : memref<32x768xf32, #tpu.memory_space<vmem>>, vector<16xf32>,
      %get3A_488 = arith.index_cast %scan3A_47 : i32 to index
      %get3A_489 = arith.constant 432 : index
      %get3A_490 = tpu.vector_load %arg11[%get3A_488, %get3A_489] {strides = array<i32>} : memref<32x768xf32, #tpu.memory_space<vmem>>, vector<16xf32>,
      %mul3A_491 = arith.mulf %gather3A, %get3A_490 : vector<16xf32>
      %add3A_492 = arith.addf %get3A_487, %mul3A_491 : vector<16xf32>
      %get3A_493 = arith.index_cast %scan3A_47 : i32 to index
      %get3A_494 = arith.constant 432 : index
      %get3A_495 = tpu.vector_load %arg12[%get3A_493, %get3A_494] {strides = array<i32>} : memref<32x768xf32, #tpu.memory_space<vmem>>, vector<16xf32>,
      %mul3A_496 = arith.mulf %gather3A_54, %get3A_495 : vector<16xf32>
      %add3A_497 = arith.addf %add3A_492, %mul3A_496 : vector<16xf32>
      %swap3A_498 = arith.index_cast %scan3A_47 : i32 to index
      %swap3A_499 = arith.constant 432 : index
      %swap3A_500 = tpu.vector_load %arg10[%swap3A_498, %swap3A_499] {strides = array<i32>} : memref<32x768xf32, #tpu.memory_space<vmem>>, vector<16xf32>,
      tpu.vector_store %arg10[%swap3A_498, %swap3A_499], %add3A_497 {strides = array<i32>} : memref<32x768xf32, #tpu.memory_space<vmem>>, vector<16xf32>,
      %get3A_501 = arith.index_cast %scan3A_47 : i32 to index
      %get3A_502 = arith.constant 448 : index
      %get3A_503 = tpu.vector_load %arg10[%get3A_501, %get3A_502] {strides = array<i32>} : memref<32x768xf32, #tpu.memory_space<vmem>>, vector<16xf32>,
      %get3A_504 = arith.index_cast %scan3A_47 : i32 to index
      %get3A_505 = arith.constant 448 : index
      %get3A_506 = tpu.vector_load %arg11[%get3A_504, %get3A_505] {strides = array<i32>} : memref<32x768xf32, #tpu.memory_space<vmem>>, vector<16xf32>,
      %mul3A_507 = arith.mulf %gather3A, %get3A_506 : vector<16xf32>
      %add3A_508 = arith.addf %get3A_503, %mul3A_507 : vector<16xf32>
      %get3A_509 = arith.index_cast %scan3A_47 : i32 to index
      %get3A_510 = arith.constant 448 : index
      %get3A_511 = tpu.vector_load %arg12[%get3A_509, %get3A_510] {strides = array<i32>} : memref<32x768xf32, #tpu.memory_space<vmem>>, vector<16xf32>,
      %mul3A_512 = arith.mulf %gather3A_54, %get3A_511 : vector<16xf32>
      %add3A_513 = arith.addf %add3A_508, %mul3A_512 : vector<16xf32>
      %swap3A_514 = arith.index_cast %scan3A_47 : i32 to index
      %swap3A_515 = arith.constant 448 : index
      %swap3A_516 = tpu.vector_load %arg10[%swap3A_514, %swap3A_515] {strides = array<i32>} : memref<32x768xf32, #tpu.memory_space<vmem>>, vector<16xf32>,
      tpu.vector_store %arg10[%swap3A_514, %swap3A_515], %add3A_513 {strides = array<i32>} : memref<32x768xf32, #tpu.memory_space<vmem>>, vector<16xf32>,
      %get3A_517 = arith.index_cast %scan3A_47 : i32 to index
      %get3A_518 = arith.constant 464 : index
      %get3A_519 = tpu.vector_load %arg10[%get3A_517, %get3A_518] {strides = array<i32>} : memref<32x768xf32, #tpu.memory_space<vmem>>, vector<16xf32>,
      %get3A_520 = arith.index_cast %scan3A_47 : i32 to index
      %get3A_521 = arith.constant 464 : index
      %get3A_522 = tpu.vector_load %arg11[%get3A_520, %get3A_521] {strides = array<i32>} : memref<32x768xf32, #tpu.memory_space<vmem>>, vector<16xf32>,
      %mul3A_523 = arith.mulf %gather3A, %get3A_522 : vector<16xf32>
      %add3A_524 = arith.addf %get3A_519, %mul3A_523 : vector<16xf32>
      %get3A_525 = arith.index_cast %scan3A_47 : i32 to index
      %get3A_526 = arith.constant 464 : index
      %get3A_527 = tpu.vector_load %arg12[%get3A_525, %get3A_526] {strides = array<i32>} : memref<32x768xf32, #tpu.memory_space<vmem>>, vector<16xf32>,
      %mul3A_528 = arith.mulf %gather3A_54, %get3A_527 : vector<16xf32>
      %add3A_529 = arith.addf %add3A_524, %mul3A_528 : vector<16xf32>
      %swap3A_530 = arith.index_cast %scan3A_47 : i32 to index
      %swap3A_531 = arith.constant 464 : index
      %swap3A_532 = tpu.vector_load %arg10[%swap3A_530, %swap3A_531] {strides = array<i32>} : memref<32x768xf32, #tpu.memory_space<vmem>>, vector<16xf32>,
      tpu.vector_store %arg10[%swap3A_530, %swap3A_531], %add3A_529 {strides = array<i32>} : memref<32x768xf32, #tpu.memory_space<vmem>>, vector<16xf32>,
      %get3A_533 = arith.index_cast %scan3A_47 : i32 to index
      %get3A_534 = arith.constant 480 : index
      %get3A_535 = tpu.vector_load %arg10[%get3A_533, %get3A_534] {strides = array<i32>} : memref<32x768xf32, #tpu.memory_space<vmem>>, vector<16xf32>,
      %get3A_536 = arith.index_cast %scan3A_47 : i32 to index
      %get3A_537 = arith.constant 480 : index
      %get3A_538 = tpu.vector_load %arg11[%get3A_536, %get3A_537] {strides = array<i32>} : memref<32x768xf32, #tpu.memory_space<vmem>>, vector<16xf32>,
      %mul3A_539 = arith.mulf %gather3A, %get3A_538 : vector<16xf32>
      %add3A_540 = arith.addf %get3A_535, %mul3A_539 : vector<16xf32>
      %get3A_541 = arith.index_cast %scan3A_47 : i32 to index
      %get3A_542 = arith.constant 480 : index
      %get3A_543 = tpu.vector_load %arg12[%get3A_541, %get3A_542] {strides = array<i32>} : memref<32x768xf32, #tpu.memory_space<vmem>>, vector<16xf32>,
      %mul3A_544 = arith.mulf %gather3A_54, %get3A_543 : vector<16xf32>
      %add3A_545 = arith.addf %add3A_540, %mul3A_544 : vector<16xf32>
      %swap3A_546 = arith.index_cast %scan3A_47 : i32 to index
      %swap3A_547 = arith.constant 480 : index
      %swap3A_548 = tpu.vector_load %arg10[%swap3A_546, %swap3A_547] {strides = array<i32>} : memref<32x768xf32, #tpu.memory_space<vmem>>, vector<16xf32>,
      tpu.vector_store %arg10[%swap3A_546, %swap3A_547], %add3A_545 {strides = array<i32>} : memref<32x768xf32, #tpu.memory_space<vmem>>, vector<16xf32>,
      %get3A_549 = arith.index_cast %scan3A_47 : i32 to index
      %get3A_550 = arith.constant 496 : index
      %get3A_551 = tpu.vector_load %arg10[%get3A_549, %get3A_550] {strides = array<i32>} : memref<32x768xf32, #tpu.memory_space<vmem>>, vector<16xf32>,
      %get3A_552 = arith.index_cast %scan3A_47 : i32 to index
      %get3A_553 = arith.constant 496 : index
      %get3A_554 = tpu.vector_load %arg11[%get3A_552, %get3A_553] {strides = array<i32>} : memref<32x768xf32, #tpu.memory_space<vmem>>, vector<16xf32>,
      %mul3A_555 = arith.mulf %gather3A, %get3A_554 : vector<16xf32>
      %add3A_556 = arith.addf %get3A_551, %mul3A_555 : vector<16xf32>
      %get3A_557 = arith.index_cast %scan3A_47 : i32 to index
      %get3A_558 = arith.constant 496 : index
      %get3A_559 = tpu.vector_load %arg12[%get3A_557, %get3A_558] {strides = array<i32>} : memref<32x768xf32, #tpu.memory_space<vmem>>, vector<16xf32>,
      %mul3A_560 = arith.mulf %gather3A_54, %get3A_559 : vector<16xf32>
      %add3A_561 = arith.addf %add3A_556, %mul3A_560 : vector<16xf32>
      %swap3A_562 = arith.index_cast %scan3A_47 : i32 to index
      %swap3A_563 = arith.constant 496 : index
      %swap3A_564 = tpu.vector_load %arg10[%swap3A_562, %swap3A_563] {strides = array<i32>} : memref<32x768xf32, #tpu.memory_space<vmem>>, vector<16xf32>,
      tpu.vector_store %arg10[%swap3A_562, %swap3A_563], %add3A_561 {strides = array<i32>} : memref<32x768xf32, #tpu.memory_space<vmem>>, vector<16xf32>,
      %get3A_565 = arith.index_cast %scan3A_47 : i32 to index
      %get3A_566 = arith.constant 512 : index
      %get3A_567 = tpu.vector_load %arg10[%get3A_565, %get3A_566] {strides = array<i32>} : memref<32x768xf32, #tpu.memory_space<vmem>>, vector<16xf32>,
      %get3A_568 = arith.index_cast %scan3A_47 : i32 to index
      %get3A_569 = arith.constant 512 : index
      %get3A_570 = tpu.vector_load %arg11[%get3A_568, %get3A_569] {strides = array<i32>} : memref<32x768xf32, #tpu.memory_space<vmem>>, vector<16xf32>,
      %mul3A_571 = arith.mulf %gather3A, %get3A_570 : vector<16xf32>
      %add3A_572 = arith.addf %get3A_567, %mul3A_571 : vector<16xf32>
      %get3A_573 = arith.index_cast %scan3A_47 : i32 to index
      %get3A_574 = arith.constant 512 : index
      %get3A_575 = tpu.vector_load %arg12[%get3A_573, %get3A_574] {strides = array<i32>} : memref<32x768xf32, #tpu.memory_space<vmem>>, vector<16xf32>,
      %mul3A_576 = arith.mulf %gather3A_54, %get3A_575 : vector<16xf32>
      %add3A_577 = arith.addf %add3A_572, %mul3A_576 : vector<16xf32>
      %swap3A_578 = arith.index_cast %scan3A_47 : i32 to index
      %swap3A_579 = arith.constant 512 : index
      %swap3A_580 = tpu.vector_load %arg10[%swap3A_578, %swap3A_579] {strides = array<i32>} : memref<32x768xf32, #tpu.memory_space<vmem>>, vector<16xf32>,
      tpu.vector_store %arg10[%swap3A_578, %swap3A_579], %add3A_577 {strides = array<i32>} : memref<32x768xf32, #tpu.memory_space<vmem>>, vector<16xf32>,
      %get3A_581 = arith.index_cast %scan3A_47 : i32 to index
      %get3A_582 = arith.constant 528 : index
      %get3A_583 = tpu.vector_load %arg10[%get3A_581, %get3A_582] {strides = array<i32>} : memref<32x768xf32, #tpu.memory_space<vmem>>, vector<16xf32>,
      %get3A_584 = arith.index_cast %scan3A_47 : i32 to index
      %get3A_585 = arith.constant 528 : index
      %get3A_586 = tpu.vector_load %arg11[%get3A_584, %get3A_585] {strides = array<i32>} : memref<32x768xf32, #tpu.memory_space<vmem>>, vector<16xf32>,
      %mul3A_587 = arith.mulf %gather3A, %get3A_586 : vector<16xf32>
      %add3A_588 = arith.addf %get3A_583, %mul3A_587 : vector<16xf32>
      %get3A_589 = arith.index_cast %scan3A_47 : i32 to index
      %get3A_590 = arith.constant 528 : index
      %get3A_591 = tpu.vector_load %arg12[%get3A_589, %get3A_590] {strides = array<i32>} : memref<32x768xf32, #tpu.memory_space<vmem>>, vector<16xf32>,
      %mul3A_592 = arith.mulf %gather3A_54, %get3A_591 : vector<16xf32>
      %add3A_593 = arith.addf %add3A_588, %mul3A_592 : vector<16xf32>
      %swap3A_594 = arith.index_cast %scan3A_47 : i32 to index
      %swap3A_595 = arith.constant 528 : index
      %swap3A_596 = tpu.vector_load %arg10[%swap3A_594, %swap3A_595] {strides = array<i32>} : memref<32x768xf32, #tpu.memory_space<vmem>>, vector<16xf32>,
      tpu.vector_store %arg10[%swap3A_594, %swap3A_595], %add3A_593 {strides = array<i32>} : memref<32x768xf32, #tpu.memory_space<vmem>>, vector<16xf32>,
      %get3A_597 = arith.index_cast %scan3A_47 : i32 to index
      %get3A_598 = arith.constant 544 : index
      %get3A_599 = tpu.vector_load %arg10[%get3A_597, %get3A_598] {strides = array<i32>} : memref<32x768xf32, #tpu.memory_space<vmem>>, vector<16xf32>,
      %get3A_600 = arith.index_cast %scan3A_47 : i32 to index
      %get3A_601 = arith.constant 544 : index
      %get3A_602 = tpu.vector_load %arg11[%get3A_600, %get3A_601] {strides = array<i32>} : memref<32x768xf32, #tpu.memory_space<vmem>>, vector<16xf32>,
      %mul3A_603 = arith.mulf %gather3A, %get3A_602 : vector<16xf32>
      %add3A_604 = arith.addf %get3A_599, %mul3A_603 : vector<16xf32>
      %get3A_605 = arith.index_cast %scan3A_47 : i32 to index
      %get3A_606 = arith.constant 544 : index
      %get3A_607 = tpu.vector_load %arg12[%get3A_605, %get3A_606] {strides = array<i32>} : memref<32x768xf32, #tpu.memory_space<vmem>>, vector<16xf32>,
      %mul3A_608 = arith.mulf %gather3A_54, %get3A_607 : vector<16xf32>
      %add3A_609 = arith.addf %add3A_604, %mul3A_608 : vector<16xf32>
      %swap3A_610 = arith.index_cast %scan3A_47 : i32 to index
      %swap3A_611 = arith.constant 544 : index
      %swap3A_612 = tpu.vector_load %arg10[%swap3A_610, %swap3A_611] {strides = array<i32>} : memref<32x768xf32, #tpu.memory_space<vmem>>, vector<16xf32>,
      tpu.vector_store %arg10[%swap3A_610, %swap3A_611], %add3A_609 {strides = array<i32>} : memref<32x768xf32, #tpu.memory_space<vmem>>, vector<16xf32>,
      %get3A_613 = arith.index_cast %scan3A_47 : i32 to index
      %get3A_614 = arith.constant 560 : index
      %get3A_615 = tpu.vector_load %arg10[%get3A_613, %get3A_614] {strides = array<i32>} : memref<32x768xf32, #tpu.memory_space<vmem>>, vector<16xf32>,
      %get3A_616 = arith.index_cast %scan3A_47 : i32 to index
      %get3A_617 = arith.constant 560 : index
      %get3A_618 = tpu.vector_load %arg11[%get3A_616, %get3A_617] {strides = array<i32>} : memref<32x768xf32, #tpu.memory_space<vmem>>, vector<16xf32>,
      %mul3A_619 = arith.mulf %gather3A, %get3A_618 : vector<16xf32>
      %add3A_620 = arith.addf %get3A_615, %mul3A_619 : vector<16xf32>
      %get3A_621 = arith.index_cast %scan3A_47 : i32 to index
      %get3A_622 = arith.constant 560 : index
      %get3A_623 = tpu.vector_load %arg12[%get3A_621, %get3A_622] {strides = array<i32>} : memref<32x768xf32, #tpu.memory_space<vmem>>, vector<16xf32>,
      %mul3A_624 = arith.mulf %gather3A_54, %get3A_623 : vector<16xf32>
      %add3A_625 = arith.addf %add3A_620, %mul3A_624 : vector<16xf32>
      %swap3A_626 = arith.index_cast %scan3A_47 : i32 to index
      %swap3A_627 = arith.constant 560 : index
      %swap3A_628 = tpu.vector_load %arg10[%swap3A_626, %swap3A_627] {strides = array<i32>} : memref<32x768xf32, #tpu.memory_space<vmem>>, vector<16xf32>,
      tpu.vector_store %arg10[%swap3A_626, %swap3A_627], %add3A_625 {strides = array<i32>} : memref<32x768xf32, #tpu.memory_space<vmem>>, vector<16xf32>,
      %get3A_629 = arith.index_cast %scan3A_47 : i32 to index
      %get3A_630 = arith.constant 576 : index
      %get3A_631 = tpu.vector_load %arg10[%get3A_629, %get3A_630] {strides = array<i32>} : memref<32x768xf32, #tpu.memory_space<vmem>>, vector<16xf32>,
      %get3A_632 = arith.index_cast %scan3A_47 : i32 to index
      %get3A_633 = arith.constant 576 : index
      %get3A_634 = tpu.vector_load %arg11[%get3A_632, %get3A_633] {strides = array<i32>} : memref<32x768xf32, #tpu.memory_space<vmem>>, vector<16xf32>,
      %mul3A_635 = arith.mulf %gather3A, %get3A_634 : vector<16xf32>
      %add3A_636 = arith.addf %get3A_631, %mul3A_635 : vector<16xf32>
      %get3A_637 = arith.index_cast %scan3A_47 : i32 to index
      %get3A_638 = arith.constant 576 : index
      %get3A_639 = tpu.vector_load %arg12[%get3A_637, %get3A_638] {strides = array<i32>} : memref<32x768xf32, #tpu.memory_space<vmem>>, vector<16xf32>,
      %mul3A_640 = arith.mulf %gather3A_54, %get3A_639 : vector<16xf32>
      %add3A_641 = arith.addf %add3A_636, %mul3A_640 : vector<16xf32>
      %swap3A_642 = arith.index_cast %scan3A_47 : i32 to index
      %swap3A_643 = arith.constant 576 : index
      %swap3A_644 = tpu.vector_load %arg10[%swap3A_642, %swap3A_643] {strides = array<i32>} : memref<32x768xf32, #tpu.memory_space<vmem>>, vector<16xf32>,
      tpu.vector_store %arg10[%swap3A_642, %swap3A_643], %add3A_641 {strides = array<i32>} : memref<32x768xf32, #tpu.memory_space<vmem>>, vector<16xf32>,
      %get3A_645 = arith.index_cast %scan3A_47 : i32 to index
      %get3A_646 = arith.constant 592 : index
      %get3A_647 = tpu.vector_load %arg10[%get3A_645, %get3A_646] {strides = array<i32>} : memref<32x768xf32, #tpu.memory_space<vmem>>, vector<16xf32>,
      %get3A_648 = arith.index_cast %scan3A_47 : i32 to index
      %get3A_649 = arith.constant 592 : index
      %get3A_650 = tpu.vector_load %arg11[%get3A_648, %get3A_649] {strides = array<i32>} : memref<32x768xf32, #tpu.memory_space<vmem>>, vector<16xf32>,
      %mul3A_651 = arith.mulf %gather3A, %get3A_650 : vector<16xf32>
      %add3A_652 = arith.addf %get3A_647, %mul3A_651 : vector<16xf32>
      %get3A_653 = arith.index_cast %scan3A_47 : i32 to index
      %get3A_654 = arith.constant 592 : index
      %get3A_655 = tpu.vector_load %arg12[%get3A_653, %get3A_654] {strides = array<i32>} : memref<32x768xf32, #tpu.memory_space<vmem>>, vector<16xf32>,
      %mul3A_656 = arith.mulf %gather3A_54, %get3A_655 : vector<16xf32>
      %add3A_657 = arith.addf %add3A_652, %mul3A_656 : vector<16xf32>
      %swap3A_658 = arith.index_cast %scan3A_47 : i32 to index
      %swap3A_659 = arith.constant 592 : index
      %swap3A_660 = tpu.vector_load %arg10[%swap3A_658, %swap3A_659] {strides = array<i32>} : memref<32x768xf32, #tpu.memory_space<vmem>>, vector<16xf32>,
      tpu.vector_store %arg10[%swap3A_658, %swap3A_659], %add3A_657 {strides = array<i32>} : memref<32x768xf32, #tpu.memory_space<vmem>>, vector<16xf32>,
      %get3A_661 = arith.index_cast %scan3A_47 : i32 to index
      %get3A_662 = arith.constant 608 : index
      %get3A_663 = tpu.vector_load %arg10[%get3A_661, %get3A_662] {strides = array<i32>} : memref<32x768xf32, #tpu.memory_space<vmem>>, vector<16xf32>,
      %get3A_664 = arith.index_cast %scan3A_47 : i32 to index
      %get3A_665 = arith.constant 608 : index
      %get3A_666 = tpu.vector_load %arg11[%get3A_664, %get3A_665] {strides = array<i32>} : memref<32x768xf32, #tpu.memory_space<vmem>>, vector<16xf32>,
      %mul3A_667 = arith.mulf %gather3A, %get3A_666 : vector<16xf32>
      %add3A_668 = arith.addf %get3A_663, %mul3A_667 : vector<16xf32>
      %get3A_669 = arith.index_cast %scan3A_47 : i32 to index
      %get3A_670 = arith.constant 608 : index
      %get3A_671 = tpu.vector_load %arg12[%get3A_669, %get3A_670] {strides = array<i32>} : memref<32x768xf32, #tpu.memory_space<vmem>>, vector<16xf32>,
      %mul3A_672 = arith.mulf %gather3A_54, %get3A_671 : vector<16xf32>
      %add3A_673 = arith.addf %add3A_668, %mul3A_672 : vector<16xf32>
      %swap3A_674 = arith.index_cast %scan3A_47 : i32 to index
      %swap3A_675 = arith.constant 608 : index
      %swap3A_676 = tpu.vector_load %arg10[%swap3A_674, %swap3A_675] {strides = array<i32>} : memref<32x768xf32, #tpu.memory_space<vmem>>, vector<16xf32>,
      tpu.vector_store %arg10[%swap3A_674, %swap3A_675], %add3A_673 {strides = array<i32>} : memref<32x768xf32, #tpu.memory_space<vmem>>, vector<16xf32>,
      %get3A_677 = arith.index_cast %scan3A_47 : i32 to index
      %get3A_678 = arith.constant 624 : index
      %get3A_679 = tpu.vector_load %arg10[%get3A_677, %get3A_678] {strides = array<i32>} : memref<32x768xf32, #tpu.memory_space<vmem>>, vector<16xf32>,
      %get3A_680 = arith.index_cast %scan3A_47 : i32 to index
      %get3A_681 = arith.constant 624 : index
      %get3A_682 = tpu.vector_load %arg11[%get3A_680, %get3A_681] {strides = array<i32>} : memref<32x768xf32, #tpu.memory_space<vmem>>, vector<16xf32>,
      %mul3A_683 = arith.mulf %gather3A, %get3A_682 : vector<16xf32>
      %add3A_684 = arith.addf %get3A_679, %mul3A_683 : vector<16xf32>
      %get3A_685 = arith.index_cast %scan3A_47 : i32 to index
      %get3A_686 = arith.constant 624 : index
      %get3A_687 = tpu.vector_load %arg12[%get3A_685, %get3A_686] {strides = array<i32>} : memref<32x768xf32, #tpu.memory_space<vmem>>, vector<16xf32>,
      %mul3A_688 = arith.mulf %gather3A_54, %get3A_687 : vector<16xf32>
      %add3A_689 = arith.addf %add3A_684, %mul3A_688 : vector<16xf32>
      %swap3A_690 = arith.index_cast %scan3A_47 : i32 to index
      %swap3A_691 = arith.constant 624 : index
      %swap3A_692 = tpu.vector_load %arg10[%swap3A_690, %swap3A_691] {strides = array<i32>} : memref<32x768xf32, #tpu.memory_space<vmem>>, vector<16xf32>,
      tpu.vector_store %arg10[%swap3A_690, %swap3A_691], %add3A_689 {strides = array<i32>} : memref<32x768xf32, #tpu.memory_space<vmem>>, vector<16xf32>,
      %get3A_693 = arith.index_cast %scan3A_47 : i32 to index
      %get3A_694 = arith.constant 640 : index
      %get3A_695 = tpu.vector_load %arg10[%get3A_693, %get3A_694] {strides = array<i32>} : memref<32x768xf32, #tpu.memory_space<vmem>>, vector<16xf32>,
      %get3A_696 = arith.index_cast %scan3A_47 : i32 to index
      %get3A_697 = arith.constant 640 : index
      %get3A_698 = tpu.vector_load %arg11[%get3A_696, %get3A_697] {strides = array<i32>} : memref<32x768xf32, #tpu.memory_space<vmem>>, vector<16xf32>,
      %mul3A_699 = arith.mulf %gather3A, %get3A_698 : vector<16xf32>
      %add3A_700 = arith.addf %get3A_695, %mul3A_699 : vector<16xf32>
      %get3A_701 = arith.index_cast %scan3A_47 : i32 to index
      %get3A_702 = arith.constant 640 : index
      %get3A_703 = tpu.vector_load %arg12[%get3A_701, %get3A_702] {strides = array<i32>} : memref<32x768xf32, #tpu.memory_space<vmem>>, vector<16xf32>,
      %mul3A_704 = arith.mulf %gather3A_54, %get3A_703 : vector<16xf32>
      %add3A_705 = arith.addf %add3A_700, %mul3A_704 : vector<16xf32>
      %swap3A_706 = arith.index_cast %scan3A_47 : i32 to index
      %swap3A_707 = arith.constant 640 : index
      %swap3A_708 = tpu.vector_load %arg10[%swap3A_706, %swap3A_707] {strides = array<i32>} : memref<32x768xf32, #tpu.memory_space<vmem>>, vector<16xf32>,
      tpu.vector_store %arg10[%swap3A_706, %swap3A_707], %add3A_705 {strides = array<i32>} : memref<32x768xf32, #tpu.memory_space<vmem>>, vector<16xf32>,
      %get3A_709 = arith.index_cast %scan3A_47 : i32 to index
      %get3A_710 = arith.constant 656 : index
      %get3A_711 = tpu.vector_load %arg10[%get3A_709, %get3A_710] {strides = array<i32>} : memref<32x768xf32, #tpu.memory_space<vmem>>, vector<16xf32>,
      %get3A_712 = arith.index_cast %scan3A_47 : i32 to index
      %get3A_713 = arith.constant 656 : index
      %get3A_714 = tpu.vector_load %arg11[%get3A_712, %get3A_713] {strides = array<i32>} : memref<32x768xf32, #tpu.memory_space<vmem>>, vector<16xf32>,
      %mul3A_715 = arith.mulf %gather3A, %get3A_714 : vector<16xf32>
      %add3A_716 = arith.addf %get3A_711, %mul3A_715 : vector<16xf32>
      %get3A_717 = arith.index_cast %scan3A_47 : i32 to index
      %get3A_718 = arith.constant 656 : index
      %get3A_719 = tpu.vector_load %arg12[%get3A_717, %get3A_718] {strides = array<i32>} : memref<32x768xf32, #tpu.memory_space<vmem>>, vector<16xf32>,
      %mul3A_720 = arith.mulf %gather3A_54, %get3A_719 : vector<16xf32>
      %add3A_721 = arith.addf %add3A_716, %mul3A_720 : vector<16xf32>
      %swap3A_722 = arith.index_cast %scan3A_47 : i32 to index
      %swap3A_723 = arith.constant 656 : index
      %swap3A_724 = tpu.vector_load %arg10[%swap3A_722, %swap3A_723] {strides = array<i32>} : memref<32x768xf32, #tpu.memory_space<vmem>>, vector<16xf32>,
      tpu.vector_store %arg10[%swap3A_722, %swap3A_723], %add3A_721 {strides = array<i32>} : memref<32x768xf32, #tpu.memory_space<vmem>>, vector<16xf32>,
      %get3A_725 = arith.index_cast %scan3A_47 : i32 to index
      %get3A_726 = arith.constant 672 : index
      %get3A_727 = tpu.vector_load %arg10[%get3A_725, %get3A_726] {strides = array<i32>} : memref<32x768xf32, #tpu.memory_space<vmem>>, vector<16xf32>,
      %get3A_728 = arith.index_cast %scan3A_47 : i32 to index
      %get3A_729 = arith.constant 672 : index
      %get3A_730 = tpu.vector_load %arg11[%get3A_728, %get3A_729] {strides = array<i32>} : memref<32x768xf32, #tpu.memory_space<vmem>>, vector<16xf32>,
      %mul3A_731 = arith.mulf %gather3A, %get3A_730 : vector<16xf32>
      %add3A_732 = arith.addf %get3A_727, %mul3A_731 : vector<16xf32>
      %get3A_733 = arith.index_cast %scan3A_47 : i32 to index
      %get3A_734 = arith.constant 672 : index
      %get3A_735 = tpu.vector_load %arg12[%get3A_733, %get3A_734] {strides = array<i32>} : memref<32x768xf32, #tpu.memory_space<vmem>>, vector<16xf32>,
      %mul3A_736 = arith.mulf %gather3A_54, %get3A_735 : vector<16xf32>
      %add3A_737 = arith.addf %add3A_732, %mul3A_736 : vector<16xf32>
      %swap3A_738 = arith.index_cast %scan3A_47 : i32 to index
      %swap3A_739 = arith.constant 672 : index
      %swap3A_740 = tpu.vector_load %arg10[%swap3A_738, %swap3A_739] {strides = array<i32>} : memref<32x768xf32, #tpu.memory_space<vmem>>, vector<16xf32>,
      tpu.vector_store %arg10[%swap3A_738, %swap3A_739], %add3A_737 {strides = array<i32>} : memref<32x768xf32, #tpu.memory_space<vmem>>, vector<16xf32>,
      %get3A_741 = arith.index_cast %scan3A_47 : i32 to index
      %get3A_742 = arith.constant 688 : index
      %get3A_743 = tpu.vector_load %arg10[%get3A_741, %get3A_742] {strides = array<i32>} : memref<32x768xf32, #tpu.memory_space<vmem>>, vector<16xf32>,
      %get3A_744 = arith.index_cast %scan3A_47 : i32 to index
      %get3A_745 = arith.constant 688 : index
      %get3A_746 = tpu.vector_load %arg11[%get3A_744, %get3A_745] {strides = array<i32>} : memref<32x768xf32, #tpu.memory_space<vmem>>, vector<16xf32>,
      %mul3A_747 = arith.mulf %gather3A, %get3A_746 : vector<16xf32>
      %add3A_748 = arith.addf %get3A_743, %mul3A_747 : vector<16xf32>
      %get3A_749 = arith.index_cast %scan3A_47 : i32 to index
      %get3A_750 = arith.constant 688 : index
      %get3A_751 = tpu.vector_load %arg12[%get3A_749, %get3A_750] {strides = array<i32>} : memref<32x768xf32, #tpu.memory_space<vmem>>, vector<16xf32>,
      %mul3A_752 = arith.mulf %gather3A_54, %get3A_751 : vector<16xf32>
      %add3A_753 = arith.addf %add3A_748, %mul3A_752 : vector<16xf32>
      %swap3A_754 = arith.index_cast %scan3A_47 : i32 to index
      %swap3A_755 = arith.constant 688 : index
      %swap3A_756 = tpu.vector_load %arg10[%swap3A_754, %swap3A_755] {strides = array<i32>} : memref<32x768xf32, #tpu.memory_space<vmem>>, vector<16xf32>,
      tpu.vector_store %arg10[%swap3A_754, %swap3A_755], %add3A_753 {strides = array<i32>} : memref<32x768xf32, #tpu.memory_space<vmem>>, vector<16xf32>,
      %get3A_757 = arith.index_cast %scan3A_47 : i32 to index
      %get3A_758 = arith.constant 704 : index
      %get3A_759 = tpu.vector_load %arg10[%get3A_757, %get3A_758] {strides = array<i32>} : memref<32x768xf32, #tpu.memory_space<vmem>>, vector<16xf32>,
      %get3A_760 = arith.index_cast %scan3A_47 : i32 to index
      %get3A_761 = arith.constant 704 : index
      %get3A_762 = tpu.vector_load %arg11[%get3A_760, %get3A_761] {strides = array<i32>} : memref<32x768xf32, #tpu.memory_space<vmem>>, vector<16xf32>,
      %mul3A_763 = arith.mulf %gather3A, %get3A_762 : vector<16xf32>
      %add3A_764 = arith.addf %get3A_759, %mul3A_763 : vector<16xf32>
      %get3A_765 = arith.index_cast %scan3A_47 : i32 to index
      %get3A_766 = arith.constant 704 : index
      %get3A_767 = tpu.vector_load %arg12[%get3A_765, %get3A_766] {strides = array<i32>} : memref<32x768xf32, #tpu.memory_space<vmem>>, vector<16xf32>,
      %mul3A_768 = arith.mulf %gather3A_54, %get3A_767 : vector<16xf32>
      %add3A_769 = arith.addf %add3A_764, %mul3A_768 : vector<16xf32>
      %swap3A_770 = arith.index_cast %scan3A_47 : i32 to index
      %swap3A_771 = arith.constant 704 : index
      %swap3A_772 = tpu.vector_load %arg10[%swap3A_770, %swap3A_771] {strides = array<i32>} : memref<32x768xf32, #tpu.memory_space<vmem>>, vector<16xf32>,
      tpu.vector_store %arg10[%swap3A_770, %swap3A_771], %add3A_769 {strides = array<i32>} : memref<32x768xf32, #tpu.memory_space<vmem>>, vector<16xf32>,
      %get3A_773 = arith.index_cast %scan3A_47 : i32 to index
      %get3A_774 = arith.constant 720 : index
      %get3A_775 = tpu.vector_load %arg10[%get3A_773, %get3A_774] {strides = array<i32>} : memref<32x768xf32, #tpu.memory_space<vmem>>, vector<16xf32>,
      %get3A_776 = arith.index_cast %scan3A_47 : i32 to index
      %get3A_777 = arith.constant 720 : index
      %get3A_778 = tpu.vector_load %arg11[%get3A_776, %get3A_777] {strides = array<i32>} : memref<32x768xf32, #tpu.memory_space<vmem>>, vector<16xf32>,
      %mul3A_779 = arith.mulf %gather3A, %get3A_778 : vector<16xf32>
      %add3A_780 = arith.addf %get3A_775, %mul3A_779 : vector<16xf32>
      %get3A_781 = arith.index_cast %scan3A_47 : i32 to index
      %get3A_782 = arith.constant 720 : index
      %get3A_783 = tpu.vector_load %arg12[%get3A_781, %get3A_782] {strides = array<i32>} : memref<32x768xf32, #tpu.memory_space<vmem>>, vector<16xf32>,
      %mul3A_784 = arith.mulf %gather3A_54, %get3A_783 : vector<16xf32>
      %add3A_785 = arith.addf %add3A_780, %mul3A_784 : vector<16xf32>
      %swap3A_786 = arith.index_cast %scan3A_47 : i32 to index
      %swap3A_787 = arith.constant 720 : index
      %swap3A_788 = tpu.vector_load %arg10[%swap3A_786, %swap3A_787] {strides = array<i32>} : memref<32x768xf32, #tpu.memory_space<vmem>>, vector<16xf32>,
      tpu.vector_store %arg10[%swap3A_786, %swap3A_787], %add3A_785 {strides = array<i32>} : memref<32x768xf32, #tpu.memory_space<vmem>>, vector<16xf32>,
      %get3A_789 = arith.index_cast %scan3A_47 : i32 to index
      %get3A_790 = arith.constant 736 : index
      %get3A_791 = tpu.vector_load %arg10[%get3A_789, %get3A_790] {strides = array<i32>} : memref<32x768xf32, #tpu.memory_space<vmem>>, vector<16xf32>,
      %get3A_792 = arith.index_cast %scan3A_47 : i32 to index
      %get3A_793 = arith.constant 736 : index
      %get3A_794 = tpu.vector_load %arg11[%get3A_792, %get3A_793] {strides = array<i32>} : memref<32x768xf32, #tpu.memory_space<vmem>>, vector<16xf32>,
      %mul3A_795 = arith.mulf %gather3A, %get3A_794 : vector<16xf32>
      %add3A_796 = arith.addf %get3A_791, %mul3A_795 : vector<16xf32>
      %get3A_797 = arith.index_cast %scan3A_47 : i32 to index
      %get3A_798 = arith.constant 736 : index
      %get3A_799 = tpu.vector_load %arg12[%get3A_797, %get3A_798] {strides = array<i32>} : memref<32x768xf32, #tpu.memory_space<vmem>>, vector<16xf32>,
      %mul3A_800 = arith.mulf %gather3A_54, %get3A_799 : vector<16xf32>
      %add3A_801 = arith.addf %add3A_796, %mul3A_800 : vector<16xf32>
      %swap3A_802 = arith.index_cast %scan3A_47 : i32 to index
      %swap3A_803 = arith.constant 736 : index
      %swap3A_804 = tpu.vector_load %arg10[%swap3A_802, %swap3A_803] {strides = array<i32>} : memref<32x768xf32, #tpu.memory_space<vmem>>, vector<16xf32>,
      tpu.vector_store %arg10[%swap3A_802, %swap3A_803], %add3A_801 {strides = array<i32>} : memref<32x768xf32, #tpu.memory_space<vmem>>, vector<16xf32>,
      %get3A_805 = arith.index_cast %scan3A_47 : i32 to index
      %get3A_806 = arith.constant 752 : index
      %get3A_807 = tpu.vector_load %arg10[%get3A_805, %get3A_806] {strides = array<i32>} : memref<32x768xf32, #tpu.memory_space<vmem>>, vector<16xf32>,
      %get3A_808 = arith.index_cast %scan3A_47 : i32 to index
      %get3A_809 = arith.constant 752 : index
      %get3A_810 = tpu.vector_load %arg11[%get3A_808, %get3A_809] {strides = array<i32>} : memref<32x768xf32, #tpu.memory_space<vmem>>, vector<16xf32>,
      %mul3A_811 = arith.mulf %gather3A, %get3A_810 : vector<16xf32>
      %add3A_812 = arith.addf %get3A_807, %mul3A_811 : vector<16xf32>
      %get3A_813 = arith.index_cast %scan3A_47 : i32 to index
      %get3A_814 = arith.constant 752 : index
      %get3A_815 = tpu.vector_load %arg12[%get3A_813, %get3A_814] {strides = array<i32>} : memref<32x768xf32, #tpu.memory_space<vmem>>, vector<16xf32>,
      %mul3A_816 = arith.mulf %gather3A_54, %get3A_815 : vector<16xf32>
      %add3A_817 = arith.addf %add3A_812, %mul3A_816 : vector<16xf32>
      %swap3A_818 = arith.index_cast %scan3A_47 : i32 to index
      %swap3A_819 = arith.constant 752 : index
      %swap3A_820 = tpu.vector_load %arg10[%swap3A_818, %swap3A_819] {strides = array<i32>} : memref<32x768xf32, #tpu.memory_space<vmem>>, vector<16xf32>,
      tpu.vector_store %arg10[%swap3A_818, %swap3A_819], %add3A_817 {strides = array<i32>} : memref<32x768xf32, #tpu.memory_space<vmem>>, vector<16xf32>,
      %scan3A_821 = arith.constant 0 : i32
      scf.yield %scan3A_821 : i32
    }
    %scan3A_21 = arith.constant 32 : i32
    "tpu.region"() ({
      %run_scoped3A_47 = tpu.sem_alloc : memref<!tpu.dma_semaphore, #tpu.memory_space<semaphore_mem>>
      %dma_start3A_48 = arith.constant 0 : i32
      %dma_start3A_49 = tpu.memref_slice %arg6[%add3A_4, %dma_start3A_48] : memref<2048x768xf32, #tpu.memory_space<hbm>> -> memref<32x768xf32, #tpu.memory_space<hbm>>
      %dma_start3A_50 = arith.constant 0 : i32
      %dma_start3A_51 = tpu.memref_slice %arg6[%add3A_4, %dma_start3A_50] : memref<2048x768xf32, #tpu.memory_space<hbm>> -> memref<32x768xf32, #tpu.memory_space<hbm>>
      tpu.enqueue_dma source(%arg10 : memref<32x768xf32, #tpu.memory_space<vmem>>) target(%dma_start3A_51 : memref<32x768xf32, #tpu.memory_space<hbm>>) target_semaphore(%run_scoped3A_47 : memref<!tpu.dma_semaphore, #tpu.memory_space<semaphore_mem>>)
      %dma_wait3A_52 = arith.constant 0 : i32
      %dma_wait3A_53 = tpu.memref_slice %arg6[%add3A_4, %dma_wait3A_52] : memref<2048x768xf32, #tpu.memory_space<hbm>> -> memref<32x768xf32, #tpu.memory_space<hbm>>
      %dma_wait3A_54 = arith.constant 0 : i32
      %dma_wait3A_55 = tpu.memref_slice %arg6[%add3A_4, %dma_wait3A_54] : memref<2048x768xf32, #tpu.memory_space<hbm>> -> memref<32x768xf32, #tpu.memory_space<hbm>>
      tpu.wait_dma2 semaphore(%run_scoped3A_47 : memref<!tpu.dma_semaphore, #tpu.memory_space<semaphore_mem>>) src(%arg10 : memref<32x768xf32, #tpu.memory_space<vmem>>) dst(%dma_wait3A_55 : memref<32x768xf32, #tpu.memory_space<hbm>>)
      tpu.yield
    }) : () -> ()
    %mul3A_22 = arith.constant 64 : i32
    %mul3A_23 = arith.muli %add3A, %mul3A_22 : i32
    %add3A_24 = arith.constant 32 : i32
    %add3A_25 = arith.addi %mul3A_23, %add3A_24 : i32
    %run_scoped3A_26 = arith.constant 0 : i32
    "tpu.region"() ({
      %run_scoped3A_47 = tpu.sem_alloc : memref<!tpu.dma_semaphore, #tpu.memory_space<semaphore_mem>>
      %dma_start3A_48 = tpu.memref_slice %arg5[%run_scoped3A_26, %add3A_25] : memref<2x2048xi32, #tpu.memory_space<hbm>> -> memref<1x32xi32, #tpu.memory_space<hbm>>
      %dma_start3A_49 = tpu.memref_squeeze %dma_start3A_48 : memref<1x32xi32, #tpu.memory_space<hbm>> -> memref<32xi32, #tpu.memory_space<hbm>>
      %dma_start3A_50 = tpu.memref_slice %arg5[%run_scoped3A_26, %add3A_25] : memref<2x2048xi32, #tpu.memory_space<hbm>> -> memref<1x32xi32, #tpu.memory_space<hbm>>
      %dma_start3A_51 = tpu.memref_squeeze %dma_start3A_50 : memref<1x32xi32, #tpu.memory_space<hbm>> -> memref<32xi32, #tpu.memory_space<hbm>>
      tpu.enqueue_dma source(%dma_start3A_51 : memref<32xi32, #tpu.memory_space<hbm>>) target(%arg7 : memref<32xi32, #tpu.memory_space<vmem>>) target_semaphore(%run_scoped3A_47 : memref<!tpu.dma_semaphore, #tpu.memory_space<semaphore_mem>>)
      %dma_wait3A_52 = tpu.memref_slice %arg5[%run_scoped3A_26, %add3A_25] : memref<2x2048xi32, #tpu.memory_space<hbm>> -> memref<1x32xi32, #tpu.memory_space<hbm>>
      %dma_wait3A_53 = tpu.memref_squeeze %dma_wait3A_52 : memref<1x32xi32, #tpu.memory_space<hbm>> -> memref<32xi32, #tpu.memory_space<hbm>>
      %dma_wait3A_54 = tpu.memref_slice %arg5[%run_scoped3A_26, %add3A_25] : memref<2x2048xi32, #tpu.memory_space<hbm>> -> memref<1x32xi32, #tpu.memory_space<hbm>>
      %dma_wait3A_55 = tpu.memref_squeeze %dma_wait3A_54 : memref<1x32xi32, #tpu.memory_space<hbm>> -> memref<32xi32, #tpu.memory_space<hbm>>
      tpu.wait_dma2 semaphore(%run_scoped3A_47 : memref<!tpu.dma_semaphore, #tpu.memory_space<semaphore_mem>>) src(%dma_wait3A_55 : memref<32xi32, #tpu.memory_space<hbm>>) dst(%arg7 : memref<32xi32, #tpu.memory_space<vmem>>)
      tpu.yield
    }) : () -> ()
    %run_scoped3A_27 = arith.constant 1 : i32
    "tpu.region"() ({
      %run_scoped3A_47 = tpu.sem_alloc : memref<!tpu.dma_semaphore, #tpu.memory_space<semaphore_mem>>
      %dma_start3A_48 = tpu.memref_slice %arg5[%run_scoped3A_27, %add3A_25] : memref<2x2048xi32, #tpu.memory_space<hbm>> -> memref<1x32xi32, #tpu.memory_space<hbm>>
      %dma_start3A_49 = tpu.memref_squeeze %dma_start3A_48 : memref<1x32xi32, #tpu.memory_space<hbm>> -> memref<32xi32, #tpu.memory_space<hbm>>
      %dma_start3A_50 = tpu.memref_slice %arg5[%run_scoped3A_27, %add3A_25] : memref<2x2048xi32, #tpu.memory_space<hbm>> -> memref<1x32xi32, #tpu.memory_space<hbm>>
      %dma_start3A_51 = tpu.memref_squeeze %dma_start3A_50 : memref<1x32xi32, #tpu.memory_space<hbm>> -> memref<32xi32, #tpu.memory_space<hbm>>
      tpu.enqueue_dma source(%dma_start3A_51 : memref<32xi32, #tpu.memory_space<hbm>>) target(%arg8 : memref<32xi32, #tpu.memory_space<vmem>>) target_semaphore(%run_scoped3A_47 : memref<!tpu.dma_semaphore, #tpu.memory_space<semaphore_mem>>)
      %dma_wait3A_52 = tpu.memref_slice %arg5[%run_scoped3A_27, %add3A_25] : memref<2x2048xi32, #tpu.memory_space<hbm>> -> memref<1x32xi32, #tpu.memory_space<hbm>>
      %dma_wait3A_53 = tpu.memref_squeeze %dma_wait3A_52 : memref<1x32xi32, #tpu.memory_space<hbm>> -> memref<32xi32, #tpu.memory_space<hbm>>
      %dma_wait3A_54 = tpu.memref_slice %arg5[%run_scoped3A_27, %add3A_25] : memref<2x2048xi32, #tpu.memory_space<hbm>> -> memref<1x32xi32, #tpu.memory_space<hbm>>
      %dma_wait3A_55 = tpu.memref_squeeze %dma_wait3A_54 : memref<1x32xi32, #tpu.memory_space<hbm>> -> memref<32xi32, #tpu.memory_space<hbm>>
      tpu.wait_dma2 semaphore(%run_scoped3A_47 : memref<!tpu.dma_semaphore, #tpu.memory_space<semaphore_mem>>) src(%dma_wait3A_55 : memref<32xi32, #tpu.memory_space<hbm>>) dst(%arg8 : memref<32xi32, #tpu.memory_space<vmem>>)
      tpu.yield
    }) : () -> ()
    "tpu.region"() ({
      %run_scoped3A_47 = tpu.sem_alloc : memref<!tpu.dma_semaphore, #tpu.memory_space<semaphore_mem>>
      %dma_start3A_48 = arith.constant 0 : i32
      %dma_start3A_49 = tpu.memref_slice %arg4[%add3A_25, %dma_start3A_48] : memref<2048x8xf32, #tpu.memory_space<hbm>> -> memref<32x8xf32, #tpu.memory_space<hbm>>
      %dma_start3A_50 = arith.constant 0 : i32
      %dma_start3A_51 = tpu.memref_slice %arg4[%add3A_25, %dma_start3A_50] : memref<2048x8xf32, #tpu.memory_space<hbm>> -> memref<32x8xf32, #tpu.memory_space<hbm>>
      tpu.enqueue_dma source(%dma_start3A_51 : memref<32x8xf32, #tpu.memory_space<hbm>>) target(%arg9 : memref<32x8xf32, #tpu.memory_space<vmem>>) target_semaphore(%run_scoped3A_47 : memref<!tpu.dma_semaphore, #tpu.memory_space<semaphore_mem>>)
      %dma_wait3A_52 = arith.constant 0 : i32
      %dma_wait3A_53 = tpu.memref_slice %arg4[%add3A_25, %dma_wait3A_52] : memref<2048x8xf32, #tpu.memory_space<hbm>> -> memref<32x8xf32, #tpu.memory_space<hbm>>
      %dma_wait3A_54 = arith.constant 0 : i32
      %dma_wait3A_55 = tpu.memref_slice %arg4[%add3A_25, %dma_wait3A_54] : memref<2048x8xf32, #tpu.memory_space<hbm>> -> memref<32x8xf32, #tpu.memory_space<hbm>>
      tpu.wait_dma2 semaphore(%run_scoped3A_47 : memref<!tpu.dma_semaphore, #tpu.memory_space<semaphore_mem>>) src(%dma_wait3A_55 : memref<32x8xf32, #tpu.memory_space<hbm>>) dst(%arg9 : memref<32x8xf32, #tpu.memory_space<vmem>>)
      tpu.yield
    }) : () -> ()
    "tpu.region"() ({
      %run_scoped3A_47 = tpu.sem_alloc : memref<!tpu.dma_semaphore, #tpu.memory_space<semaphore_mem>>
      %dma_start3A_48 = arith.constant 0 : i32
      %dma_start3A_49 = tpu.memref_slice %arg2[%add3A_25, %dma_start3A_48] : memref<2048x768xf32, #tpu.memory_space<hbm>> -> memref<32x768xf32, #tpu.memory_space<hbm>>
      %dma_start3A_50 = arith.constant 0 : i32
      %dma_start3A_51 = tpu.memref_slice %arg2[%add3A_25, %dma_start3A_50] : memref<2048x768xf32, #tpu.memory_space<hbm>> -> memref<32x768xf32, #tpu.memory_space<hbm>>
      tpu.enqueue_dma source(%dma_start3A_51 : memref<32x768xf32, #tpu.memory_space<hbm>>) target(%arg10 : memref<32x768xf32, #tpu.memory_space<vmem>>) target_semaphore(%run_scoped3A_47 : memref<!tpu.dma_semaphore, #tpu.memory_space<semaphore_mem>>)
      %dma_wait3A_52 = arith.constant 0 : i32
      %dma_wait3A_53 = tpu.memref_slice %arg2[%add3A_25, %dma_wait3A_52] : memref<2048x768xf32, #tpu.memory_space<hbm>> -> memref<32x768xf32, #tpu.memory_space<hbm>>
      %dma_wait3A_54 = arith.constant 0 : i32
      %dma_wait3A_55 = tpu.memref_slice %arg2[%add3A_25, %dma_wait3A_54] : memref<2048x768xf32, #tpu.memory_space<hbm>> -> memref<32x768xf32, #tpu.memory_space<hbm>>
      tpu.wait_dma2 semaphore(%run_scoped3A_47 : memref<!tpu.dma_semaphore, #tpu.memory_space<semaphore_mem>>) src(%dma_wait3A_55 : memref<32x768xf32, #tpu.memory_space<hbm>>) dst(%arg10 : memref<32x768xf32, #tpu.memory_space<vmem>>)
      tpu.yield
    }) : () -> ()
    %dma_start3A_28 = arith.constant 0 : i32
    %dma_start3A_29 = arith.constant 0 : i32
    %dma_start3A_30 = tpu.memref_slice %arg3[%dma_start3A_28, %dma_start3A_29] : memref<5888x768xf32, #tpu.memory_space<hbm>> -> memref<5888x768xf32, #tpu.memory_space<hbm>>
    tpu.enqueue_indirect_dma source(%dma_start3A_30 : memref<5888x768xf32, #tpu.memory_space<hbm>>) target(%arg11 : memref<32x768xf32, #tpu.memory_space<vmem>>) offsets(%arg7 : memref<32xi32, #tpu.memory_space<vmem>>) semaphore(%arg13 : memref<!tpu.dma_semaphore, #tpu.memory_space<semaphore_mem>>)
    %dma_wait3A_31 = arith.constant 0 : i32
    %dma_wait3A_32 = arith.constant 0 : i32
    %dma_wait3A_33 = tpu.memref_slice %arg3[%dma_wait3A_31, %dma_wait3A_32] : memref<5888x768xf32, #tpu.memory_space<hbm>> -> memref<5888x768xf32, #tpu.memory_space<hbm>>
    tpu.wait_indirect_dma semaphore(%arg13 : memref<!tpu.dma_semaphore, #tpu.memory_space<semaphore_mem>>) src(%dma_wait3A_33 : memref<5888x768xf32, #tpu.memory_space<hbm>>) dst(%arg11 : memref<32x768xf32, #tpu.memory_space<vmem>>)
    %dma_start3A_34 = arith.constant 0 : i32
    %dma_start3A_35 = arith.constant 0 : i32
    %dma_start3A_36 = tpu.memref_slice %arg3[%dma_start3A_34, %dma_start3A_35] : memref<5888x768xf32, #tpu.memory_space<hbm>> -> memref<5888x768xf32, #tpu.memory_space<hbm>>
    tpu.enqueue_indirect_dma source(%dma_start3A_36 : memref<5888x768xf32, #tpu.memory_space<hbm>>) target(%arg12 : memref<32x768xf32, #tpu.memory_space<vmem>>) offsets(%arg8 : memref<32xi32, #tpu.memory_space<vmem>>) semaphore(%arg13 : memref<!tpu.dma_semaphore, #tpu.memory_space<semaphore_mem>>)
    %dma_wait3A_37 = arith.constant 0 : i32
    %dma_wait3A_38 = arith.constant 0 : i32
    %dma_wait3A_39 = tpu.memref_slice %arg3[%dma_wait3A_37, %dma_wait3A_38] : memref<5888x768xf32, #tpu.memory_space<hbm>> -> memref<5888x768xf32, #tpu.memory_space<hbm>>
    tpu.wait_indirect_dma semaphore(%arg13 : memref<!tpu.dma_semaphore, #tpu.memory_space<semaphore_mem>>) src(%dma_wait3A_39 : memref<5888x768xf32, #tpu.memory_space<hbm>>) dst(%arg12 : memref<32x768xf32, #tpu.memory_space<vmem>>)
    %scan3A_40 = arith.constant 0 : i32
    %scan3A_41 = arith.constant 0 : i32
    %scan3A_42 = arith.constant 32 : i32
    %scan3A_43 = arith.addi %scan3A_41, %scan3A_42 : i32
    %scan3A_44 = arith.constant 1 : i32
    %scan3A_45 = scf.for %scan3A_47 = %scan3A_41 to %scan3A_43 step %scan3A_44 iter_args(%scan3A_48 = %scan3A_40) -> (i32)  : i32 {
      %broadcast_in_dim3A = vector.broadcast %scan3A_47 : i32 to vector<16xi32>
      %broadcast_in_dim3A_49 = arith.constant 0 : i32
      %broadcast_in_dim3A_50 = vector.broadcast %broadcast_in_dim3A_49 : i32 to vector<16xi32>
      %gather3A = tpu.vector_load_idx %arg9[%broadcast_in_dim3A, %broadcast_in_dim3A_50] : memref<32x8xf32, #tpu.memory_space<vmem>>[vector<16xi32>, vector<16xi32>], vector<16xf32>,
      %broadcast_in_dim3A_51 = vector.broadcast %scan3A_47 : i32 to vector<16xi32>
      %broadcast_in_dim3A_52 = arith.constant 1 : i32
      %broadcast_in_dim3A_53 = vector.broadcast %broadcast_in_dim3A_52 : i32 to vector<16xi32>
      %gather3A_54 = tpu.vector_load_idx %arg9[%broadcast_in_dim3A_51, %broadcast_in_dim3A_53] : memref<32x8xf32, #tpu.memory_space<vmem>>[vector<16xi32>, vector<16xi32>], vector<16xf32>,
      %get3A = arith.index_cast %scan3A_47 : i32 to index
      %get3A_55 = arith.constant 0 : index
      %get3A_56 = tpu.vector_load %arg10[%get3A, %get3A_55] {strides = array<i32>} : memref<32x768xf32, #tpu.memory_space<vmem>>, vector<16xf32>,
      %get3A_57 = arith.index_cast %scan3A_47 : i32 to index
      %get3A_58 = arith.constant 0 : index
      %get3A_59 = tpu.vector_load %arg11[%get3A_57, %get3A_58] {strides = array<i32>} : memref<32x768xf32, #tpu.memory_space<vmem>>, vector<16xf32>,
      %mul3A_60 = arith.mulf %gather3A, %get3A_59 : vector<16xf32>
      %add3A_61 = arith.addf %get3A_56, %mul3A_60 : vector<16xf32>
      %get3A_62 = arith.index_cast %scan3A_47 : i32 to index
      %get3A_63 = arith.constant 0 : index
      %get3A_64 = tpu.vector_load %arg12[%get3A_62, %get3A_63] {strides = array<i32>} : memref<32x768xf32, #tpu.memory_space<vmem>>, vector<16xf32>,
      %mul3A_65 = arith.mulf %gather3A_54, %get3A_64 : vector<16xf32>
      %add3A_66 = arith.addf %add3A_61, %mul3A_65 : vector<16xf32>
      %swap3A = arith.index_cast %scan3A_47 : i32 to index
      %swap3A_67 = arith.constant 0 : index
      %swap3A_68 = tpu.vector_load %arg10[%swap3A, %swap3A_67] {strides = array<i32>} : memref<32x768xf32, #tpu.memory_space<vmem>>, vector<16xf32>,
      tpu.vector_store %arg10[%swap3A, %swap3A_67], %add3A_66 {strides = array<i32>} : memref<32x768xf32, #tpu.memory_space<vmem>>, vector<16xf32>,
      %get3A_69 = arith.index_cast %scan3A_47 : i32 to index
      %get3A_70 = arith.constant 16 : index
      %get3A_71 = tpu.vector_load %arg10[%get3A_69, %get3A_70] {strides = array<i32>} : memref<32x768xf32, #tpu.memory_space<vmem>>, vector<16xf32>,
      %get3A_72 = arith.index_cast %scan3A_47 : i32 to index
      %get3A_73 = arith.constant 16 : index
      %get3A_74 = tpu.vector_load %arg11[%get3A_72, %get3A_73] {strides = array<i32>} : memref<32x768xf32, #tpu.memory_space<vmem>>, vector<16xf32>,
      %mul3A_75 = arith.mulf %gather3A, %get3A_74 : vector<16xf32>
      %add3A_76 = arith.addf %get3A_71, %mul3A_75 : vector<16xf32>
      %get3A_77 = arith.index_cast %scan3A_47 : i32 to index
      %get3A_78 = arith.constant 16 : index
      %get3A_79 = tpu.vector_load %arg12[%get3A_77, %get3A_78] {strides = array<i32>} : memref<32x768xf32, #tpu.memory_space<vmem>>, vector<16xf32>,
      %mul3A_80 = arith.mulf %gather3A_54, %get3A_79 : vector<16xf32>
      %add3A_81 = arith.addf %add3A_76, %mul3A_80 : vector<16xf32>
      %swap3A_82 = arith.index_cast %scan3A_47 : i32 to index
      %swap3A_83 = arith.constant 16 : index
      %swap3A_84 = tpu.vector_load %arg10[%swap3A_82, %swap3A_83] {strides = array<i32>} : memref<32x768xf32, #tpu.memory_space<vmem>>, vector<16xf32>,
      tpu.vector_store %arg10[%swap3A_82, %swap3A_83], %add3A_81 {strides = array<i32>} : memref<32x768xf32, #tpu.memory_space<vmem>>, vector<16xf32>,
      %get3A_85 = arith.index_cast %scan3A_47 : i32 to index
      %get3A_86 = arith.constant 32 : index
      %get3A_87 = tpu.vector_load %arg10[%get3A_85, %get3A_86] {strides = array<i32>} : memref<32x768xf32, #tpu.memory_space<vmem>>, vector<16xf32>,
      %get3A_88 = arith.index_cast %scan3A_47 : i32 to index
      %get3A_89 = arith.constant 32 : index
      %get3A_90 = tpu.vector_load %arg11[%get3A_88, %get3A_89] {strides = array<i32>} : memref<32x768xf32, #tpu.memory_space<vmem>>, vector<16xf32>,
      %mul3A_91 = arith.mulf %gather3A, %get3A_90 : vector<16xf32>
      %add3A_92 = arith.addf %get3A_87, %mul3A_91 : vector<16xf32>
      %get3A_93 = arith.index_cast %scan3A_47 : i32 to index
      %get3A_94 = arith.constant 32 : index
      %get3A_95 = tpu.vector_load %arg12[%get3A_93, %get3A_94] {strides = array<i32>} : memref<32x768xf32, #tpu.memory_space<vmem>>, vector<16xf32>,
      %mul3A_96 = arith.mulf %gather3A_54, %get3A_95 : vector<16xf32>
      %add3A_97 = arith.addf %add3A_92, %mul3A_96 : vector<16xf32>
      %swap3A_98 = arith.index_cast %scan3A_47 : i32 to index
      %swap3A_99 = arith.constant 32 : index
      %swap3A_100 = tpu.vector_load %arg10[%swap3A_98, %swap3A_99] {strides = array<i32>} : memref<32x768xf32, #tpu.memory_space<vmem>>, vector<16xf32>,
      tpu.vector_store %arg10[%swap3A_98, %swap3A_99], %add3A_97 {strides = array<i32>} : memref<32x768xf32, #tpu.memory_space<vmem>>, vector<16xf32>,
      %get3A_101 = arith.index_cast %scan3A_47 : i32 to index
      %get3A_102 = arith.constant 48 : index
      %get3A_103 = tpu.vector_load %arg10[%get3A_101, %get3A_102] {strides = array<i32>} : memref<32x768xf32, #tpu.memory_space<vmem>>, vector<16xf32>,
      %get3A_104 = arith.index_cast %scan3A_47 : i32 to index
      %get3A_105 = arith.constant 48 : index
      %get3A_106 = tpu.vector_load %arg11[%get3A_104, %get3A_105] {strides = array<i32>} : memref<32x768xf32, #tpu.memory_space<vmem>>, vector<16xf32>,
      %mul3A_107 = arith.mulf %gather3A, %get3A_106 : vector<16xf32>
      %add3A_108 = arith.addf %get3A_103, %mul3A_107 : vector<16xf32>
      %get3A_109 = arith.index_cast %scan3A_47 : i32 to index
      %get3A_110 = arith.constant 48 : index
      %get3A_111 = tpu.vector_load %arg12[%get3A_109, %get3A_110] {strides = array<i32>} : memref<32x768xf32, #tpu.memory_space<vmem>>, vector<16xf32>,
      %mul3A_112 = arith.mulf %gather3A_54, %get3A_111 : vector<16xf32>
      %add3A_113 = arith.addf %add3A_108, %mul3A_112 : vector<16xf32>
      %swap3A_114 = arith.index_cast %scan3A_47 : i32 to index
      %swap3A_115 = arith.constant 48 : index
      %swap3A_116 = tpu.vector_load %arg10[%swap3A_114, %swap3A_115] {strides = array<i32>} : memref<32x768xf32, #tpu.memory_space<vmem>>, vector<16xf32>,
      tpu.vector_store %arg10[%swap3A_114, %swap3A_115], %add3A_113 {strides = array<i32>} : memref<32x768xf32, #tpu.memory_space<vmem>>, vector<16xf32>,
      %get3A_117 = arith.index_cast %scan3A_47 : i32 to index
      %get3A_118 = arith.constant 64 : index
      %get3A_119 = tpu.vector_load %arg10[%get3A_117, %get3A_118] {strides = array<i32>} : memref<32x768xf32, #tpu.memory_space<vmem>>, vector<16xf32>,
      %get3A_120 = arith.index_cast %scan3A_47 : i32 to index
      %get3A_121 = arith.constant 64 : index
      %get3A_122 = tpu.vector_load %arg11[%get3A_120, %get3A_121] {strides = array<i32>} : memref<32x768xf32, #tpu.memory_space<vmem>>, vector<16xf32>,
      %mul3A_123 = arith.mulf %gather3A, %get3A_122 : vector<16xf32>
      %add3A_124 = arith.addf %get3A_119, %mul3A_123 : vector<16xf32>
      %get3A_125 = arith.index_cast %scan3A_47 : i32 to index
      %get3A_126 = arith.constant 64 : index
      %get3A_127 = tpu.vector_load %arg12[%get3A_125, %get3A_126] {strides = array<i32>} : memref<32x768xf32, #tpu.memory_space<vmem>>, vector<16xf32>,
      %mul3A_128 = arith.mulf %gather3A_54, %get3A_127 : vector<16xf32>
      %add3A_129 = arith.addf %add3A_124, %mul3A_128 : vector<16xf32>
      %swap3A_130 = arith.index_cast %scan3A_47 : i32 to index
      %swap3A_131 = arith.constant 64 : index
      %swap3A_132 = tpu.vector_load %arg10[%swap3A_130, %swap3A_131] {strides = array<i32>} : memref<32x768xf32, #tpu.memory_space<vmem>>, vector<16xf32>,
      tpu.vector_store %arg10[%swap3A_130, %swap3A_131], %add3A_129 {strides = array<i32>} : memref<32x768xf32, #tpu.memory_space<vmem>>, vector<16xf32>,
      %get3A_133 = arith.index_cast %scan3A_47 : i32 to index
      %get3A_134 = arith.constant 80 : index
      %get3A_135 = tpu.vector_load %arg10[%get3A_133, %get3A_134] {strides = array<i32>} : memref<32x768xf32, #tpu.memory_space<vmem>>, vector<16xf32>,
      %get3A_136 = arith.index_cast %scan3A_47 : i32 to index
      %get3A_137 = arith.constant 80 : index
      %get3A_138 = tpu.vector_load %arg11[%get3A_136, %get3A_137] {strides = array<i32>} : memref<32x768xf32, #tpu.memory_space<vmem>>, vector<16xf32>,
      %mul3A_139 = arith.mulf %gather3A, %get3A_138 : vector<16xf32>
      %add3A_140 = arith.addf %get3A_135, %mul3A_139 : vector<16xf32>
      %get3A_141 = arith.index_cast %scan3A_47 : i32 to index
      %get3A_142 = arith.constant 80 : index
      %get3A_143 = tpu.vector_load %arg12[%get3A_141, %get3A_142] {strides = array<i32>} : memref<32x768xf32, #tpu.memory_space<vmem>>, vector<16xf32>,
      %mul3A_144 = arith.mulf %gather3A_54, %get3A_143 : vector<16xf32>
      %add3A_145 = arith.addf %add3A_140, %mul3A_144 : vector<16xf32>
      %swap3A_146 = arith.index_cast %scan3A_47 : i32 to index
      %swap3A_147 = arith.constant 80 : index
      %swap3A_148 = tpu.vector_load %arg10[%swap3A_146, %swap3A_147] {strides = array<i32>} : memref<32x768xf32, #tpu.memory_space<vmem>>, vector<16xf32>,
      tpu.vector_store %arg10[%swap3A_146, %swap3A_147], %add3A_145 {strides = array<i32>} : memref<32x768xf32, #tpu.memory_space<vmem>>, vector<16xf32>,
      %get3A_149 = arith.index_cast %scan3A_47 : i32 to index
      %get3A_150 = arith.constant 96 : index
      %get3A_151 = tpu.vector_load %arg10[%get3A_149, %get3A_150] {strides = array<i32>} : memref<32x768xf32, #tpu.memory_space<vmem>>, vector<16xf32>,
      %get3A_152 = arith.index_cast %scan3A_47 : i32 to index
      %get3A_153 = arith.constant 96 : index
      %get3A_154 = tpu.vector_load %arg11[%get3A_152, %get3A_153] {strides = array<i32>} : memref<32x768xf32, #tpu.memory_space<vmem>>, vector<16xf32>,
      %mul3A_155 = arith.mulf %gather3A, %get3A_154 : vector<16xf32>
      %add3A_156 = arith.addf %get3A_151, %mul3A_155 : vector<16xf32>
      %get3A_157 = arith.index_cast %scan3A_47 : i32 to index
      %get3A_158 = arith.constant 96 : index
      %get3A_159 = tpu.vector_load %arg12[%get3A_157, %get3A_158] {strides = array<i32>} : memref<32x768xf32, #tpu.memory_space<vmem>>, vector<16xf32>,
      %mul3A_160 = arith.mulf %gather3A_54, %get3A_159 : vector<16xf32>
      %add3A_161 = arith.addf %add3A_156, %mul3A_160 : vector<16xf32>
      %swap3A_162 = arith.index_cast %scan3A_47 : i32 to index
      %swap3A_163 = arith.constant 96 : index
      %swap3A_164 = tpu.vector_load %arg10[%swap3A_162, %swap3A_163] {strides = array<i32>} : memref<32x768xf32, #tpu.memory_space<vmem>>, vector<16xf32>,
      tpu.vector_store %arg10[%swap3A_162, %swap3A_163], %add3A_161 {strides = array<i32>} : memref<32x768xf32, #tpu.memory_space<vmem>>, vector<16xf32>,
      %get3A_165 = arith.index_cast %scan3A_47 : i32 to index
      %get3A_166 = arith.constant 112 : index
      %get3A_167 = tpu.vector_load %arg10[%get3A_165, %get3A_166] {strides = array<i32>} : memref<32x768xf32, #tpu.memory_space<vmem>>, vector<16xf32>,
      %get3A_168 = arith.index_cast %scan3A_47 : i32 to index
      %get3A_169 = arith.constant 112 : index
      %get3A_170 = tpu.vector_load %arg11[%get3A_168, %get3A_169] {strides = array<i32>} : memref<32x768xf32, #tpu.memory_space<vmem>>, vector<16xf32>,
      %mul3A_171 = arith.mulf %gather3A, %get3A_170 : vector<16xf32>
      %add3A_172 = arith.addf %get3A_167, %mul3A_171 : vector<16xf32>
      %get3A_173 = arith.index_cast %scan3A_47 : i32 to index
      %get3A_174 = arith.constant 112 : index
      %get3A_175 = tpu.vector_load %arg12[%get3A_173, %get3A_174] {strides = array<i32>} : memref<32x768xf32, #tpu.memory_space<vmem>>, vector<16xf32>,
      %mul3A_176 = arith.mulf %gather3A_54, %get3A_175 : vector<16xf32>
      %add3A_177 = arith.addf %add3A_172, %mul3A_176 : vector<16xf32>
      %swap3A_178 = arith.index_cast %scan3A_47 : i32 to index
      %swap3A_179 = arith.constant 112 : index
      %swap3A_180 = tpu.vector_load %arg10[%swap3A_178, %swap3A_179] {strides = array<i32>} : memref<32x768xf32, #tpu.memory_space<vmem>>, vector<16xf32>,
      tpu.vector_store %arg10[%swap3A_178, %swap3A_179], %add3A_177 {strides = array<i32>} : memref<32x768xf32, #tpu.memory_space<vmem>>, vector<16xf32>,
      %get3A_181 = arith.index_cast %scan3A_47 : i32 to index
      %get3A_182 = arith.constant 128 : index
      %get3A_183 = tpu.vector_load %arg10[%get3A_181, %get3A_182] {strides = array<i32>} : memref<32x768xf32, #tpu.memory_space<vmem>>, vector<16xf32>,
      %get3A_184 = arith.index_cast %scan3A_47 : i32 to index
      %get3A_185 = arith.constant 128 : index
      %get3A_186 = tpu.vector_load %arg11[%get3A_184, %get3A_185] {strides = array<i32>} : memref<32x768xf32, #tpu.memory_space<vmem>>, vector<16xf32>,
      %mul3A_187 = arith.mulf %gather3A, %get3A_186 : vector<16xf32>
      %add3A_188 = arith.addf %get3A_183, %mul3A_187 : vector<16xf32>
      %get3A_189 = arith.index_cast %scan3A_47 : i32 to index
      %get3A_190 = arith.constant 128 : index
      %get3A_191 = tpu.vector_load %arg12[%get3A_189, %get3A_190] {strides = array<i32>} : memref<32x768xf32, #tpu.memory_space<vmem>>, vector<16xf32>,
      %mul3A_192 = arith.mulf %gather3A_54, %get3A_191 : vector<16xf32>
      %add3A_193 = arith.addf %add3A_188, %mul3A_192 : vector<16xf32>
      %swap3A_194 = arith.index_cast %scan3A_47 : i32 to index
      %swap3A_195 = arith.constant 128 : index
      %swap3A_196 = tpu.vector_load %arg10[%swap3A_194, %swap3A_195] {strides = array<i32>} : memref<32x768xf32, #tpu.memory_space<vmem>>, vector<16xf32>,
      tpu.vector_store %arg10[%swap3A_194, %swap3A_195], %add3A_193 {strides = array<i32>} : memref<32x768xf32, #tpu.memory_space<vmem>>, vector<16xf32>,
      %get3A_197 = arith.index_cast %scan3A_47 : i32 to index
      %get3A_198 = arith.constant 144 : index
      %get3A_199 = tpu.vector_load %arg10[%get3A_197, %get3A_198] {strides = array<i32>} : memref<32x768xf32, #tpu.memory_space<vmem>>, vector<16xf32>,
      %get3A_200 = arith.index_cast %scan3A_47 : i32 to index
      %get3A_201 = arith.constant 144 : index
      %get3A_202 = tpu.vector_load %arg11[%get3A_200, %get3A_201] {strides = array<i32>} : memref<32x768xf32, #tpu.memory_space<vmem>>, vector<16xf32>,
      %mul3A_203 = arith.mulf %gather3A, %get3A_202 : vector<16xf32>
      %add3A_204 = arith.addf %get3A_199, %mul3A_203 : vector<16xf32>
      %get3A_205 = arith.index_cast %scan3A_47 : i32 to index
      %get3A_206 = arith.constant 144 : index
      %get3A_207 = tpu.vector_load %arg12[%get3A_205, %get3A_206] {strides = array<i32>} : memref<32x768xf32, #tpu.memory_space<vmem>>, vector<16xf32>,
      %mul3A_208 = arith.mulf %gather3A_54, %get3A_207 : vector<16xf32>
      %add3A_209 = arith.addf %add3A_204, %mul3A_208 : vector<16xf32>
      %swap3A_210 = arith.index_cast %scan3A_47 : i32 to index
      %swap3A_211 = arith.constant 144 : index
      %swap3A_212 = tpu.vector_load %arg10[%swap3A_210, %swap3A_211] {strides = array<i32>} : memref<32x768xf32, #tpu.memory_space<vmem>>, vector<16xf32>,
      tpu.vector_store %arg10[%swap3A_210, %swap3A_211], %add3A_209 {strides = array<i32>} : memref<32x768xf32, #tpu.memory_space<vmem>>, vector<16xf32>,
      %get3A_213 = arith.index_cast %scan3A_47 : i32 to index
      %get3A_214 = arith.constant 160 : index
      %get3A_215 = tpu.vector_load %arg10[%get3A_213, %get3A_214] {strides = array<i32>} : memref<32x768xf32, #tpu.memory_space<vmem>>, vector<16xf32>,
      %get3A_216 = arith.index_cast %scan3A_47 : i32 to index
      %get3A_217 = arith.constant 160 : index
      %get3A_218 = tpu.vector_load %arg11[%get3A_216, %get3A_217] {strides = array<i32>} : memref<32x768xf32, #tpu.memory_space<vmem>>, vector<16xf32>,
      %mul3A_219 = arith.mulf %gather3A, %get3A_218 : vector<16xf32>
      %add3A_220 = arith.addf %get3A_215, %mul3A_219 : vector<16xf32>
      %get3A_221 = arith.index_cast %scan3A_47 : i32 to index
      %get3A_222 = arith.constant 160 : index
      %get3A_223 = tpu.vector_load %arg12[%get3A_221, %get3A_222] {strides = array<i32>} : memref<32x768xf32, #tpu.memory_space<vmem>>, vector<16xf32>,
      %mul3A_224 = arith.mulf %gather3A_54, %get3A_223 : vector<16xf32>
      %add3A_225 = arith.addf %add3A_220, %mul3A_224 : vector<16xf32>
      %swap3A_226 = arith.index_cast %scan3A_47 : i32 to index
      %swap3A_227 = arith.constant 160 : index
      %swap3A_228 = tpu.vector_load %arg10[%swap3A_226, %swap3A_227] {strides = array<i32>} : memref<32x768xf32, #tpu.memory_space<vmem>>, vector<16xf32>,
      tpu.vector_store %arg10[%swap3A_226, %swap3A_227], %add3A_225 {strides = array<i32>} : memref<32x768xf32, #tpu.memory_space<vmem>>, vector<16xf32>,
      %get3A_229 = arith.index_cast %scan3A_47 : i32 to index
      %get3A_230 = arith.constant 176 : index
      %get3A_231 = tpu.vector_load %arg10[%get3A_229, %get3A_230] {strides = array<i32>} : memref<32x768xf32, #tpu.memory_space<vmem>>, vector<16xf32>,
      %get3A_232 = arith.index_cast %scan3A_47 : i32 to index
      %get3A_233 = arith.constant 176 : index
      %get3A_234 = tpu.vector_load %arg11[%get3A_232, %get3A_233] {strides = array<i32>} : memref<32x768xf32, #tpu.memory_space<vmem>>, vector<16xf32>,
      %mul3A_235 = arith.mulf %gather3A, %get3A_234 : vector<16xf32>
      %add3A_236 = arith.addf %get3A_231, %mul3A_235 : vector<16xf32>
      %get3A_237 = arith.index_cast %scan3A_47 : i32 to index
      %get3A_238 = arith.constant 176 : index
      %get3A_239 = tpu.vector_load %arg12[%get3A_237, %get3A_238] {strides = array<i32>} : memref<32x768xf32, #tpu.memory_space<vmem>>, vector<16xf32>,
      %mul3A_240 = arith.mulf %gather3A_54, %get3A_239 : vector<16xf32>
      %add3A_241 = arith.addf %add3A_236, %mul3A_240 : vector<16xf32>
      %swap3A_242 = arith.index_cast %scan3A_47 : i32 to index
      %swap3A_243 = arith.constant 176 : index
      %swap3A_244 = tpu.vector_load %arg10[%swap3A_242, %swap3A_243] {strides = array<i32>} : memref<32x768xf32, #tpu.memory_space<vmem>>, vector<16xf32>,
      tpu.vector_store %arg10[%swap3A_242, %swap3A_243], %add3A_241 {strides = array<i32>} : memref<32x768xf32, #tpu.memory_space<vmem>>, vector<16xf32>,
      %get3A_245 = arith.index_cast %scan3A_47 : i32 to index
      %get3A_246 = arith.constant 192 : index
      %get3A_247 = tpu.vector_load %arg10[%get3A_245, %get3A_246] {strides = array<i32>} : memref<32x768xf32, #tpu.memory_space<vmem>>, vector<16xf32>,
      %get3A_248 = arith.index_cast %scan3A_47 : i32 to index
      %get3A_249 = arith.constant 192 : index
      %get3A_250 = tpu.vector_load %arg11[%get3A_248, %get3A_249] {strides = array<i32>} : memref<32x768xf32, #tpu.memory_space<vmem>>, vector<16xf32>,
      %mul3A_251 = arith.mulf %gather3A, %get3A_250 : vector<16xf32>
      %add3A_252 = arith.addf %get3A_247, %mul3A_251 : vector<16xf32>
      %get3A_253 = arith.index_cast %scan3A_47 : i32 to index
      %get3A_254 = arith.constant 192 : index
      %get3A_255 = tpu.vector_load %arg12[%get3A_253, %get3A_254] {strides = array<i32>} : memref<32x768xf32, #tpu.memory_space<vmem>>, vector<16xf32>,
      %mul3A_256 = arith.mulf %gather3A_54, %get3A_255 : vector<16xf32>
      %add3A_257 = arith.addf %add3A_252, %mul3A_256 : vector<16xf32>
      %swap3A_258 = arith.index_cast %scan3A_47 : i32 to index
      %swap3A_259 = arith.constant 192 : index
      %swap3A_260 = tpu.vector_load %arg10[%swap3A_258, %swap3A_259] {strides = array<i32>} : memref<32x768xf32, #tpu.memory_space<vmem>>, vector<16xf32>,
      tpu.vector_store %arg10[%swap3A_258, %swap3A_259], %add3A_257 {strides = array<i32>} : memref<32x768xf32, #tpu.memory_space<vmem>>, vector<16xf32>,
      %get3A_261 = arith.index_cast %scan3A_47 : i32 to index
      %get3A_262 = arith.constant 208 : index
      %get3A_263 = tpu.vector_load %arg10[%get3A_261, %get3A_262] {strides = array<i32>} : memref<32x768xf32, #tpu.memory_space<vmem>>, vector<16xf32>,
      %get3A_264 = arith.index_cast %scan3A_47 : i32 to index
      %get3A_265 = arith.constant 208 : index
      %get3A_266 = tpu.vector_load %arg11[%get3A_264, %get3A_265] {strides = array<i32>} : memref<32x768xf32, #tpu.memory_space<vmem>>, vector<16xf32>,
      %mul3A_267 = arith.mulf %gather3A, %get3A_266 : vector<16xf32>
      %add3A_268 = arith.addf %get3A_263, %mul3A_267 : vector<16xf32>
      %get3A_269 = arith.index_cast %scan3A_47 : i32 to index
      %get3A_270 = arith.constant 208 : index
      %get3A_271 = tpu.vector_load %arg12[%get3A_269, %get3A_270] {strides = array<i32>} : memref<32x768xf32, #tpu.memory_space<vmem>>, vector<16xf32>,
      %mul3A_272 = arith.mulf %gather3A_54, %get3A_271 : vector<16xf32>
      %add3A_273 = arith.addf %add3A_268, %mul3A_272 : vector<16xf32>
      %swap3A_274 = arith.index_cast %scan3A_47 : i32 to index
      %swap3A_275 = arith.constant 208 : index
      %swap3A_276 = tpu.vector_load %arg10[%swap3A_274, %swap3A_275] {strides = array<i32>} : memref<32x768xf32, #tpu.memory_space<vmem>>, vector<16xf32>,
      tpu.vector_store %arg10[%swap3A_274, %swap3A_275], %add3A_273 {strides = array<i32>} : memref<32x768xf32, #tpu.memory_space<vmem>>, vector<16xf32>,
      %get3A_277 = arith.index_cast %scan3A_47 : i32 to index
      %get3A_278 = arith.constant 224 : index
      %get3A_279 = tpu.vector_load %arg10[%get3A_277, %get3A_278] {strides = array<i32>} : memref<32x768xf32, #tpu.memory_space<vmem>>, vector<16xf32>,
      %get3A_280 = arith.index_cast %scan3A_47 : i32 to index
      %get3A_281 = arith.constant 224 : index
      %get3A_282 = tpu.vector_load %arg11[%get3A_280, %get3A_281] {strides = array<i32>} : memref<32x768xf32, #tpu.memory_space<vmem>>, vector<16xf32>,
      %mul3A_283 = arith.mulf %gather3A, %get3A_282 : vector<16xf32>
      %add3A_284 = arith.addf %get3A_279, %mul3A_283 : vector<16xf32>
      %get3A_285 = arith.index_cast %scan3A_47 : i32 to index
      %get3A_286 = arith.constant 224 : index
      %get3A_287 = tpu.vector_load %arg12[%get3A_285, %get3A_286] {strides = array<i32>} : memref<32x768xf32, #tpu.memory_space<vmem>>, vector<16xf32>,
      %mul3A_288 = arith.mulf %gather3A_54, %get3A_287 : vector<16xf32>
      %add3A_289 = arith.addf %add3A_284, %mul3A_288 : vector<16xf32>
      %swap3A_290 = arith.index_cast %scan3A_47 : i32 to index
      %swap3A_291 = arith.constant 224 : index
      %swap3A_292 = tpu.vector_load %arg10[%swap3A_290, %swap3A_291] {strides = array<i32>} : memref<32x768xf32, #tpu.memory_space<vmem>>, vector<16xf32>,
      tpu.vector_store %arg10[%swap3A_290, %swap3A_291], %add3A_289 {strides = array<i32>} : memref<32x768xf32, #tpu.memory_space<vmem>>, vector<16xf32>,
      %get3A_293 = arith.index_cast %scan3A_47 : i32 to index
      %get3A_294 = arith.constant 240 : index
      %get3A_295 = tpu.vector_load %arg10[%get3A_293, %get3A_294] {strides = array<i32>} : memref<32x768xf32, #tpu.memory_space<vmem>>, vector<16xf32>,
      %get3A_296 = arith.index_cast %scan3A_47 : i32 to index
      %get3A_297 = arith.constant 240 : index
      %get3A_298 = tpu.vector_load %arg11[%get3A_296, %get3A_297] {strides = array<i32>} : memref<32x768xf32, #tpu.memory_space<vmem>>, vector<16xf32>,
      %mul3A_299 = arith.mulf %gather3A, %get3A_298 : vector<16xf32>
      %add3A_300 = arith.addf %get3A_295, %mul3A_299 : vector<16xf32>
      %get3A_301 = arith.index_cast %scan3A_47 : i32 to index
      %get3A_302 = arith.constant 240 : index
      %get3A_303 = tpu.vector_load %arg12[%get3A_301, %get3A_302] {strides = array<i32>} : memref<32x768xf32, #tpu.memory_space<vmem>>, vector<16xf32>,
      %mul3A_304 = arith.mulf %gather3A_54, %get3A_303 : vector<16xf32>
      %add3A_305 = arith.addf %add3A_300, %mul3A_304 : vector<16xf32>
      %swap3A_306 = arith.index_cast %scan3A_47 : i32 to index
      %swap3A_307 = arith.constant 240 : index
      %swap3A_308 = tpu.vector_load %arg10[%swap3A_306, %swap3A_307] {strides = array<i32>} : memref<32x768xf32, #tpu.memory_space<vmem>>, vector<16xf32>,
      tpu.vector_store %arg10[%swap3A_306, %swap3A_307], %add3A_305 {strides = array<i32>} : memref<32x768xf32, #tpu.memory_space<vmem>>, vector<16xf32>,
      %get3A_309 = arith.index_cast %scan3A_47 : i32 to index
      %get3A_310 = arith.constant 256 : index
      %get3A_311 = tpu.vector_load %arg10[%get3A_309, %get3A_310] {strides = array<i32>} : memref<32x768xf32, #tpu.memory_space<vmem>>, vector<16xf32>,
      %get3A_312 = arith.index_cast %scan3A_47 : i32 to index
      %get3A_313 = arith.constant 256 : index
      %get3A_314 = tpu.vector_load %arg11[%get3A_312, %get3A_313] {strides = array<i32>} : memref<32x768xf32, #tpu.memory_space<vmem>>, vector<16xf32>,
      %mul3A_315 = arith.mulf %gather3A, %get3A_314 : vector<16xf32>
      %add3A_316 = arith.addf %get3A_311, %mul3A_315 : vector<16xf32>
      %get3A_317 = arith.index_cast %scan3A_47 : i32 to index
      %get3A_318 = arith.constant 256 : index
      %get3A_319 = tpu.vector_load %arg12[%get3A_317, %get3A_318] {strides = array<i32>} : memref<32x768xf32, #tpu.memory_space<vmem>>, vector<16xf32>,
      %mul3A_320 = arith.mulf %gather3A_54, %get3A_319 : vector<16xf32>
      %add3A_321 = arith.addf %add3A_316, %mul3A_320 : vector<16xf32>
      %swap3A_322 = arith.index_cast %scan3A_47 : i32 to index
      %swap3A_323 = arith.constant 256 : index
      %swap3A_324 = tpu.vector_load %arg10[%swap3A_322, %swap3A_323] {strides = array<i32>} : memref<32x768xf32, #tpu.memory_space<vmem>>, vector<16xf32>,
      tpu.vector_store %arg10[%swap3A_322, %swap3A_323], %add3A_321 {strides = array<i32>} : memref<32x768xf32, #tpu.memory_space<vmem>>, vector<16xf32>,
      %get3A_325 = arith.index_cast %scan3A_47 : i32 to index
      %get3A_326 = arith.constant 272 : index
      %get3A_327 = tpu.vector_load %arg10[%get3A_325, %get3A_326] {strides = array<i32>} : memref<32x768xf32, #tpu.memory_space<vmem>>, vector<16xf32>,
      %get3A_328 = arith.index_cast %scan3A_47 : i32 to index
      %get3A_329 = arith.constant 272 : index
      %get3A_330 = tpu.vector_load %arg11[%get3A_328, %get3A_329] {strides = array<i32>} : memref<32x768xf32, #tpu.memory_space<vmem>>, vector<16xf32>,
      %mul3A_331 = arith.mulf %gather3A, %get3A_330 : vector<16xf32>
      %add3A_332 = arith.addf %get3A_327, %mul3A_331 : vector<16xf32>
      %get3A_333 = arith.index_cast %scan3A_47 : i32 to index
      %get3A_334 = arith.constant 272 : index
      %get3A_335 = tpu.vector_load %arg12[%get3A_333, %get3A_334] {strides = array<i32>} : memref<32x768xf32, #tpu.memory_space<vmem>>, vector<16xf32>,
      %mul3A_336 = arith.mulf %gather3A_54, %get3A_335 : vector<16xf32>
      %add3A_337 = arith.addf %add3A_332, %mul3A_336 : vector<16xf32>
      %swap3A_338 = arith.index_cast %scan3A_47 : i32 to index
      %swap3A_339 = arith.constant 272 : index
      %swap3A_340 = tpu.vector_load %arg10[%swap3A_338, %swap3A_339] {strides = array<i32>} : memref<32x768xf32, #tpu.memory_space<vmem>>, vector<16xf32>,
      tpu.vector_store %arg10[%swap3A_338, %swap3A_339], %add3A_337 {strides = array<i32>} : memref<32x768xf32, #tpu.memory_space<vmem>>, vector<16xf32>,
      %get3A_341 = arith.index_cast %scan3A_47 : i32 to index
      %get3A_342 = arith.constant 288 : index
      %get3A_343 = tpu.vector_load %arg10[%get3A_341, %get3A_342] {strides = array<i32>} : memref<32x768xf32, #tpu.memory_space<vmem>>, vector<16xf32>,
      %get3A_344 = arith.index_cast %scan3A_47 : i32 to index
      %get3A_345 = arith.constant 288 : index
      %get3A_346 = tpu.vector_load %arg11[%get3A_344, %get3A_345] {strides = array<i32>} : memref<32x768xf32, #tpu.memory_space<vmem>>, vector<16xf32>,
      %mul3A_347 = arith.mulf %gather3A, %get3A_346 : vector<16xf32>
      %add3A_348 = arith.addf %get3A_343, %mul3A_347 : vector<16xf32>
      %get3A_349 = arith.index_cast %scan3A_47 : i32 to index
      %get3A_350 = arith.constant 288 : index
      %get3A_351 = tpu.vector_load %arg12[%get3A_349, %get3A_350] {strides = array<i32>} : memref<32x768xf32, #tpu.memory_space<vmem>>, vector<16xf32>,
      %mul3A_352 = arith.mulf %gather3A_54, %get3A_351 : vector<16xf32>
      %add3A_353 = arith.addf %add3A_348, %mul3A_352 : vector<16xf32>
      %swap3A_354 = arith.index_cast %scan3A_47 : i32 to index
      %swap3A_355 = arith.constant 288 : index
      %swap3A_356 = tpu.vector_load %arg10[%swap3A_354, %swap3A_355] {strides = array<i32>} : memref<32x768xf32, #tpu.memory_space<vmem>>, vector<16xf32>,
      tpu.vector_store %arg10[%swap3A_354, %swap3A_355], %add3A_353 {strides = array<i32>} : memref<32x768xf32, #tpu.memory_space<vmem>>, vector<16xf32>,
      %get3A_357 = arith.index_cast %scan3A_47 : i32 to index
      %get3A_358 = arith.constant 304 : index
      %get3A_359 = tpu.vector_load %arg10[%get3A_357, %get3A_358] {strides = array<i32>} : memref<32x768xf32, #tpu.memory_space<vmem>>, vector<16xf32>,
      %get3A_360 = arith.index_cast %scan3A_47 : i32 to index
      %get3A_361 = arith.constant 304 : index
      %get3A_362 = tpu.vector_load %arg11[%get3A_360, %get3A_361] {strides = array<i32>} : memref<32x768xf32, #tpu.memory_space<vmem>>, vector<16xf32>,
      %mul3A_363 = arith.mulf %gather3A, %get3A_362 : vector<16xf32>
      %add3A_364 = arith.addf %get3A_359, %mul3A_363 : vector<16xf32>
      %get3A_365 = arith.index_cast %scan3A_47 : i32 to index
      %get3A_366 = arith.constant 304 : index
      %get3A_367 = tpu.vector_load %arg12[%get3A_365, %get3A_366] {strides = array<i32>} : memref<32x768xf32, #tpu.memory_space<vmem>>, vector<16xf32>,
      %mul3A_368 = arith.mulf %gather3A_54, %get3A_367 : vector<16xf32>
      %add3A_369 = arith.addf %add3A_364, %mul3A_368 : vector<16xf32>
      %swap3A_370 = arith.index_cast %scan3A_47 : i32 to index
      %swap3A_371 = arith.constant 304 : index
      %swap3A_372 = tpu.vector_load %arg10[%swap3A_370, %swap3A_371] {strides = array<i32>} : memref<32x768xf32, #tpu.memory_space<vmem>>, vector<16xf32>,
      tpu.vector_store %arg10[%swap3A_370, %swap3A_371], %add3A_369 {strides = array<i32>} : memref<32x768xf32, #tpu.memory_space<vmem>>, vector<16xf32>,
      %get3A_373 = arith.index_cast %scan3A_47 : i32 to index
      %get3A_374 = arith.constant 320 : index
      %get3A_375 = tpu.vector_load %arg10[%get3A_373, %get3A_374] {strides = array<i32>} : memref<32x768xf32, #tpu.memory_space<vmem>>, vector<16xf32>,
      %get3A_376 = arith.index_cast %scan3A_47 : i32 to index
      %get3A_377 = arith.constant 320 : index
      %get3A_378 = tpu.vector_load %arg11[%get3A_376, %get3A_377] {strides = array<i32>} : memref<32x768xf32, #tpu.memory_space<vmem>>, vector<16xf32>,
      %mul3A_379 = arith.mulf %gather3A, %get3A_378 : vector<16xf32>
      %add3A_380 = arith.addf %get3A_375, %mul3A_379 : vector<16xf32>
      %get3A_381 = arith.index_cast %scan3A_47 : i32 to index
      %get3A_382 = arith.constant 320 : index
      %get3A_383 = tpu.vector_load %arg12[%get3A_381, %get3A_382] {strides = array<i32>} : memref<32x768xf32, #tpu.memory_space<vmem>>, vector<16xf32>,
      %mul3A_384 = arith.mulf %gather3A_54, %get3A_383 : vector<16xf32>
      %add3A_385 = arith.addf %add3A_380, %mul3A_384 : vector<16xf32>
      %swap3A_386 = arith.index_cast %scan3A_47 : i32 to index
      %swap3A_387 = arith.constant 320 : index
      %swap3A_388 = tpu.vector_load %arg10[%swap3A_386, %swap3A_387] {strides = array<i32>} : memref<32x768xf32, #tpu.memory_space<vmem>>, vector<16xf32>,
      tpu.vector_store %arg10[%swap3A_386, %swap3A_387], %add3A_385 {strides = array<i32>} : memref<32x768xf32, #tpu.memory_space<vmem>>, vector<16xf32>,
      %get3A_389 = arith.index_cast %scan3A_47 : i32 to index
      %get3A_390 = arith.constant 336 : index
      %get3A_391 = tpu.vector_load %arg10[%get3A_389, %get3A_390] {strides = array<i32>} : memref<32x768xf32, #tpu.memory_space<vmem>>, vector<16xf32>,
      %get3A_392 = arith.index_cast %scan3A_47 : i32 to index
      %get3A_393 = arith.constant 336 : index
      %get3A_394 = tpu.vector_load %arg11[%get3A_392, %get3A_393] {strides = array<i32>} : memref<32x768xf32, #tpu.memory_space<vmem>>, vector<16xf32>,
      %mul3A_395 = arith.mulf %gather3A, %get3A_394 : vector<16xf32>
      %add3A_396 = arith.addf %get3A_391, %mul3A_395 : vector<16xf32>
      %get3A_397 = arith.index_cast %scan3A_47 : i32 to index
      %get3A_398 = arith.constant 336 : index
      %get3A_399 = tpu.vector_load %arg12[%get3A_397, %get3A_398] {strides = array<i32>} : memref<32x768xf32, #tpu.memory_space<vmem>>, vector<16xf32>,
      %mul3A_400 = arith.mulf %gather3A_54, %get3A_399 : vector<16xf32>
      %add3A_401 = arith.addf %add3A_396, %mul3A_400 : vector<16xf32>
      %swap3A_402 = arith.index_cast %scan3A_47 : i32 to index
      %swap3A_403 = arith.constant 336 : index
      %swap3A_404 = tpu.vector_load %arg10[%swap3A_402, %swap3A_403] {strides = array<i32>} : memref<32x768xf32, #tpu.memory_space<vmem>>, vector<16xf32>,
      tpu.vector_store %arg10[%swap3A_402, %swap3A_403], %add3A_401 {strides = array<i32>} : memref<32x768xf32, #tpu.memory_space<vmem>>, vector<16xf32>,
      %get3A_405 = arith.index_cast %scan3A_47 : i32 to index
      %get3A_406 = arith.constant 352 : index
      %get3A_407 = tpu.vector_load %arg10[%get3A_405, %get3A_406] {strides = array<i32>} : memref<32x768xf32, #tpu.memory_space<vmem>>, vector<16xf32>,
      %get3A_408 = arith.index_cast %scan3A_47 : i32 to index
      %get3A_409 = arith.constant 352 : index
      %get3A_410 = tpu.vector_load %arg11[%get3A_408, %get3A_409] {strides = array<i32>} : memref<32x768xf32, #tpu.memory_space<vmem>>, vector<16xf32>,
      %mul3A_411 = arith.mulf %gather3A, %get3A_410 : vector<16xf32>
      %add3A_412 = arith.addf %get3A_407, %mul3A_411 : vector<16xf32>
      %get3A_413 = arith.index_cast %scan3A_47 : i32 to index
      %get3A_414 = arith.constant 352 : index
      %get3A_415 = tpu.vector_load %arg12[%get3A_413, %get3A_414] {strides = array<i32>} : memref<32x768xf32, #tpu.memory_space<vmem>>, vector<16xf32>,
      %mul3A_416 = arith.mulf %gather3A_54, %get3A_415 : vector<16xf32>
      %add3A_417 = arith.addf %add3A_412, %mul3A_416 : vector<16xf32>
      %swap3A_418 = arith.index_cast %scan3A_47 : i32 to index
      %swap3A_419 = arith.constant 352 : index
      %swap3A_420 = tpu.vector_load %arg10[%swap3A_418, %swap3A_419] {strides = array<i32>} : memref<32x768xf32, #tpu.memory_space<vmem>>, vector<16xf32>,
      tpu.vector_store %arg10[%swap3A_418, %swap3A_419], %add3A_417 {strides = array<i32>} : memref<32x768xf32, #tpu.memory_space<vmem>>, vector<16xf32>,
      %get3A_421 = arith.index_cast %scan3A_47 : i32 to index
      %get3A_422 = arith.constant 368 : index
      %get3A_423 = tpu.vector_load %arg10[%get3A_421, %get3A_422] {strides = array<i32>} : memref<32x768xf32, #tpu.memory_space<vmem>>, vector<16xf32>,
      %get3A_424 = arith.index_cast %scan3A_47 : i32 to index
      %get3A_425 = arith.constant 368 : index
      %get3A_426 = tpu.vector_load %arg11[%get3A_424, %get3A_425] {strides = array<i32>} : memref<32x768xf32, #tpu.memory_space<vmem>>, vector<16xf32>,
      %mul3A_427 = arith.mulf %gather3A, %get3A_426 : vector<16xf32>
      %add3A_428 = arith.addf %get3A_423, %mul3A_427 : vector<16xf32>
      %get3A_429 = arith.index_cast %scan3A_47 : i32 to index
      %get3A_430 = arith.constant 368 : index
      %get3A_431 = tpu.vector_load %arg12[%get3A_429, %get3A_430] {strides = array<i32>} : memref<32x768xf32, #tpu.memory_space<vmem>>, vector<16xf32>,
      %mul3A_432 = arith.mulf %gather3A_54, %get3A_431 : vector<16xf32>
      %add3A_433 = arith.addf %add3A_428, %mul3A_432 : vector<16xf32>
      %swap3A_434 = arith.index_cast %scan3A_47 : i32 to index
      %swap3A_435 = arith.constant 368 : index
      %swap3A_436 = tpu.vector_load %arg10[%swap3A_434, %swap3A_435] {strides = array<i32>} : memref<32x768xf32, #tpu.memory_space<vmem>>, vector<16xf32>,
      tpu.vector_store %arg10[%swap3A_434, %swap3A_435], %add3A_433 {strides = array<i32>} : memref<32x768xf32, #tpu.memory_space<vmem>>, vector<16xf32>,
      %get3A_437 = arith.index_cast %scan3A_47 : i32 to index
      %get3A_438 = arith.constant 384 : index
      %get3A_439 = tpu.vector_load %arg10[%get3A_437, %get3A_438] {strides = array<i32>} : memref<32x768xf32, #tpu.memory_space<vmem>>, vector<16xf32>,
      %get3A_440 = arith.index_cast %scan3A_47 : i32 to index
      %get3A_441 = arith.constant 384 : index
      %get3A_442 = tpu.vector_load %arg11[%get3A_440, %get3A_441] {strides = array<i32>} : memref<32x768xf32, #tpu.memory_space<vmem>>, vector<16xf32>,
      %mul3A_443 = arith.mulf %gather3A, %get3A_442 : vector<16xf32>
      %add3A_444 = arith.addf %get3A_439, %mul3A_443 : vector<16xf32>
      %get3A_445 = arith.index_cast %scan3A_47 : i32 to index
      %get3A_446 = arith.constant 384 : index
      %get3A_447 = tpu.vector_load %arg12[%get3A_445, %get3A_446] {strides = array<i32>} : memref<32x768xf32, #tpu.memory_space<vmem>>, vector<16xf32>,
      %mul3A_448 = arith.mulf %gather3A_54, %get3A_447 : vector<16xf32>
      %add3A_449 = arith.addf %add3A_444, %mul3A_448 : vector<16xf32>
      %swap3A_450 = arith.index_cast %scan3A_47 : i32 to index
      %swap3A_451 = arith.constant 384 : index
      %swap3A_452 = tpu.vector_load %arg10[%swap3A_450, %swap3A_451] {strides = array<i32>} : memref<32x768xf32, #tpu.memory_space<vmem>>, vector<16xf32>,
      tpu.vector_store %arg10[%swap3A_450, %swap3A_451], %add3A_449 {strides = array<i32>} : memref<32x768xf32, #tpu.memory_space<vmem>>, vector<16xf32>,
      %get3A_453 = arith.index_cast %scan3A_47 : i32 to index
      %get3A_454 = arith.constant 400 : index
      %get3A_455 = tpu.vector_load %arg10[%get3A_453, %get3A_454] {strides = array<i32>} : memref<32x768xf32, #tpu.memory_space<vmem>>, vector<16xf32>,
      %get3A_456 = arith.index_cast %scan3A_47 : i32 to index
      %get3A_457 = arith.constant 400 : index
      %get3A_458 = tpu.vector_load %arg11[%get3A_456, %get3A_457] {strides = array<i32>} : memref<32x768xf32, #tpu.memory_space<vmem>>, vector<16xf32>,
      %mul3A_459 = arith.mulf %gather3A, %get3A_458 : vector<16xf32>
      %add3A_460 = arith.addf %get3A_455, %mul3A_459 : vector<16xf32>
      %get3A_461 = arith.index_cast %scan3A_47 : i32 to index
      %get3A_462 = arith.constant 400 : index
      %get3A_463 = tpu.vector_load %arg12[%get3A_461, %get3A_462] {strides = array<i32>} : memref<32x768xf32, #tpu.memory_space<vmem>>, vector<16xf32>,
      %mul3A_464 = arith.mulf %gather3A_54, %get3A_463 : vector<16xf32>
      %add3A_465 = arith.addf %add3A_460, %mul3A_464 : vector<16xf32>
      %swap3A_466 = arith.index_cast %scan3A_47 : i32 to index
      %swap3A_467 = arith.constant 400 : index
      %swap3A_468 = tpu.vector_load %arg10[%swap3A_466, %swap3A_467] {strides = array<i32>} : memref<32x768xf32, #tpu.memory_space<vmem>>, vector<16xf32>,
      tpu.vector_store %arg10[%swap3A_466, %swap3A_467], %add3A_465 {strides = array<i32>} : memref<32x768xf32, #tpu.memory_space<vmem>>, vector<16xf32>,
      %get3A_469 = arith.index_cast %scan3A_47 : i32 to index
      %get3A_470 = arith.constant 416 : index
      %get3A_471 = tpu.vector_load %arg10[%get3A_469, %get3A_470] {strides = array<i32>} : memref<32x768xf32, #tpu.memory_space<vmem>>, vector<16xf32>,
      %get3A_472 = arith.index_cast %scan3A_47 : i32 to index
      %get3A_473 = arith.constant 416 : index
      %get3A_474 = tpu.vector_load %arg11[%get3A_472, %get3A_473] {strides = array<i32>} : memref<32x768xf32, #tpu.memory_space<vmem>>, vector<16xf32>,
      %mul3A_475 = arith.mulf %gather3A, %get3A_474 : vector<16xf32>
      %add3A_476 = arith.addf %get3A_471, %mul3A_475 : vector<16xf32>
      %get3A_477 = arith.index_cast %scan3A_47 : i32 to index
      %get3A_478 = arith.constant 416 : index
      %get3A_479 = tpu.vector_load %arg12[%get3A_477, %get3A_478] {strides = array<i32>} : memref<32x768xf32, #tpu.memory_space<vmem>>, vector<16xf32>,
      %mul3A_480 = arith.mulf %gather3A_54, %get3A_479 : vector<16xf32>
      %add3A_481 = arith.addf %add3A_476, %mul3A_480 : vector<16xf32>
      %swap3A_482 = arith.index_cast %scan3A_47 : i32 to index
      %swap3A_483 = arith.constant 416 : index
      %swap3A_484 = tpu.vector_load %arg10[%swap3A_482, %swap3A_483] {strides = array<i32>} : memref<32x768xf32, #tpu.memory_space<vmem>>, vector<16xf32>,
      tpu.vector_store %arg10[%swap3A_482, %swap3A_483], %add3A_481 {strides = array<i32>} : memref<32x768xf32, #tpu.memory_space<vmem>>, vector<16xf32>,
      %get3A_485 = arith.index_cast %scan3A_47 : i32 to index
      %get3A_486 = arith.constant 432 : index
      %get3A_487 = tpu.vector_load %arg10[%get3A_485, %get3A_486] {strides = array<i32>} : memref<32x768xf32, #tpu.memory_space<vmem>>, vector<16xf32>,
      %get3A_488 = arith.index_cast %scan3A_47 : i32 to index
      %get3A_489 = arith.constant 432 : index
      %get3A_490 = tpu.vector_load %arg11[%get3A_488, %get3A_489] {strides = array<i32>} : memref<32x768xf32, #tpu.memory_space<vmem>>, vector<16xf32>,
      %mul3A_491 = arith.mulf %gather3A, %get3A_490 : vector<16xf32>
      %add3A_492 = arith.addf %get3A_487, %mul3A_491 : vector<16xf32>
      %get3A_493 = arith.index_cast %scan3A_47 : i32 to index
      %get3A_494 = arith.constant 432 : index
      %get3A_495 = tpu.vector_load %arg12[%get3A_493, %get3A_494] {strides = array<i32>} : memref<32x768xf32, #tpu.memory_space<vmem>>, vector<16xf32>,
      %mul3A_496 = arith.mulf %gather3A_54, %get3A_495 : vector<16xf32>
      %add3A_497 = arith.addf %add3A_492, %mul3A_496 : vector<16xf32>
      %swap3A_498 = arith.index_cast %scan3A_47 : i32 to index
      %swap3A_499 = arith.constant 432 : index
      %swap3A_500 = tpu.vector_load %arg10[%swap3A_498, %swap3A_499] {strides = array<i32>} : memref<32x768xf32, #tpu.memory_space<vmem>>, vector<16xf32>,
      tpu.vector_store %arg10[%swap3A_498, %swap3A_499], %add3A_497 {strides = array<i32>} : memref<32x768xf32, #tpu.memory_space<vmem>>, vector<16xf32>,
      %get3A_501 = arith.index_cast %scan3A_47 : i32 to index
      %get3A_502 = arith.constant 448 : index
      %get3A_503 = tpu.vector_load %arg10[%get3A_501, %get3A_502] {strides = array<i32>} : memref<32x768xf32, #tpu.memory_space<vmem>>, vector<16xf32>,
      %get3A_504 = arith.index_cast %scan3A_47 : i32 to index
      %get3A_505 = arith.constant 448 : index
      %get3A_506 = tpu.vector_load %arg11[%get3A_504, %get3A_505] {strides = array<i32>} : memref<32x768xf32, #tpu.memory_space<vmem>>, vector<16xf32>,
      %mul3A_507 = arith.mulf %gather3A, %get3A_506 : vector<16xf32>
      %add3A_508 = arith.addf %get3A_503, %mul3A_507 : vector<16xf32>
      %get3A_509 = arith.index_cast %scan3A_47 : i32 to index
      %get3A_510 = arith.constant 448 : index
      %get3A_511 = tpu.vector_load %arg12[%get3A_509, %get3A_510] {strides = array<i32>} : memref<32x768xf32, #tpu.memory_space<vmem>>, vector<16xf32>,
      %mul3A_512 = arith.mulf %gather3A_54, %get3A_511 : vector<16xf32>
      %add3A_513 = arith.addf %add3A_508, %mul3A_512 : vector<16xf32>
      %swap3A_514 = arith.index_cast %scan3A_47 : i32 to index
      %swap3A_515 = arith.constant 448 : index
      %swap3A_516 = tpu.vector_load %arg10[%swap3A_514, %swap3A_515] {strides = array<i32>} : memref<32x768xf32, #tpu.memory_space<vmem>>, vector<16xf32>,
      tpu.vector_store %arg10[%swap3A_514, %swap3A_515], %add3A_513 {strides = array<i32>} : memref<32x768xf32, #tpu.memory_space<vmem>>, vector<16xf32>,
      %get3A_517 = arith.index_cast %scan3A_47 : i32 to index
      %get3A_518 = arith.constant 464 : index
      %get3A_519 = tpu.vector_load %arg10[%get3A_517, %get3A_518] {strides = array<i32>} : memref<32x768xf32, #tpu.memory_space<vmem>>, vector<16xf32>,
      %get3A_520 = arith.index_cast %scan3A_47 : i32 to index
      %get3A_521 = arith.constant 464 : index
      %get3A_522 = tpu.vector_load %arg11[%get3A_520, %get3A_521] {strides = array<i32>} : memref<32x768xf32, #tpu.memory_space<vmem>>, vector<16xf32>,
      %mul3A_523 = arith.mulf %gather3A, %get3A_522 : vector<16xf32>
      %add3A_524 = arith.addf %get3A_519, %mul3A_523 : vector<16xf32>
      %get3A_525 = arith.index_cast %scan3A_47 : i32 to index
      %get3A_526 = arith.constant 464 : index
      %get3A_527 = tpu.vector_load %arg12[%get3A_525, %get3A_526] {strides = array<i32>} : memref<32x768xf32, #tpu.memory_space<vmem>>, vector<16xf32>,
      %mul3A_528 = arith.mulf %gather3A_54, %get3A_527 : vector<16xf32>
      %add3A_529 = arith.addf %add3A_524, %mul3A_528 : vector<16xf32>
      %swap3A_530 = arith.index_cast %scan3A_47 : i32 to index
      %swap3A_531 = arith.constant 464 : index
      %swap3A_532 = tpu.vector_load %arg10[%swap3A_530, %swap3A_531] {strides = array<i32>} : memref<32x768xf32, #tpu.memory_space<vmem>>, vector<16xf32>,
      tpu.vector_store %arg10[%swap3A_530, %swap3A_531], %add3A_529 {strides = array<i32>} : memref<32x768xf32, #tpu.memory_space<vmem>>, vector<16xf32>,
      %get3A_533 = arith.index_cast %scan3A_47 : i32 to index
      %get3A_534 = arith.constant 480 : index
      %get3A_535 = tpu.vector_load %arg10[%get3A_533, %get3A_534] {strides = array<i32>} : memref<32x768xf32, #tpu.memory_space<vmem>>, vector<16xf32>,
      %get3A_536 = arith.index_cast %scan3A_47 : i32 to index
      %get3A_537 = arith.constant 480 : index
      %get3A_538 = tpu.vector_load %arg11[%get3A_536, %get3A_537] {strides = array<i32>} : memref<32x768xf32, #tpu.memory_space<vmem>>, vector<16xf32>,
      %mul3A_539 = arith.mulf %gather3A, %get3A_538 : vector<16xf32>
      %add3A_540 = arith.addf %get3A_535, %mul3A_539 : vector<16xf32>
      %get3A_541 = arith.index_cast %scan3A_47 : i32 to index
      %get3A_542 = arith.constant 480 : index
      %get3A_543 = tpu.vector_load %arg12[%get3A_541, %get3A_542] {strides = array<i32>} : memref<32x768xf32, #tpu.memory_space<vmem>>, vector<16xf32>,
      %mul3A_544 = arith.mulf %gather3A_54, %get3A_543 : vector<16xf32>
      %add3A_545 = arith.addf %add3A_540, %mul3A_544 : vector<16xf32>
      %swap3A_546 = arith.index_cast %scan3A_47 : i32 to index
      %swap3A_547 = arith.constant 480 : index
      %swap3A_548 = tpu.vector_load %arg10[%swap3A_546, %swap3A_547] {strides = array<i32>} : memref<32x768xf32, #tpu.memory_space<vmem>>, vector<16xf32>,
      tpu.vector_store %arg10[%swap3A_546, %swap3A_547], %add3A_545 {strides = array<i32>} : memref<32x768xf32, #tpu.memory_space<vmem>>, vector<16xf32>,
      %get3A_549 = arith.index_cast %scan3A_47 : i32 to index
      %get3A_550 = arith.constant 496 : index
      %get3A_551 = tpu.vector_load %arg10[%get3A_549, %get3A_550] {strides = array<i32>} : memref<32x768xf32, #tpu.memory_space<vmem>>, vector<16xf32>,
      %get3A_552 = arith.index_cast %scan3A_47 : i32 to index
      %get3A_553 = arith.constant 496 : index
      %get3A_554 = tpu.vector_load %arg11[%get3A_552, %get3A_553] {strides = array<i32>} : memref<32x768xf32, #tpu.memory_space<vmem>>, vector<16xf32>,
      %mul3A_555 = arith.mulf %gather3A, %get3A_554 : vector<16xf32>
      %add3A_556 = arith.addf %get3A_551, %mul3A_555 : vector<16xf32>
      %get3A_557 = arith.index_cast %scan3A_47 : i32 to index
      %get3A_558 = arith.constant 496 : index
      %get3A_559 = tpu.vector_load %arg12[%get3A_557, %get3A_558] {strides = array<i32>} : memref<32x768xf32, #tpu.memory_space<vmem>>, vector<16xf32>,
      %mul3A_560 = arith.mulf %gather3A_54, %get3A_559 : vector<16xf32>
      %add3A_561 = arith.addf %add3A_556, %mul3A_560 : vector<16xf32>
      %swap3A_562 = arith.index_cast %scan3A_47 : i32 to index
      %swap3A_563 = arith.constant 496 : index
      %swap3A_564 = tpu.vector_load %arg10[%swap3A_562, %swap3A_563] {strides = array<i32>} : memref<32x768xf32, #tpu.memory_space<vmem>>, vector<16xf32>,
      tpu.vector_store %arg10[%swap3A_562, %swap3A_563], %add3A_561 {strides = array<i32>} : memref<32x768xf32, #tpu.memory_space<vmem>>, vector<16xf32>,
      %get3A_565 = arith.index_cast %scan3A_47 : i32 to index
      %get3A_566 = arith.constant 512 : index
      %get3A_567 = tpu.vector_load %arg10[%get3A_565, %get3A_566] {strides = array<i32>} : memref<32x768xf32, #tpu.memory_space<vmem>>, vector<16xf32>,
      %get3A_568 = arith.index_cast %scan3A_47 : i32 to index
      %get3A_569 = arith.constant 512 : index
      %get3A_570 = tpu.vector_load %arg11[%get3A_568, %get3A_569] {strides = array<i32>} : memref<32x768xf32, #tpu.memory_space<vmem>>, vector<16xf32>,
      %mul3A_571 = arith.mulf %gather3A, %get3A_570 : vector<16xf32>
      %add3A_572 = arith.addf %get3A_567, %mul3A_571 : vector<16xf32>
      %get3A_573 = arith.index_cast %scan3A_47 : i32 to index
      %get3A_574 = arith.constant 512 : index
      %get3A_575 = tpu.vector_load %arg12[%get3A_573, %get3A_574] {strides = array<i32>} : memref<32x768xf32, #tpu.memory_space<vmem>>, vector<16xf32>,
      %mul3A_576 = arith.mulf %gather3A_54, %get3A_575 : vector<16xf32>
      %add3A_577 = arith.addf %add3A_572, %mul3A_576 : vector<16xf32>
      %swap3A_578 = arith.index_cast %scan3A_47 : i32 to index
      %swap3A_579 = arith.constant 512 : index
      %swap3A_580 = tpu.vector_load %arg10[%swap3A_578, %swap3A_579] {strides = array<i32>} : memref<32x768xf32, #tpu.memory_space<vmem>>, vector<16xf32>,
      tpu.vector_store %arg10[%swap3A_578, %swap3A_579], %add3A_577 {strides = array<i32>} : memref<32x768xf32, #tpu.memory_space<vmem>>, vector<16xf32>,
      %get3A_581 = arith.index_cast %scan3A_47 : i32 to index
      %get3A_582 = arith.constant 528 : index
      %get3A_583 = tpu.vector_load %arg10[%get3A_581, %get3A_582] {strides = array<i32>} : memref<32x768xf32, #tpu.memory_space<vmem>>, vector<16xf32>,
      %get3A_584 = arith.index_cast %scan3A_47 : i32 to index
      %get3A_585 = arith.constant 528 : index
      %get3A_586 = tpu.vector_load %arg11[%get3A_584, %get3A_585] {strides = array<i32>} : memref<32x768xf32, #tpu.memory_space<vmem>>, vector<16xf32>,
      %mul3A_587 = arith.mulf %gather3A, %get3A_586 : vector<16xf32>
      %add3A_588 = arith.addf %get3A_583, %mul3A_587 : vector<16xf32>
      %get3A_589 = arith.index_cast %scan3A_47 : i32 to index
      %get3A_590 = arith.constant 528 : index
      %get3A_591 = tpu.vector_load %arg12[%get3A_589, %get3A_590] {strides = array<i32>} : memref<32x768xf32, #tpu.memory_space<vmem>>, vector<16xf32>,
      %mul3A_592 = arith.mulf %gather3A_54, %get3A_591 : vector<16xf32>
      %add3A_593 = arith.addf %add3A_588, %mul3A_592 : vector<16xf32>
      %swap3A_594 = arith.index_cast %scan3A_47 : i32 to index
      %swap3A_595 = arith.constant 528 : index
      %swap3A_596 = tpu.vector_load %arg10[%swap3A_594, %swap3A_595] {strides = array<i32>} : memref<32x768xf32, #tpu.memory_space<vmem>>, vector<16xf32>,
      tpu.vector_store %arg10[%swap3A_594, %swap3A_595], %add3A_593 {strides = array<i32>} : memref<32x768xf32, #tpu.memory_space<vmem>>, vector<16xf32>,
      %get3A_597 = arith.index_cast %scan3A_47 : i32 to index
      %get3A_598 = arith.constant 544 : index
      %get3A_599 = tpu.vector_load %arg10[%get3A_597, %get3A_598] {strides = array<i32>} : memref<32x768xf32, #tpu.memory_space<vmem>>, vector<16xf32>,
      %get3A_600 = arith.index_cast %scan3A_47 : i32 to index
      %get3A_601 = arith.constant 544 : index
      %get3A_602 = tpu.vector_load %arg11[%get3A_600, %get3A_601] {strides = array<i32>} : memref<32x768xf32, #tpu.memory_space<vmem>>, vector<16xf32>,
      %mul3A_603 = arith.mulf %gather3A, %get3A_602 : vector<16xf32>
      %add3A_604 = arith.addf %get3A_599, %mul3A_603 : vector<16xf32>
      %get3A_605 = arith.index_cast %scan3A_47 : i32 to index
      %get3A_606 = arith.constant 544 : index
      %get3A_607 = tpu.vector_load %arg12[%get3A_605, %get3A_606] {strides = array<i32>} : memref<32x768xf32, #tpu.memory_space<vmem>>, vector<16xf32>,
      %mul3A_608 = arith.mulf %gather3A_54, %get3A_607 : vector<16xf32>
      %add3A_609 = arith.addf %add3A_604, %mul3A_608 : vector<16xf32>
      %swap3A_610 = arith.index_cast %scan3A_47 : i32 to index
      %swap3A_611 = arith.constant 544 : index
      %swap3A_612 = tpu.vector_load %arg10[%swap3A_610, %swap3A_611] {strides = array<i32>} : memref<32x768xf32, #tpu.memory_space<vmem>>, vector<16xf32>,
      tpu.vector_store %arg10[%swap3A_610, %swap3A_611], %add3A_609 {strides = array<i32>} : memref<32x768xf32, #tpu.memory_space<vmem>>, vector<16xf32>,
      %get3A_613 = arith.index_cast %scan3A_47 : i32 to index
      %get3A_614 = arith.constant 560 : index
      %get3A_615 = tpu.vector_load %arg10[%get3A_613, %get3A_614] {strides = array<i32>} : memref<32x768xf32, #tpu.memory_space<vmem>>, vector<16xf32>,
      %get3A_616 = arith.index_cast %scan3A_47 : i32 to index
      %get3A_617 = arith.constant 560 : index
      %get3A_618 = tpu.vector_load %arg11[%get3A_616, %get3A_617] {strides = array<i32>} : memref<32x768xf32, #tpu.memory_space<vmem>>, vector<16xf32>,
      %mul3A_619 = arith.mulf %gather3A, %get3A_618 : vector<16xf32>
      %add3A_620 = arith.addf %get3A_615, %mul3A_619 : vector<16xf32>
      %get3A_621 = arith.index_cast %scan3A_47 : i32 to index
      %get3A_622 = arith.constant 560 : index
      %get3A_623 = tpu.vector_load %arg12[%get3A_621, %get3A_622] {strides = array<i32>} : memref<32x768xf32, #tpu.memory_space<vmem>>, vector<16xf32>,
      %mul3A_624 = arith.mulf %gather3A_54, %get3A_623 : vector<16xf32>
      %add3A_625 = arith.addf %add3A_620, %mul3A_624 : vector<16xf32>
      %swap3A_626 = arith.index_cast %scan3A_47 : i32 to index
      %swap3A_627 = arith.constant 560 : index
      %swap3A_628 = tpu.vector_load %arg10[%swap3A_626, %swap3A_627] {strides = array<i32>} : memref<32x768xf32, #tpu.memory_space<vmem>>, vector<16xf32>,
      tpu.vector_store %arg10[%swap3A_626, %swap3A_627], %add3A_625 {strides = array<i32>} : memref<32x768xf32, #tpu.memory_space<vmem>>, vector<16xf32>,
      %get3A_629 = arith.index_cast %scan3A_47 : i32 to index
      %get3A_630 = arith.constant 576 : index
      %get3A_631 = tpu.vector_load %arg10[%get3A_629, %get3A_630] {strides = array<i32>} : memref<32x768xf32, #tpu.memory_space<vmem>>, vector<16xf32>,
      %get3A_632 = arith.index_cast %scan3A_47 : i32 to index
      %get3A_633 = arith.constant 576 : index
      %get3A_634 = tpu.vector_load %arg11[%get3A_632, %get3A_633] {strides = array<i32>} : memref<32x768xf32, #tpu.memory_space<vmem>>, vector<16xf32>,
      %mul3A_635 = arith.mulf %gather3A, %get3A_634 : vector<16xf32>
      %add3A_636 = arith.addf %get3A_631, %mul3A_635 : vector<16xf32>
      %get3A_637 = arith.index_cast %scan3A_47 : i32 to index
      %get3A_638 = arith.constant 576 : index
      %get3A_639 = tpu.vector_load %arg12[%get3A_637, %get3A_638] {strides = array<i32>} : memref<32x768xf32, #tpu.memory_space<vmem>>, vector<16xf32>,
      %mul3A_640 = arith.mulf %gather3A_54, %get3A_639 : vector<16xf32>
      %add3A_641 = arith.addf %add3A_636, %mul3A_640 : vector<16xf32>
      %swap3A_642 = arith.index_cast %scan3A_47 : i32 to index
      %swap3A_643 = arith.constant 576 : index
      %swap3A_644 = tpu.vector_load %arg10[%swap3A_642, %swap3A_643] {strides = array<i32>} : memref<32x768xf32, #tpu.memory_space<vmem>>, vector<16xf32>,
      tpu.vector_store %arg10[%swap3A_642, %swap3A_643], %add3A_641 {strides = array<i32>} : memref<32x768xf32, #tpu.memory_space<vmem>>, vector<16xf32>,
      %get3A_645 = arith.index_cast %scan3A_47 : i32 to index
      %get3A_646 = arith.constant 592 : index
      %get3A_647 = tpu.vector_load %arg10[%get3A_645, %get3A_646] {strides = array<i32>} : memref<32x768xf32, #tpu.memory_space<vmem>>, vector<16xf32>,
      %get3A_648 = arith.index_cast %scan3A_47 : i32 to index
      %get3A_649 = arith.constant 592 : index
      %get3A_650 = tpu.vector_load %arg11[%get3A_648, %get3A_649] {strides = array<i32>} : memref<32x768xf32, #tpu.memory_space<vmem>>, vector<16xf32>,
      %mul3A_651 = arith.mulf %gather3A, %get3A_650 : vector<16xf32>
      %add3A_652 = arith.addf %get3A_647, %mul3A_651 : vector<16xf32>
      %get3A_653 = arith.index_cast %scan3A_47 : i32 to index
      %get3A_654 = arith.constant 592 : index
      %get3A_655 = tpu.vector_load %arg12[%get3A_653, %get3A_654] {strides = array<i32>} : memref<32x768xf32, #tpu.memory_space<vmem>>, vector<16xf32>,
      %mul3A_656 = arith.mulf %gather3A_54, %get3A_655 : vector<16xf32>
      %add3A_657 = arith.addf %add3A_652, %mul3A_656 : vector<16xf32>
      %swap3A_658 = arith.index_cast %scan3A_47 : i32 to index
      %swap3A_659 = arith.constant 592 : index
      %swap3A_660 = tpu.vector_load %arg10[%swap3A_658, %swap3A_659] {strides = array<i32>} : memref<32x768xf32, #tpu.memory_space<vmem>>, vector<16xf32>,
      tpu.vector_store %arg10[%swap3A_658, %swap3A_659], %add3A_657 {strides = array<i32>} : memref<32x768xf32, #tpu.memory_space<vmem>>, vector<16xf32>,
      %get3A_661 = arith.index_cast %scan3A_47 : i32 to index
      %get3A_662 = arith.constant 608 : index
      %get3A_663 = tpu.vector_load %arg10[%get3A_661, %get3A_662] {strides = array<i32>} : memref<32x768xf32, #tpu.memory_space<vmem>>, vector<16xf32>,
      %get3A_664 = arith.index_cast %scan3A_47 : i32 to index
      %get3A_665 = arith.constant 608 : index
      %get3A_666 = tpu.vector_load %arg11[%get3A_664, %get3A_665] {strides = array<i32>} : memref<32x768xf32, #tpu.memory_space<vmem>>, vector<16xf32>,
      %mul3A_667 = arith.mulf %gather3A, %get3A_666 : vector<16xf32>
      %add3A_668 = arith.addf %get3A_663, %mul3A_667 : vector<16xf32>
      %get3A_669 = arith.index_cast %scan3A_47 : i32 to index
      %get3A_670 = arith.constant 608 : index
      %get3A_671 = tpu.vector_load %arg12[%get3A_669, %get3A_670] {strides = array<i32>} : memref<32x768xf32, #tpu.memory_space<vmem>>, vector<16xf32>,
      %mul3A_672 = arith.mulf %gather3A_54, %get3A_671 : vector<16xf32>
      %add3A_673 = arith.addf %add3A_668, %mul3A_672 : vector<16xf32>
      %swap3A_674 = arith.index_cast %scan3A_47 : i32 to index
      %swap3A_675 = arith.constant 608 : index
      %swap3A_676 = tpu.vector_load %arg10[%swap3A_674, %swap3A_675] {strides = array<i32>} : memref<32x768xf32, #tpu.memory_space<vmem>>, vector<16xf32>,
      tpu.vector_store %arg10[%swap3A_674, %swap3A_675], %add3A_673 {strides = array<i32>} : memref<32x768xf32, #tpu.memory_space<vmem>>, vector<16xf32>,
      %get3A_677 = arith.index_cast %scan3A_47 : i32 to index
      %get3A_678 = arith.constant 624 : index
      %get3A_679 = tpu.vector_load %arg10[%get3A_677, %get3A_678] {strides = array<i32>} : memref<32x768xf32, #tpu.memory_space<vmem>>, vector<16xf32>,
      %get3A_680 = arith.index_cast %scan3A_47 : i32 to index
      %get3A_681 = arith.constant 624 : index
      %get3A_682 = tpu.vector_load %arg11[%get3A_680, %get3A_681] {strides = array<i32>} : memref<32x768xf32, #tpu.memory_space<vmem>>, vector<16xf32>,
      %mul3A_683 = arith.mulf %gather3A, %get3A_682 : vector<16xf32>
      %add3A_684 = arith.addf %get3A_679, %mul3A_683 : vector<16xf32>
      %get3A_685 = arith.index_cast %scan3A_47 : i32 to index
      %get3A_686 = arith.constant 624 : index
      %get3A_687 = tpu.vector_load %arg12[%get3A_685, %get3A_686] {strides = array<i32>} : memref<32x768xf32, #tpu.memory_space<vmem>>, vector<16xf32>,
      %mul3A_688 = arith.mulf %gather3A_54, %get3A_687 : vector<16xf32>
      %add3A_689 = arith.addf %add3A_684, %mul3A_688 : vector<16xf32>
      %swap3A_690 = arith.index_cast %scan3A_47 : i32 to index
      %swap3A_691 = arith.constant 624 : index
      %swap3A_692 = tpu.vector_load %arg10[%swap3A_690, %swap3A_691] {strides = array<i32>} : memref<32x768xf32, #tpu.memory_space<vmem>>, vector<16xf32>,
      tpu.vector_store %arg10[%swap3A_690, %swap3A_691], %add3A_689 {strides = array<i32>} : memref<32x768xf32, #tpu.memory_space<vmem>>, vector<16xf32>,
      %get3A_693 = arith.index_cast %scan3A_47 : i32 to index
      %get3A_694 = arith.constant 640 : index
      %get3A_695 = tpu.vector_load %arg10[%get3A_693, %get3A_694] {strides = array<i32>} : memref<32x768xf32, #tpu.memory_space<vmem>>, vector<16xf32>,
      %get3A_696 = arith.index_cast %scan3A_47 : i32 to index
      %get3A_697 = arith.constant 640 : index
      %get3A_698 = tpu.vector_load %arg11[%get3A_696, %get3A_697] {strides = array<i32>} : memref<32x768xf32, #tpu.memory_space<vmem>>, vector<16xf32>,
      %mul3A_699 = arith.mulf %gather3A, %get3A_698 : vector<16xf32>
      %add3A_700 = arith.addf %get3A_695, %mul3A_699 : vector<16xf32>
      %get3A_701 = arith.index_cast %scan3A_47 : i32 to index
      %get3A_702 = arith.constant 640 : index
      %get3A_703 = tpu.vector_load %arg12[%get3A_701, %get3A_702] {strides = array<i32>} : memref<32x768xf32, #tpu.memory_space<vmem>>, vector<16xf32>,
      %mul3A_704 = arith.mulf %gather3A_54, %get3A_703 : vector<16xf32>
      %add3A_705 = arith.addf %add3A_700, %mul3A_704 : vector<16xf32>
      %swap3A_706 = arith.index_cast %scan3A_47 : i32 to index
      %swap3A_707 = arith.constant 640 : index
      %swap3A_708 = tpu.vector_load %arg10[%swap3A_706, %swap3A_707] {strides = array<i32>} : memref<32x768xf32, #tpu.memory_space<vmem>>, vector<16xf32>,
      tpu.vector_store %arg10[%swap3A_706, %swap3A_707], %add3A_705 {strides = array<i32>} : memref<32x768xf32, #tpu.memory_space<vmem>>, vector<16xf32>,
      %get3A_709 = arith.index_cast %scan3A_47 : i32 to index
      %get3A_710 = arith.constant 656 : index
      %get3A_711 = tpu.vector_load %arg10[%get3A_709, %get3A_710] {strides = array<i32>} : memref<32x768xf32, #tpu.memory_space<vmem>>, vector<16xf32>,
      %get3A_712 = arith.index_cast %scan3A_47 : i32 to index
      %get3A_713 = arith.constant 656 : index
      %get3A_714 = tpu.vector_load %arg11[%get3A_712, %get3A_713] {strides = array<i32>} : memref<32x768xf32, #tpu.memory_space<vmem>>, vector<16xf32>,
      %mul3A_715 = arith.mulf %gather3A, %get3A_714 : vector<16xf32>
      %add3A_716 = arith.addf %get3A_711, %mul3A_715 : vector<16xf32>
      %get3A_717 = arith.index_cast %scan3A_47 : i32 to index
      %get3A_718 = arith.constant 656 : index
      %get3A_719 = tpu.vector_load %arg12[%get3A_717, %get3A_718] {strides = array<i32>} : memref<32x768xf32, #tpu.memory_space<vmem>>, vector<16xf32>,
      %mul3A_720 = arith.mulf %gather3A_54, %get3A_719 : vector<16xf32>
      %add3A_721 = arith.addf %add3A_716, %mul3A_720 : vector<16xf32>
      %swap3A_722 = arith.index_cast %scan3A_47 : i32 to index
      %swap3A_723 = arith.constant 656 : index
      %swap3A_724 = tpu.vector_load %arg10[%swap3A_722, %swap3A_723] {strides = array<i32>} : memref<32x768xf32, #tpu.memory_space<vmem>>, vector<16xf32>,
      tpu.vector_store %arg10[%swap3A_722, %swap3A_723], %add3A_721 {strides = array<i32>} : memref<32x768xf32, #tpu.memory_space<vmem>>, vector<16xf32>,
      %get3A_725 = arith.index_cast %scan3A_47 : i32 to index
      %get3A_726 = arith.constant 672 : index
      %get3A_727 = tpu.vector_load %arg10[%get3A_725, %get3A_726] {strides = array<i32>} : memref<32x768xf32, #tpu.memory_space<vmem>>, vector<16xf32>,
      %get3A_728 = arith.index_cast %scan3A_47 : i32 to index
      %get3A_729 = arith.constant 672 : index
      %get3A_730 = tpu.vector_load %arg11[%get3A_728, %get3A_729] {strides = array<i32>} : memref<32x768xf32, #tpu.memory_space<vmem>>, vector<16xf32>,
      %mul3A_731 = arith.mulf %gather3A, %get3A_730 : vector<16xf32>
      %add3A_732 = arith.addf %get3A_727, %mul3A_731 : vector<16xf32>
      %get3A_733 = arith.index_cast %scan3A_47 : i32 to index
      %get3A_734 = arith.constant 672 : index
      %get3A_735 = tpu.vector_load %arg12[%get3A_733, %get3A_734] {strides = array<i32>} : memref<32x768xf32, #tpu.memory_space<vmem>>, vector<16xf32>,
      %mul3A_736 = arith.mulf %gather3A_54, %get3A_735 : vector<16xf32>
      %add3A_737 = arith.addf %add3A_732, %mul3A_736 : vector<16xf32>
      %swap3A_738 = arith.index_cast %scan3A_47 : i32 to index
      %swap3A_739 = arith.constant 672 : index
      %swap3A_740 = tpu.vector_load %arg10[%swap3A_738, %swap3A_739] {strides = array<i32>} : memref<32x768xf32, #tpu.memory_space<vmem>>, vector<16xf32>,
      tpu.vector_store %arg10[%swap3A_738, %swap3A_739], %add3A_737 {strides = array<i32>} : memref<32x768xf32, #tpu.memory_space<vmem>>, vector<16xf32>,
      %get3A_741 = arith.index_cast %scan3A_47 : i32 to index
      %get3A_742 = arith.constant 688 : index
      %get3A_743 = tpu.vector_load %arg10[%get3A_741, %get3A_742] {strides = array<i32>} : memref<32x768xf32, #tpu.memory_space<vmem>>, vector<16xf32>,
      %get3A_744 = arith.index_cast %scan3A_47 : i32 to index
      %get3A_745 = arith.constant 688 : index
      %get3A_746 = tpu.vector_load %arg11[%get3A_744, %get3A_745] {strides = array<i32>} : memref<32x768xf32, #tpu.memory_space<vmem>>, vector<16xf32>,
      %mul3A_747 = arith.mulf %gather3A, %get3A_746 : vector<16xf32>
      %add3A_748 = arith.addf %get3A_743, %mul3A_747 : vector<16xf32>
      %get3A_749 = arith.index_cast %scan3A_47 : i32 to index
      %get3A_750 = arith.constant 688 : index
      %get3A_751 = tpu.vector_load %arg12[%get3A_749, %get3A_750] {strides = array<i32>} : memref<32x768xf32, #tpu.memory_space<vmem>>, vector<16xf32>,
      %mul3A_752 = arith.mulf %gather3A_54, %get3A_751 : vector<16xf32>
      %add3A_753 = arith.addf %add3A_748, %mul3A_752 : vector<16xf32>
      %swap3A_754 = arith.index_cast %scan3A_47 : i32 to index
      %swap3A_755 = arith.constant 688 : index
      %swap3A_756 = tpu.vector_load %arg10[%swap3A_754, %swap3A_755] {strides = array<i32>} : memref<32x768xf32, #tpu.memory_space<vmem>>, vector<16xf32>,
      tpu.vector_store %arg10[%swap3A_754, %swap3A_755], %add3A_753 {strides = array<i32>} : memref<32x768xf32, #tpu.memory_space<vmem>>, vector<16xf32>,
      %get3A_757 = arith.index_cast %scan3A_47 : i32 to index
      %get3A_758 = arith.constant 704 : index
      %get3A_759 = tpu.vector_load %arg10[%get3A_757, %get3A_758] {strides = array<i32>} : memref<32x768xf32, #tpu.memory_space<vmem>>, vector<16xf32>,
      %get3A_760 = arith.index_cast %scan3A_47 : i32 to index
      %get3A_761 = arith.constant 704 : index
      %get3A_762 = tpu.vector_load %arg11[%get3A_760, %get3A_761] {strides = array<i32>} : memref<32x768xf32, #tpu.memory_space<vmem>>, vector<16xf32>,
      %mul3A_763 = arith.mulf %gather3A, %get3A_762 : vector<16xf32>
      %add3A_764 = arith.addf %get3A_759, %mul3A_763 : vector<16xf32>
      %get3A_765 = arith.index_cast %scan3A_47 : i32 to index
      %get3A_766 = arith.constant 704 : index
      %get3A_767 = tpu.vector_load %arg12[%get3A_765, %get3A_766] {strides = array<i32>} : memref<32x768xf32, #tpu.memory_space<vmem>>, vector<16xf32>,
      %mul3A_768 = arith.mulf %gather3A_54, %get3A_767 : vector<16xf32>
      %add3A_769 = arith.addf %add3A_764, %mul3A_768 : vector<16xf32>
      %swap3A_770 = arith.index_cast %scan3A_47 : i32 to index
      %swap3A_771 = arith.constant 704 : index
      %swap3A_772 = tpu.vector_load %arg10[%swap3A_770, %swap3A_771] {strides = array<i32>} : memref<32x768xf32, #tpu.memory_space<vmem>>, vector<16xf32>,
      tpu.vector_store %arg10[%swap3A_770, %swap3A_771], %add3A_769 {strides = array<i32>} : memref<32x768xf32, #tpu.memory_space<vmem>>, vector<16xf32>,
      %get3A_773 = arith.index_cast %scan3A_47 : i32 to index
      %get3A_774 = arith.constant 720 : index
      %get3A_775 = tpu.vector_load %arg10[%get3A_773, %get3A_774] {strides = array<i32>} : memref<32x768xf32, #tpu.memory_space<vmem>>, vector<16xf32>,
      %get3A_776 = arith.index_cast %scan3A_47 : i32 to index
      %get3A_777 = arith.constant 720 : index
      %get3A_778 = tpu.vector_load %arg11[%get3A_776, %get3A_777] {strides = array<i32>} : memref<32x768xf32, #tpu.memory_space<vmem>>, vector<16xf32>,
      %mul3A_779 = arith.mulf %gather3A, %get3A_778 : vector<16xf32>
      %add3A_780 = arith.addf %get3A_775, %mul3A_779 : vector<16xf32>
      %get3A_781 = arith.index_cast %scan3A_47 : i32 to index
      %get3A_782 = arith.constant 720 : index
      %get3A_783 = tpu.vector_load %arg12[%get3A_781, %get3A_782] {strides = array<i32>} : memref<32x768xf32, #tpu.memory_space<vmem>>, vector<16xf32>,
      %mul3A_784 = arith.mulf %gather3A_54, %get3A_783 : vector<16xf32>
      %add3A_785 = arith.addf %add3A_780, %mul3A_784 : vector<16xf32>
      %swap3A_786 = arith.index_cast %scan3A_47 : i32 to index
      %swap3A_787 = arith.constant 720 : index
      %swap3A_788 = tpu.vector_load %arg10[%swap3A_786, %swap3A_787] {strides = array<i32>} : memref<32x768xf32, #tpu.memory_space<vmem>>, vector<16xf32>,
      tpu.vector_store %arg10[%swap3A_786, %swap3A_787], %add3A_785 {strides = array<i32>} : memref<32x768xf32, #tpu.memory_space<vmem>>, vector<16xf32>,
      %get3A_789 = arith.index_cast %scan3A_47 : i32 to index
      %get3A_790 = arith.constant 736 : index
      %get3A_791 = tpu.vector_load %arg10[%get3A_789, %get3A_790] {strides = array<i32>} : memref<32x768xf32, #tpu.memory_space<vmem>>, vector<16xf32>,
      %get3A_792 = arith.index_cast %scan3A_47 : i32 to index
      %get3A_793 = arith.constant 736 : index
      %get3A_794 = tpu.vector_load %arg11[%get3A_792, %get3A_793] {strides = array<i32>} : memref<32x768xf32, #tpu.memory_space<vmem>>, vector<16xf32>,
      %mul3A_795 = arith.mulf %gather3A, %get3A_794 : vector<16xf32>
      %add3A_796 = arith.addf %get3A_791, %mul3A_795 : vector<16xf32>
      %get3A_797 = arith.index_cast %scan3A_47 : i32 to index
      %get3A_798 = arith.constant 736 : index
      %get3A_799 = tpu.vector_load %arg12[%get3A_797, %get3A_798] {strides = array<i32>} : memref<32x768xf32, #tpu.memory_space<vmem>>, vector<16xf32>,
      %mul3A_800 = arith.mulf %gather3A_54, %get3A_799 : vector<16xf32>
      %add3A_801 = arith.addf %add3A_796, %mul3A_800 : vector<16xf32>
      %swap3A_802 = arith.index_cast %scan3A_47 : i32 to index
      %swap3A_803 = arith.constant 736 : index
      %swap3A_804 = tpu.vector_load %arg10[%swap3A_802, %swap3A_803] {strides = array<i32>} : memref<32x768xf32, #tpu.memory_space<vmem>>, vector<16xf32>,
      tpu.vector_store %arg10[%swap3A_802, %swap3A_803], %add3A_801 {strides = array<i32>} : memref<32x768xf32, #tpu.memory_space<vmem>>, vector<16xf32>,
      %get3A_805 = arith.index_cast %scan3A_47 : i32 to index
      %get3A_806 = arith.constant 752 : index
      %get3A_807 = tpu.vector_load %arg10[%get3A_805, %get3A_806] {strides = array<i32>} : memref<32x768xf32, #tpu.memory_space<vmem>>, vector<16xf32>,
      %get3A_808 = arith.index_cast %scan3A_47 : i32 to index
      %get3A_809 = arith.constant 752 : index
      %get3A_810 = tpu.vector_load %arg11[%get3A_808, %get3A_809] {strides = array<i32>} : memref<32x768xf32, #tpu.memory_space<vmem>>, vector<16xf32>,
      %mul3A_811 = arith.mulf %gather3A, %get3A_810 : vector<16xf32>
      %add3A_812 = arith.addf %get3A_807, %mul3A_811 : vector<16xf32>
      %get3A_813 = arith.index_cast %scan3A_47 : i32 to index
      %get3A_814 = arith.constant 752 : index
      %get3A_815 = tpu.vector_load %arg12[%get3A_813, %get3A_814] {strides = array<i32>} : memref<32x768xf32, #tpu.memory_space<vmem>>, vector<16xf32>,
      %mul3A_816 = arith.mulf %gather3A_54, %get3A_815 : vector<16xf32>
      %add3A_817 = arith.addf %add3A_812, %mul3A_816 : vector<16xf32>
      %swap3A_818 = arith.index_cast %scan3A_47 : i32 to index
      %swap3A_819 = arith.constant 752 : index
      %swap3A_820 = tpu.vector_load %arg10[%swap3A_818, %swap3A_819] {strides = array<i32>} : memref<32x768xf32, #tpu.memory_space<vmem>>, vector<16xf32>,
      tpu.vector_store %arg10[%swap3A_818, %swap3A_819], %add3A_817 {strides = array<i32>} : memref<32x768xf32, #tpu.memory_space<vmem>>, vector<16xf32>,
      %scan3A_821 = arith.constant 0 : i32
      scf.yield %scan3A_821 : i32
    }
    %scan3A_46 = arith.constant 32 : i32
    "tpu.region"() ({
      %run_scoped3A_47 = tpu.sem_alloc : memref<!tpu.dma_semaphore, #tpu.memory_space<semaphore_mem>>
      %dma_start3A_48 = arith.constant 0 : i32
      %dma_start3A_49 = tpu.memref_slice %arg6[%add3A_25, %dma_start3A_48] : memref<2048x768xf32, #tpu.memory_space<hbm>> -> memref<32x768xf32, #tpu.memory_space<hbm>>
      %dma_start3A_50 = arith.constant 0 : i32
      %dma_start3A_51 = tpu.memref_slice %arg6[%add3A_25, %dma_start3A_50] : memref<2048x768xf32, #tpu.memory_space<hbm>> -> memref<32x768xf32, #tpu.memory_space<hbm>>
      tpu.enqueue_dma source(%arg10 : memref<32x768xf32, #tpu.memory_space<vmem>>) target(%dma_start3A_51 : memref<32x768xf32, #tpu.memory_space<hbm>>) target_semaphore(%run_scoped3A_47 : memref<!tpu.dma_semaphore, #tpu.memory_space<semaphore_mem>>)
      %dma_wait3A_52 = arith.constant 0 : i32
      %dma_wait3A_53 = tpu.memref_slice %arg6[%add3A_25, %dma_wait3A_52] : memref<2048x768xf32, #tpu.memory_space<hbm>> -> memref<32x768xf32, #tpu.memory_space<hbm>>
      %dma_wait3A_54 = arith.constant 0 : i32
      %dma_wait3A_55 = tpu.memref_slice %arg6[%add3A_25, %dma_wait3A_54] : memref<2048x768xf32, #tpu.memory_space<hbm>> -> memref<32x768xf32, #tpu.memory_space<hbm>>
      tpu.wait_dma2 semaphore(%run_scoped3A_47 : memref<!tpu.dma_semaphore, #tpu.memory_space<semaphore_mem>>) src(%arg10 : memref<32x768xf32, #tpu.memory_space<vmem>>) dst(%dma_wait3A_55 : memref<32x768xf32, #tpu.memory_space<hbm>>)
      tpu.yield
    }) : () -> ()
    return
  }
}

module attributes {stable_mosaic.version = 14 : i64} {
  func.func @_ln_qkv_body(%arg0: i32, %arg1: memref<256x768xf32, #tpu.memory_space<vmem>>, %arg2: memref<1x768xf32, #tpu.memory_space<vmem>>, %arg3: memref<1x768xf32, #tpu.memory_space<vmem>>, %arg4: memref<768x2304xbf16, #tpu.memory_space<vmem>>, %arg5: memref<256x2304xbf16, #tpu.memory_space<vmem>>) attributes {dimension_semantics = [#tpu.dimension_semantics<arbitrary>], iteration_bounds = array<i64: 8>, scalar_prefetch = 0 : i64, scratch_operands = 0 : i64, tpu.core_type = #tpu.core_type<tc>, window_params = [{transform_indices = @transform_0, window_bounds = array<i64: 256, 768>}, {pipeline_mode = #tpu.pipeline_mode<synchronous>, transform_indices = @transform_1, window_bounds = array<i64: 1, 768>}, {pipeline_mode = #tpu.pipeline_mode<synchronous>, transform_indices = @transform_2, window_bounds = array<i64: 1, 768>}, {pipeline_mode = #tpu.pipeline_mode<synchronous>, transform_indices = @transform_3, window_bounds = array<i64: 768, 2304>}, {transform_indices = @transform_4, window_bounds = array<i64: 256, 2304>}]} {
    %get3A = arith.constant 0 : index
    %get3A_0 = arith.constant 0 : index
    %get3A_1 = vector.load %arg1[%get3A, %get3A_0] : memref<256x768xf32, #tpu.memory_space<vmem>>, vector<256x768xf32>
    %reduce_sum3A = arith.constant dense<0.000000e+00> : vector<256xf32>
    %reduce_sum3A_2 = vector.multi_reduction <add>, %get3A_1, %reduce_sum3A [1] : vector<256x768xf32> to vector<256xf32>
    %broadcast_in_dim3A = vector.shape_cast %reduce_sum3A_2 : vector<256xf32> to vector<256x1xf32>
    %div3A = arith.constant 7.680000e+02 : f32
    %div3A_3 = vector.broadcast %div3A : f32 to vector<256x1xf32>
    %div3A_4 = arith.divf %broadcast_in_dim3A, %div3A_3 : vector<256x1xf32>
    %sub3A = vector.broadcast %div3A_4 : vector<256x1xf32> to vector<256x768xf32>
    %sub3A_5 = arith.subf %get3A_1, %sub3A : vector<256x768xf32>
    %integer_pow3A = arith.mulf %sub3A_5, %sub3A_5 : vector<256x768xf32>
    %reduce_sum3A_6 = arith.constant dense<0.000000e+00> : vector<256xf32>
    %reduce_sum3A_7 = vector.multi_reduction <add>, %integer_pow3A, %reduce_sum3A_6 [1] : vector<256x768xf32> to vector<256xf32>
    %broadcast_in_dim3A_8 = vector.shape_cast %reduce_sum3A_7 : vector<256xf32> to vector<256x1xf32>
    %div3A_9 = arith.constant 7.680000e+02 : f32
    %div3A_10 = vector.broadcast %div3A_9 : f32 to vector<256x1xf32>
    %div3A_11 = arith.divf %broadcast_in_dim3A_8, %div3A_10 : vector<256x1xf32>
    %sub3A_12 = vector.broadcast %div3A_4 : vector<256x1xf32> to vector<256x768xf32>
    %sub3A_13 = arith.subf %get3A_1, %sub3A_12 : vector<256x768xf32>
    %add3A = arith.constant 9.99999974E-6 : f32
    %add3A_14 = vector.broadcast %add3A : f32 to vector<256x1xf32>
    %add3A_15 = arith.addf %div3A_11, %add3A_14 : vector<256x1xf32>
    %rsqrt3A = math.rsqrt %add3A_15 : vector<256x1xf32>
    %mul3A = vector.broadcast %rsqrt3A : vector<256x1xf32> to vector<256x768xf32>
    %mul3A_16 = arith.mulf %sub3A_13, %mul3A : vector<256x768xf32>
    %get3A_17 = arith.constant 0 : index
    %get3A_18 = arith.constant 0 : index
    %get3A_19 = vector.load %arg2[%get3A_17, %get3A_18] : memref<1x768xf32, #tpu.memory_space<vmem>>, vector<1x768xf32>
    %mul3A_20 = vector.broadcast %get3A_19 : vector<1x768xf32> to vector<256x768xf32>
    %mul3A_21 = arith.mulf %mul3A_16, %mul3A_20 : vector<256x768xf32>
    %get3A_22 = arith.constant 0 : index
    %get3A_23 = arith.constant 0 : index
    %get3A_24 = vector.load %arg3[%get3A_22, %get3A_23] : memref<1x768xf32, #tpu.memory_space<vmem>>, vector<1x768xf32>
    %add3A_25 = vector.broadcast %get3A_24 : vector<1x768xf32> to vector<256x768xf32>
    %add3A_26 = arith.addf %mul3A_21, %add3A_25 : vector<256x768xf32>
    %convert_element_type3A = arith.truncf %add3A_26 : vector<256x768xf32> to vector<256x768xbf16>
    %get3A_27 = arith.constant 0 : index
    %get3A_28 = arith.constant 0 : index
    %get3A_29 = vector.load %arg4[%get3A_27, %get3A_28] : memref<768x2304xbf16, #tpu.memory_space<vmem>>, vector<768x2304xbf16>
    %dot_general3A = arith.constant dense<0.000000e+00> : vector<256x2304xf32>
    %dot_general3A_30 = tpu.matmul %convert_element_type3A, %get3A_29, %dot_general3A {dimension_numbers = #tpu.dot_dimension_numbers<[1], [0], [0], [1], [0, 0, 1, 1], [], []>, transpose_lhs_hint = false} : vector<256x768xbf16>, vector<768x2304xbf16>, vector<256x2304xf32> -> vector<256x2304xf32>
    %convert_element_type3A_31 = arith.truncf %dot_general3A_30 : vector<256x2304xf32> to vector<256x2304xbf16>
    %swap3A = arith.constant 0 : index
    %swap3A_32 = arith.constant 0 : index
    %swap3A_33 = vector.load %arg5[%swap3A, %swap3A_32] : memref<256x2304xbf16, #tpu.memory_space<vmem>>, vector<256x2304xbf16>
    tpu.vector_store %arg5[%swap3A, %swap3A_32], %convert_element_type3A_31 {strides = array<i32>} : memref<256x2304xbf16, #tpu.memory_space<vmem>>, vector<256x2304xbf16>,
    return
  }
  func.func @transform_0(%arg0: i32) -> (i32, i32) {
    %c0_i32 = arith.constant 0 : i32
    %c0_i32_0 = arith.constant 0 : i32
    return %arg0, %c0_i32 : i32, i32
  }
  func.func @transform_1(%arg0: i32) -> (i32, i32) {
    %c0_i32 = arith.constant 0 : i32
    %c0_i32_0 = arith.constant 0 : i32
    %c0_i32_1 = arith.constant 0 : i32
    return %c0_i32, %c0_i32_0 : i32, i32
  }
  func.func @transform_2(%arg0: i32) -> (i32, i32) {
    %c0_i32 = arith.constant 0 : i32
    %c0_i32_0 = arith.constant 0 : i32
    %c0_i32_1 = arith.constant 0 : i32
    return %c0_i32, %c0_i32_0 : i32, i32
  }
  func.func @transform_3(%arg0: i32) -> (i32, i32) {
    %c0_i32 = arith.constant 0 : i32
    %c0_i32_0 = arith.constant 0 : i32
    %c0_i32_1 = arith.constant 0 : i32
    return %c0_i32, %c0_i32_0 : i32, i32
  }
  func.func @transform_4(%arg0: i32) -> (i32, i32) {
    %c0_i32 = arith.constant 0 : i32
    %c0_i32_0 = arith.constant 0 : i32
    return %arg0, %c0_i32 : i32, i32
  }
}

module attributes {stable_mosaic.version = 14 : i64} {
  func.func @_attn_body(%arg0: i32, %arg1: i32, %arg2: memref<2048x128xbf16, #tpu.memory_space<vmem>>, %arg3: memref<2048x128xbf16, #tpu.memory_space<vmem>>, %arg4: memref<2048x128xbf16, #tpu.memory_space<vmem>>, %arg5: memref<2048x128xbf16, #tpu.memory_space<vmem>>) attributes {dimension_semantics = [#tpu.dimension_semantics<arbitrary>, #tpu.dimension_semantics<arbitrary>], iteration_bounds = array<i64: 6, 1>, scalar_prefetch = 0 : i64, scratch_operands = 0 : i64, tpu.core_type = #tpu.core_type<tc>, window_params = [{transform_indices = @transform_0, window_bounds = array<i64: 2048, 128>}, {transform_indices = @transform_1, window_bounds = array<i64: 2048, 128>}, {transform_indices = @transform_2, window_bounds = array<i64: 2048, 128>}, {transform_indices = @transform_3, window_bounds = array<i64: 2048, 128>}]} {
    %get3A = arith.constant 0 : index
    %get3A_0 = arith.constant 0 : index
    %get3A_1 = vector.load %arg2[%get3A, %get3A_0] : memref<2048x128xbf16, #tpu.memory_space<vmem>>, vector<2048x64xbf16>
    %broadcast_in_dim3A = arith.constant -1.000000e+30 : f32
    %broadcast_in_dim3A_2 = vector.broadcast %broadcast_in_dim3A : f32 to vector<2048x1xf32>
    %broadcast_in_dim3A_3 = arith.constant 0.000000e+00 : f32
    %broadcast_in_dim3A_4 = vector.broadcast %broadcast_in_dim3A_3 : f32 to vector<2048x1xf32>
    %broadcast_in_dim3A_5 = arith.constant 0.000000e+00 : f32
    %broadcast_in_dim3A_6 = vector.broadcast %broadcast_in_dim3A_5 : f32 to vector<2048x64xf32>
    %mul3A = arith.constant 1 : i32
    %mul3A_7 = arith.muli %arg1, %mul3A : i32
    %while3A = arith.constant 0 : i32
    %while3A_8 = arith.subi %mul3A_7, %while3A : i32
    %while3A_9 = arith.addi %while3A, %while3A_8 : i32
    %while3A_10 = arith.constant 1 : i32
    %while3A_11 = arith.divsi %while3A_8, %while3A_10 : i32
    %while3A_12 = arith.muli %while3A_11, %while3A_10 : i32
    %while3A_13 = arith.addi %while3A, %while3A_12 : i32
    %while3A_14 = arith.constant 1 : i32
    %while3A_15:3 = scf.for %while3A_130 = %while3A to %while3A_13 step %while3A_14 iter_args(%while3A_131 = %broadcast_in_dim3A_2, %while3A_132 = %broadcast_in_dim3A_4, %while3A_133 = %broadcast_in_dim3A_6) -> (vector<2048x1xf32>, vector<2048x1xf32>, vector<2048x64xf32>)  : i32 {
      %mul3A_134 = arith.constant 2048 : i32
      %mul3A_135 = arith.muli %while3A_130, %mul3A_134 : i32
      %get3A_136 = arith.index_cast %mul3A_135 : i32 to index
      %get3A_137 = arith.constant 0 : index
      %get3A_138 = vector.load %arg3[%get3A_136, %get3A_137] : memref<2048x128xbf16, #tpu.memory_space<vmem>>, vector<2048x64xbf16>
      %dot_general3A_139 = arith.constant dense<0.000000e+00> : vector<2048x2048xf32>
      %dot_general3A_140 = tpu.matmul %get3A_1, %get3A_138, %dot_general3A_139 {dimension_numbers = #tpu.dot_dimension_numbers<[1], [1], [0], [0], [0, 0, 1, 0], [], []>, transpose_lhs_hint = false} : vector<2048x64xbf16>, vector<2048x64xbf16>, vector<2048x2048xf32> -> vector<2048x2048xf32>
      %mul3A_141 = arith.constant 1.250000e-01 : f32
      %mul3A_142 = vector.broadcast %mul3A_141 : f32 to vector<2048x2048xf32>
      %mul3A_143 = arith.mulf %dot_general3A_140, %mul3A_142 : vector<2048x2048xf32>
      %mul3A_144 = arith.constant 2048 : i32
      %mul3A_145 = arith.muli %while3A_130, %mul3A_144 : i32
      %get3A_146 = arith.index_cast %mul3A_145 : i32 to index
      %get3A_147 = arith.constant 0 : index
      %get3A_148 = vector.load %arg4[%get3A_146, %get3A_147] : memref<2048x128xbf16, #tpu.memory_space<vmem>>, vector<2048x64xbf16>
      %reduce_max3A_149 = arith.constant dense<0xFF800000> : vector<2048xf32>
      %reduce_max3A_150 = vector.multi_reduction <maximumf>, %mul3A_143, %reduce_max3A_149 [1] : vector<2048x2048xf32> to vector<2048xf32>
      %broadcast_in_dim3A_151 = vector.shape_cast %reduce_max3A_150 : vector<2048xf32> to vector<2048x1xf32>
      %max3A_152 = arith.maximumf %while3A_131, %broadcast_in_dim3A_151 : vector<2048x1xf32>
      %sub3A_153 = vector.broadcast %max3A_152 : vector<2048x1xf32> to vector<2048x2048xf32>
      %sub3A_154 = arith.subf %mul3A_143, %sub3A_153 : vector<2048x2048xf32>
      %exp3A_155 = math.exp %sub3A_154 : vector<2048x2048xf32>
      %sub3A_156 = arith.subf %while3A_131, %max3A_152 : vector<2048x1xf32>
      %exp3A_157 = math.exp %sub3A_156 : vector<2048x1xf32>
      %mul3A_158 = arith.mulf %while3A_132, %exp3A_157 : vector<2048x1xf32>
      %reduce_sum3A_159 = arith.constant dense<0.000000e+00> : vector<2048xf32>
      %reduce_sum3A_160 = vector.multi_reduction <add>, %exp3A_155, %reduce_sum3A_159 [1] : vector<2048x2048xf32> to vector<2048xf32>
      %broadcast_in_dim3A_161 = vector.shape_cast %reduce_sum3A_160 : vector<2048xf32> to vector<2048x1xf32>
      %add3A_162 = arith.addf %mul3A_158, %broadcast_in_dim3A_161 : vector<2048x1xf32>
      %convert_element_type3A_163 = arith.truncf %exp3A_155 : vector<2048x2048xf32> to vector<2048x2048xbf16>
      %dot_general3A_164 = arith.constant dense<0.000000e+00> : vector<2048x64xf32>
      %dot_general3A_165 = tpu.matmul %convert_element_type3A_163, %get3A_148, %dot_general3A_164 {dimension_numbers = #tpu.dot_dimension_numbers<[1], [0], [0], [1], [0, 0, 1, 1], [], []>, transpose_lhs_hint = false} : vector<2048x2048xbf16>, vector<2048x64xbf16>, vector<2048x64xf32> -> vector<2048x64xf32>
      %mul3A_166 = vector.broadcast %exp3A_157 : vector<2048x1xf32> to vector<2048x64xf32>
      %mul3A_167 = arith.mulf %while3A_133, %mul3A_166 : vector<2048x64xf32>
      %add3A_168 = arith.addf %mul3A_167, %dot_general3A_165 : vector<2048x64xf32>
      scf.yield %max3A_152, %add3A_162, %add3A_168 : vector<2048x1xf32>, vector<2048x1xf32>, vector<2048x64xf32>
    }
    %while3A_16 = arith.constant 1 : i32
    %while3A_17:3 = scf.for %while3A_130 = %while3A_13 to %while3A_9 step %while3A_16 iter_args(%while3A_131 = %while3A_15#0, %while3A_132 = %while3A_15#1, %while3A_133 = %while3A_15#2) -> (vector<2048x1xf32>, vector<2048x1xf32>, vector<2048x64xf32>)  : i32 {
      %mul3A_134 = arith.constant 2048 : i32
      %mul3A_135 = arith.muli %while3A_130, %mul3A_134 : i32
      %get3A_136 = arith.index_cast %mul3A_135 : i32 to index
      %get3A_137 = arith.constant 0 : index
      %get3A_138 = vector.load %arg3[%get3A_136, %get3A_137] : memref<2048x128xbf16, #tpu.memory_space<vmem>>, vector<2048x64xbf16>
      %dot_general3A_139 = arith.constant dense<0.000000e+00> : vector<2048x2048xf32>
      %dot_general3A_140 = tpu.matmul %get3A_1, %get3A_138, %dot_general3A_139 {dimension_numbers = #tpu.dot_dimension_numbers<[1], [1], [0], [0], [0, 0, 1, 0], [], []>, transpose_lhs_hint = false} : vector<2048x64xbf16>, vector<2048x64xbf16>, vector<2048x2048xf32> -> vector<2048x2048xf32>
      %mul3A_141 = arith.constant 1.250000e-01 : f32
      %mul3A_142 = vector.broadcast %mul3A_141 : f32 to vector<2048x2048xf32>
      %mul3A_143 = arith.mulf %dot_general3A_140, %mul3A_142 : vector<2048x2048xf32>
      %mul3A_144 = arith.constant 2048 : i32
      %mul3A_145 = arith.muli %while3A_130, %mul3A_144 : i32
      %get3A_146 = arith.index_cast %mul3A_145 : i32 to index
      %get3A_147 = arith.constant 0 : index
      %get3A_148 = vector.load %arg4[%get3A_146, %get3A_147] : memref<2048x128xbf16, #tpu.memory_space<vmem>>, vector<2048x64xbf16>
      %reduce_max3A_149 = arith.constant dense<0xFF800000> : vector<2048xf32>
      %reduce_max3A_150 = vector.multi_reduction <maximumf>, %mul3A_143, %reduce_max3A_149 [1] : vector<2048x2048xf32> to vector<2048xf32>
      %broadcast_in_dim3A_151 = vector.shape_cast %reduce_max3A_150 : vector<2048xf32> to vector<2048x1xf32>
      %max3A_152 = arith.maximumf %while3A_131, %broadcast_in_dim3A_151 : vector<2048x1xf32>
      %sub3A_153 = vector.broadcast %max3A_152 : vector<2048x1xf32> to vector<2048x2048xf32>
      %sub3A_154 = arith.subf %mul3A_143, %sub3A_153 : vector<2048x2048xf32>
      %exp3A_155 = math.exp %sub3A_154 : vector<2048x2048xf32>
      %sub3A_156 = arith.subf %while3A_131, %max3A_152 : vector<2048x1xf32>
      %exp3A_157 = math.exp %sub3A_156 : vector<2048x1xf32>
      %mul3A_158 = arith.mulf %while3A_132, %exp3A_157 : vector<2048x1xf32>
      %reduce_sum3A_159 = arith.constant dense<0.000000e+00> : vector<2048xf32>
      %reduce_sum3A_160 = vector.multi_reduction <add>, %exp3A_155, %reduce_sum3A_159 [1] : vector<2048x2048xf32> to vector<2048xf32>
      %broadcast_in_dim3A_161 = vector.shape_cast %reduce_sum3A_160 : vector<2048xf32> to vector<2048x1xf32>
      %add3A_162 = arith.addf %mul3A_158, %broadcast_in_dim3A_161 : vector<2048x1xf32>
      %convert_element_type3A_163 = arith.truncf %exp3A_155 : vector<2048x2048xf32> to vector<2048x2048xbf16>
      %dot_general3A_164 = arith.constant dense<0.000000e+00> : vector<2048x64xf32>
      %dot_general3A_165 = tpu.matmul %convert_element_type3A_163, %get3A_148, %dot_general3A_164 {dimension_numbers = #tpu.dot_dimension_numbers<[1], [0], [0], [1], [0, 0, 1, 1], [], []>, transpose_lhs_hint = false} : vector<2048x2048xbf16>, vector<2048x64xbf16>, vector<2048x64xf32> -> vector<2048x64xf32>
      %mul3A_166 = vector.broadcast %exp3A_157 : vector<2048x1xf32> to vector<2048x64xf32>
      %mul3A_167 = arith.mulf %while3A_133, %mul3A_166 : vector<2048x64xf32>
      %add3A_168 = arith.addf %mul3A_167, %dot_general3A_165 : vector<2048x64xf32>
      scf.yield %max3A_152, %add3A_162, %add3A_168 : vector<2048x1xf32>, vector<2048x1xf32>, vector<2048x64xf32>
    }
    %mul3A_18 = arith.constant 1 : i32
    %mul3A_19 = arith.muli %arg1, %mul3A_18 : i32
    %add3A = arith.constant 0 : i32
    %add3A_20 = arith.addi %mul3A_19, %add3A : i32
    %mul3A_21 = arith.constant 2048 : i32
    %mul3A_22 = arith.muli %add3A_20, %mul3A_21 : i32
    %get3A_23 = arith.index_cast %mul3A_22 : i32 to index
    %get3A_24 = arith.constant 0 : index
    %get3A_25 = vector.load %arg3[%get3A_23, %get3A_24] : memref<2048x128xbf16, #tpu.memory_space<vmem>>, vector<2048x64xbf16>
    %dot_general3A = arith.constant dense<0.000000e+00> : vector<2048x2048xf32>
    %dot_general3A_26 = tpu.matmul %get3A_1, %get3A_25, %dot_general3A {dimension_numbers = #tpu.dot_dimension_numbers<[1], [1], [0], [0], [0, 0, 1, 0], [], []>, transpose_lhs_hint = false} : vector<2048x64xbf16>, vector<2048x64xbf16>, vector<2048x2048xf32> -> vector<2048x2048xf32>
    %mul3A_27 = arith.constant 1.250000e-01 : f32
    %mul3A_28 = vector.broadcast %mul3A_27 : f32 to vector<2048x2048xf32>
    %mul3A_29 = arith.mulf %dot_general3A_26, %mul3A_28 : vector<2048x2048xf32>
    %iota3A = tpu.iota {dimensions = array<i32: 0>} : vector<2048x2048xi32>
    %iota3A_30 = tpu.iota {dimensions = array<i32: 1>} : vector<2048x2048xi32>
    %add3A_31 = arith.constant 0 : i32
    %add3A_32 = vector.broadcast %add3A_31 : i32 to vector<2048x2048xi32>
    %add3A_33 = arith.addi %add3A_32, %iota3A_30 : vector<2048x2048xi32>
    %le3A = arith.cmpi sle, %add3A_33, %iota3A : vector<2048x2048xi32>
    %jit3A = arith.constant -1.000000e+30 : f32
    %broadcast_in_dim3A_34 = vector.broadcast %jit3A : f32 to vector<2048x2048xf32>
    %select_n3A = arith.select %le3A, %mul3A_29, %broadcast_in_dim3A_34 : vector<2048x2048xi1>, vector<2048x2048xf32>
    %mul3A_35 = arith.constant 2048 : i32
    %mul3A_36 = arith.muli %add3A_20, %mul3A_35 : i32
    %get3A_37 = arith.index_cast %mul3A_36 : i32 to index
    %get3A_38 = arith.constant 0 : index
    %get3A_39 = vector.load %arg4[%get3A_37, %get3A_38] : memref<2048x128xbf16, #tpu.memory_space<vmem>>, vector<2048x64xbf16>
    %reduce_max3A = arith.constant dense<0xFF800000> : vector<2048xf32>
    %reduce_max3A_40 = vector.multi_reduction <maximumf>, %select_n3A, %reduce_max3A [1] : vector<2048x2048xf32> to vector<2048xf32>
    %broadcast_in_dim3A_41 = vector.shape_cast %reduce_max3A_40 : vector<2048xf32> to vector<2048x1xf32>
    %max3A = arith.maximumf %while3A_17#0, %broadcast_in_dim3A_41 : vector<2048x1xf32>
    %sub3A = vector.broadcast %max3A : vector<2048x1xf32> to vector<2048x2048xf32>
    %sub3A_42 = arith.subf %select_n3A, %sub3A : vector<2048x2048xf32>
    %exp3A = math.exp %sub3A_42 : vector<2048x2048xf32>
    %sub3A_43 = arith.subf %while3A_17#0, %max3A : vector<2048x1xf32>
    %exp3A_44 = math.exp %sub3A_43 : vector<2048x1xf32>
    %mul3A_45 = arith.mulf %while3A_17#1, %exp3A_44 : vector<2048x1xf32>
    %reduce_sum3A = arith.constant dense<0.000000e+00> : vector<2048xf32>
    %reduce_sum3A_46 = vector.multi_reduction <add>, %exp3A, %reduce_sum3A [1] : vector<2048x2048xf32> to vector<2048xf32>
    %broadcast_in_dim3A_47 = vector.shape_cast %reduce_sum3A_46 : vector<2048xf32> to vector<2048x1xf32>
    %add3A_48 = arith.addf %mul3A_45, %broadcast_in_dim3A_47 : vector<2048x1xf32>
    %convert_element_type3A = arith.truncf %exp3A : vector<2048x2048xf32> to vector<2048x2048xbf16>
    %dot_general3A_49 = arith.constant dense<0.000000e+00> : vector<2048x64xf32>
    %dot_general3A_50 = tpu.matmul %convert_element_type3A, %get3A_39, %dot_general3A_49 {dimension_numbers = #tpu.dot_dimension_numbers<[1], [0], [0], [1], [0, 0, 1, 1], [], []>, transpose_lhs_hint = false} : vector<2048x2048xbf16>, vector<2048x64xbf16>, vector<2048x64xf32> -> vector<2048x64xf32>
    %mul3A_51 = vector.broadcast %exp3A_44 : vector<2048x1xf32> to vector<2048x64xf32>
    %mul3A_52 = arith.mulf %while3A_17#2, %mul3A_51 : vector<2048x64xf32>
    %add3A_53 = arith.addf %mul3A_52, %dot_general3A_50 : vector<2048x64xf32>
    %div3A = vector.broadcast %add3A_48 : vector<2048x1xf32> to vector<2048x64xf32>
    %div3A_54 = arith.divf %add3A_53, %div3A : vector<2048x64xf32>
    %get3A_55 = arith.constant 0 : index
    %get3A_56 = arith.constant 64 : index
    %get3A_57 = vector.load %arg2[%get3A_55, %get3A_56] : memref<2048x128xbf16, #tpu.memory_space<vmem>>, vector<2048x64xbf16>
    %broadcast_in_dim3A_58 = arith.constant -1.000000e+30 : f32
    %broadcast_in_dim3A_59 = vector.broadcast %broadcast_in_dim3A_58 : f32 to vector<2048x1xf32>
    %broadcast_in_dim3A_60 = arith.constant 0.000000e+00 : f32
    %broadcast_in_dim3A_61 = vector.broadcast %broadcast_in_dim3A_60 : f32 to vector<2048x1xf32>
    %broadcast_in_dim3A_62 = arith.constant 0.000000e+00 : f32
    %broadcast_in_dim3A_63 = vector.broadcast %broadcast_in_dim3A_62 : f32 to vector<2048x64xf32>
    %mul3A_64 = arith.constant 1 : i32
    %mul3A_65 = arith.muli %arg1, %mul3A_64 : i32
    %while3A_66 = arith.constant 0 : i32
    %while3A_67 = arith.subi %mul3A_65, %while3A_66 : i32
    %while3A_68 = arith.addi %while3A_66, %while3A_67 : i32
    %while3A_69 = arith.constant 1 : i32
    %while3A_70 = arith.divsi %while3A_67, %while3A_69 : i32
    %while3A_71 = arith.muli %while3A_70, %while3A_69 : i32
    %while3A_72 = arith.addi %while3A_66, %while3A_71 : i32
    %while3A_73 = arith.constant 1 : i32
    %while3A_74:3 = scf.for %while3A_130 = %while3A_66 to %while3A_72 step %while3A_73 iter_args(%while3A_131 = %broadcast_in_dim3A_59, %while3A_132 = %broadcast_in_dim3A_61, %while3A_133 = %broadcast_in_dim3A_63) -> (vector<2048x1xf32>, vector<2048x1xf32>, vector<2048x64xf32>)  : i32 {
      %mul3A_134 = arith.constant 2048 : i32
      %mul3A_135 = arith.muli %while3A_130, %mul3A_134 : i32
      %get3A_136 = arith.index_cast %mul3A_135 : i32 to index
      %get3A_137 = arith.constant 64 : index
      %get3A_138 = vector.load %arg3[%get3A_136, %get3A_137] : memref<2048x128xbf16, #tpu.memory_space<vmem>>, vector<2048x64xbf16>
      %dot_general3A_139 = arith.constant dense<0.000000e+00> : vector<2048x2048xf32>
      %dot_general3A_140 = tpu.matmul %get3A_57, %get3A_138, %dot_general3A_139 {dimension_numbers = #tpu.dot_dimension_numbers<[1], [1], [0], [0], [0, 0, 1, 0], [], []>, transpose_lhs_hint = false} : vector<2048x64xbf16>, vector<2048x64xbf16>, vector<2048x2048xf32> -> vector<2048x2048xf32>
      %mul3A_141 = arith.constant 1.250000e-01 : f32
      %mul3A_142 = vector.broadcast %mul3A_141 : f32 to vector<2048x2048xf32>
      %mul3A_143 = arith.mulf %dot_general3A_140, %mul3A_142 : vector<2048x2048xf32>
      %mul3A_144 = arith.constant 2048 : i32
      %mul3A_145 = arith.muli %while3A_130, %mul3A_144 : i32
      %get3A_146 = arith.index_cast %mul3A_145 : i32 to index
      %get3A_147 = arith.constant 64 : index
      %get3A_148 = vector.load %arg4[%get3A_146, %get3A_147] : memref<2048x128xbf16, #tpu.memory_space<vmem>>, vector<2048x64xbf16>
      %reduce_max3A_149 = arith.constant dense<0xFF800000> : vector<2048xf32>
      %reduce_max3A_150 = vector.multi_reduction <maximumf>, %mul3A_143, %reduce_max3A_149 [1] : vector<2048x2048xf32> to vector<2048xf32>
      %broadcast_in_dim3A_151 = vector.shape_cast %reduce_max3A_150 : vector<2048xf32> to vector<2048x1xf32>
      %max3A_152 = arith.maximumf %while3A_131, %broadcast_in_dim3A_151 : vector<2048x1xf32>
      %sub3A_153 = vector.broadcast %max3A_152 : vector<2048x1xf32> to vector<2048x2048xf32>
      %sub3A_154 = arith.subf %mul3A_143, %sub3A_153 : vector<2048x2048xf32>
      %exp3A_155 = math.exp %sub3A_154 : vector<2048x2048xf32>
      %sub3A_156 = arith.subf %while3A_131, %max3A_152 : vector<2048x1xf32>
      %exp3A_157 = math.exp %sub3A_156 : vector<2048x1xf32>
      %mul3A_158 = arith.mulf %while3A_132, %exp3A_157 : vector<2048x1xf32>
      %reduce_sum3A_159 = arith.constant dense<0.000000e+00> : vector<2048xf32>
      %reduce_sum3A_160 = vector.multi_reduction <add>, %exp3A_155, %reduce_sum3A_159 [1] : vector<2048x2048xf32> to vector<2048xf32>
      %broadcast_in_dim3A_161 = vector.shape_cast %reduce_sum3A_160 : vector<2048xf32> to vector<2048x1xf32>
      %add3A_162 = arith.addf %mul3A_158, %broadcast_in_dim3A_161 : vector<2048x1xf32>
      %convert_element_type3A_163 = arith.truncf %exp3A_155 : vector<2048x2048xf32> to vector<2048x2048xbf16>
      %dot_general3A_164 = arith.constant dense<0.000000e+00> : vector<2048x64xf32>
      %dot_general3A_165 = tpu.matmul %convert_element_type3A_163, %get3A_148, %dot_general3A_164 {dimension_numbers = #tpu.dot_dimension_numbers<[1], [0], [0], [1], [0, 0, 1, 1], [], []>, transpose_lhs_hint = false} : vector<2048x2048xbf16>, vector<2048x64xbf16>, vector<2048x64xf32> -> vector<2048x64xf32>
      %mul3A_166 = vector.broadcast %exp3A_157 : vector<2048x1xf32> to vector<2048x64xf32>
      %mul3A_167 = arith.mulf %while3A_133, %mul3A_166 : vector<2048x64xf32>
      %add3A_168 = arith.addf %mul3A_167, %dot_general3A_165 : vector<2048x64xf32>
      scf.yield %max3A_152, %add3A_162, %add3A_168 : vector<2048x1xf32>, vector<2048x1xf32>, vector<2048x64xf32>
    }
    %while3A_75 = arith.constant 1 : i32
    %while3A_76:3 = scf.for %while3A_130 = %while3A_72 to %while3A_68 step %while3A_75 iter_args(%while3A_131 = %while3A_74#0, %while3A_132 = %while3A_74#1, %while3A_133 = %while3A_74#2) -> (vector<2048x1xf32>, vector<2048x1xf32>, vector<2048x64xf32>)  : i32 {
      %mul3A_134 = arith.constant 2048 : i32
      %mul3A_135 = arith.muli %while3A_130, %mul3A_134 : i32
      %get3A_136 = arith.index_cast %mul3A_135 : i32 to index
      %get3A_137 = arith.constant 64 : index
      %get3A_138 = vector.load %arg3[%get3A_136, %get3A_137] : memref<2048x128xbf16, #tpu.memory_space<vmem>>, vector<2048x64xbf16>
      %dot_general3A_139 = arith.constant dense<0.000000e+00> : vector<2048x2048xf32>
      %dot_general3A_140 = tpu.matmul %get3A_57, %get3A_138, %dot_general3A_139 {dimension_numbers = #tpu.dot_dimension_numbers<[1], [1], [0], [0], [0, 0, 1, 0], [], []>, transpose_lhs_hint = false} : vector<2048x64xbf16>, vector<2048x64xbf16>, vector<2048x2048xf32> -> vector<2048x2048xf32>
      %mul3A_141 = arith.constant 1.250000e-01 : f32
      %mul3A_142 = vector.broadcast %mul3A_141 : f32 to vector<2048x2048xf32>
      %mul3A_143 = arith.mulf %dot_general3A_140, %mul3A_142 : vector<2048x2048xf32>
      %mul3A_144 = arith.constant 2048 : i32
      %mul3A_145 = arith.muli %while3A_130, %mul3A_144 : i32
      %get3A_146 = arith.index_cast %mul3A_145 : i32 to index
      %get3A_147 = arith.constant 64 : index
      %get3A_148 = vector.load %arg4[%get3A_146, %get3A_147] : memref<2048x128xbf16, #tpu.memory_space<vmem>>, vector<2048x64xbf16>
      %reduce_max3A_149 = arith.constant dense<0xFF800000> : vector<2048xf32>
      %reduce_max3A_150 = vector.multi_reduction <maximumf>, %mul3A_143, %reduce_max3A_149 [1] : vector<2048x2048xf32> to vector<2048xf32>
      %broadcast_in_dim3A_151 = vector.shape_cast %reduce_max3A_150 : vector<2048xf32> to vector<2048x1xf32>
      %max3A_152 = arith.maximumf %while3A_131, %broadcast_in_dim3A_151 : vector<2048x1xf32>
      %sub3A_153 = vector.broadcast %max3A_152 : vector<2048x1xf32> to vector<2048x2048xf32>
      %sub3A_154 = arith.subf %mul3A_143, %sub3A_153 : vector<2048x2048xf32>
      %exp3A_155 = math.exp %sub3A_154 : vector<2048x2048xf32>
      %sub3A_156 = arith.subf %while3A_131, %max3A_152 : vector<2048x1xf32>
      %exp3A_157 = math.exp %sub3A_156 : vector<2048x1xf32>
      %mul3A_158 = arith.mulf %while3A_132, %exp3A_157 : vector<2048x1xf32>
      %reduce_sum3A_159 = arith.constant dense<0.000000e+00> : vector<2048xf32>
      %reduce_sum3A_160 = vector.multi_reduction <add>, %exp3A_155, %reduce_sum3A_159 [1] : vector<2048x2048xf32> to vector<2048xf32>
      %broadcast_in_dim3A_161 = vector.shape_cast %reduce_sum3A_160 : vector<2048xf32> to vector<2048x1xf32>
      %add3A_162 = arith.addf %mul3A_158, %broadcast_in_dim3A_161 : vector<2048x1xf32>
      %convert_element_type3A_163 = arith.truncf %exp3A_155 : vector<2048x2048xf32> to vector<2048x2048xbf16>
      %dot_general3A_164 = arith.constant dense<0.000000e+00> : vector<2048x64xf32>
      %dot_general3A_165 = tpu.matmul %convert_element_type3A_163, %get3A_148, %dot_general3A_164 {dimension_numbers = #tpu.dot_dimension_numbers<[1], [0], [0], [1], [0, 0, 1, 1], [], []>, transpose_lhs_hint = false} : vector<2048x2048xbf16>, vector<2048x64xbf16>, vector<2048x64xf32> -> vector<2048x64xf32>
      %mul3A_166 = vector.broadcast %exp3A_157 : vector<2048x1xf32> to vector<2048x64xf32>
      %mul3A_167 = arith.mulf %while3A_133, %mul3A_166 : vector<2048x64xf32>
      %add3A_168 = arith.addf %mul3A_167, %dot_general3A_165 : vector<2048x64xf32>
      scf.yield %max3A_152, %add3A_162, %add3A_168 : vector<2048x1xf32>, vector<2048x1xf32>, vector<2048x64xf32>
    }
    %mul3A_77 = arith.constant 1 : i32
    %mul3A_78 = arith.muli %arg1, %mul3A_77 : i32
    %add3A_79 = arith.constant 0 : i32
    %add3A_80 = arith.addi %mul3A_78, %add3A_79 : i32
    %mul3A_81 = arith.constant 2048 : i32
    %mul3A_82 = arith.muli %add3A_80, %mul3A_81 : i32
    %get3A_83 = arith.index_cast %mul3A_82 : i32 to index
    %get3A_84 = arith.constant 64 : index
    %get3A_85 = vector.load %arg3[%get3A_83, %get3A_84] : memref<2048x128xbf16, #tpu.memory_space<vmem>>, vector<2048x64xbf16>
    %dot_general3A_86 = arith.constant dense<0.000000e+00> : vector<2048x2048xf32>
    %dot_general3A_87 = tpu.matmul %get3A_57, %get3A_85, %dot_general3A_86 {dimension_numbers = #tpu.dot_dimension_numbers<[1], [1], [0], [0], [0, 0, 1, 0], [], []>, transpose_lhs_hint = false} : vector<2048x64xbf16>, vector<2048x64xbf16>, vector<2048x2048xf32> -> vector<2048x2048xf32>
    %mul3A_88 = arith.constant 1.250000e-01 : f32
    %mul3A_89 = vector.broadcast %mul3A_88 : f32 to vector<2048x2048xf32>
    %mul3A_90 = arith.mulf %dot_general3A_87, %mul3A_89 : vector<2048x2048xf32>
    %iota3A_91 = tpu.iota {dimensions = array<i32: 0>} : vector<2048x2048xi32>
    %iota3A_92 = tpu.iota {dimensions = array<i32: 1>} : vector<2048x2048xi32>
    %add3A_93 = arith.constant 0 : i32
    %add3A_94 = vector.broadcast %add3A_93 : i32 to vector<2048x2048xi32>
    %add3A_95 = arith.addi %add3A_94, %iota3A_92 : vector<2048x2048xi32>
    %le3A_96 = arith.cmpi sle, %add3A_95, %iota3A_91 : vector<2048x2048xi32>
    %jit3A_97 = arith.constant -1.000000e+30 : f32
    %broadcast_in_dim3A_98 = vector.broadcast %jit3A_97 : f32 to vector<2048x2048xf32>
    %select_n3A_99 = arith.select %le3A_96, %mul3A_90, %broadcast_in_dim3A_98 : vector<2048x2048xi1>, vector<2048x2048xf32>
    %mul3A_100 = arith.constant 2048 : i32
    %mul3A_101 = arith.muli %add3A_80, %mul3A_100 : i32
    %get3A_102 = arith.index_cast %mul3A_101 : i32 to index
    %get3A_103 = arith.constant 64 : index
    %get3A_104 = vector.load %arg4[%get3A_102, %get3A_103] : memref<2048x128xbf16, #tpu.memory_space<vmem>>, vector<2048x64xbf16>
    %reduce_max3A_105 = arith.constant dense<0xFF800000> : vector<2048xf32>
    %reduce_max3A_106 = vector.multi_reduction <maximumf>, %select_n3A_99, %reduce_max3A_105 [1] : vector<2048x2048xf32> to vector<2048xf32>
    %broadcast_in_dim3A_107 = vector.shape_cast %reduce_max3A_106 : vector<2048xf32> to vector<2048x1xf32>
    %max3A_108 = arith.maximumf %while3A_76#0, %broadcast_in_dim3A_107 : vector<2048x1xf32>
    %sub3A_109 = vector.broadcast %max3A_108 : vector<2048x1xf32> to vector<2048x2048xf32>
    %sub3A_110 = arith.subf %select_n3A_99, %sub3A_109 : vector<2048x2048xf32>
    %exp3A_111 = math.exp %sub3A_110 : vector<2048x2048xf32>
    %sub3A_112 = arith.subf %while3A_76#0, %max3A_108 : vector<2048x1xf32>
    %exp3A_113 = math.exp %sub3A_112 : vector<2048x1xf32>
    %mul3A_114 = arith.mulf %while3A_76#1, %exp3A_113 : vector<2048x1xf32>
    %reduce_sum3A_115 = arith.constant dense<0.000000e+00> : vector<2048xf32>
    %reduce_sum3A_116 = vector.multi_reduction <add>, %exp3A_111, %reduce_sum3A_115 [1] : vector<2048x2048xf32> to vector<2048xf32>
    %broadcast_in_dim3A_117 = vector.shape_cast %reduce_sum3A_116 : vector<2048xf32> to vector<2048x1xf32>
    %add3A_118 = arith.addf %mul3A_114, %broadcast_in_dim3A_117 : vector<2048x1xf32>
    %convert_element_type3A_119 = arith.truncf %exp3A_111 : vector<2048x2048xf32> to vector<2048x2048xbf16>
    %dot_general3A_120 = arith.constant dense<0.000000e+00> : vector<2048x64xf32>
    %dot_general3A_121 = tpu.matmul %convert_element_type3A_119, %get3A_104, %dot_general3A_120 {dimension_numbers = #tpu.dot_dimension_numbers<[1], [0], [0], [1], [0, 0, 1, 1], [], []>, transpose_lhs_hint = false} : vector<2048x2048xbf16>, vector<2048x64xbf16>, vector<2048x64xf32> -> vector<2048x64xf32>
    %mul3A_122 = vector.broadcast %exp3A_113 : vector<2048x1xf32> to vector<2048x64xf32>
    %mul3A_123 = arith.mulf %while3A_76#2, %mul3A_122 : vector<2048x64xf32>
    %add3A_124 = arith.addf %mul3A_123, %dot_general3A_121 : vector<2048x64xf32>
    %div3A_125 = vector.broadcast %add3A_118 : vector<2048x1xf32> to vector<2048x64xf32>
    %div3A_126 = arith.divf %add3A_124, %div3A_125 : vector<2048x64xf32>
    %concatenate3A = tpu.concatenate %div3A_54, %div3A_126 in 1 : vector<2048x64xf32>, vector<2048x64xf32> -> vector<2048x128xf32>
    %convert_element_type3A_127 = arith.truncf %concatenate3A : vector<2048x128xf32> to vector<2048x128xbf16>
    %swap3A = arith.constant 0 : index
    %swap3A_128 = arith.constant 0 : index
    %swap3A_129 = vector.load %arg5[%swap3A, %swap3A_128] : memref<2048x128xbf16, #tpu.memory_space<vmem>>, vector<2048x128xbf16>
    tpu.vector_store %arg5[%swap3A, %swap3A_128], %convert_element_type3A_127 {strides = array<i32>} : memref<2048x128xbf16, #tpu.memory_space<vmem>>, vector<2048x128xbf16>,
    return
  }
  func.func @transform_0(%arg0: i32, %arg1: i32) -> (i32, i32) {
    %c0_i32 = arith.constant 0 : i32
    return %arg1, %arg0 : i32, i32
  }
  func.func @transform_1(%arg0: i32, %arg1: i32) -> (i32, i32) {
    %add3A = arith.constant 6 : i32
    %add3A_0 = arith.addi %add3A, %arg0 : i32
    %c0_i32 = arith.constant 0 : i32
    %c0_i32_1 = arith.constant 0 : i32
    return %c0_i32, %add3A_0 : i32, i32
  }
  func.func @transform_2(%arg0: i32, %arg1: i32) -> (i32, i32) {
    %add3A = arith.constant 12 : i32
    %add3A_0 = arith.addi %add3A, %arg0 : i32
    %c0_i32 = arith.constant 0 : i32
    %c0_i32_1 = arith.constant 0 : i32
    return %c0_i32, %add3A_0 : i32, i32
  }
  func.func @transform_3(%arg0: i32, %arg1: i32) -> (i32, i32) {
    %c0_i32 = arith.constant 0 : i32
    return %arg1, %arg0 : i32, i32
  }
}

module attributes {stable_mosaic.version = 14 : i64} {
  func.func @_router_body(%arg0: i32, %arg1: memref<256x768xbf16, #tpu.memory_space<vmem>>, %arg2: memref<256x768xf32, #tpu.memory_space<vmem>>, %arg3: memref<768x768xbf16, #tpu.memory_space<vmem>>, %arg4: memref<1x768xf32, #tpu.memory_space<vmem>>, %arg5: memref<1x768xf32, #tpu.memory_space<vmem>>, %arg6: memref<768x8xf32, #tpu.memory_space<vmem>>, %arg7: memref<1x8xf32, #tpu.memory_space<vmem>>, %arg8: memref<256x768xf32, #tpu.memory_space<vmem>>, %arg9: memref<256x768xf32, #tpu.memory_space<vmem>>, %arg10: memref<256x8xf32, #tpu.memory_space<vmem>>, %arg11: memref<1x16xf32, #tpu.memory_space<vmem>>, %arg12: memref<1x8xf32, #tpu.memory_space<vmem>>, %arg13: memref<1x1xf32, #tpu.memory_space<vmem>>, %arg14: memref<32x1xf32, #tpu.memory_space<vmem>>) attributes {dimension_semantics = [#tpu.dimension_semantics<arbitrary>], iteration_bounds = array<i64: 8>, scalar_prefetch = 0 : i64, scratch_operands = 0 : i64, tpu.core_type = #tpu.core_type<tc>, window_params = [{transform_indices = @transform_0, window_bounds = array<i64: 256, 768>}, {transform_indices = @transform_1, window_bounds = array<i64: 256, 768>}, {pipeline_mode = #tpu.pipeline_mode<synchronous>, transform_indices = @transform_2, window_bounds = array<i64: 768, 768>}, {pipeline_mode = #tpu.pipeline_mode<synchronous>, transform_indices = @transform_3, window_bounds = array<i64: 1, 768>}, {pipeline_mode = #tpu.pipeline_mode<synchronous>, transform_indices = @transform_4, window_bounds = array<i64: 1, 768>}, {pipeline_mode = #tpu.pipeline_mode<synchronous>, transform_indices = @transform_5, window_bounds = array<i64: 768, 8>}, {pipeline_mode = #tpu.pipeline_mode<synchronous>, transform_indices = @transform_6, window_bounds = array<i64: 1, 8>}, {transform_indices = @transform_7, window_bounds = array<i64: 256, 768>}, {transform_indices = @transform_8, window_bounds = array<i64: 256, 768>}, {transform_indices = @transform_9, window_bounds = array<i64: 256, 8>}, {pipeline_mode = #tpu.pipeline_mode<synchronous>, transform_indices = @transform_10, window_bounds = array<i64: 1, 16>}, {pipeline_mode = #tpu.pipeline_mode<synchronous>, transform_indices = @transform_11, window_bounds = array<i64: 1, 8>}, {pipeline_mode = #tpu.pipeline_mode<synchronous>, transform_indices = @transform_12, window_bounds = array<i64: 1, 1>}, {pipeline_mode = #tpu.pipeline_mode<synchronous>, transform_indices = @transform_13, window_bounds = array<i64: 32, 1>}]} {
    %get3A = arith.constant 0 : index
    %get3A_0 = arith.constant 0 : index
    %get3A_1 = vector.load %arg2[%get3A, %get3A_0] : memref<256x768xf32, #tpu.memory_space<vmem>>, vector<256x768xf32>
    %get3A_2 = arith.constant 0 : index
    %get3A_3 = arith.constant 0 : index
    %get3A_4 = vector.load %arg1[%get3A_2, %get3A_3] : memref<256x768xbf16, #tpu.memory_space<vmem>>, vector<256x768xbf16>
    %get3A_5 = arith.constant 0 : index
    %get3A_6 = arith.constant 0 : index
    %get3A_7 = vector.load %arg3[%get3A_5, %get3A_6] : memref<768x768xbf16, #tpu.memory_space<vmem>>, vector<768x768xbf16>
    %dot_general3A = arith.constant dense<0.000000e+00> : vector<256x768xf32>
    %dot_general3A_8 = tpu.matmul %get3A_4, %get3A_7, %dot_general3A {dimension_numbers = #tpu.dot_dimension_numbers<[1], [0], [0], [1], [0, 0, 1, 1], [], []>, transpose_lhs_hint = false} : vector<256x768xbf16>, vector<768x768xbf16>, vector<256x768xf32> -> vector<256x768xf32>
    %add3A = arith.addf %get3A_1, %dot_general3A_8 : vector<256x768xf32>
    %swap3A = arith.constant 0 : index
    %swap3A_9 = arith.constant 0 : index
    %swap3A_10 = vector.load %arg8[%swap3A, %swap3A_9] : memref<256x768xf32, #tpu.memory_space<vmem>>, vector<256x768xf32>
    tpu.vector_store %arg8[%swap3A, %swap3A_9], %add3A {strides = array<i32>} : memref<256x768xf32, #tpu.memory_space<vmem>>, vector<256x768xf32>,
    %reduce_sum3A = arith.constant dense<0.000000e+00> : vector<256xf32>
    %reduce_sum3A_11 = vector.multi_reduction <add>, %add3A, %reduce_sum3A [1] : vector<256x768xf32> to vector<256xf32>
    %broadcast_in_dim3A = vector.shape_cast %reduce_sum3A_11 : vector<256xf32> to vector<256x1xf32>
    %div3A = arith.constant 7.680000e+02 : f32
    %div3A_12 = vector.broadcast %div3A : f32 to vector<256x1xf32>
    %div3A_13 = arith.divf %broadcast_in_dim3A, %div3A_12 : vector<256x1xf32>
    %sub3A = vector.broadcast %div3A_13 : vector<256x1xf32> to vector<256x768xf32>
    %sub3A_14 = arith.subf %add3A, %sub3A : vector<256x768xf32>
    %integer_pow3A = arith.mulf %sub3A_14, %sub3A_14 : vector<256x768xf32>
    %reduce_sum3A_15 = arith.constant dense<0.000000e+00> : vector<256xf32>
    %reduce_sum3A_16 = vector.multi_reduction <add>, %integer_pow3A, %reduce_sum3A_15 [1] : vector<256x768xf32> to vector<256xf32>
    %broadcast_in_dim3A_17 = vector.shape_cast %reduce_sum3A_16 : vector<256xf32> to vector<256x1xf32>
    %div3A_18 = arith.constant 7.680000e+02 : f32
    %div3A_19 = vector.broadcast %div3A_18 : f32 to vector<256x1xf32>
    %div3A_20 = arith.divf %broadcast_in_dim3A_17, %div3A_19 : vector<256x1xf32>
    %sub3A_21 = vector.broadcast %div3A_13 : vector<256x1xf32> to vector<256x768xf32>
    %sub3A_22 = arith.subf %add3A, %sub3A_21 : vector<256x768xf32>
    %add3A_23 = arith.constant 9.99999974E-6 : f32
    %add3A_24 = vector.broadcast %add3A_23 : f32 to vector<256x1xf32>
    %add3A_25 = arith.addf %div3A_20, %add3A_24 : vector<256x1xf32>
    %rsqrt3A = math.rsqrt %add3A_25 : vector<256x1xf32>
    %mul3A = vector.broadcast %rsqrt3A : vector<256x1xf32> to vector<256x768xf32>
    %mul3A_26 = arith.mulf %sub3A_22, %mul3A : vector<256x768xf32>
    %get3A_27 = arith.constant 0 : index
    %get3A_28 = arith.constant 0 : index
    %get3A_29 = vector.load %arg4[%get3A_27, %get3A_28] : memref<1x768xf32, #tpu.memory_space<vmem>>, vector<1x768xf32>
    %mul3A_30 = vector.broadcast %get3A_29 : vector<1x768xf32> to vector<256x768xf32>
    %mul3A_31 = arith.mulf %mul3A_26, %mul3A_30 : vector<256x768xf32>
    %get3A_32 = arith.constant 0 : index
    %get3A_33 = arith.constant 0 : index
    %get3A_34 = vector.load %arg5[%get3A_32, %get3A_33] : memref<1x768xf32, #tpu.memory_space<vmem>>, vector<1x768xf32>
    %add3A_35 = vector.broadcast %get3A_34 : vector<1x768xf32> to vector<256x768xf32>
    %add3A_36 = arith.addf %mul3A_31, %add3A_35 : vector<256x768xf32>
    %swap3A_37 = arith.constant 0 : index
    %swap3A_38 = arith.constant 0 : index
    %swap3A_39 = vector.load %arg9[%swap3A_37, %swap3A_38] : memref<256x768xf32, #tpu.memory_space<vmem>>, vector<256x768xf32>
    tpu.vector_store %arg9[%swap3A_37, %swap3A_38], %add3A_36 {strides = array<i32>} : memref<256x768xf32, #tpu.memory_space<vmem>>, vector<256x768xf32>,
    %get3A_40 = arith.constant 0 : index
    %get3A_41 = arith.constant 0 : index
    %get3A_42 = vector.load %arg6[%get3A_40, %get3A_41] : memref<768x8xf32, #tpu.memory_space<vmem>>, vector<768x8xf32>
    %dot_general3A_43 = arith.constant dense<0.000000e+00> : vector<256x8xf32>
    %dot_general3A_44 = tpu.matmul %add3A_36, %get3A_42, %dot_general3A_43 {dimension_numbers = #tpu.dot_dimension_numbers<[1], [0], [0], [1], [0, 0, 1, 1], [], []>, transpose_lhs_hint = false} : vector<256x768xf32>, vector<768x8xf32>, vector<256x8xf32> -> vector<256x8xf32>
    %get3A_45 = arith.constant 0 : index
    %get3A_46 = arith.constant 0 : index
    %get3A_47 = vector.load %arg7[%get3A_45, %get3A_46] : memref<1x8xf32, #tpu.memory_space<vmem>>, vector<1x8xf32>
    %add3A_48 = vector.broadcast %get3A_47 : vector<1x8xf32> to vector<256x8xf32>
    %add3A_49 = arith.addf %dot_general3A_44, %add3A_48 : vector<256x8xf32>
    %reduce_max3A = arith.constant dense<0xFF800000> : vector<256xf32>
    %reduce_max3A_50 = vector.multi_reduction <maximumf>, %add3A_49, %reduce_max3A [1] : vector<256x8xf32> to vector<256xf32>
    %broadcast_in_dim3A_51 = vector.shape_cast %reduce_max3A_50 : vector<256xf32> to vector<256x1xf32>
    %sub3A_52 = vector.broadcast %broadcast_in_dim3A_51 : vector<256x1xf32> to vector<256x8xf32>
    %sub3A_53 = arith.subf %add3A_49, %sub3A_52 : vector<256x8xf32>
    %exp3A = math.exp %sub3A_53 : vector<256x8xf32>
    %reduce_sum3A_54 = arith.constant dense<0.000000e+00> : vector<256xf32>
    %reduce_sum3A_55 = vector.multi_reduction <add>, %exp3A, %reduce_sum3A_54 [1] : vector<256x8xf32> to vector<256xf32>
    %broadcast_in_dim3A_56 = vector.shape_cast %reduce_sum3A_55 : vector<256xf32> to vector<256x1xf32>
    %div3A_57 = vector.broadcast %broadcast_in_dim3A_56 : vector<256x1xf32> to vector<256x8xf32>
    %div3A_58 = arith.divf %exp3A, %div3A_57 : vector<256x8xf32>
    %eq3A = arith.constant 0 : i32
    %eq3A_59 = arith.cmpi eq, %arg0, %eq3A : i32
    %convert_element_type3A = arith.extui %eq3A_59 : i1 to i32
    %cond3A = arith.constant 0 : i32
    %cond3A_60 = arith.cmpi ne, %convert_element_type3A, %cond3A : i32
    scf.if %cond3A_60 {
      %broadcast_in_dim3A_149 = arith.constant 0.000000e+00 : f32
      %broadcast_in_dim3A_150 = vector.broadcast %broadcast_in_dim3A_149 : f32 to vector<1x16xf32>
      %swap3A_151 = arith.constant 0 : index
      %swap3A_152 = arith.constant 0 : index
      %swap3A_153 = vector.load %arg11[%swap3A_151, %swap3A_152] : memref<1x16xf32, #tpu.memory_space<vmem>>, vector<1x16xf32>
      tpu.vector_store %arg11[%swap3A_151, %swap3A_152], %broadcast_in_dim3A_150 {strides = array<i32>} : memref<1x16xf32, #tpu.memory_space<vmem>>, vector<1x16xf32>,
      %broadcast_in_dim3A_154 = arith.constant 0.000000e+00 : f32
      %broadcast_in_dim3A_155 = vector.broadcast %broadcast_in_dim3A_154 : f32 to vector<1x8xf32>
      %swap3A_156 = arith.constant 0 : index
      %swap3A_157 = arith.constant 0 : index
      %swap3A_158 = vector.load %arg12[%swap3A_156, %swap3A_157] : memref<1x8xf32, #tpu.memory_space<vmem>>, vector<1x8xf32>
      tpu.vector_store %arg12[%swap3A_156, %swap3A_157], %broadcast_in_dim3A_155 {strides = array<i32>} : memref<1x8xf32, #tpu.memory_space<vmem>>, vector<1x8xf32>,
    } else {
    }
    %get3A_61 = arith.constant 0 : index
    %get3A_62 = arith.constant 0 : index
    %get3A_63 = vector.load %arg12[%get3A_61, %get3A_62] : memref<1x8xf32, #tpu.memory_space<vmem>>, vector<1x8xf32>
    %reduce_sum3A_64 = arith.constant dense<0.000000e+00> : vector<8xf32>
    %reduce_sum3A_65 = vector.multi_reduction <add>, %div3A_58, %reduce_sum3A_64 [0] : vector<256x8xf32> to vector<8xf32>
    %broadcast_in_dim3A_66 = vector.shape_cast %reduce_sum3A_65 : vector<8xf32> to vector<1x8xf32>
    %add3A_67 = arith.addf %get3A_63, %broadcast_in_dim3A_66 : vector<1x8xf32>
    %swap3A_68 = arith.constant 0 : index
    %swap3A_69 = arith.constant 0 : index
    %swap3A_70 = vector.load %arg12[%swap3A_68, %swap3A_69] : memref<1x8xf32, #tpu.memory_space<vmem>>, vector<1x8xf32>
    tpu.vector_store %arg12[%swap3A_68, %swap3A_69], %add3A_67 {strides = array<i32>} : memref<1x8xf32, #tpu.memory_space<vmem>>, vector<1x8xf32>,
    %iota3A = tpu.iota {dimensions = array<i32: 1>} : vector<256x8xi32>
    %convert_element_type3A_71 = arith.sitofp %iota3A : vector<256x8xi32> to vector<256x8xf32>
    %reduce_max3A_72 = arith.constant dense<0xFF800000> : vector<256xf32>
    %reduce_max3A_73 = vector.multi_reduction <maximumf>, %div3A_58, %reduce_max3A_72 [1] : vector<256x8xf32> to vector<256xf32>
    %broadcast_in_dim3A_74 = vector.shape_cast %reduce_max3A_73 : vector<256xf32> to vector<256x1xf32>
    %eq3A_75 = vector.broadcast %broadcast_in_dim3A_74 : vector<256x1xf32> to vector<256x8xf32>
    %eq3A_76 = arith.cmpf oeq, %div3A_58, %eq3A_75 : vector<256x8xf32>
    %jit3A = arith.constant 8.000000e+00 : f32
    %broadcast_in_dim3A_77 = vector.broadcast %jit3A : f32 to vector<256x8xf32>
    %select_n3A = arith.select %eq3A_76, %convert_element_type3A_71, %broadcast_in_dim3A_77 : vector<256x8xi1>, vector<256x8xf32>
    %reduce_min3A = arith.constant dense<0x7F800000> : vector<256xf32>
    %reduce_min3A_78 = vector.multi_reduction <minimumf>, %select_n3A, %reduce_min3A [1] : vector<256x8xf32> to vector<256xf32>
    %broadcast_in_dim3A_79 = vector.shape_cast %reduce_min3A_78 : vector<256xf32> to vector<256x1xf32>
    %eq3A_80 = vector.broadcast %broadcast_in_dim3A_79 : vector<256x1xf32> to vector<256x8xf32>
    %eq3A_81 = arith.cmpf oeq, %convert_element_type3A_71, %eq3A_80 : vector<256x8xf32>
    %convert_element_type3A_82 = arith.extui %eq3A_81 : vector<256x8xi1> to vector<256x8xi32>
    %convert_element_type3A_83 = arith.sitofp %convert_element_type3A_82 : vector<256x8xi32> to vector<256x8xf32>
    %gt3A = arith.constant 0.000000e+00 : f32
    %gt3A_84 = vector.broadcast %gt3A : f32 to vector<256x8xf32>
    %gt3A_85 = arith.cmpf ogt, %convert_element_type3A_83, %gt3A_84 : vector<256x8xf32>
    %jit3A_86 = arith.constant -1.000000e+00 : f32
    %broadcast_in_dim3A_87 = vector.broadcast %jit3A_86 : f32 to vector<256x8xf32>
    %select_n3A_88 = arith.select %gt3A_85, %broadcast_in_dim3A_87, %div3A_58 : vector<256x8xi1>, vector<256x8xf32>
    %reduce_max3A_89 = arith.constant dense<0xFF800000> : vector<256xf32>
    %reduce_max3A_90 = vector.multi_reduction <maximumf>, %select_n3A_88, %reduce_max3A_89 [1] : vector<256x8xf32> to vector<256xf32>
    %broadcast_in_dim3A_91 = vector.shape_cast %reduce_max3A_90 : vector<256xf32> to vector<256x1xf32>
    %eq3A_92 = vector.broadcast %broadcast_in_dim3A_91 : vector<256x1xf32> to vector<256x8xf32>
    %eq3A_93 = arith.cmpf oeq, %select_n3A_88, %eq3A_92 : vector<256x8xf32>
    %jit3A_94 = arith.constant 8.000000e+00 : f32
    %broadcast_in_dim3A_95 = vector.broadcast %jit3A_94 : f32 to vector<256x8xf32>
    %select_n3A_96 = arith.select %eq3A_93, %convert_element_type3A_71, %broadcast_in_dim3A_95 : vector<256x8xi1>, vector<256x8xf32>
    %reduce_min3A_97 = arith.constant dense<0x7F800000> : vector<256xf32>
    %reduce_min3A_98 = vector.multi_reduction <minimumf>, %select_n3A_96, %reduce_min3A_97 [1] : vector<256x8xf32> to vector<256xf32>
    %broadcast_in_dim3A_99 = vector.shape_cast %reduce_min3A_98 : vector<256xf32> to vector<256x1xf32>
    %eq3A_100 = vector.broadcast %broadcast_in_dim3A_99 : vector<256x1xf32> to vector<256x8xf32>
    %eq3A_101 = arith.cmpf oeq, %convert_element_type3A_71, %eq3A_100 : vector<256x8xf32>
    %convert_element_type3A_102 = arith.extui %eq3A_101 : vector<256x8xi1> to vector<256x8xi32>
    %convert_element_type3A_103 = arith.sitofp %convert_element_type3A_102 : vector<256x8xi32> to vector<256x8xf32>
    %iota3A_104 = tpu.iota {dimensions = array<i32: 0>} : vector<256x256xi32>
    %iota3A_105 = tpu.iota {dimensions = array<i32: 1>} : vector<256x256xi32>
    %gt3A_106 = arith.cmpi sgt, %iota3A_104, %iota3A_105 : vector<256x256xi32>
    %convert_element_type3A_107 = arith.extui %gt3A_106 : vector<256x256xi1> to vector<256x256xi32>
    %convert_element_type3A_108 = arith.sitofp %convert_element_type3A_107 : vector<256x256xi32> to vector<256x256xf32>
    %get3A_109 = arith.constant 0 : index
    %get3A_110 = arith.constant 0 : index
    %get3A_111 = vector.load %arg11[%get3A_109, %get3A_110] : memref<1x16xf32, #tpu.memory_space<vmem>>, vector<1x8xf32>
    %dot_general3A_112 = arith.constant dense<0.000000e+00> : vector<256x8xf32>
    %dot_general3A_113 = tpu.matmul %convert_element_type3A_108, %convert_element_type3A_83, %dot_general3A_112 {dimension_numbers = #tpu.dot_dimension_numbers<[1], [0], [0], [1], [0, 0, 1, 1], [], []>, transpose_lhs_hint = false} : vector<256x256xf32>, vector<256x8xf32>, vector<256x8xf32> -> vector<256x8xf32>
    %add3A_114 = vector.broadcast %get3A_111 : vector<1x8xf32> to vector<256x8xf32>
    %add3A_115 = arith.addf %dot_general3A_113, %add3A_114 : vector<256x8xf32>
    %mul3A_116 = arith.mulf %add3A_115, %convert_element_type3A_83 : vector<256x8xf32>
    %reduce_sum3A_117 = arith.constant dense<0.000000e+00> : vector<256xf32>
    %reduce_sum3A_118 = vector.multi_reduction <add>, %mul3A_116, %reduce_sum3A_117 [1] : vector<256x8xf32> to vector<256xf32>
    %broadcast_in_dim3A_119 = vector.shape_cast %reduce_sum3A_118 : vector<256xf32> to vector<256x1xf32>
    %reduce_sum3A_120 = arith.constant dense<0.000000e+00> : vector<8xf32>
    %reduce_sum3A_121 = vector.multi_reduction <add>, %convert_element_type3A_83, %reduce_sum3A_120 [0] : vector<256x8xf32> to vector<8xf32>
    %broadcast_in_dim3A_122 = vector.shape_cast %reduce_sum3A_121 : vector<8xf32> to vector<1x8xf32>
    %add3A_123 = arith.addf %get3A_111, %broadcast_in_dim3A_122 : vector<1x8xf32>
    %dot_general3A_124 = arith.constant dense<0.000000e+00> : vector<256x8xf32>
    %dot_general3A_125 = tpu.matmul %convert_element_type3A_108, %convert_element_type3A_103, %dot_general3A_124 {dimension_numbers = #tpu.dot_dimension_numbers<[1], [0], [0], [1], [0, 0, 1, 1], [], []>, transpose_lhs_hint = false} : vector<256x256xf32>, vector<256x8xf32>, vector<256x8xf32> -> vector<256x8xf32>
    %add3A_126 = vector.broadcast %add3A_123 : vector<1x8xf32> to vector<256x8xf32>
    %add3A_127 = arith.addf %dot_general3A_125, %add3A_126 : vector<256x8xf32>
    %mul3A_128 = arith.mulf %add3A_127, %convert_element_type3A_103 : vector<256x8xf32>
    %reduce_sum3A_129 = arith.constant dense<0.000000e+00> : vector<256xf32>
    %reduce_sum3A_130 = vector.multi_reduction <add>, %mul3A_128, %reduce_sum3A_129 [1] : vector<256x8xf32> to vector<256xf32>
    %broadcast_in_dim3A_131 = vector.shape_cast %reduce_sum3A_130 : vector<256xf32> to vector<256x1xf32>
    %reduce_sum3A_132 = arith.constant dense<0.000000e+00> : vector<8xf32>
    %reduce_sum3A_133 = vector.multi_reduction <add>, %convert_element_type3A_103, %reduce_sum3A_132 [0] : vector<256x8xf32> to vector<8xf32>
    %broadcast_in_dim3A_134 = vector.shape_cast %reduce_sum3A_133 : vector<8xf32> to vector<1x8xf32>
    %add3A_135 = arith.addf %add3A_123, %broadcast_in_dim3A_134 : vector<1x8xf32>
    %swap3A_136 = arith.constant 0 : index
    %swap3A_137 = arith.constant 0 : index
    %swap3A_138 = vector.load %arg11[%swap3A_136, %swap3A_137] : memref<1x16xf32, #tpu.memory_space<vmem>>, vector<1x8xf32>
    tpu.vector_store %arg11[%swap3A_136, %swap3A_137], %add3A_135 {strides = array<i32>} : memref<1x16xf32, #tpu.memory_space<vmem>>, vector<1x8xf32>,
    %broadcast_in_dim3A_139 = arith.constant 0.000000e+00 : f32
    %broadcast_in_dim3A_140 = vector.broadcast %broadcast_in_dim3A_139 : f32 to vector<256x1xf32>
    %concatenate3A = tpu.concatenate %broadcast_in_dim3A_74, %broadcast_in_dim3A_91, %broadcast_in_dim3A_79, %broadcast_in_dim3A_99, %broadcast_in_dim3A_119, %broadcast_in_dim3A_131, %broadcast_in_dim3A_140, %broadcast_in_dim3A_140 in 1 : vector<256x1xf32>, vector<256x1xf32>, vector<256x1xf32>, vector<256x1xf32>, vector<256x1xf32>, vector<256x1xf32>, vector<256x1xf32>, vector<256x1xf32> -> vector<256x8xf32>
    %swap3A_141 = arith.constant 0 : index
    %swap3A_142 = arith.constant 0 : index
    %swap3A_143 = vector.load %arg10[%swap3A_141, %swap3A_142] : memref<256x8xf32, #tpu.memory_space<vmem>>, vector<256x8xf32>
    tpu.vector_store %arg10[%swap3A_141, %swap3A_142], %concatenate3A {strides = array<i32>} : memref<256x8xf32, #tpu.memory_space<vmem>>, vector<256x8xf32>,
    %eq3A_144 = arith.constant 7 : i32
    %eq3A_145 = arith.cmpi eq, %arg0, %eq3A_144 : i32
    %convert_element_type3A_146 = arith.extui %eq3A_145 : i1 to i32
    %cond3A_147 = arith.constant 0 : i32
    %cond3A_148 = arith.cmpi ne, %convert_element_type3A_146, %cond3A_147 : i32
    scf.if %cond3A_148 {
      %get3A_149 = arith.constant 0 : index
      %get3A_150 = arith.constant 0 : index
      %get3A_151 = vector.load %arg12[%get3A_149, %get3A_150] : memref<1x8xf32, #tpu.memory_space<vmem>>, vector<1x8xf32>
      %mul3A_152 = arith.constant 4.8828125E-4 : f32
      %mul3A_153 = vector.broadcast %mul3A_152 : f32 to vector<1x8xf32>
      %mul3A_154 = arith.mulf %get3A_151, %mul3A_153 : vector<1x8xf32>
      %sub3A_155 = arith.constant 1.250000e-01 : f32
      %sub3A_156 = vector.broadcast %sub3A_155 : f32 to vector<1x8xf32>
      %sub3A_157 = arith.subf %mul3A_154, %sub3A_156 : vector<1x8xf32>
      %mul3A_158 = arith.mulf %sub3A_157, %sub3A_157 : vector<1x8xf32>
      %reduce_sum3A_159 = arith.constant dense<0.000000e+00> : vector<1xf32>
      %reduce_sum3A_160 = vector.multi_reduction <add>, %mul3A_158, %reduce_sum3A_159 [1] : vector<1x8xf32> to vector<1xf32>
      %broadcast_in_dim3A_161 = vector.shape_cast %reduce_sum3A_160 : vector<1xf32> to vector<1x1xf32>
      %mul3A_162 = arith.constant 1.250000e-01 : f32
      %mul3A_163 = vector.broadcast %mul3A_162 : f32 to vector<1x1xf32>
      %mul3A_164 = arith.mulf %broadcast_in_dim3A_161, %mul3A_163 : vector<1x1xf32>
      %swap3A_165 = arith.constant 0 : index
      %swap3A_166 = arith.constant 0 : index
      %swap3A_167 = vector.load %arg13[%swap3A_165, %swap3A_166] : memref<1x1xf32, #tpu.memory_space<vmem>>, vector<1x1xf32>
      tpu.vector_store %arg13[%swap3A_165, %swap3A_166], %mul3A_164 {strides = array<i32>} : memref<1x1xf32, #tpu.memory_space<vmem>>, vector<1x1xf32>,
      %get3A_168 = arith.constant 0 : index
      %get3A_169 = arith.constant 0 : index
      %get3A_170 = vector.load %arg11[%get3A_168, %get3A_169] : memref<1x16xf32, #tpu.memory_space<vmem>>, vector<1x16xf32>
      %add3A_171 = arith.constant 2.550000e+02 : f32
      %add3A_172 = vector.broadcast %add3A_171 : f32 to vector<1x16xf32>
      %add3A_173 = arith.addf %get3A_170, %add3A_172 : vector<1x16xf32>
      %mul3A_174 = arith.constant 3.906250e-03 : f32
      %mul3A_175 = vector.broadcast %mul3A_174 : f32 to vector<1x16xf32>
      %mul3A_176 = arith.mulf %add3A_173, %mul3A_175 : vector<1x16xf32>
      %floor3A = math.floor %mul3A_176 : vector<1x16xf32>
      %iota3A_177 = tpu.iota {dimensions = array<i32: 0>} : vector<16x16xi32>
      %iota3A_178 = tpu.iota {dimensions = array<i32: 1>} : vector<16x16xi32>
      %le3A = arith.cmpi sle, %iota3A_177, %iota3A_178 : vector<16x16xi32>
      %convert_element_type3A_179 = arith.extui %le3A : vector<16x16xi1> to vector<16x16xi32>
      %convert_element_type3A_180 = arith.sitofp %convert_element_type3A_179 : vector<16x16xi32> to vector<16x16xf32>
      %dot_general3A_181 = arith.constant dense<0.000000e+00> : vector<1x16xf32>
      %dot_general3A_182 = tpu.matmul %floor3A, %convert_element_type3A_180, %dot_general3A_181 {dimension_numbers = #tpu.dot_dimension_numbers<[1], [0], [0], [1], [0, 0, 1, 1], [], []>, transpose_lhs_hint = false} : vector<1x16xf32>, vector<16x16xf32>, vector<1x16xf32> -> vector<1x16xf32>
      %iota3A_183 = tpu.iota {dimensions = array<i32: 0>} : vector<32x16xi32>
      %convert_element_type3A_184 = arith.sitofp %iota3A_183 : vector<32x16xi32> to vector<32x16xf32>
      %broadcast_in_dim3A_185 = vector.shape_cast %dot_general3A_182 : vector<1x16xf32> to vector<1x16xf32>
      %broadcast_in_dim3A_186 = vector.broadcast %broadcast_in_dim3A_185 : vector<1x16xf32> to vector<32x16xf32>
      %ge3A = arith.cmpf oge, %convert_element_type3A_184, %broadcast_in_dim3A_186 : vector<32x16xf32>
      %convert_element_type3A_187 = arith.extui %ge3A : vector<32x16xi1> to vector<32x16xi32>
      %convert_element_type3A_188 = arith.sitofp %convert_element_type3A_187 : vector<32x16xi32> to vector<32x16xf32>
      %reduce_sum3A_189 = arith.constant dense<0.000000e+00> : vector<32xf32>
      %reduce_sum3A_190 = vector.multi_reduction <add>, %convert_element_type3A_188, %reduce_sum3A_189 [1] : vector<32x16xf32> to vector<32xf32>
      %broadcast_in_dim3A_191 = vector.shape_cast %reduce_sum3A_190 : vector<32xf32> to vector<32x1xf32>
      %min3A = arith.constant 7.000000e+00 : f32
      %min3A_192 = vector.broadcast %min3A : f32 to vector<32x1xf32>
      %min3A_193 = arith.minimumf %broadcast_in_dim3A_191, %min3A_192 : vector<32x1xf32>
      %swap3A_194 = arith.constant 0 : index
      %swap3A_195 = arith.constant 0 : index
      %swap3A_196 = vector.load %arg14[%swap3A_194, %swap3A_195] : memref<32x1xf32, #tpu.memory_space<vmem>>, vector<32x1xf32>
      tpu.vector_store %arg14[%swap3A_194, %swap3A_195], %min3A_193 {strides = array<i32>} : memref<32x1xf32, #tpu.memory_space<vmem>>, vector<32x1xf32>,
    } else {
    }
    return
  }
  func.func @transform_0(%arg0: i32) -> (i32, i32) {
    %c0_i32 = arith.constant 0 : i32
    %c0_i32_0 = arith.constant 0 : i32
    return %arg0, %c0_i32 : i32, i32
  }
  func.func @transform_1(%arg0: i32) -> (i32, i32) {
    %c0_i32 = arith.constant 0 : i32
    %c0_i32_0 = arith.constant 0 : i32
    return %arg0, %c0_i32 : i32, i32
  }
  func.func @transform_2(%arg0: i32) -> (i32, i32) {
    %c0_i32 = arith.constant 0 : i32
    %c0_i32_0 = arith.constant 0 : i32
    %c0_i32_1 = arith.constant 0 : i32
    return %c0_i32, %c0_i32_0 : i32, i32
  }
  func.func @transform_3(%arg0: i32) -> (i32, i32) {
    %c0_i32 = arith.constant 0 : i32
    %c0_i32_0 = arith.constant 0 : i32
    %c0_i32_1 = arith.constant 0 : i32
    return %c0_i32, %c0_i32_0 : i32, i32
  }
  func.func @transform_4(%arg0: i32) -> (i32, i32) {
    %c0_i32 = arith.constant 0 : i32
    %c0_i32_0 = arith.constant 0 : i32
    %c0_i32_1 = arith.constant 0 : i32
    return %c0_i32, %c0_i32_0 : i32, i32
  }
  func.func @transform_5(%arg0: i32) -> (i32, i32) {
    %c0_i32 = arith.constant 0 : i32
    %c0_i32_0 = arith.constant 0 : i32
    %c0_i32_1 = arith.constant 0 : i32
    return %c0_i32, %c0_i32_0 : i32, i32
  }
  func.func @transform_6(%arg0: i32) -> (i32, i32) {
    %c0_i32 = arith.constant 0 : i32
    %c0_i32_0 = arith.constant 0 : i32
    %c0_i32_1 = arith.constant 0 : i32
    return %c0_i32, %c0_i32_0 : i32, i32
  }
  func.func @transform_7(%arg0: i32) -> (i32, i32) {
    %c0_i32 = arith.constant 0 : i32
    %c0_i32_0 = arith.constant 0 : i32
    return %arg0, %c0_i32 : i32, i32
  }
  func.func @transform_8(%arg0: i32) -> (i32, i32) {
    %c0_i32 = arith.constant 0 : i32
    %c0_i32_0 = arith.constant 0 : i32
    return %arg0, %c0_i32 : i32, i32
  }
  func.func @transform_9(%arg0: i32) -> (i32, i32) {
    %c0_i32 = arith.constant 0 : i32
    %c0_i32_0 = arith.constant 0 : i32
    return %arg0, %c0_i32 : i32, i32
  }
  func.func @transform_10(%arg0: i32) -> (i32, i32) {
    %c0_i32 = arith.constant 0 : i32
    %c0_i32_0 = arith.constant 0 : i32
    %c0_i32_1 = arith.constant 0 : i32
    return %c0_i32, %c0_i32_0 : i32, i32
  }
  func.func @transform_11(%arg0: i32) -> (i32, i32) {
    %c0_i32 = arith.constant 0 : i32
    %c0_i32_0 = arith.constant 0 : i32
    %c0_i32_1 = arith.constant 0 : i32
    return %c0_i32, %c0_i32_0 : i32, i32
  }
  func.func @transform_12(%arg0: i32) -> (i32, i32) {
    %c0_i32 = arith.constant 0 : i32
    %c0_i32_0 = arith.constant 0 : i32
    %c0_i32_1 = arith.constant 0 : i32
    return %c0_i32, %c0_i32_0 : i32, i32
  }
  func.func @transform_13(%arg0: i32) -> (i32, i32) {
    %c0_i32 = arith.constant 0 : i32
    %c0_i32_0 = arith.constant 0 : i32
    %c0_i32_1 = arith.constant 0 : i32
    return %c0_i32, %c0_i32_0 : i32, i32
  }
}

module attributes {stable_mosaic.version = 14 : i64} {
  func.func @_ffn_body(%arg0: i32, %arg1: memref<32xi32, #tpu.memory_space<smem>>, %arg2: memref<256x768xf32, #tpu.memory_space<vmem>>, %arg3: memref<1x768x3072xf32, #tpu.memory_space<vmem>>, %arg4: memref<1x1x3072xf32, #tpu.memory_space<vmem>>, %arg5: memref<1x3072x768xf32, #tpu.memory_space<vmem>>, %arg6: memref<1x1x768xf32, #tpu.memory_space<vmem>>, %arg7: memref<256x768xf32, #tpu.memory_space<vmem>>) attributes {dimension_semantics = [#tpu.dimension_semantics<arbitrary>], iteration_bounds = array<i64: 23>, scalar_prefetch = 1 : i64, scratch_operands = 0 : i64, tpu.core_type = #tpu.core_type<tc>, window_params = [{transform_indices = @transform_0, window_bounds = array<i64: 256, 768>}, {transform_indices = @transform_1, window_bounds = array<i64: 1, 768, 3072>}, {transform_indices = @transform_2, window_bounds = array<i64: 1, 1, 3072>}, {transform_indices = @transform_3, window_bounds = array<i64: 1, 3072, 768>}, {transform_indices = @transform_4, window_bounds = array<i64: 1, 1, 768>}, {transform_indices = @transform_5, window_bounds = array<i64: 256, 768>}]} {
    %get3A = arith.constant 0 : index
    %get3A_0 = arith.constant 0 : index
    %get3A_1 = vector.load %arg2[%get3A, %get3A_0] : memref<256x768xf32, #tpu.memory_space<vmem>>, vector<256x768xf32>
    %convert_element_type3A = arith.truncf %get3A_1 : vector<256x768xf32> to vector<256x768xbf16>
    %get3A_2 = arith.constant 0 : index
    %get3A_3 = arith.constant 0 : index
    %get3A_4 = arith.constant 0 : index
    %get3A_5 = vector.load %arg3[%get3A_2, %get3A_3, %get3A_4] : memref<1x768x3072xf32, #tpu.memory_space<vmem>>, vector<1x768x3072xf32>
    %get3A_6 = vector.shape_cast %get3A_5 : vector<1x768x3072xf32> to vector<768x3072xf32>
    %convert_element_type3A_7 = arith.truncf %get3A_6 : vector<768x3072xf32> to vector<768x3072xbf16>
    %dot_general3A = arith.constant dense<0.000000e+00> : vector<256x3072xf32>
    %dot_general3A_8 = tpu.matmul %convert_element_type3A, %convert_element_type3A_7, %dot_general3A {dimension_numbers = #tpu.dot_dimension_numbers<[1], [0], [0], [1], [0, 0, 1, 1], [], []>, transpose_lhs_hint = false} : vector<256x768xbf16>, vector<768x3072xbf16>, vector<256x3072xf32> -> vector<256x3072xf32>
    %get3A_9 = arith.constant 0 : index
    %get3A_10 = arith.constant 0 : index
    %get3A_11 = arith.constant 0 : index
    %get3A_12 = vector.load %arg4[%get3A_9, %get3A_10, %get3A_11] : memref<1x1x3072xf32, #tpu.memory_space<vmem>>, vector<1x1x3072xf32>
    %get3A_13 = vector.shape_cast %get3A_12 : vector<1x1x3072xf32> to vector<1x3072xf32>
    %add3A = vector.broadcast %get3A_13 : vector<1x3072xf32> to vector<256x3072xf32>
    %add3A_14 = arith.addf %dot_general3A_8, %add3A : vector<256x3072xf32>
    %mul3A = arith.constant 5.000000e-01 : f32
    %mul3A_15 = vector.broadcast %mul3A : f32 to vector<256x3072xf32>
    %mul3A_16 = arith.mulf %mul3A_15, %add3A_14 : vector<256x3072xf32>
    %mul3A_17 = arith.constant 0.707106769 : f32
    %mul3A_18 = vector.broadcast %mul3A_17 : f32 to vector<256x3072xf32>
    %mul3A_19 = arith.mulf %add3A_14, %mul3A_18 : vector<256x3072xf32>
    %erf3A = math.erf %mul3A_19 : vector<256x3072xf32>
    %add3A_20 = arith.constant 1.000000e+00 : f32
    %add3A_21 = vector.broadcast %add3A_20 : f32 to vector<256x3072xf32>
    %add3A_22 = arith.addf %add3A_21, %erf3A : vector<256x3072xf32>
    %mul3A_23 = arith.mulf %mul3A_16, %add3A_22 : vector<256x3072xf32>
    %convert_element_type3A_24 = arith.truncf %mul3A_23 : vector<256x3072xf32> to vector<256x3072xbf16>
    %get3A_25 = arith.constant 0 : index
    %get3A_26 = arith.constant 0 : index
    %get3A_27 = arith.constant 0 : index
    %get3A_28 = vector.load %arg5[%get3A_25, %get3A_26, %get3A_27] : memref<1x3072x768xf32, #tpu.memory_space<vmem>>, vector<1x3072x768xf32>
    %get3A_29 = vector.shape_cast %get3A_28 : vector<1x3072x768xf32> to vector<3072x768xf32>
    %convert_element_type3A_30 = arith.truncf %get3A_29 : vector<3072x768xf32> to vector<3072x768xbf16>
    %dot_general3A_31 = arith.constant dense<0.000000e+00> : vector<256x768xf32>
    %dot_general3A_32 = tpu.matmul %convert_element_type3A_24, %convert_element_type3A_30, %dot_general3A_31 {dimension_numbers = #tpu.dot_dimension_numbers<[1], [0], [0], [1], [0, 0, 1, 1], [], []>, transpose_lhs_hint = false} : vector<256x3072xbf16>, vector<3072x768xbf16>, vector<256x768xf32> -> vector<256x768xf32>
    %get3A_33 = arith.constant 0 : index
    %get3A_34 = arith.constant 0 : index
    %get3A_35 = arith.constant 0 : index
    %get3A_36 = vector.load %arg6[%get3A_33, %get3A_34, %get3A_35] : memref<1x1x768xf32, #tpu.memory_space<vmem>>, vector<1x1x768xf32>
    %get3A_37 = vector.shape_cast %get3A_36 : vector<1x1x768xf32> to vector<1x768xf32>
    %add3A_38 = vector.broadcast %get3A_37 : vector<1x768xf32> to vector<256x768xf32>
    %add3A_39 = arith.addf %dot_general3A_32, %add3A_38 : vector<256x768xf32>
    %swap3A = arith.constant 0 : index
    %swap3A_40 = arith.constant 0 : index
    %swap3A_41 = vector.load %arg7[%swap3A, %swap3A_40] : memref<256x768xf32, #tpu.memory_space<vmem>>, vector<256x768xf32>
    tpu.vector_store %arg7[%swap3A, %swap3A_40], %add3A_39 {strides = array<i32>} : memref<256x768xf32, #tpu.memory_space<vmem>>, vector<256x768xf32>,
    return
  }
  func.func @transform_0(%arg0: i32, %arg1: memref<32xi32, #tpu.memory_space<smem>>) -> (i32, i32) {
    %c0_i32 = arith.constant 0 : i32
    %c0_i32_0 = arith.constant 0 : i32
    return %arg0, %c0_i32 : i32, i32
  }
  func.func @transform_1(%arg0: i32, %arg1: memref<32xi32, #tpu.memory_space<smem>>) -> (i32, i32, i32) {
    %get3A = arith.index_cast %arg0 : i32 to index
    %get3A_0 = memref.load %arg1[%get3A] : memref<32xi32, #tpu.memory_space<smem>>
    %c0_i32 = arith.constant 0 : i32
    %c0_i32_1 = arith.constant 0 : i32
    %c0_i32_2 = arith.constant 0 : i32
    return %get3A_0, %c0_i32, %c0_i32_1 : i32, i32, i32
  }
  func.func @transform_2(%arg0: i32, %arg1: memref<32xi32, #tpu.memory_space<smem>>) -> (i32, i32, i32) {
    %get3A = arith.index_cast %arg0 : i32 to index
    %get3A_0 = memref.load %arg1[%get3A] : memref<32xi32, #tpu.memory_space<smem>>
    %c0_i32 = arith.constant 0 : i32
    %c0_i32_1 = arith.constant 0 : i32
    %c0_i32_2 = arith.constant 0 : i32
    return %get3A_0, %c0_i32, %c0_i32_1 : i32, i32, i32
  }
  func.func @transform_3(%arg0: i32, %arg1: memref<32xi32, #tpu.memory_space<smem>>) -> (i32, i32, i32) {
    %get3A = arith.index_cast %arg0 : i32 to index
    %get3A_0 = memref.load %arg1[%get3A] : memref<32xi32, #tpu.memory_space<smem>>
    %c0_i32 = arith.constant 0 : i32
    %c0_i32_1 = arith.constant 0 : i32
    %c0_i32_2 = arith.constant 0 : i32
    return %get3A_0, %c0_i32, %c0_i32_1 : i32, i32, i32
  }
  func.func @transform_4(%arg0: i32, %arg1: memref<32xi32, #tpu.memory_space<smem>>) -> (i32, i32, i32) {
    %get3A = arith.index_cast %arg0 : i32 to index
    %get3A_0 = memref.load %arg1[%get3A] : memref<32xi32, #tpu.memory_space<smem>>
    %c0_i32 = arith.constant 0 : i32
    %c0_i32_1 = arith.constant 0 : i32
    %c0_i32_2 = arith.constant 0 : i32
    return %get3A_0, %c0_i32, %c0_i32_1 : i32, i32, i32
  }
  func.func @transform_5(%arg0: i32, %arg1: memref<32xi32, #tpu.memory_space<smem>>) -> (i32, i32) {
    %c0_i32 = arith.constant 0 : i32
    %c0_i32_0 = arith.constant 0 : i32
    return %arg0, %c0_i32 : i32, i32
  }
}

</mosaic_0001>

<sc_bundles>
// kernel: kernel.11.cloned.1.call-start
scs
__scs_entry_jumppad:
0x0: {  	(pc) =	sbr.rel $0x88, $3  }
0x1: {  	(tag) =	ssettag $0x0;
	lr =	simm.s32 $0x1  }
0x2: {  	[smem:$0x3F94] =	sst lr;
	_ =	strace $0xD0000000  }
0x3: {  	_ = 	snop  }
0x4: {  	_ = 	snop  }
0x5: {  	_ = 	snop  }
0x6: {  	_ = 	snop  }
0x7: {  	_ = 	snop  }
__scs_overlays_trampoline_lowered:
0x8: {  	[smem:$0x3FA3] =	sst s0  }
0x9: {  	[smem:$0x3FA4] =	sst s1  }
0xa: {  	[smem:$0x3FA5] =	sst s2  }
0xb: {  	[smem:$0x3FA6] =	sst s3  }
0xc: {  	[smem:$0x3FA7] =	sst s4  }
0xd: {  	[smem:$0x3FA8] =	sst s5  }
0xe: {  	[smem:$0x3FA9] =	sst s6  }
0xf: {  	[smem:$0x3FAA] =	sst s7  }
0x10: {  	[smem:$0x3FAB] =	sst s8  }
0x11: {  	[smem:$0x3FAC] =	sst s9;
	s0 =	simm.s32 @!p0 $0x0  }
0x12: {  	s1 =	sld [smem:$0x3F92];
	s0 =	simm.s32 @p0 $0x1  }
0x13: {  	[smem:$0x3FAD] =	sst s0;
	s0 =	simm.s32 @!p1 $0x0  }
0x14: {  	s2 =	sld [smem:$0x3F91];
	s0 =	simm.s32 @p1 $0x1  }
0x15: {  	[smem:$0x3FAE] =	sst s0;
	s0 =	simm.s32 @!p2 $0x0  }
0x16: {  	s3 =	sld [smem:$0x3FDB];
	s0 =	simm.s32 @p2 $0x1  }
0x17: {  	s4 =	simm.s32 $0x1BF5;
	[smem:$0x3FB0] =	sst s0  }
0x18: {  	s0 =	sld [smem:$0x3F93];
	_ =	swait.ge [sflag:s4], $0x0  }
0x19: {  	s7 =	sld [smem:$0x3F94]  }
0x1a: {  	s8 =	sadd.s32 $0xFFFFE003, lr  }
0x1b: {  	s9 =	sadd.s32 $0xFFFFFEF7, lr;
	s5 =	simm.s32 $0xFFFFFFFF;
	p2 =	slt.u32 s8, $0xFFFFF086  }
0x1c: {  	p1 =	slt.u32 s9, $0xF7A;
	s5 =	simm.s32 @!p2 $0x0  }
0x1d: {  	s5 =	simm.s32 @p1 $0x1;
	p0 =	seq.s32 s7, s2  }
0x1e: {  	s7 =	smul.u32 @!p0 $0xF7A, s2;
	p2 =	seq.s32 @!p0 s5, $0x0  }
0x1f: {  	s9 =	smul.u32 $0xF7A, s1;
	s8 =	simm.s32 @!p0 $0x1BF5;
	p2 =	por !p2, p0  }
0x20: {  	[sflag:s8] =	ssyncset.s32 @!p0 $0xFFFFF086;
	s6 =	sadd.s32 @!p0 s3, s7;
	s7 =	simm.s32 @!p0 $0x108  }
0x21: {  	s3 =	sadd.s32 s3, s9;
	s6 =	sadd.s32 @!p0 $0x88, s6;
	s7 =	simm.s32 @p2 $0x1082  }
0x22: {  	[simem:s7], [sflag:s8] =	dma.local @!p0 [hbm:s6], $0xF7A  }
0x23: {  	s9 =	sor.u32 $0xD0000000, s2;
	s6 =	simm.s32 $0x108;
	_ =	swait.ge @!p0 [sflag:s8], $0x0  }
0x24: {  	s3 =	sadd.s32 $0x88, s3;
	s6 =	simm.s32 @!p1 $0x1082;
	[sflag:s4] =	ssyncset.s32 $0xFFFFF086  }
0x25: {  	[simem:s6], [sflag:s4] =	dma.local [hbm:s3], $0xF7A  }
0x26: {  	[smem:$0x3F94] =	sst s1;
	(tag) =	ssettag s2;
	_ =	strace s9  }
0x27: {  	s1 =	sld [smem:$0x3FA4]  }
0x28: {  	s2 =	sld [smem:$0x3FA5]  }
0x29: {  	s4 =	sld [smem:$0x3FA7]  }
0x2a: {  	p0 =	seq.s32 s5, $0x0;
	s5 =	sld [smem:$0x3FA8]  }
0x2b: {  	s6 =	sld [smem:$0x3FA9]  }
0x2c: {  	s7 =	sld [smem:$0x3FAA]  }
0x2d: {  	s3 =	simm.s32 $0x108;
	s8 =	sld [smem:$0x3FAB]  }
0x2e: {  	s3 =	simm.s32 @!p0 $0x1082;
	s9 =	sld [smem:$0x3FAC]  }
0x2f: {  	lr =	sadd.s32 s0, s3;
	s0 =	sld [smem:$0x3FA3]  }
0x30: {  	s3 =	sld [smem:$0x3FA6]  }
0x31: {  	[smem:$0x3FAF] =	sst s10  }
0x32: {  	s10 =	sld [smem:$0x3FAD];
	_ =	sdelay $0x3  }
0x33: {  	p0 =	seq.s32 s10, $0x1;
	s10 =	sld [smem:$0x3FAF];
	_ =	sdelay $0x3  }
0x34: {  	[smem:$0x3FAF] =	sst s10  }
0x35: {  	s10 =	sld [smem:$0x3FAE];
	_ =	sdelay $0x3  }
0x36: {  	p1 =	seq.s32 s10, $0x1;
	s10 =	sld [smem:$0x3FAF];
	_ =	sdelay $0x3  }
0x37: {  	[smem:$0x3FAF] =	sst s10  }
0x38: {  	s10 =	sld [smem:$0x3FB0]  }
0x39: {  	_ = 	snop;
	(pc) =	sbr.ind lr, $3  }
0x3a: {  	_ = 	snop  }
0x3b: {  	_ = 	snop  }
0x3c: {  	p2 =	seq.s32 s10, $0x1;
	s10 =	sld [smem:$0x3FAF]  }
0x3d: {  	_ =	shalt  }
0x3e: {  	_ =	shalt  }
0x3f: {  	_ =	shalt  }
0x40: {  	_ =	shalt  }
0x41: {  	_ =	shalt  }
0x42: {  	_ =	shalt  }
0x43: {  	_ =	shalt  }
0x44: {  	_ =	shalt  }
0x45: {  	_ =	shalt  }
0x46: {  	_ =	shalt  }
0x47: {  	_ =	shalt  }
0x48: {  	_ =	shalt  }
0x49: {  	_ =	shalt  }
0x4a: {  	_ =	shalt  }
0x4b: {  	_ =	shalt  }
0x4c: {  	_ =	shalt  }
0x4d: {  	_ =	shalt  }
0x4e: {  	_ =	shalt  }
0x4f: {  	_ =	shalt  }
0x50: {  	_ =	shalt  }
0x51: {  	_ =	shalt  }
0x52: {  	_ =	shalt  }
0x53: {  	_ =	shalt  }
0x54: {  	_ =	shalt  }
0x55: {  	_ =	shalt  }
0x56: {  	_ =	shalt  }
0x57: {  	_ =	shalt  }
0x58: {  	_ =	shalt  }
0x59: {  	_ =	shalt  }
0x5a: {  	_ =	shalt  }
0x5b: {  	_ =	shalt  }
0x5c: {  	_ =	shalt  }
0x5d: {  	_ =	shalt  }
0x5e: {  	_ =	shalt  }
0x5f: {  	_ =	shalt  }
0x60: {  	_ =	shalt  }
0x61: {  	_ =	shalt  }
0x62: {  	_ =	shalt  }
0x63: {  	_ =	shalt  }
0x64: {  	_ =	shalt  }
0x65: {  	_ =	shalt  }
0x66: {  	_ =	shalt  }
0x67: {  	_ =	shalt  }
0x68: {  	_ =	shalt  }
0x69: {  	_ =	shalt  }
0x6a: {  	_ =	shalt  }
0x6b: {  	_ =	shalt  }
0x6c: {  	_ =	shalt  }
0x6d: {  	_ =	shalt  }
0x6e: {  	_ =	shalt  }
0x6f: {  	_ =	shalt  }
0x70: {  	_ =	shalt  }
0x71: {  	_ =	shalt  }
0x72: {  	_ =	shalt  }
0x73: {  	_ =	shalt  }
0x74: {  	_ =	shalt  }
0x75: {  	_ =	shalt  }
0x76: {  	_ =	shalt  }
0x77: {  	_ =	shalt  }
0x78: {  	_ =	shalt  }
0x79: {  	_ =	shalt  }
0x7a: {  	_ =	shalt  }
0x7b: {  	_ =	shalt  }
0x7c: {  	_ =	shalt  }
0x7d: {  	_ =	shalt  }
0x7e: {  	_ =	shalt  }
0x7f: {  	_ =	shalt  }
0x80: {  	_ =	shalt  }
0x81: {  	_ =	shalt  }
0x82: {  	_ =	shalt  }
0x83: {  	_ =	shalt  }
0x84: {  	_ =	shalt  }
0x85: {  	_ =	shalt  }
0x86: {  	_ =	shalt  }
0x87: {  	_ =	shalt  }
.Lfunc_end0:
.L_simem_size_0:
called_computation.1_lowered:
.L_overlay_start_0:
0x88: {  	s2 =	sld [smem:$0x3FD9]  }
0x89: {  	s3 =	sld [smem:$0x3FFE];
	_ =	sdelay $0x1  }
0x8a: {  	s1 =	srdreg.scid  }
0x8b: {  	s0 =	sand.u32 $0x1, s1  }
0x8c: {  	s14 =	sshll.u32 s0, $0xA;
	s2 =	sadd.s32 s3, s2  }
0x8d: {  	s2 =	sadd.s32 s2, s14  }
0x8e: {  	[smem:$0x3FBB] =	sst s2  }
0x8f: {  	_ = 	snop  }
0x90: {  	s2 =	sld [smem:$0x3FD0];
	_ =	sdelay $0x2  }
0x91: {  	s15 =	simm.s32 $0xA;
	s4 =	simm.s32 $0x10  }
0x92: {  	[smem:s4], [sflag:s15] =	dma.local [hbm:s2], $0x1  }
0x93: {  	_ =	swait.eq [sflag:s15], $0x1  }
0x94: {  	[sflag:s15] =	ssyncset.done $0x0  }
0x95: {  	[sflag:s15] =	ssyncadd.s32 $0xFFFFFFFF  }
0x96: {  	s16 =	sld [smem:$0x10];
	(tm) =	ssettm $0x1  }
0x97: {  	s17 =	sld [smem:$0x3FFB];
	_ =	sdelay $0x3  }
0x98: {  	_ =	strace s17  }
0x99: {  	s3 =	sld [smem:$0x3FFC];
	_ =	sdelay $0x3  }
0x9a: {  	_ =	strace s3  }
0x9b: {  	s3 =	sld [smem:$0x3FFD];
	_ =	sdelay $0x3  }
0x9c: {  	_ =	strace s3  }
0x9d: {  	_ =	strace $0x8FFFFFFF  }
0x9e: {  	s18 =	sld [smem:$0x3FDB];
	_ =	sdelay $0x1  }
0x9f: {  	s19 =	simm.s32 $_scs_section_size  }
0xa0: {  	s5 =	simm.s32 $_size__tile_overlayer_lowered;
	s6 =	simm.s32 $_tile_overlayer_lowered  }
0xa1: {  	s22 =	simm.s32 $0x1BFF;
	s21 =	sshll.u32 s6, $0x1;
	s3 =	sadd.s32 s19, s18  }
0xa2: {  	s7 =	simm.s32 $0x0;
	s20 =	sshll.u32 s5, $0x1;
	s5 =	sadd.s32 s21, s3  }
0xa3: {  	[timem:s7], [sflag:s22] =	dma.local [hbm:s5], s20  }
0xa4: {  	_ =	swait.ge [sflag:s22], s20  }
0xa5: {  	s4 =	ssub.s32 $0x0, s20;
	[sflag:s22] =	ssyncset.done $0x0  }
0xa6: {  	[sflag:s22] =	ssyncadd.s32 s4;
	_ =	sdelay $0x1  }
0xa7: {  	s23 =	simm.s32 $0x1B8B  }
0xa8: {  	_ =	swait.ge [sflag:s23], $0x1  }
0xa9: {  	[sflag:s23] =	ssyncset.done $0x0  }
0xaa: {  	s25 =	simm.s32 $0x1B8E;
	s24 =	sld [smem:$0x3FFE];
	[sflag:s23] =	ssyncadd.s32 $0xFFFFFFFF  }
0xab: {  	s26 =	simm.s32 $execute0_lowered;
	[smem:$0x3FD2] =	sst s25  }
0xac: {  	s5 =	sshll.u32 s26, $0x1;
	_ =	strace $0x80000049;
	[dreg:$0x1] =	wrdreg $0xFFFFFFFF  }
0xad: {  	s28 =	simm.s32 $_size_execute0_lowered;
	s3 =	sadd.s32 s3, s5;
	[dreg:$0x0] =	wrdreg $0x0  }
0xae: {  	s5 =	sshll.u32 s28, $0x1;
	[dreg:$0x2] =	wrdreg s3  }
0xaf: {  	[dreg:$0x3] =	wrdreg s5  }
0xb0: {  	[dreg:$0x4] =	wrdreg $0xC0  }
0xb1: {  	_ =	task [dreg:s7], $0x5FFFF  }
0xb2: {  	[dreg:$0x1] =	wrdreg $0xFFFFFFFF  }
0xb3: {  	[dreg:$0x0] =	wrdreg $0x60  }
0xb4: {  	[dreg:$0x2] =	wrdreg s24  }
0xb5: {  	[dreg:$0x3] =	wrdreg s16  }
0xb6: {  	[dreg:$0x4] =	wrdreg $0x9  }
0xb7: {  	_ =	task.clear_ibuf [dreg:s7], $0x5FFFF;
	_ =	strace $0x90000049  }
0xb8: {  	s29 =	simm.s32 $0x9;
	_ =	strace $0x8000004B  }
0xb9: {  	_ =	swait.ge [sflag:s29], $0x1  }
0xba: {  	[sflag:s29] =	ssyncadd.s32 $0xFFFFFFFF  }
0xbb: {  	_ =	strace $0x9000004B  }
0xbc: {  	_ =	sfence  }
0xbd: {  	s30 =	sld [smem:$0x0];
	_ =	sdelay $0x2  }
0xbe: {  	s31 =	sshll.u32 s1, $0xD;
	s1 =	sshrl.u32 s1, $0x2  }
0xbf: {  	s3 =	sand.u32 $0x4000, s31;
	s1 =	sadd.s32 s1, s30  }
0xc0: {  	s0 =	sor.u32 s3, s0;
	s1 =	sshll.u32 s1, $0x11  }
0xc1: {  	s0 =	sor.u32 s1, s0  }
0xc2: {  	s0 =	sadd.s32 $0x8F2B, s0  }
0xc3: {  	[sflag:s0] =	ssyncadd.remote.s32 $0x1  }
0xc4: {  	_ =	sfence.sel $0xFFFF  }
0xc5: {  	[dreg:$0x0] =	wrdreg $0xFFFFFFFF;
	(pc) =	sbr.abs _section_cstart, $3  }
0xc6: {  	[dreg:$0x1] =	wrdreg $0xFFFFFFFF  }
0xc7: {  	_ =	task.clear_ibuf [dreg:s7], $0x2FFFF;
	_ =	strace $0x9FFFFFFF  }
0xc8: {  	(tm) =	ssettm $0x7FFFFFFF  }
0xc9: {  	_ =	shalt  }
tec
execute0_lowered:
.L_overlay_start_1:
0x0: {  	(tag) =	ssettag $0x1  }
0x1: {  	s0 =	rddreg [dreg:$0x0]  }
0x2: {  	s2 =	rddreg [dreg:$0x1];
	s1 =	simm.s32 $0x0  }
0x3: {  	s3 =	srdreg.scid;
	s6 =	stileid.u32;
	s17 =	simm.s32 $0x2  }
0x4: {  	s19 =	simm.s32 $0x100;
	s18 =	simm.s32 $0x1;
	s28 =	simm.s32 $0x11100  }
0x5: {  	s29 =	simm.s32 $0x11900;
	s30 =	simm.s32 $0x12900;
	[smem:$0x7FF] =	sst s1  }
0x6: {  	s4 =	sadd.s32 $0xAE00, s0;
	s5 =	sand.u32 $0x1, s3;
	s3 =	sadd.s32 $0xC6200, s0  }
0x7: {  	s6 =	sshll.u32 s6, $0x7;
	s13 =	sadd.s32 $0x2C00, s0;
	s7 =	sshll.u32 s5, $0x6  }
0x8: {  	s12 =	sadd.s32 $0xC4E00, s0;
	s5 =	ssub.s32 $0x2, s5;
	s6 =	sor.u32 s7, s6  }
0x9: {  	_ =	strace $0x8000004A;
	s8 =	sshrl.u32 s5, $0x1;
	s11 =	sshll.u32 s6, $0x1  }
0xa: {  	s5 =	ssub.s32 s5, s8;
	s9 =	sshrl.u32 s6, $0x3;
	s22 =	sshll.u32 s6, $0x4  }
0xb: {  	s6 =	sor.u32 $0x20, s6;
	s14 =	sand.u32 $0xF00, s11;
	s20 =	sor.u32 s7, s11  }
0xc: {  	s10 =	smul.u32 $0x300, s9;
	s9 =	sadd.s32 $0xC6400, s0;
	s24 =	sand.u32 $0x60, s6  }
0xd: {  	s31 =	sshrl.u32 s6, $0x3;
	s6 =	sshll.u32 s6, $0x4;
	s16 =	smax.u32 s5, $0x1  }
0xe: {  	s5 =	simm.s32 $0x10900;
	s7 =	sor.u32 s7, s14;
	s8 =	sshrl.u32 s20, $0x3  }
0xf: {  	s26 =	sor.u32 s24, s14;
	s15 =	smul.u32 $0x300, s31;
	s20 =	simm.s32 $0x1100  }
0x10: {  	s7 =	sshrl.u32 s7, $0x3;
	s8 =	sor.u32 $0x10, s8;
	s23 =	sadd.s32 s4, s10  }
0x11: {  	s25 =	sadd.s32 s2, s10;
	s7 =	sadd.s32 s12, s7;
	[dreg:$0x6] =	wrdreg s23  }
0x12: {  	s21 =	sadd.s32 s12, s8;
	s8 =	sadd.s32 $0xC6300, s0;
	[dreg:$0x7] =	wrdreg s25  }
0x13: {  	s0 =	sor.u32 s11, s24;
	s14 =	sadd.s32 s4, s15;
	s15 =	sadd.s32 s2, s15  }
0x14: {  	s23 =	simm.s32 $0xE100;
	s24 =	simm.s32 $0xE900;
	[dreg:$0x3] =	wrdreg s7  }
0x15: {  	v0 =	vlaneseq.u32;
	s25 =	simm.s32 $0xF100;
	s4 =	simm.s32 $0xF900;
	[dreg:$0x4] =	wrdreg s21  }
0x16: {  	v1 =	vand.u32 $0x7, v0;
	v63 =	vshrl.u32 v0, $0x3;
	s7 =	sadd.s32 s13, s22;
	s0 =	sshrl.u32 s0, $0x3;
	s13 =	sadd.s32 s13, s6  }
0x17: {  	v0 =	vor.u32 $0x8, v0;
	[tilespmem:$0x1FFD0] =	vst v1;
	v1 =	vmul.u32 $0x8, v63;
	s22 =	simm.s32 $0xD900;
	s6 =	simm.s32 $0x12100;
	[dreg:$0x5] =	wrdreg s7  }
0x18: {  	[tilespmem:$0x1FFF0] =	vst v0;
	s7 =	sshrl.u32 s26, $0x3;
	s0 =	sor.u32 $0x10, s0;
	s26 =	simm.s32 $0x10100  }
0x19: {  	vm0 =	vmmov $0xffff;
	[tilespmem:$0x1FFE0] =	vst v1;
	s11 =	sadd.s32 s12, s7;
	s12 =	sadd.s32 s12, s0;
	s7 =	simm.s32 $0x0  }
.LBB2_1:
0x1a: {  	s0 =	rddreg [dreg:$0x3]  }
0x1b: {  	[tilespmem:s1], [sflag:$0x2] =	stream.linear.gather [hbm4b:s0+s1], $0x20, $0x38;
	[tilespmem:$0x13100] =	vst v63  }
0x1c: {  	_ =	swait.ge [sflag:s17], $0x20  }
0x1d: {  	[sflag:s17] =	ssyncset.done $0x0  }
0x1e: {  	s2 =	simm.s32 $0x80;
	s21 =	rddreg [dreg:$0x4];
	[sflag:s17] =	ssyncadd.s32 $0xFFFFFFE0  }
0x1f: {  	[tilespmem:s2], [sflag:$0x2] =	stream.linear.gather [hbm4b:s21+s1], $0x20, $0x38;
	[tilespmem:$0x13100] =	vst v63  }
0x20: {  	_ =	swait.ge [sflag:s17], $0x20  }
0x21: {  	[sflag:s17] =	ssyncset.done $0x0  }
0x22: {  	s10 =	rddreg [dreg:$0x5];
	[sflag:s17] =	ssyncadd.s32 $0xFFFFFFE0  }
0x23: {  	[tilespmem:s19], [sflag:$0x2] =	stream.linear.gather [hbm4b:s10+s1], $0x1000, $0x38;
	[tilespmem:$0x13100] =	vst v63  }
0x24: {  	_ =	swait.ge [sflag:s17], $0x1000  }
0x25: {  	[sflag:s17] =	ssyncset.done $0x0  }
0x26: {  	s21 =	rddreg [dreg:$0x6];
	[sflag:s17] =	ssyncadd.s32 $0xFFFFF000  }
0x27: {  	[tilespmem:s20], [sflag:$0x2] =	stream.linear.gather [hbm4b:s21+s1], $0x6000, $0x38;
	[tilespmem:$0x13100] =	vst v63  }
0x28: {  	_ =	swait.ge [sflag:s17], $0x6000  }
0x29: {  	[sflag:s17] =	ssyncset.done $0x0  }
0x2a: {  	[sflag:s17] =	ssyncadd.s32 $0xFFFFA000  }
0x2b: {  	v0 =	vld [tilespmem:$0x0];
	_ =	sdelay $0x3  }
0x2c: {  	v2 =	vld [tilespmem:$0x1FFD0]  }
0x2d: {  	v1 =	vshrl.u32 v0, $0x3  }
0x2e: {  	v3 =	vld [tilespmem:$0x1FFE0];
	v1 =	vmul.u32 $0x30, v1  }
0x2f: {  	v0 =	vand.u32 $0x7, v0  }
0x30: {  	v0 =	vor.u32 v0, v1  }
0x31: {  	v1 =	vperm.xlane v0, v2  }
0x32: {  	v4 =	vld [tilespmem:$0x1FFF0]  }
0x33: {  	v1 =	vadd.s32 v3, v1;
	_ =	sdelay $0x3  }
0x34: {  	s2 =	simm.s32 $0x7100;
	v0 =	vperm.xlane v0, v4  }
0x35: {  	[tilespmem:s2], [sflag:$0x1] =	stream.indirect_vreg.gather [hbm4b:s3+s1], $0x80, v1, vm0, $0xb8;
	[tilespmem:$0x13100] =	vst v63  }
0x36: {  	s10 =	simm.s32 $0x7900;
	v0 =	vadd.s32 v3, v0  }
0x37: {  	[tilespmem:s10], [sflag:$0x1] =	stream.indirect_vreg.gather [hbm4b:s8+s1], $0x80, v1, vm0, $0xb8;
	[tilespmem:$0x13100] =	vst v63  }
0x38: {  	s21 =	simm.s32 $0x8100  }
0x39: {  	[tilespmem:s21], [sflag:$0x1] =	stream.indirect_vreg.gather [hbm4b:s9+s1], $0x80, v1, vm0, $0xb8;
	[tilespmem:$0x13100] =	vst v63  }
0x3a: {  	s2 =	simm.s32 $0x8900  }
0x3b: {  	[tilespmem:s2], [sflag:$0x1] =	stream.indirect_vreg.gather [hbm4b:s3+s1], $0x80, v0, vm0, $0xb8;
	[tilespmem:$0x13100] =	vst v63  }
0x3c: {  	s10 =	simm.s32 $0x9100  }
0x3d: {  	[tilespmem:s10], [sflag:$0x1] =	stream.indirect_vreg.gather [hbm4b:s8+s1], $0x80, v0, vm0, $0xb8;
	[tilespmem:$0x13100] =	vst v63  }
0x3e: {  	s21 =	simm.s32 $0x9900  }
0x3f: {  	[tilespmem:s21], [sflag:$0x1] =	stream.indirect_vreg.gather [hbm4b:s9+s1], $0x80, v0, vm0, $0xb8;
	[tilespmem:$0x13100] =	vst v63  }
0x40: {  	v0 =	vld [tilespmem:$0x10];
	_ =	sdelay $0x4  }
0x41: {  	v1 =	vshrl.u32 v0, $0x3  }
0x42: {  	v1 =	vmul.u32 $0x30, v1  }
0x43: {  	v0 =	vand.u32 $0x7, v0  }
0x44: {  	v0 =	vor.u32 v0, v1  }
0x45: {  	v1 =	vperm.xlane v0, v2;
	_ =	sdelay $0x1  }
0x46: {  	v1 =	vadd.s32 v3, v1;
	_ =	sdelay $0x3  }
0x47: {  	s2 =	simm.s32 $0xA100;
	v0 =	vperm.xlane v0, v4  }
0x48: {  	[tilespmem:s2], [sflag:$0x1] =	stream.indirect_vreg.gather [hbm4b:s3+s1], $0x80, v1, vm0, $0xb8;
	[tilespmem:$0x13100] =	vst v63  }
0x49: {  	s10 =	simm.s32 $0xA900;
	v0 =	vadd.s32 v3, v0  }
0x4a: {  	[tilespmem:s10], [sflag:$0x1] =	stream.indirect_vreg.gather [hbm4b:s8+s1], $0x80, v1, vm0, $0xb8;
	[tilespmem:$0x13100] =	vst v63  }
0x4b: {  	s21 =	simm.s32 $0xB100  }
0x4c: {  	[tilespmem:s21], [sflag:$0x1] =	stream.indirect_vreg.gather [hbm4b:s9+s1], $0x80, v1, vm0, $0xb8;
	[tilespmem:$0x13100] =	vst v63  }
0x4d: {  	s2 =	simm.s32 $0xB900  }
0x4e: {  	[tilespmem:s2], [sflag:$0x1] =	stream.indirect_vreg.gather [hbm4b:s3+s1], $0x80, v0, vm0, $0xb8;
	[tilespmem:$0x13100] =	vst v63  }
0x4f: {  	s10 =	simm.s32 $0xC100  }
0x50: {  	[tilespmem:s10], [sflag:$0x1] =	stream.indirect_vreg.gather [hbm4b:s8+s1], $0x80, v0, vm0, $0xb8;
	[tilespmem:$0x13100] =	vst v63  }
0x51: {  	s21 =	simm.s32 $0xC900  }
0x52: {  	[tilespmem:s21], [sflag:$0x1] =	stream.indirect_vreg.gather [hbm4b:s9+s1], $0x80, v0, vm0, $0xb8;
	[tilespmem:$0x13100] =	vst v63  }
0x53: {  	_ =	swait.ge [sflag:s18], $0x6000  }
0x54: {  	[sflag:s18] =	ssyncset.done $0x0  }
0x55: {  	[sflag:s18] =	ssyncadd.s32 $0xFFFFA000  }
0x56: {  	v0 =	vld [tilespmem:$0x80];
	_ =	sdelay $0x4  }
0x57: {  	v1 =	vshrl.u32 v0, $0x3  }
0x58: {  	v1 =	vmul.u32 $0x30, v1  }
0x59: {  	v0 =	vand.u32 $0x7, v0  }
0x5a: {  	v0 =	vor.u32 v0, v1  }
0x5b: {  	v1 =	vperm.xlane v0, v2;
	_ =	sdelay $0x1  }
0x5c: {  	v1 =	vadd.s32 v3, v1;
	_ =	sdelay $0x3  }
0x5d: {  	s2 =	simm.s32 $0xD100;
	v0 =	vperm.xlane v0, v4  }
0x5e: {  	[tilespmem:s2], [sflag:$0x1] =	stream.indirect_vreg.gather [hbm4b:s3+s1], $0x80, v1, vm0, $0xb8;
	[tilespmem:$0x13100] =	vst v63  }
0x5f: {  	v0 =	vadd.s32 v3, v0  }
0x60: {  	[tilespmem:s22], [sflag:$0x1] =	stream.indirect_vreg.gather [hbm4b:s8+s1], $0x80, v1, vm0, $0xb8;
	[tilespmem:$0x13100] =	vst v63  }
0x61: {  	_ = 	snop  }
0x62: {  	[tilespmem:s23], [sflag:$0x1] =	stream.indirect_vreg.gather [hbm4b:s9+s1], $0x80, v1, vm0, $0xb8;
	[tilespmem:$0x13100] =	vst v63  }
0x63: {  	_ = 	snop  }
0x64: {  	[tilespmem:s24], [sflag:$0x1] =	stream.indirect_vreg.gather [hbm4b:s3+s1], $0x80, v0, vm0, $0xb8;
	[tilespmem:$0x13100] =	vst v63  }
0x65: {  	_ = 	snop  }
0x66: {  	[tilespmem:s25], [sflag:$0x1] =	stream.indirect_vreg.gather [hbm4b:s8+s1], $0x80, v0, vm0, $0xb8;
	[tilespmem:$0x13100] =	vst v63  }
0x67: {  	_ = 	snop  }
0x68: {  	[tilespmem:s4], [sflag:$0x1] =	stream.indirect_vreg.gather [hbm4b:s9+s1], $0x80, v0, vm0, $0xb8;
	[tilespmem:$0x13100] =	vst v63  }
0x69: {  	v0 =	vld [tilespmem:$0x90];
	_ =	sdelay $0x4  }
0x6a: {  	v1 =	vshrl.u32 v0, $0x3  }
0x6b: {  	v1 =	vmul.u32 $0x30, v1  }
0x6c: {  	v0 =	vand.u32 $0x7, v0  }
0x6d: {  	v0 =	vor.u32 v0, v1  }
0x6e: {  	v1 =	vperm.xlane v0, v2;
	_ =	sdelay $0x1  }
0x6f: {  	v1 =	vadd.s32 v3, v1;
	_ =	sdelay $0x3  }
0x70: {  	v0 =	vperm.xlane v0, v4  }
0x71: {  	[tilespmem:s26], [sflag:$0x1] =	stream.indirect_vreg.gather [hbm4b:s3+s1], $0x80, v1, vm0, $0xb8;
	[tilespmem:$0x13100] =	vst v63  }
0x72: {  	v0 =	vadd.s32 v3, v0  }
0x73: {  	[tilespmem:s5], [sflag:$0x1] =	stream.indirect_vreg.gather [hbm4b:s8+s1], $0x80, v1, vm0, $0xb8;
	[tilespmem:$0x13100] =	vst v63  }
0x74: {  	_ = 	snop  }
0x75: {  	[tilespmem:s28], [sflag:$0x1] =	stream.indirect_vreg.gather [hbm4b:s9+s1], $0x80, v1, vm0, $0xb8;
	[tilespmem:$0x13100] =	vst v63  }
0x76: {  	_ = 	snop  }
0x77: {  	[tilespmem:s29], [sflag:$0x1] =	stream.indirect_vreg.gather [hbm4b:s3+s1], $0x80, v0, vm0, $0xb8;
	[tilespmem:$0x13100] =	vst v63  }
0x78: {  	_ = 	snop  }
0x79: {  	[tilespmem:s6], [sflag:$0x1] =	stream.indirect_vreg.gather [hbm4b:s8+s1], $0x80, v0, vm0, $0xb8;
	[tilespmem:$0x13100] =	vst v63  }
0x7a: {  	s10 =	simm.s32 $0x0  }
0x7b: {  	[tilespmem:s30], [sflag:$0x1] =	stream.indirect_vreg.gather [hbm4b:s9+s1], $0x80, v0, vm0, $0xb8;
	[tilespmem:$0x13100] =	vst v63  }
0x7c: {  	s0 =	smul.u32 $0x1800, s10;
	_ =	swait.ge [sflag:s18], $0x6000  }
0x7d: {  	s21 =	sand.u32 $0x380, s1;
	[sflag:s18] =	ssyncset.done $0x0  }
0x7e: {  	s31 =	sor.u32 s21, s0;
	[sflag:s18] =	ssyncadd.s32 $0xFFFFA000  }
0x7f: {  	v0 =	vld [tilespmem:s31+$0xD100];
	_ =	sdelay $0x4  }
0x80: {  	[tilespmem:$0x1FE40] =	vst v0;
	v0 =	vld [tilespmem:s31+$0x1110];
	_ =	sdelay $0x4  }
0x81: {  	[tilespmem:$0x1FE50] =	vst v0;
	v0 =	vld [tilespmem:s31+$0xD110];
	_ =	sdelay $0x4  }
0x82: {  	[tilespmem:$0x1FE60] =	vst v0;
	v0 =	vld [tilespmem:s31+$0x1120];
	_ =	sdelay $0x4  }
0x83: {  	[tilespmem:$0x1FE70] =	vst v0;
	v0 =	vld [tilespmem:s31+$0xD120];
	_ =	sdelay $0x4  }
0x84: {  	[tilespmem:$0x1FE80] =	vst v0;
	v0 =	vld [tilespmem:s31+$0x1130];
	_ =	sdelay $0x4  }
0x85: {  	[tilespmem:$0x1FE90] =	vst v0;
	v0 =	vld [tilespmem:s31+$0xD130];
	_ =	sdelay $0x4  }
0x86: {  	[tilespmem:$0x1FEA0] =	vst v0;
	v0 =	vld [tilespmem:s31+$0x1140];
	_ =	sdelay $0x4  }
0x87: {  	[tilespmem:$0x1FEB0] =	vst v0;
	v0 =	vld [tilespmem:s31+$0xD140];
	_ =	sdelay $0x4  }
0x88: {  	[tilespmem:$0x1FEC0] =	vst v0;
	v0 =	vld [tilespmem:s31+$0x1150];
	_ =	sdelay $0x4  }
0x89: {  	[tilespmem:$0x1FED0] =	vst v0;
	v0 =	vld [tilespmem:s31+$0xD150];
	_ =	sdelay $0x4  }
0x8a: {  	[tilespmem:$0x1FEE0] =	vst v0;
	v0 =	vld [tilespmem:s31+$0x1160];
	_ =	sdelay $0x4  }
0x8b: {  	[tilespmem:$0x1FEF0] =	vst v0;
	v0 =	vld [tilespmem:s31+$0xD160];
	_ =	sdelay $0x3  }
0x8c: {  	v28 =	vld [tilespmem:s31+$0x1550]  }
0x8d: {  	[tilespmem:$0x1FF00] =	vst v0;
	v0 =	vld [tilespmem:s31+$0x1170]  }
0x8e: {  	v29 =	vld [tilespmem:s31+$0xD550]  }
0x8f: {  	v30 =	vld [tilespmem:s31+$0x1560]  }
0x90: {  	v31 =	vld [tilespmem:s31+$0xD560]  }
0x91: {  	v32 =	vld [tilespmem:s31+$0x1570]  }
0x92: {  	[tilespmem:$0x1FF10] =	vst v0;
	v0 =	vld [tilespmem:s31+$0xD170]  }
0x93: {  	v33 =	vld [tilespmem:s31+$0xD570]  }
0x94: {  	v34 =	vld [tilespmem:s31+$0x1900]  }
0x95: {  	v35 =	vld [tilespmem:s31+$0xD900]  }
0x96: {  	v36 =	vld [tilespmem:s31+$0x1910]  }
0x97: {  	[tilespmem:$0x1FF20] =	vst v0;
	v0 =	vld [tilespmem:s31+$0x1500]  }
0x98: {  	v37 =	vld [tilespmem:s31+$0xD910]  }
0x99: {  	v38 =	vld [tilespmem:s31+$0x1920]  }
0x9a: {  	v39 =	vld [tilespmem:s31+$0xD920]  }
0x9b: {  	v40 =	vld [tilespmem:s31+$0xD930]  }
0x9c: {  	[tilespmem:$0x1FF30] =	vst v0;
	v0 =	vld [tilespmem:s31+$0xD500]  }
0x9d: {  	v41 =	vld [tilespmem:s31+$0x1940]  }
0x9e: {  	v42 =	vld [tilespmem:s31+$0xD940]  }
0x9f: {  	v43 =	vld [tilespmem:s31+$0x1950]  }
0xa0: {  	v44 =	vld [tilespmem:s31+$0xD950]  }
0xa1: {  	[tilespmem:$0x1FF40] =	vst v0;
	v0 =	vld [tilespmem:s31+$0x1510]  }
0xa2: {  	v45 =	vld [tilespmem:s31+$0x1960]  }
0xa3: {  	v46 =	vld [tilespmem:s31+$0xD960]  }
0xa4: {  	v47 =	vld [tilespmem:s31+$0xD970]  }
0xa5: {  	v48 =	vld [tilespmem:s31+$0x1D00]  }
0xa6: {  	[tilespmem:$0x1FF50] =	vst v0;
	v0 =	vld [tilespmem:s31+$0xD510]  }
0xa7: {  	v49 =	vld [tilespmem:s31+$0xDD00]  }
0xa8: {  	v50 =	vld [tilespmem:s31+$0xDD10]  }
0xa9: {  	v51 =	vld [tilespmem:s31+$0x1D20]  }
0xaa: {  	v55 =	vld [tilespmem:s31+$0xDD20]  }
0xab: {  	[tilespmem:$0x1FF60] =	vst v0;
	v0 =	vld [tilespmem:s31+$0x1520]  }
0xac: {  	v54 =	vld [tilespmem:s31+$0x1D30]  }
0xad: {  	v56 =	vld [tilespmem:s31+$0xDD30]  }
0xae: {  	v57 =	vld [tilespmem:s31+$0x1D40]  }
0xaf: {  	v58 =	vld [tilespmem:s31+$0xDD40]  }
0xb0: {  	[tilespmem:$0x1FF70] =	vst v0;
	v0 =	vld [tilespmem:s31+$0xD520]  }
0xb1: {  	v59 =	vld [tilespmem:s31+$0xDD50]  }
0xb2: {  	v60 =	vld [tilespmem:s31+$0x1D60]  }
0xb3: {  	v61 =	vld [tilespmem:s31+$0xDD60]  }
0xb4: {  	v62 =	vld [tilespmem:s31+$0xDD70]  }
0xb5: {  	[tilespmem:$0x1FF80] =	vst v0;
	v0 =	vld [tilespmem:s31+$0x1530]  }
0xb6: {  	v63 =	vld [tilespmem:s31+$0x2100]  }
0xb7: {  	v2 =	vld [tilespmem:s31+$0x2110]  }
0xb8: {  	v1 =	vld [tilespmem:s31+$0xE110]  }
0xb9: {  	v3 =	vld [tilespmem:s31+$0x2120]  }
0xba: {  	[tilespmem:$0x1FF90] =	vst v0;
	v0 =	vld [tilespmem:s31+$0xD530]  }
0xbb: {  	v4 =	vld [tilespmem:s31+$0xE120]  }
0xbc: {  	v5 =	vld [tilespmem:s31+$0xE130]  }
0xbd: {  	v6 =	vld [tilespmem:s31+$0x2140]  }
0xbe: {  	v7 =	vld [tilespmem:s31+$0xE140]  }
0xbf: {  	[tilespmem:$0x1FFA0] =	vst v0;
	v0 =	vld [tilespmem:s31+$0x1540]  }
0xc0: {  	v8 =	vld [tilespmem:s31+$0xE150]  }
0xc1: {  	v9 =	vld [tilespmem:s31+$0x2160]  }
0xc2: {  	v10 =	vld [tilespmem:s31+$0xE160]  }
0xc3: {  	v11 =	vld [tilespmem:s31+$0x2170]  }
0xc4: {  	[tilespmem:$0x1FFB0] =	vst v0;
	v0 =	vld [tilespmem:s31+$0xD540]  }
0xc5: {  	v12 =	vld [tilespmem:s31+$0xE170]  }
0xc6: {  	v13 =	vld [tilespmem:s31+$0x2500]  }
0xc7: {  	v14 =	vld [tilespmem:s31+$0x2510]  }
0xc8: {  	v15 =	vld [tilespmem:s31+$0xE510]  }
0xc9: {  	s21 =	simm.s32 $0x0;
	s0 =	simm.s32 $0x1;
	s2 =	simm.s32 $0x0;
	[tilespmem:$0x1FFC0] =	vst v0;
	v0 =	vld [tilespmem:s31+$0xE100]  }
.LBB2_2:
0xca: {  	v16 =	vld [tilespmem:s31+$0xE530]  }
0xcb: {  	v52 =	vmov s21;
	v17 =	vld [tilespmem:s31+$0x8500]  }
0xcc: {  	v18 =	vld [tilespmem:s31+$0x8510]  }
0xcd: {  	v19 =	vld [tilespmem:s31+$0x8520]  }
0xce: {  	v20 =	vld [tilespmem:s31+$0x8530];
	v53 =	vor.u32 $0x1, v52  }
0xcf: {  	v21 =	vld [tilespmem:s31+$0x2530]  }
0xd0: {  	v52 =	vld.idx.msk [tilespmem:v52+s19+$0x0], $0xffff  }
0xd1: {  	v22 =	vld [tilespmem:s31+$0x2520]  }
0xd2: {  	v26 =	vld [tilespmem:s31+$0x8160]  }
0xd3: {  	v53 =	vld.idx.msk [tilespmem:v53+s19+$0x0], $0xffff  }
0xd4: {  	v23 =	vld [tilespmem:s31+$0xE520]  }
0xd5: {  	v24 =	vld [tilespmem:s31+$0xE500];
	v19 =	vmul.f32 v19, v52  }
0xd6: {  	v25 =	vld [tilespmem:s31+$0x8170];
	v20 =	vmul.f32 v20, v52;
	v17 =	vmul.f32 v17, v52  }
0xd7: {  	v18 =	vmul.f32 v18, v52;
	v26 =	vmul.f32 v26, v52  }
0xd8: {  	v27 =	vld [tilespmem:s31+$0x8150];
	v16 =	vmul.f32 v16, v53;
	v15 =	vmul.f32 v15, v53  }
0xd9: {  	v10 =	vmul.f32 v10, v53;
	v19 =	vadd.f32 v19, v22;
	v20 =	vadd.f32 v20, v21;
	v21 =	vld [tilespmem:s31+$0x8140]  }
0xda: {  	v14 =	vadd.f32 v18, v14;
	v18 =	vmul.f32 v23, v53;
	v22 =	vld [tilespmem:s31+$0x2150];
	v13 =	vadd.f32 v17, v13  }
0xdb: {  	v17 =	vmul.f32 v24, v53;
	v24 =	vmul.f32 v25, v52;
	v25 =	vld [tilespmem:s31+$0x8120];
	v9 =	vadd.f32 v26, v9  }
0xdc: {  	v16 =	vadd.f32 v16, v20;
	v20 =	vld [tilespmem:s31+$0x8130];
	v14 =	vadd.f32 v15, v14  }
0xdd: {  	v15 =	vadd.f32 v18, v19;
	v9 =	vadd.f32 v10, v9;
	v10 =	vld [tilespmem:s31+$0x7D60]  }
0xde: {  	v12 =	vmul.f32 v12, v53;
	v11 =	vadd.f32 v24, v11;
	[tilespmem:s31+$0x2530] =	vst v16;
	v16 =	vld [tilespmem:s31+$0x2130]  }
0xdf: {  	v13 =	vadd.f32 v17, v13;
	v17 =	vmul.f32 v27, v52;
	[tilespmem:s31+$0x2520] =	vst v15;
	v15 =	vld [tilespmem:s31+$0x8110]  }
0xe0: {  	[tilespmem:s31+$0x2510] =	vst v14;
	v14 =	vld [tilespmem:s31+$0x8100];
	v11 =	vadd.f32 v12, v11;
	v21 =	vmul.f32 v21, v52  }
0xe1: {  	v8 =	vmul.f32 v8, v53;
	v12 =	vld [tilespmem:s31+$0x7D70];
	v17 =	vadd.f32 v17, v22  }
0xe2: {  	v7 =	vmul.f32 v7, v53;
	v18 =	vmul.f32 v25, v52;
	[tilespmem:s31+$0x2170] =	vst v11;
	v11 =	vld [tilespmem:s31+$0x1D70];
	v6 =	vadd.f32 v21, v6  }
0xe3: {  	v5 =	vmul.f32 v5, v53;
	v4 =	vmul.f32 v4, v53;
	v8 =	vadd.f32 v8, v17;
	v17 =	vld [tilespmem:$0x1FF30]  }
0xe4: {  	[tilespmem:s31+$0x2500] =	vst v13;
	v13 =	vmul.f32 v20, v52;
	v3 =	vadd.f32 v18, v3;
	v6 =	vadd.f32 v7, v6;
	v7 =	vld [tilespmem:s31+$0x7D50]  }
0xe5: {  	v1 =	vmul.f32 v1, v53;
	v0 =	vmul.f32 v0, v53;
	[tilespmem:s31+$0x2150] =	vst v8;
	v8 =	vld [tilespmem:s31+$0x7D40]  }
0xe6: {  	[tilespmem:s31+$0x2160] =	vst v9;
	v13 =	vadd.f32 v13, v16;
	v9 =	vmul.f32 v15, v52;
	v3 =	vadd.f32 v4, v3;
	v4 =	vld [tilespmem:s31+$0x7D30]  }
0xe7: {  	v14 =	vmul.f32 v14, v52;
	v12 =	vmul.f32 v12, v52;
	v15 =	vld [tilespmem:$0x1FFC0]  }
0xe8: {  	v16 =	vld [tilespmem:$0x1FF70];
	v5 =	vadd.f32 v5, v13;
	v2 =	vadd.f32 v9, v2;
	v9 =	vmul.f32 v10, v52  }
0xe9: {  	[tilespmem:s31+$0x2140] =	vst v6;
	v6 =	vld [tilespmem:s31+$0x1D50];
	v10 =	vmul.f32 v62, v53;
	v13 =	vadd.f32 v14, v63;
	v11 =	vadd.f32 v12, v11  }
0xea: {  	v14 =	vmul.f32 v61, v53;
	[tilespmem:s31+$0x2130] =	vst v5;
	v5 =	vld [tilespmem:s31+$0x7D20];
	v1 =	vadd.f32 v1, v2  }
0xeb: {  	v12 =	vmul.f32 v59, v53;
	v2 =	vld [tilespmem:s31+$0x7D10];
	v0 =	vadd.f32 v0, v13;
	v10 =	vadd.f32 v10, v11  }
0xec: {  	[tilespmem:s31+$0x2120] =	vst v3;
	v11 =	vmul.f32 v58, v53;
	v3 =	vmul.f32 v7, v52;
	v7 =	vadd.f32 v9, v60;
	v9 =	vld [tilespmem:s31+$0x7D00]  }
0xed: {  	v8 =	vmul.f32 v8, v52;
	v4 =	vmul.f32 v4, v52;
	[tilespmem:s31+$0x2110] =	vst v1;
	v1 =	vld [tilespmem:s31+$0x1D10]  }
0xee: {  	v13 =	vmul.f32 v55, v53;
	[tilespmem:s31+$0x2100] =	vst v0;
	v0 =	vld [tilespmem:s31+$0x7970];
	v3 =	vadd.f32 v3, v6;
	v6 =	vadd.f32 v14, v7  }
0xef: {  	[tilespmem:s31+$0x1D70] =	vst v10;
	v10 =	vld [tilespmem:s31+$0x7960];
	v7 =	vmul.f32 v56, v53;
	v8 =	vadd.f32 v8, v57;
	v4 =	vadd.f32 v4, v54  }
0xf0: {  	v5 =	vmul.f32 v5, v52;
	v3 =	vadd.f32 v12, v3;
	[tilespmem:s31+$0x1D60] =	vst v6;
	v6 =	vld [tilespmem:s31+$0x1970];
	v2 =	vmul.f32 v2, v52  }
0xf1: {  	v14 =	vmul.f32 v49, v53;
	v8 =	vadd.f32 v11, v8;
	v11 =	vld [tilespmem:s31+$0x7950];
	v9 =	vmul.f32 v9, v52  }
0xf2: {  	v12 =	vmul.f32 v50, v53;
	v5 =	vadd.f32 v5, v51;
	[tilespmem:s31+$0x1D50] =	vst v3;
	v3 =	vld [tilespmem:s31+$0x7940];
	v1 =	vadd.f32 v2, v1  }
0xf3: {  	v2 =	vadd.f32 v7, v4;
	v4 =	vld [tilespmem:s31+$0x7930];
	v0 =	vmul.f32 v0, v52;
	v7 =	vadd.f32 v9, v48  }
0xf4: {  	[tilespmem:s31+$0x1D40] =	vst v8;
	v8 =	vld [tilespmem:s31+$0x7920];
	v9 =	vmul.f32 v10, v52;
	v10 =	vmul.f32 v47, v53;
	v5 =	vadd.f32 v13, v5  }
0xf5: {  	v1 =	vadd.f32 v12, v1;
	[tilespmem:s31+$0x1D30] =	vst v2;
	v2 =	vld [tilespmem:s31+$0x1930];
	v12 =	vmul.f32 v46, v53;
	v0 =	vadd.f32 v0, v6  }
0xf6: {  	v6 =	vadd.f32 v14, v7;
	v7 =	vmul.f32 v11, v52;
	v9 =	vadd.f32 v9, v45;
	[tilespmem:s31+$0x1D20] =	vst v5;
	v5 =	vld [tilespmem:s31+$0x7910]  }
0xf7: {  	v11 =	vmul.f32 v44, v53;
	[tilespmem:s31+$0x1D10] =	vst v1;
	v1 =	vld [tilespmem:s31+$0x7900];
	v3 =	vmul.f32 v3, v52;
	v10 =	vadd.f32 v10, v0  }
0xf8: {  	[tilespmem:s31+$0x1D00] =	vst v6;
	v4 =	vmul.f32 v4, v52;
	v6 =	vadd.f32 v7, v43;
	v7 =	vadd.f32 v12, v9;
	v9 =	vld [tilespmem:s31+$0x7570]  }
0xf9: {  	v8 =	vmul.f32 v8, v52;
	v3 =	vadd.f32 v3, v41;
	[tilespmem:s31+$0x1970] =	vst v10;
	v10 =	vld [tilespmem:s31+$0x7560]  }
0xfa: {  	v13 =	vmul.f32 v42, v53;
	v2 =	vadd.f32 v4, v2;
	v4 =	vadd.f32 v11, v6;
	v6 =	vld [tilespmem:s31+$0x7550]  }
0xfb: {  	v61 =	vld [tilespmem:$0x1FE70];
	v14 =	vmul.f32 v39, v53;
	v12 =	vmul.f32 v40, v53;
	[tilespmem:s31+$0x1960] =	vst v7;
	v7 =	vadd.f32 v8, v38  }
0xfc: {  	v63 =	vld [tilespmem:$0x1FE50];
	v5 =	vmul.f32 v5, v52;
	v3 =	vadd.f32 v13, v3;
	v11 =	vmul.f32 v1, v52  }
0xfd: {  	v60 =	vld [tilespmem:$0x1FF10];
	v13 =	vmul.f32 v37, v53;
	v7 =	vadd.f32 v14, v7;
	v9 =	vmul.f32 v9, v52  }
0xfe: {  	v8 =	vld [tilespmem:s31+$0x7540];
	v2 =	vadd.f32 v12, v2;
	v5 =	vadd.f32 v5, v36;
	[tilespmem:s31+$0x1940] =	vst v3;
	v10 =	vmul.f32 v10, v52  }
0xff: {  	v12 =	vmul.f32 v33, v53;
	v3 =	vld [tilespmem:s31+$0x7530];
	[tilespmem:s31+$0x1920] =	vst v7;
	v6 =	vmul.f32 v6, v52;
	v7 =	vadd.f32 v9, v32  }
0x100: {  	v14 =	vmul.f32 v31, v53;
	[tilespmem:s31+$0x1930] =	vst v2;
	v2 =	vld [tilespmem:s31+$0x7520];
	v5 =	vadd.f32 v13, v5;
	v10 =	vadd.f32 v10, v30  }
0x101: {  	v13 =	vmul.f32 v29, v53;
	v6 =	vadd.f32 v6, v28;
	v7 =	vadd.f32 v12, v7;
	v12 =	vld [tilespmem:$0x1FFB0]  }
0x102: {  	v10 =	vadd.f32 v14, v10;
	v14 =	vld [tilespmem:$0x1FFA0]  }
0x103: {  	[tilespmem:s31+$0x1950] =	vst v4;
	v4 =	vmul.f32 v35, v53;
	v11 =	vadd.f32 v11, v34;
	v6 =	vadd.f32 v13, v6;
	v13 =	vld [tilespmem:$0x1FF90]  }
0x104: {  	v0 =	vld [tilespmem:s31+$0xE540]  }
0x105: {  	v8 =	vmul.f32 v8, v52;
	v4 =	vadd.f32 v4, v11;
	v11 =	vld [tilespmem:s31+$0x7510]  }
0x106: {  	[tilespmem:s31+$0x1910] =	vst v5;
	v5 =	vld [tilespmem:s31+$0x7500];
	v3 =	vmul.f32 v3, v52;
	v2 =	vmul.f32 v2, v52  }
0x107: {  	v15 =	vmul.f32 v15, v53;
	[tilespmem:s31+$0x1570] =	vst v7;
	v7 =	vld [tilespmem:$0x1FF80];
	v8 =	vadd.f32 v8, v12  }
0x108: {  	v2 =	vadd.f32 v2, v16;
	v16 =	vld [tilespmem:$0x1FF40];
	v14 =	vmul.f32 v14, v53;
	v3 =	vadd.f32 v3, v13  }
0x109: {  	v8 =	vadd.f32 v15, v8;
	v15 =	vld [tilespmem:$0x1FF60]  }
0x10a: {  	v3 =	vadd.f32 v14, v3;
	v14 =	vld [tilespmem:$0x1FF50]  }
0x10b: {  	v5 =	vmul.f32 v5, v52;
	v13 =	vld [tilespmem:s31+$0x7150]  }
0x10c: {  	[tilespmem:s31+$0x1900] =	vst v4;
	v4 =	vld [tilespmem:s31+$0x7170];
	v7 =	vmul.f32 v7, v53  }
0x10d: {  	v11 =	vmul.f32 v11, v52;
	v12 =	vld [tilespmem:s31+$0x7160];
	v5 =	vadd.f32 v5, v17;
	v16 =	vmul.f32 v16, v53  }
0x10e: {  	v17 =	vld [tilespmem:$0x1FF00];
	v2 =	vadd.f32 v7, v2  }
0x10f: {  	v5 =	vadd.f32 v16, v5;
	v16 =	vld [tilespmem:$0x1FED0];
	v15 =	vmul.f32 v15, v53;
	v11 =	vadd.f32 v11, v14  }
0x110: {  	[tilespmem:s31+$0x1520] =	vst v2;
	v2 =	vmul.f32 v13, v52;
	v13 =	vld [tilespmem:$0x1FEF0]  }
0x111: {  	v11 =	vadd.f32 v15, v11;
	v15 =	vld [tilespmem:$0x1FEE0]  }
0x112: {  	[tilespmem:s31+$0x1550] =	vst v6;
	v6 =	vld [tilespmem:s31+$0x7140]  }
0x113: {  	v12 =	vmul.f32 v12, v52;
	v14 =	vld [tilespmem:$0x1FF20]  }
0x114: {  	[tilespmem:s31+$0x1540] =	vst v8;
	v8 =	vld [tilespmem:s31+$0x7110]  }
0x115: {  	v7 =	vld [tilespmem:s31+$0x7130];
	v17 =	vmul.f32 v17, v53;
	v12 =	vadd.f32 v12, v13  }
0x116: {  	v4 =	vmul.f32 v4, v52;
	[tilespmem:s31+$0x1530] =	vst v3;
	v3 =	vld [tilespmem:s31+$0x7120];
	v2 =	vadd.f32 v2, v16;
	v15 =	vmul.f32 v15, v53  }
0x117: {  	v12 =	vadd.f32 v17, v12;
	v17 =	vld [tilespmem:$0x1FEB0]  }
0x118: {  	v4 =	vadd.f32 v4, v60;
	v14 =	vmul.f32 v14, v53;
	v2 =	vadd.f32 v15, v2;
	v15 =	vld [tilespmem:$0x1FE90]  }
0x119: {  	v16 =	vld [tilespmem:$0x1FEA0]  }
0x11a: {  	v6 =	vmul.f32 v6, v52;
	v4 =	vadd.f32 v14, v4;
	v14 =	vld [tilespmem:$0x1FEC0]  }
0x11b: {  	v7 =	vmul.f32 v7, v52;
	v13 =	vld [tilespmem:s31+$0x8540]  }
0x11c: {  	v6 =	vadd.f32 v6, v17;
	v17 =	vld [tilespmem:$0x1FE80]  }
0x11d: {  	[tilespmem:s31+$0x1560] =	vst v10;
	v7 =	vadd.f32 v7, v15;
	v15 =	vld [tilespmem:$0x1FE60]  }
0x11e: {  	v3 =	vmul.f32 v3, v52;
	[tilespmem:s31+$0x1170] =	vst v4;
	v4 =	vld [tilespmem:s31+$0x2540]  }
0x11f: {  	[tilespmem:s31+$0x1510] =	vst v11;
	v11 =	vld [tilespmem:s31+$0x8550];
	v14 =	vmul.f32 v14, v53  }
0x120: {  	v1 =	vld [tilespmem:s31+$0xE550];
	[tilespmem:s31+$0x1500] =	vst v5;
	v8 =	vmul.f32 v8, v52;
	v3 =	vadd.f32 v3, v61;
	v16 =	vmul.f32 v16, v53  }
0x121: {  	[tilespmem:s31+$0x1150] =	vst v2;
	v2 =	vmul.f32 v13, v52;
	v6 =	vadd.f32 v14, v6;
	v14 =	vld [tilespmem:s31+$0x2550];
	v17 =	vmul.f32 v17, v53  }
0x122: {  	s10 =	sshrl.u32 s0, $0x3;
	v9 =	vld [tilespmem:s31+$0xE560];
	v8 =	vadd.f32 v8, v63;
	[tilespmem:s31+$0x1160] =	vst v12;
	v7 =	vadd.f32 v16, v7;
	v15 =	vmul.f32 v15, v53  }
0x123: {  	s2 =	sadd.s32 $0x80, s2;
	s21 =	smul.u32 $0x1800, s10;
	v0 =	vmul.f32 v0, v53;
	v2 =	vadd.f32 v2, v4;
	[tilespmem:s31+$0x1140] =	vst v6;
	v3 =	vadd.f32 v17, v3  }
0x124: {  	s10 =	sand.u32 $0x380, s2;
	v5 =	vld [tilespmem:s31+$0x8560];
	v4 =	vmul.f32 v11, v52;
	[tilespmem:s31+$0x1130] =	vst v7;
	v8 =	vadd.f32 v15, v8  }
0x125: {  	s10 =	sor.u32 s10, s21;
	v13 =	vld [tilespmem:s31+$0x2560];
	v0 =	vadd.f32 v0, v2;
	[tilespmem:s31+$0x1120] =	vst v3  }
0x126: {  	v1 =	vmul.f32 v1, v53;
	v2 =	vadd.f32 v4, v14;
	v4 =	vld [tilespmem:s10+$0xD100];
	[tilespmem:s31+$0x1110] =	vst v8  }
0x127: {  	v3 =	vmul.f32 v9, v53;
	v9 =	vld [tilespmem:s10+$0x1110];
	[tilespmem:s31+$0x2540] =	vst v0  }
0x128: {  	v0 =	vadd.f32 v1, v2;
	v1 =	vld [tilespmem:s10+$0xD110];
	_ =	sdelay $0x1  }
0x129: {  	v5 =	vmul.f32 v5, v52  }
0x12a: {  	v12 =	vld [tilespmem:s31+$0x8570]  }
0x12b: {  	v10 =	vld [tilespmem:s31+$0xE570];
	v5 =	vadd.f32 v5, v13  }
0x12c: {  	v6 =	vld [tilespmem:s31+$0x2570];
	[tilespmem:$0x1FE60] =	vst v1  }
0x12d: {  	v1 =	vadd.f32 v3, v5;
	v3 =	vld [tilespmem:s10+$0x1120];
	[tilespmem:s31+$0x2550] =	vst v0  }
0x12e: {  	v0 =	vld [tilespmem:s10+$0xD120]  }
0x12f: {  	v62 =	vld [tilespmem:s31+$0x7100];
	v7 =	vmul.f32 v12, v52  }
0x130: {  	v11 =	vld [tilespmem:s31+$0x1100];
	v2 =	vmov v4  }
0x131: {  	v8 =	vmul.f32 v10, v53;
	v10 =	vld [tilespmem:$0x1FE40];
	[tilespmem:$0x1FE40] =	vst v2;
	v5 =	vadd.f32 v7, v6  }
0x132: {  	[tilespmem:s31+$0x2560] =	vst v1  }
0x133: {  	v1 =	vld [tilespmem:s10+$0x1130];
	[tilespmem:$0x1FE80] =	vst v0;
	v0 =	vadd.f32 v8, v5  }
0x134: {  	[tilespmem:$0x1FE50] =	vst v9;
	v9 =	vmul.f32 v62, v52  }
0x135: {  	v2 =	vld [tilespmem:s10+$0xD130];
	[tilespmem:s31+$0x2570] =	vst v0  }
0x136: {  	v10 =	vmul.f32 v10, v53;
	[tilespmem:$0x1FE70] =	vst v3;
	v3 =	vadd.f32 v9, v11;
	v0 =	vld [tilespmem:s10+$0x1140];
	_ =	sdelay $0x1  }
0x137: {  	[tilespmem:$0x1FE90] =	vst v1;
	v1 =	vadd.f32 v10, v3;
	_ =	sdelay $0x1  }
0x138: {  	[tilespmem:s31+$0x1100] =	vst v1;
	s31 =	smov.u32 s10  }
0x139: {  	[tilespmem:$0x1FEB0] =	vst v0;
	v0 =	vld [tilespmem:s31+$0xD140];
	_ =	sdelay $0x4  }
0x13a: {  	[tilespmem:$0x1FEC0] =	vst v0;
	v0 =	vld [tilespmem:s31+$0x1150];
	_ =	sdelay $0x4  }
0x13b: {  	[tilespmem:$0x1FED0] =	vst v0;
	v0 =	vld [tilespmem:s31+$0xD150];
	_ =	sdelay $0x4  }
0x13c: {  	[tilespmem:$0x1FEE0] =	vst v0;
	v0 =	vld [tilespmem:s31+$0x1160];
	_ =	sdelay $0x4  }
0x13d: {  	[tilespmem:$0x1FEF0] =	vst v0;
	v0 =	vld [tilespmem:s31+$0xD160];
	_ =	sdelay $0x3  }
0x13e: {  	v28 =	vld [tilespmem:s31+$0x1550]  }
0x13f: {  	[tilespmem:$0x1FF00] =	vst v0;
	v0 =	vld [tilespmem:s31+$0x1170]  }
0x140: {  	v29 =	vld [tilespmem:s31+$0xD550]  }
0x141: {  	v30 =	vld [tilespmem:s31+$0x1560]  }
0x142: {  	v31 =	vld [tilespmem:s31+$0xD560]  }
0x143: {  	v32 =	vld [tilespmem:s31+$0x1570]  }
0x144: {  	[tilespmem:$0x1FF10] =	vst v0;
	v0 =	vld [tilespmem:s31+$0xD170]  }
0x145: {  	v33 =	vld [tilespmem:s31+$0xD570]  }
0x146: {  	v34 =	vld [tilespmem:s31+$0x1900]  }
0x147: {  	v35 =	vld [tilespmem:s31+$0xD900]  }
0x148: {  	v36 =	vld [tilespmem:s31+$0x1910]  }
0x149: {  	[tilespmem:$0x1FF20] =	vst v0;
	v0 =	vld [tilespmem:s31+$0x1500]  }
0x14a: {  	v37 =	vld [tilespmem:s31+$0xD910]  }
0x14b: {  	v38 =	vld [tilespmem:s31+$0x1920]  }
0x14c: {  	v39 =	vld [tilespmem:s31+$0xD920]  }
0x14d: {  	v40 =	vld [tilespmem:s31+$0xD930]  }
0x14e: {  	[tilespmem:$0x1FF30] =	vst v0;
	v0 =	vld [tilespmem:s31+$0xD500]  }
0x14f: {  	v41 =	vld [tilespmem:s31+$0x1940]  }
0x150: {  	v42 =	vld [tilespmem:s31+$0xD940]  }
0x151: {  	v43 =	vld [tilespmem:s31+$0x1950]  }
0x152: {  	v44 =	vld [tilespmem:s31+$0xD950]  }
0x153: {  	[tilespmem:$0x1FF40] =	vst v0;
	v0 =	vld [tilespmem:s31+$0x1510]  }
0x154: {  	v45 =	vld [tilespmem:s31+$0x1960]  }
0x155: {  	v46 =	vld [tilespmem:s31+$0xD960]  }
0x156: {  	v47 =	vld [tilespmem:s31+$0xD970]  }
0x157: {  	v48 =	vld [tilespmem:s31+$0x1D00]  }
0x158: {  	[tilespmem:$0x1FF50] =	vst v0;
	v0 =	vld [tilespmem:s31+$0xD510]  }
0x159: {  	v49 =	vld [tilespmem:s31+$0xDD00]  }
0x15a: {  	v50 =	vld [tilespmem:s31+$0xDD10]  }
0x15b: {  	v51 =	vld [tilespmem:s31+$0x1D20]  }
0x15c: {  	v55 =	vld [tilespmem:s31+$0xDD20]  }
0x15d: {  	[tilespmem:$0x1FF60] =	vst v0;
	v0 =	vld [tilespmem:s31+$0x1520]  }
0x15e: {  	v54 =	vld [tilespmem:s31+$0x1D30]  }
0x15f: {  	v56 =	vld [tilespmem:s31+$0xDD30]  }
0x160: {  	v57 =	vld [tilespmem:s31+$0x1D40]  }
0x161: {  	v58 =	vld [tilespmem:s31+$0xDD40]  }
0x162: {  	[tilespmem:$0x1FF70] =	vst v0;
	v0 =	vld [tilespmem:s31+$0xD520]  }
0x163: {  	v59 =	vld [tilespmem:s31+$0xDD50]  }
0x164: {  	v60 =	vld [tilespmem:s31+$0x1D60]  }
0x165: {  	v61 =	vld [tilespmem:s31+$0xDD60]  }
0x166: {  	v62 =	vld [tilespmem:s31+$0xDD70]  }
0x167: {  	[tilespmem:$0x1FF80] =	vst v0;
	v0 =	vld [tilespmem:s31+$0x1530]  }
0x168: {  	v63 =	vld [tilespmem:s31+$0x2100]  }
0x169: {  	[tilespmem:$0x1FEA0] =	vst v2;
	v2 =	vld [tilespmem:s31+$0x2110]  }
0x16a: {  	v1 =	vld [tilespmem:s31+$0xE110]  }
0x16b: {  	v3 =	vld [tilespmem:s31+$0x2120]  }
0x16c: {  	[tilespmem:$0x1FF90] =	vst v0;
	v0 =	vld [tilespmem:s31+$0xD530]  }
0x16d: {  	v4 =	vld [tilespmem:s31+$0xE120]  }
0x16e: {  	v5 =	vld [tilespmem:s31+$0xE130]  }
0x16f: {  	v6 =	vld [tilespmem:s31+$0x2140]  }
0x170: {  	v7 =	vld [tilespmem:s31+$0xE140]  }
0x171: {  	[tilespmem:$0x1FFA0] =	vst v0;
	v0 =	vld [tilespmem:s31+$0x1540]  }
0x172: {  	v8 =	vld [tilespmem:s31+$0xE150]  }
0x173: {  	v9 =	vld [tilespmem:s31+$0x2160]  }
0x174: {  	v10 =	vld [tilespmem:s31+$0xE160]  }
0x175: {  	v11 =	vld [tilespmem:s31+$0x2170]  }
0x176: {  	p0 =	sne.s32 s0, $0x1F;
	[tilespmem:$0x1FFB0] =	vst v0;
	v0 =	vld [tilespmem:s31+$0xD540]  }
.Ltmp0:
0x177: {  	v12 =	vld [tilespmem:s31+$0xE170];
	(pc) =	sbr.rel @p0 .LBB2_2-.Ltmp0, $4  }
0x178: {  	v13 =	vld [tilespmem:s31+$0x2500]  }
0x179: {  	v14 =	vld [tilespmem:s31+$0x2510]  }
0x17a: {  	v15 =	vld [tilespmem:s31+$0xE510]  }
0x17b: {  	s21 =	sshll.u32 s0, $0x7;
	s0 =	sadd.s32 $0x1, s0;
	[tilespmem:$0x1FFC0] =	vst v0;
	v0 =	vld [tilespmem:s31+$0xE100]  }
0x17c: {  	v16 =	vmov s21;
	_ =	sdelay $0x1  }
0x17d: {  	v18 =	vld [tilespmem:s31+$0x8510];
	v17 =	vor.u32 $0x1, v16  }
0x17e: {  	v20 =	vld [tilespmem:s31+$0x8530]  }
0x17f: {  	v21 =	vld [tilespmem:s31+$0x2530]  }
0x180: {  	v53 =	vld.idx.msk [tilespmem:v16+s19+$0x0], $0xffff  }
0x181: {  	v16 =	vld [tilespmem:s31+$0xE530]  }
0x182: {  	v52 =	vld.idx.msk [tilespmem:v17+s19+$0x0], $0xffff;
	_ =	sdelay $0x2  }
0x183: {  	v20 =	vmul.f32 v20, v53  }
0x184: {  	v26 =	vld [tilespmem:s31+$0x8160];
	v18 =	vmul.f32 v18, v53  }
0x185: {  	v17 =	vld [tilespmem:s31+$0x8500];
	v16 =	vmul.f32 v16, v52;
	v20 =	vadd.f32 v20, v21  }
0x186: {  	v19 =	vld [tilespmem:s31+$0x8520];
	v15 =	vmul.f32 v15, v52;
	v14 =	vadd.f32 v18, v14  }
0x187: {  	v24 =	vld [tilespmem:s31+$0xE500];
	v16 =	vadd.f32 v16, v20  }
0x188: {  	v21 =	vld [tilespmem:s31+$0x8140];
	v14 =	vadd.f32 v15, v14  }
0x189: {  	v22 =	vld [tilespmem:s31+$0x2520];
	[tilespmem:s31+$0x2530] =	vst v16  }
0x18a: {  	v23 =	vld [tilespmem:s31+$0xE520];
	v16 =	vmul.f32 v17, v53;
	[tilespmem:s31+$0x2510] =	vst v14;
	v14 =	vmul.f32 v26, v53  }
0x18b: {  	v27 =	vld [tilespmem:s31+$0x8150];
	v10 =	vmul.f32 v10, v52  }
0x18c: {  	v25 =	vld [tilespmem:s31+$0x8170];
	v15 =	vmul.f32 v24, v52;
	v13 =	vadd.f32 v16, v13;
	v9 =	vadd.f32 v14, v9  }
0x18d: {  	[tilespmem:$0x1FCA0] =	vst v21;
	v21 =	vld [tilespmem:s31+$0x2150]  }
0x18e: {  	v19 =	vmul.f32 v19, v53;
	v13 =	vadd.f32 v15, v13;
	v9 =	vadd.f32 v10, v9;
	v10 =	vld [tilespmem:$0x1FCA0];
	_ =	sdelay $0x1  }
0x18f: {  	v19 =	vadd.f32 v19, v22;
	v22 =	vld [tilespmem:s31+$0x8130];
	[tilespmem:s31+$0x2500] =	vst v13;
	v13 =	vmul.f32 v27, v53  }
0x190: {  	v20 =	vmul.f32 v23, v52;
	v23 =	vld [tilespmem:s31+$0x8120]  }
0x191: {  	v8 =	vmul.f32 v8, v52;
	v17 =	vld [tilespmem:s31+$0x2130];
	v16 =	vmul.f32 v25, v53;
	v13 =	vadd.f32 v13, v21  }
0x192: {  	v10 =	vmul.f32 v10, v53  }
0x193: {  	v12 =	vmul.f32 v12, v52;
	v25 =	vld [tilespmem:s31+$0x8110];
	v11 =	vadd.f32 v16, v11;
	v8 =	vadd.f32 v8, v13  }
0x194: {  	v7 =	vmul.f32 v7, v52;
	[tilespmem:s31+$0x2160] =	vst v9;
	v9 =	vmul.f32 v22, v53;
	v6 =	vadd.f32 v10, v6  }
0x195: {  	v15 =	vld [tilespmem:s31+$0x8100];
	v11 =	vadd.f32 v12, v11;
	[tilespmem:s31+$0x2150] =	vst v8;
	v8 =	vmul.f32 v23, v53  }
0x196: {  	v5 =	vmul.f32 v5, v52;
	v12 =	vld [tilespmem:s31+$0x7D70];
	v6 =	vadd.f32 v7, v6;
	v7 =	vadd.f32 v9, v17  }
0x197: {  	v4 =	vmul.f32 v4, v52;
	v3 =	vadd.f32 v8, v3  }
0x198: {  	[tilespmem:s31+$0x2170] =	vst v11;
	v11 =	vld [tilespmem:s31+$0x1D70];
	v5 =	vadd.f32 v5, v7;
	v7 =	vmul.f32 v25, v53  }
0x199: {  	v14 =	vld [tilespmem:s31+$0x7D60];
	v3 =	vadd.f32 v4, v3  }
0x19a: {  	v1 =	vmul.f32 v1, v52;
	v4 =	vmul.f32 v15, v53;
	v2 =	vadd.f32 v7, v2  }
0x19b: {  	[tilespmem:s31+$0x2120] =	vst v3;
	v3 =	vmul.f32 v12, v53  }
0x19c: {  	v0 =	vmul.f32 v0, v52;
	v4 =	vadd.f32 v4, v63;
	v1 =	vadd.f32 v1, v2  }
0x19d: {  	v9 =	vld [tilespmem:s31+$0x7D40];
	v3 =	vadd.f32 v3, v11  }
0x19e: {  	v0 =	vadd.f32 v0, v4;
	v4 =	vmul.f32 v62, v52;
	[tilespmem:s31+$0x2110] =	vst v1;
	v1 =	vmul.f32 v14, v53  }
0x19f: {  	[tilespmem:s31+$0x2140] =	vst v6  }
0x1a0: {  	v10 =	vld [tilespmem:s31+$0x7D50];
	v3 =	vadd.f32 v4, v3;
	[tilespmem:s31+$0x2100] =	vst v0;
	v0 =	vmul.f32 v61, v52;
	v1 =	vadd.f32 v1, v60  }
0x1a1: {  	[tilespmem:s31+$0x2130] =	vst v5;
	v5 =	vld [tilespmem:s31+$0x7D20]  }
0x1a2: {  	v6 =	vld [tilespmem:s31+$0x1D50];
	[tilespmem:s31+$0x1D70] =	vst v3;
	v3 =	vmul.f32 v9, v53;
	v0 =	vadd.f32 v0, v1  }
0x1a3: {  	v2 =	vld [tilespmem:s31+$0x7D10]  }
0x1a4: {  	v8 =	vld [tilespmem:s31+$0x7D30];
	[tilespmem:s31+$0x1D60] =	vst v0;
	v0 =	vadd.f32 v3, v57;
	v3 =	vmul.f32 v58, v52  }
0x1a5: {  	v11 =	vld [tilespmem:s31+$0x1D10];
	v4 =	vmul.f32 v10, v53  }
0x1a6: {  	v7 =	vld [tilespmem:s31+$0x7D00];
	v0 =	vadd.f32 v3, v0;
	v3 =	vmul.f32 v5, v53  }
0x1a7: {  	v10 =	vld [tilespmem:s31+$0x7970];
	v1 =	vadd.f32 v4, v6;
	v4 =	vmul.f32 v59, v52  }
0x1a8: {  	v12 =	vmul.f32 v55, v52;
	v6 =	vld [tilespmem:s31+$0x7960];
	[tilespmem:s31+$0x1D40] =	vst v0;
	v0 =	vmul.f32 v2, v53;
	v2 =	vadd.f32 v3, v51  }
0x1a9: {  	v8 =	vmul.f32 v8, v53;
	v1 =	vadd.f32 v4, v1;
	v4 =	vld [tilespmem:s31+$0x1970]  }
0x1aa: {  	v13 =	vmul.f32 v50, v52;
	v0 =	vadd.f32 v0, v11;
	v2 =	vadd.f32 v12, v2  }
0x1ab: {  	v9 =	vld [tilespmem:s31+$0x7950];
	[tilespmem:s31+$0x1D50] =	vst v1;
	v1 =	vmul.f32 v56, v52;
	v5 =	vadd.f32 v8, v54  }
0x1ac: {  	v8 =	vld [tilespmem:s31+$0x7940];
	v0 =	vadd.f32 v13, v0;
	[tilespmem:s31+$0x1D20] =	vst v2;
	v2 =	vmul.f32 v10, v53  }
0x1ad: {  	v1 =	vadd.f32 v1, v5;
	v3 =	vld [tilespmem:s31+$0x7930];
	v5 =	vmul.f32 v7, v53  }
0x1ae: {  	v7 =	vld [tilespmem:s31+$0x7920];
	[tilespmem:s31+$0x1D10] =	vst v0;
	v0 =	vmul.f32 v6, v53;
	v6 =	vmul.f32 v47, v52;
	v2 =	vadd.f32 v2, v4  }
0x1af: {  	[tilespmem:s31+$0x1D30] =	vst v1;
	v1 =	vld [tilespmem:s31+$0x1930];
	v11 =	vmul.f32 v49, v52;
	v5 =	vadd.f32 v5, v48  }
0x1b0: {  	v2 =	vadd.f32 v6, v2;
	v6 =	vmul.f32 v9, v53  }
0x1b1: {  	v8 =	vmul.f32 v8, v53;
	v5 =	vadd.f32 v11, v5  }
0x1b2: {  	v10 =	vld [tilespmem:s31+$0x7910];
	v3 =	vmul.f32 v3, v53;
	[tilespmem:s31+$0x1970] =	vst v2;
	v2 =	vmul.f32 v44, v52;
	v6 =	vadd.f32 v6, v43  }
0x1b3: {  	v12 =	vmul.f32 v42, v52;
	v8 =	vadd.f32 v8, v41;
	v7 =	vmul.f32 v7, v53  }
0x1b4: {  	v4 =	vld [tilespmem:s31+$0x7900];
	[tilespmem:s31+$0x1D00] =	vst v5;
	v5 =	vmul.f32 v46, v52;
	v1 =	vadd.f32 v3, v1;
	v2 =	vadd.f32 v2, v6  }
0x1b5: {  	v11 =	vadd.f32 v0, v45;
	v9 =	vld [tilespmem:s31+$0x7570];
	v6 =	vadd.f32 v12, v8;
	v12 =	vmul.f32 v40, v52  }
0x1b6: {  	v3 =	vadd.f32 v7, v38;
	[tilespmem:s31+$0x1950] =	vst v2;
	v2 =	vmul.f32 v39, v52  }
0x1b7: {  	v7 =	vmul.f32 v10, v53;
	v5 =	vadd.f32 v5, v11;
	v11 =	vld [tilespmem:s31+$0x7560];
	v1 =	vadd.f32 v12, v1  }
0x1b8: {  	v2 =	vadd.f32 v2, v3  }
0x1b9: {  	[tilespmem:s31+$0x1930] =	vst v1;
	v1 =	vmul.f32 v4, v53;
	v3 =	vmul.f32 v37, v52;
	v4 =	vadd.f32 v7, v36  }
0x1ba: {  	[tilespmem:s31+$0x1960] =	vst v5;
	v9 =	vmul.f32 v9, v53  }
0x1bb: {  	v5 =	vld [tilespmem:s31+$0x7550];
	[tilespmem:s31+$0x1920] =	vst v2;
	v2 =	vmul.f32 v35, v52;
	v1 =	vadd.f32 v1, v34;
	v3 =	vadd.f32 v3, v4  }
0x1bc: {  	v11 =	vmul.f32 v11, v53  }
0x1bd: {  	v1 =	vadd.f32 v2, v1;
	[tilespmem:s31+$0x1910] =	vst v3;
	v2 =	vmul.f32 v33, v52;
	v3 =	vadd.f32 v9, v32  }
0x1be: {  	v13 =	vmul.f32 v31, v52;
	v11 =	vadd.f32 v11, v30  }
0x1bf: {  	v2 =	vadd.f32 v2, v3  }
0x1c0: {  	v8 =	vld [tilespmem:s31+$0x7540];
	[tilespmem:s31+$0x1900] =	vst v1;
	v1 =	vmul.f32 v5, v53;
	v5 =	vadd.f32 v13, v11  }
0x1c1: {  	[tilespmem:s31+$0x1570] =	vst v2;
	v2 =	vld [tilespmem:$0x1FFC0]  }
0x1c2: {  	[tilespmem:s31+$0x1560] =	vst v5;
	v5 =	vld [tilespmem:$0x1FFB0];
	_ =	sdelay $0x1  }
0x1c3: {  	v7 =	vld [tilespmem:s31+$0x7520]  }
0x1c4: {  	v8 =	vmul.f32 v8, v53;
	v13 =	vmul.f32 v29, v52;
	v1 =	vadd.f32 v1, v28  }
0x1c5: {  	v12 =	vld [tilespmem:s31+$0x7510]  }
0x1c6: {  	v16 =	vld [tilespmem:$0x1FF50];
	v1 =	vadd.f32 v13, v1;
	v2 =	vmul.f32 v2, v52;
	v5 =	vadd.f32 v8, v5  }
0x1c7: {  	v10 =	vld [tilespmem:s31+$0x7530]  }
0x1c8: {  	[tilespmem:s31+$0x1550] =	vst v1;
	v1 =	vmul.f32 v7, v53;
	v7 =	vld [tilespmem:$0x1FF90];
	v2 =	vadd.f32 v2, v5  }
0x1c9: {  	v5 =	vld [tilespmem:$0x1FFA0]  }
0x1ca: {  	[tilespmem:s31+$0x1540] =	vst v2;
	v2 =	vmul.f32 v12, v53;
	v12 =	vld [tilespmem:$0x1FF70];
	_ =	sdelay $0x1  }
0x1cb: {  	v10 =	vmul.f32 v10, v53;
	v9 =	vld [tilespmem:s31+$0x7500];
	_ =	sdelay $0x1  }
0x1cc: {  	v7 =	vadd.f32 v10, v7;
	v2 =	vadd.f32 v2, v16;
	v16 =	vld [tilespmem:$0x1FF30];
	v5 =	vmul.f32 v5, v52  }
0x1cd: {  	v1 =	vadd.f32 v1, v12;
	v12 =	vld [tilespmem:$0x1FF60]  }
0x1ce: {  	v14 =	vld [tilespmem:$0x1FF80];
	v5 =	vadd.f32 v5, v7  }
0x1cf: {  	v3 =	vld [tilespmem:s31+$0x7170];
	v9 =	vmul.f32 v9, v53  }
0x1d0: {  	[tilespmem:s31+$0x1530] =	vst v5;
	v5 =	vld [tilespmem:$0x1FF40]  }
0x1d1: {  	v9 =	vadd.f32 v9, v16;
	v16 =	vld [tilespmem:$0x1FF10]  }
0x1d2: {  	v17 =	vld [tilespmem:$0x1FE90];
	v12 =	vmul.f32 v12, v52  }
0x1d3: {  	v15 =	vld [tilespmem:s31+$0x7130]  }
0x1d4: {  	v3 =	vmul.f32 v3, v53;
	v2 =	vadd.f32 v12, v2;
	v12 =	vld [tilespmem:$0x1FF20]  }
0x1d5: {  	v11 =	vld [tilespmem:s31+$0x7160];
	v5 =	vmul.f32 v5, v52  }
0x1d6: {  	v14 =	vmul.f32 v14, v52;
	v3 =	vadd.f32 v3, v16;
	v16 =	vld [tilespmem:$0x1FEF0]  }
0x1d7: {  	v19 =	vadd.f32 v20, v19;
	v5 =	vadd.f32 v5, v9;
	v9 =	vld [tilespmem:$0x1FF00]  }
0x1d8: {  	v63 =	vld [tilespmem:$0x1FE70];
	v15 =	vmul.f32 v15, v53;
	v1 =	vadd.f32 v14, v1  }
0x1d9: {  	[tilespmem:s31+$0x2520] =	vst v19;
	v62 =	vld [tilespmem:$0x1FE60];
	v12 =	vmul.f32 v12, v52  }
0x1da: {  	v15 =	vadd.f32 v15, v17;
	v17 =	vld [tilespmem:s31+$0x7100];
	[tilespmem:s31+$0x1520] =	vst v1;
	v1 =	vmul.f32 v11, v53  }
0x1db: {  	v0 =	vld [tilespmem:s31+$0xE540];
	v3 =	vadd.f32 v12, v3  }
0x1dc: {  	v13 =	vld [tilespmem:s31+$0x7150];
	v1 =	vadd.f32 v1, v16;
	v9 =	vmul.f32 v9, v52  }
0x1dd: {  	[tilespmem:s31+$0x1170] =	vst v3;
	v3 =	vld [tilespmem:$0x1FEE0]  }
0x1de: {  	v1 =	vadd.f32 v9, v1;
	v9 =	vld [tilespmem:$0x1FED0]  }
0x1df: {  	[tilespmem:s31+$0x1940] =	vst v6;
	v6 =	vld [tilespmem:s31+$0xE550]  }
0x1e0: {  	v4 =	vld [tilespmem:s31+$0xE560]  }
0x1e1: {  	v8 =	vld [tilespmem:s31+$0xE570];
	[tilespmem:s31+$0x1500] =	vst v5;
	v5 =	vmul.f32 v13, v53  }
0x1e2: {  	v10 =	vld [tilespmem:s31+$0x7140]  }
0x1e3: {  	v7 =	vld [tilespmem:s31+$0x7110];
	v3 =	vmul.f32 v3, v52;
	v5 =	vadd.f32 v5, v9  }
0x1e4: {  	v13 =	vld [tilespmem:$0x1FEB0]  }
0x1e5: {  	[tilespmem:s31+$0x1160] =	vst v1;
	v1 =	vadd.f32 v3, v5;
	v5 =	vld [tilespmem:$0x1FEC0]  }
0x1e6: {  	v14 =	vld [tilespmem:s31+$0x7120]  }
0x1e7: {  	[tilespmem:s31+$0x1150] =	vst v1;
	v1 =	vld [tilespmem:$0x1FEA0]  }
0x1e8: {  	v10 =	vmul.f32 v10, v53;
	v11 =	vld [tilespmem:s31+$0x8540]  }
0x1e9: {  	[tilespmem:s31+$0x1510] =	vst v2;
	v2 =	vld [tilespmem:s31+$0x8550]  }
0x1ea: {  	v16 =	vld [tilespmem:$0x1FE80];
	v10 =	vadd.f32 v10, v13;
	v5 =	vmul.f32 v5, v52  }
0x1eb: {  	v13 =	vld [tilespmem:s31+$0x2550]  }
0x1ec: {  	v9 =	vld [tilespmem:s31+$0x2540];
	v1 =	vmul.f32 v1, v52;
	v5 =	vadd.f32 v5, v10  }
0x1ed: {  	v12 =	vld [tilespmem:s31+$0x8560]  }
0x1ee: {  	v2 =	vmul.f32 v2, v53;
	[tilespmem:s31+$0x1140] =	vst v5;
	v5 =	vld [tilespmem:$0x1FE50];
	v1 =	vadd.f32 v1, v15  }
0x1ef: {  	v11 =	vmul.f32 v11, v53;
	v3 =	vld [tilespmem:s31+$0x8570]  }
0x1f0: {  	v6 =	vmul.f32 v6, v52;
	v14 =	vmul.f32 v14, v53;
	v10 =	vld [tilespmem:s31+$0x2560];
	[tilespmem:s31+$0x1130] =	vst v1;
	v1 =	vadd.f32 v2, v13  }
0x1f1: {  	v0 =	vmul.f32 v0, v52;
	v7 =	vmul.f32 v7, v53;
	v9 =	vadd.f32 v11, v9;
	v11 =	vld [tilespmem:s31+$0x1100]  }
0x1f2: {  	v14 =	vadd.f32 v14, v63;
	v16 =	vmul.f32 v16, v52;
	v1 =	vadd.f32 v6, v1;
	v6 =	vld [tilespmem:$0x1FE40]  }
0x1f3: {  	v18 =	vmul.f32 v62, v52;
	v12 =	vmul.f32 v12, v53;
	v5 =	vadd.f32 v7, v5;
	v7 =	vld [tilespmem:s31+$0x2570]  }
0x1f4: {  	v14 =	vadd.f32 v16, v14;
	v0 =	vadd.f32 v0, v9;
	v9 =	vmul.f32 v17, v53  }
0x1f5: {  	v2 =	vmul.f32 v3, v53;
	v3 =	vmul.f32 v4, v52;
	v4 =	vadd.f32 v12, v10  }
0x1f6: {  	[tilespmem:s31+$0x1120] =	vst v14;
	v5 =	vadd.f32 v18, v5  }
0x1f7: {  	[tilespmem:s31+$0x2540] =	vst v0;
	v0 =	vadd.f32 v3, v4;
	v3 =	vadd.f32 v9, v11;
	v6 =	vmul.f32 v6, v52  }
0x1f8: {  	[tilespmem:s31+$0x1110] =	vst v5;
	v5 =	vmul.f32 v8, v52;
	v2 =	vadd.f32 v2, v7  }
0x1f9: {  	[tilespmem:s31+$0x2560] =	vst v0;
	v0 =	vadd.f32 v6, v3  }
0x1fa: {  	[tilespmem:s31+$0x2550] =	vst v1;
	v1 =	vadd.f32 v5, v2  }
0x1fb: {  	[tilespmem:s31+$0x1100] =	vst v0  }
0x1fc: {  	s0 =	simm.s32 $0x0;
	s2 =	rddreg [dreg:$0x7];
	[tilespmem:s31+$0x2570] =	vst v1  }
0x1fd: {  	[hbm4b:s2+s0] =	stream.linear.scatter [tilespmem:s20], [sflag:$0x2], $0x6000, $0x38;
	[tilespmem:$0x13100] =	vst v63  }
0x1fe: {  	_ =	swait.ge [sflag:s17], $0x6000  }
0x1ff: {  	[sflag:s17] =	ssyncset.done $0x0  }
0x200: {  	[sflag:s17] =	ssyncadd.s32 $0xFFFFA000  }
0x201: {  	[tilespmem:s0], [sflag:$0x2] =	stream.linear.gather [hbm4b:s11+s0], $0x20, $0x38;
	[tilespmem:$0x13100] =	vst v63  }
0x202: {  	_ =	swait.ge [sflag:s17], $0x20  }
0x203: {  	[sflag:s17] =	ssyncset.done $0x0  }
0x204: {  	s21 =	simm.s32 $0x80;
	[sflag:s17] =	ssyncadd.s32 $0xFFFFFFE0  }
0x205: {  	[tilespmem:s21], [sflag:$0x2] =	stream.linear.gather [hbm4b:s12+s0], $0x20, $0x38;
	[tilespmem:$0x13100] =	vst v63  }
0x206: {  	_ =	swait.ge [sflag:s17], $0x20  }
0x207: {  	[sflag:s17] =	ssyncset.done $0x0  }
0x208: {  	[sflag:s17] =	ssyncadd.s32 $0xFFFFFFE0  }
0x209: {  	[tilespmem:s19], [sflag:$0x2] =	stream.linear.gather [hbm4b:s13+s0], $0x1000, $0x38;
	[tilespmem:$0x13100] =	vst v63  }
0x20a: {  	_ =	swait.ge [sflag:s17], $0x1000  }
0x20b: {  	[sflag:s17] =	ssyncset.done $0x0  }
0x20c: {  	[sflag:s17] =	ssyncadd.s32 $0xFFFFF000  }
0x20d: {  	[tilespmem:s20], [sflag:$0x2] =	stream.linear.gather [hbm4b:s14+s0], $0x6000, $0x38;
	[tilespmem:$0x13100] =	vst v63  }
0x20e: {  	_ =	swait.ge [sflag:s17], $0x6000  }
0x20f: {  	[sflag:s17] =	ssyncset.done $0x0  }
0x210: {  	[sflag:s17] =	ssyncadd.s32 $0xFFFFA000  }
0x211: {  	v0 =	vld [tilespmem:$0x0];
	_ =	sdelay $0x3  }
0x212: {  	v2 =	vld [tilespmem:$0x1FFD0]  }
0x213: {  	v1 =	vshrl.u32 v0, $0x3  }
0x214: {  	v3 =	vld [tilespmem:$0x1FFE0];
	v1 =	vmul.u32 $0x30, v1  }
0x215: {  	v0 =	vand.u32 $0x7, v0  }
0x216: {  	v0 =	vor.u32 v0, v1  }
0x217: {  	v1 =	vperm.xlane v0, v2  }
0x218: {  	v4 =	vld [tilespmem:$0x1FFF0]  }
0x219: {  	v1 =	vadd.s32 v3, v1;
	_ =	sdelay $0x3  }
0x21a: {  	s10 =	simm.s32 $0x7100;
	v0 =	vperm.xlane v0, v4  }
0x21b: {  	[tilespmem:s10], [sflag:$0x1] =	stream.indirect_vreg.gather [hbm4b:s3+s0], $0x80, v1, vm0, $0xb8;
	[tilespmem:$0x13100] =	vst v63  }
0x21c: {  	s21 =	simm.s32 $0x7900;
	v0 =	vadd.s32 v3, v0  }
0x21d: {  	[tilespmem:s21], [sflag:$0x1] =	stream.indirect_vreg.gather [hbm4b:s8+s0], $0x80, v1, vm0, $0xb8;
	[tilespmem:$0x13100] =	vst v63  }
0x21e: {  	s10 =	simm.s32 $0x8100  }
0x21f: {  	[tilespmem:s10], [sflag:$0x1] =	stream.indirect_vreg.gather [hbm4b:s9+s0], $0x80, v1, vm0, $0xb8;
	[tilespmem:$0x13100] =	vst v63  }
0x220: {  	s21 =	simm.s32 $0x8900  }
0x221: {  	[tilespmem:s21], [sflag:$0x1] =	stream.indirect_vreg.gather [hbm4b:s3+s0], $0x80, v0, vm0, $0xb8;
	[tilespmem:$0x13100] =	vst v63  }
0x222: {  	s10 =	simm.s32 $0x9100  }
0x223: {  	[tilespmem:s10], [sflag:$0x1] =	stream.indirect_vreg.gather [hbm4b:s8+s0], $0x80, v0, vm0, $0xb8;
	[tilespmem:$0x13100] =	vst v63  }
0x224: {  	s21 =	simm.s32 $0x9900  }
0x225: {  	[tilespmem:s21], [sflag:$0x1] =	stream.indirect_vreg.gather [hbm4b:s9+s0], $0x80, v0, vm0, $0xb8;
	[tilespmem:$0x13100] =	vst v63  }
0x226: {  	v0 =	vld [tilespmem:$0x10];
	_ =	sdelay $0x4  }
0x227: {  	v1 =	vshrl.u32 v0, $0x3  }
0x228: {  	v1 =	vmul.u32 $0x30, v1  }
0x229: {  	v0 =	vand.u32 $0x7, v0  }
0x22a: {  	v0 =	vor.u32 v0, v1  }
0x22b: {  	v1 =	vperm.xlane v0, v2;
	_ =	sdelay $0x1  }
0x22c: {  	v1 =	vadd.s32 v3, v1;
	_ =	sdelay $0x3  }
0x22d: {  	s10 =	simm.s32 $0xA100;
	v0 =	vperm.xlane v0, v4  }
0x22e: {  	[tilespmem:s10], [sflag:$0x1] =	stream.indirect_vreg.gather [hbm4b:s3+s0], $0x80, v1, vm0, $0xb8;
	[tilespmem:$0x13100] =	vst v63  }
0x22f: {  	s21 =	simm.s32 $0xA900;
	v0 =	vadd.s32 v3, v0  }
0x230: {  	[tilespmem:s21], [sflag:$0x1] =	stream.indirect_vreg.gather [hbm4b:s8+s0], $0x80, v1, vm0, $0xb8;
	[tilespmem:$0x13100] =	vst v63  }
0x231: {  	s10 =	simm.s32 $0xB100  }
0x232: {  	[tilespmem:s10], [sflag:$0x1] =	stream.indirect_vreg.gather [hbm4b:s9+s0], $0x80, v1, vm0, $0xb8;
	[tilespmem:$0x13100] =	vst v63  }
0x233: {  	s21 =	simm.s32 $0xB900  }
0x234: {  	[tilespmem:s21], [sflag:$0x1] =	stream.indirect_vreg.gather [hbm4b:s3+s0], $0x80, v0, vm0, $0xb8;
	[tilespmem:$0x13100] =	vst v63  }
0x235: {  	s10 =	simm.s32 $0xC100  }
0x236: {  	[tilespmem:s10], [sflag:$0x1] =	stream.indirect_vreg.gather [hbm4b:s8+s0], $0x80, v0, vm0, $0xb8;
	[tilespmem:$0x13100] =	vst v63  }
0x237: {  	s21 =	simm.s32 $0xC900  }
0x238: {  	[tilespmem:s21], [sflag:$0x1] =	stream.indirect_vreg.gather [hbm4b:s9+s0], $0x80, v0, vm0, $0xb8;
	[tilespmem:$0x13100] =	vst v63  }
0x239: {  	_ =	swait.ge [sflag:s18], $0x6000  }
0x23a: {  	[sflag:s18] =	ssyncset.done $0x0  }
0x23b: {  	[sflag:s18] =	ssyncadd.s32 $0xFFFFA000  }
0x23c: {  	v0 =	vld [tilespmem:$0x80];
	_ =	sdelay $0x4  }
0x23d: {  	v1 =	vshrl.u32 v0, $0x3  }
0x23e: {  	v1 =	vmul.u32 $0x30, v1  }
0x23f: {  	v0 =	vand.u32 $0x7, v0  }
0x240: {  	v0 =	vor.u32 v0, v1  }
0x241: {  	v1 =	vperm.xlane v0, v2;
	_ =	sdelay $0x1  }
0x242: {  	v1 =	vadd.s32 v3, v1;
	_ =	sdelay $0x3  }
0x243: {  	s10 =	simm.s32 $0xD100;
	v0 =	vperm.xlane v0, v4  }
0x244: {  	[tilespmem:s10], [sflag:$0x1] =	stream.indirect_vreg.gather [hbm4b:s3+s0], $0x80, v1, vm0, $0xb8;
	[tilespmem:$0x13100] =	vst v63  }
0x245: {  	v0 =	vadd.s32 v3, v0  }
0x246: {  	[tilespmem:s22], [sflag:$0x1] =	stream.indirect_vreg.gather [hbm4b:s8+s0], $0x80, v1, vm0, $0xb8;
	[tilespmem:$0x13100] =	vst v63  }
0x247: {  	_ = 	snop  }
0x248: {  	[tilespmem:s23], [sflag:$0x1] =	stream.indirect_vreg.gather [hbm4b:s9+s0], $0x80, v1, vm0, $0xb8;
	[tilespmem:$0x13100] =	vst v63  }
0x249: {  	_ = 	snop  }
0x24a: {  	[tilespmem:s24], [sflag:$0x1] =	stream.indirect_vreg.gather [hbm4b:s3+s0], $0x80, v0, vm0, $0xb8;
	[tilespmem:$0x13100] =	vst v63  }
0x24b: {  	_ = 	snop  }
0x24c: {  	[tilespmem:s25], [sflag:$0x1] =	stream.indirect_vreg.gather [hbm4b:s8+s0], $0x80, v0, vm0, $0xb8;
	[tilespmem:$0x13100] =	vst v63  }
0x24d: {  	_ = 	snop  }
0x24e: {  	[tilespmem:s4], [sflag:$0x1] =	stream.indirect_vreg.gather [hbm4b:s9+s0], $0x80, v0, vm0, $0xb8;
	[tilespmem:$0x13100] =	vst v63  }
0x24f: {  	v0 =	vld [tilespmem:$0x90];
	_ =	sdelay $0x4  }
0x250: {  	v1 =	vshrl.u32 v0, $0x3  }
0x251: {  	v1 =	vmul.u32 $0x30, v1  }
0x252: {  	v0 =	vand.u32 $0x7, v0  }
0x253: {  	v0 =	vor.u32 v0, v1  }
0x254: {  	v1 =	vperm.xlane v0, v2;
	_ =	sdelay $0x1  }
0x255: {  	v1 =	vadd.s32 v3, v1;
	_ =	sdelay $0x3  }
0x256: {  	v0 =	vperm.xlane v0, v4  }
0x257: {  	[tilespmem:s26], [sflag:$0x1] =	stream.indirect_vreg.gather [hbm4b:s3+s0], $0x80, v1, vm0, $0xb8;
	[tilespmem:$0x13100] =	vst v63  }
0x258: {  	v0 =	vadd.s32 v3, v0  }
0x259: {  	[tilespmem:s5], [sflag:$0x1] =	stream.indirect_vreg.gather [hbm4b:s8+s0], $0x80, v1, vm0, $0xb8;
	[tilespmem:$0x13100] =	vst v63  }
0x25a: {  	_ = 	snop  }
0x25b: {  	[tilespmem:s28], [sflag:$0x1] =	stream.indirect_vreg.gather [hbm4b:s9+s0], $0x80, v1, vm0, $0xb8;
	[tilespmem:$0x13100] =	vst v63  }
0x25c: {  	_ = 	snop  }
0x25d: {  	[tilespmem:s29], [sflag:$0x1] =	stream.indirect_vreg.gather [hbm4b:s3+s0], $0x80, v0, vm0, $0xb8;
	[tilespmem:$0x13100] =	vst v63  }
0x25e: {  	_ = 	snop  }
0x25f: {  	[tilespmem:s6], [sflag:$0x1] =	stream.indirect_vreg.gather [hbm4b:s8+s0], $0x80, v0, vm0, $0xb8;
	[tilespmem:$0x13100] =	vst v63  }
0x260: {  	s21 =	simm.s32 $0x0  }
0x261: {  	[tilespmem:s30], [sflag:$0x1] =	stream.indirect_vreg.gather [hbm4b:s9+s0], $0x80, v0, vm0, $0xb8;
	[tilespmem:$0x13100] =	vst v63  }
0x262: {  	s2 =	smul.u32 $0x1800, s21;
	_ =	swait.ge [sflag:s18], $0x6000  }
0x263: {  	s10 =	sand.u32 $0x380, s0;
	[sflag:s18] =	ssyncset.done $0x0  }
0x264: {  	s31 =	sor.u32 s10, s2;
	[sflag:s18] =	ssyncadd.s32 $0xFFFFA000  }
0x265: {  	v0 =	vld [tilespmem:s31+$0xD100];
	_ =	sdelay $0x4  }
0x266: {  	[tilespmem:$0x1FCB0] =	vst v0;
	v0 =	vld [tilespmem:s31+$0x1110];
	_ =	sdelay $0x4  }
0x267: {  	[tilespmem:$0x1FCC0] =	vst v0;
	v0 =	vld [tilespmem:s31+$0xD110];
	_ =	sdelay $0x4  }
0x268: {  	[tilespmem:$0x1FCD0] =	vst v0;
	v0 =	vld [tilespmem:s31+$0x1120];
	_ =	sdelay $0x4  }
0x269: {  	[tilespmem:$0x1FCE0] =	vst v0;
	v0 =	vld [tilespmem:s31+$0xD120];
	_ =	sdelay $0x4  }
0x26a: {  	[tilespmem:$0x1FCF0] =	vst v0;
	v0 =	vld [tilespmem:s31+$0x1130];
	_ =	sdelay $0x4  }
0x26b: {  	[tilespmem:$0x1FD00] =	vst v0;
	v0 =	vld [tilespmem:s31+$0xD130];
	_ =	sdelay $0x4  }
0x26c: {  	[tilespmem:$0x1FD10] =	vst v0;
	v0 =	vld [tilespmem:s31+$0x1140];
	_ =	sdelay $0x4  }
0x26d: {  	[tilespmem:$0x1FD20] =	vst v0;
	v0 =	vld [tilespmem:s31+$0xD140];
	_ =	sdelay $0x4  }
0x26e: {  	[tilespmem:$0x1FD30] =	vst v0;
	v0 =	vld [tilespmem:s31+$0x1150];
	_ =	sdelay $0x4  }
0x26f: {  	[tilespmem:$0x1FD40] =	vst v0;
	v0 =	vld [tilespmem:s31+$0xD150];
	_ =	sdelay $0x4  }
0x270: {  	[tilespmem:$0x1FD50] =	vst v0;
	v0 =	vld [tilespmem:s31+$0x1160];
	_ =	sdelay $0x4  }
0x271: {  	[tilespmem:$0x1FD60] =	vst v0;
	v0 =	vld [tilespmem:s31+$0xD160];
	_ =	sdelay $0x3  }
0x272: {  	v28 =	vld [tilespmem:s31+$0x1550]  }
0x273: {  	[tilespmem:$0x1FD70] =	vst v0;
	v0 =	vld [tilespmem:s31+$0x1170]  }
0x274: {  	v29 =	vld [tilespmem:s31+$0xD550]  }
0x275: {  	v30 =	vld [tilespmem:s31+$0x1560]  }
0x276: {  	v31 =	vld [tilespmem:s31+$0xD560]  }
0x277: {  	v32 =	vld [tilespmem:s31+$0x1570]  }
0x278: {  	[tilespmem:$0x1FD80] =	vst v0;
	v0 =	vld [tilespmem:s31+$0xD170]  }
0x279: {  	v33 =	vld [tilespmem:s31+$0xD570]  }
0x27a: {  	v34 =	vld [tilespmem:s31+$0x1900]  }
0x27b: {  	v35 =	vld [tilespmem:s31+$0xD900]  }
0x27c: {  	v36 =	vld [tilespmem:s31+$0x1910]  }
0x27d: {  	[tilespmem:$0x1FD90] =	vst v0;
	v0 =	vld [tilespmem:s31+$0x1500]  }
0x27e: {  	v37 =	vld [tilespmem:s31+$0xD910]  }
0x27f: {  	v38 =	vld [tilespmem:s31+$0x1920]  }
0x280: {  	v39 =	vld [tilespmem:s31+$0xD920]  }
0x281: {  	v40 =	vld [tilespmem:s31+$0xD930]  }
0x282: {  	[tilespmem:$0x1FDA0] =	vst v0;
	v0 =	vld [tilespmem:s31+$0xD500]  }
0x283: {  	v41 =	vld [tilespmem:s31+$0x1940]  }
0x284: {  	v42 =	vld [tilespmem:s31+$0xD940]  }
0x285: {  	v43 =	vld [tilespmem:s31+$0x1950]  }
0x286: {  	v44 =	vld [tilespmem:s31+$0xD950]  }
0x287: {  	[tilespmem:$0x1FDB0] =	vst v0;
	v0 =	vld [tilespmem:s31+$0x1510]  }
0x288: {  	v45 =	vld [tilespmem:s31+$0x1960]  }
0x289: {  	v46 =	vld [tilespmem:s31+$0xD960]  }
0x28a: {  	v47 =	vld [tilespmem:s31+$0xD970]  }
0x28b: {  	v48 =	vld [tilespmem:s31+$0x1D00]  }
0x28c: {  	[tilespmem:$0x1FDC0] =	vst v0;
	v0 =	vld [tilespmem:s31+$0xD510]  }
0x28d: {  	v49 =	vld [tilespmem:s31+$0xDD00]  }
0x28e: {  	v50 =	vld [tilespmem:s31+$0xDD10]  }
0x28f: {  	v51 =	vld [tilespmem:s31+$0x1D20]  }
0x290: {  	v54 =	vld [tilespmem:s31+$0xDD20]  }
0x291: {  	[tilespmem:$0x1FDD0] =	vst v0;
	v0 =	vld [tilespmem:s31+$0x1520]  }
0x292: {  	v55 =	vld [tilespmem:s31+$0x1D30]  }
0x293: {  	v56 =	vld [tilespmem:s31+$0xDD30]  }
0x294: {  	v57 =	vld [tilespmem:s31+$0x1D40]  }
0x295: {  	v58 =	vld [tilespmem:s31+$0xDD40]  }
0x296: {  	[tilespmem:$0x1FDE0] =	vst v0;
	v0 =	vld [tilespmem:s31+$0xD520]  }
0x297: {  	v59 =	vld [tilespmem:s31+$0xDD50]  }
0x298: {  	v60 =	vld [tilespmem:s31+$0x1D60]  }
0x299: {  	v61 =	vld [tilespmem:s31+$0xDD60]  }
0x29a: {  	v62 =	vld [tilespmem:s31+$0xDD70]  }
0x29b: {  	[tilespmem:$0x1FDF0] =	vst v0;
	v0 =	vld [tilespmem:s31+$0x1530]  }
0x29c: {  	v63 =	vld [tilespmem:s31+$0x2100]  }
0x29d: {  	v2 =	vld [tilespmem:s31+$0x2110]  }
0x29e: {  	v1 =	vld [tilespmem:s31+$0xE110]  }
0x29f: {  	v3 =	vld [tilespmem:s31+$0x2120]  }
0x2a0: {  	[tilespmem:$0x1FE00] =	vst v0;
	v0 =	vld [tilespmem:s31+$0xD530]  }
0x2a1: {  	v4 =	vld [tilespmem:s31+$0xE120]  }
0x2a2: {  	v5 =	vld [tilespmem:s31+$0xE130]  }
0x2a3: {  	v6 =	vld [tilespmem:s31+$0x2140]  }
0x2a4: {  	v7 =	vld [tilespmem:s31+$0xE140]  }
0x2a5: {  	[tilespmem:$0x1FE10] =	vst v0;
	v0 =	vld [tilespmem:s31+$0x1540]  }
0x2a6: {  	v8 =	vld [tilespmem:s31+$0xE150]  }
0x2a7: {  	v9 =	vld [tilespmem:s31+$0x2160]  }
0x2a8: {  	v10 =	vld [tilespmem:s31+$0xE160]  }
0x2a9: {  	v11 =	vld [tilespmem:s31+$0x2170]  }
0x2aa: {  	[tilespmem:$0x1FE20] =	vst v0;
	v0 =	vld [tilespmem:s31+$0xD540]  }
0x2ab: {  	v12 =	vld [tilespmem:s31+$0xE170]  }
0x2ac: {  	v13 =	vld [tilespmem:s31+$0x2500]  }
0x2ad: {  	v14 =	vld [tilespmem:s31+$0x2510]  }
0x2ae: {  	v15 =	vld [tilespmem:s31+$0xE510]  }
0x2af: {  	s21 =	simm.s32 $0x0;
	s2 =	simm.s32 $0x1;
	[tilespmem:$0x1FE30] =	vst v0;
	v0 =	vld [tilespmem:s31+$0xE100]  }
.LBB2_4:
0x2b0: {  	v16 =	vld [tilespmem:s31+$0xE530]  }
0x2b1: {  	v52 =	vmov s21;
	v17 =	vld [tilespmem:s31+$0x8500]  }
0x2b2: {  	v18 =	vld [tilespmem:s31+$0x8510]  }
0x2b3: {  	v19 =	vld [tilespmem:s31+$0x8520]  }
0x2b4: {  	v20 =	vld [tilespmem:s31+$0x8530];
	v53 =	vor.u32 $0x1, v52  }
0x2b5: {  	v21 =	vld [tilespmem:s31+$0x2530]  }
0x2b6: {  	v52 =	vld.idx.msk [tilespmem:v52+s19+$0x0], $0xffff  }
0x2b7: {  	v22 =	vld [tilespmem:s31+$0x2520]  }
0x2b8: {  	v26 =	vld [tilespmem:s31+$0x8160]  }
0x2b9: {  	v53 =	vld.idx.msk [tilespmem:v53+s19+$0x0], $0xffff  }
0x2ba: {  	v23 =	vld [tilespmem:s31+$0xE520]  }
0x2bb: {  	v24 =	vld [tilespmem:s31+$0xE500];
	v19 =	vmul.f32 v19, v52  }
0x2bc: {  	v25 =	vld [tilespmem:s31+$0x8170];
	v20 =	vmul.f32 v20, v52;
	v17 =	vmul.f32 v17, v52  }
0x2bd: {  	v18 =	vmul.f32 v18, v52;
	v26 =	vmul.f32 v26, v52  }
0x2be: {  	v27 =	vld [tilespmem:s31+$0x8150];
	v16 =	vmul.f32 v16, v53;
	v15 =	vmul.f32 v15, v53  }
0x2bf: {  	v10 =	vmul.f32 v10, v53;
	v19 =	vadd.f32 v19, v22;
	v20 =	vadd.f32 v20, v21;
	v21 =	vld [tilespmem:s31+$0x8140]  }
0x2c0: {  	v14 =	vadd.f32 v18, v14;
	v18 =	vmul.f32 v23, v53;
	v22 =	vld [tilespmem:s31+$0x2150];
	v13 =	vadd.f32 v17, v13  }
0x2c1: {  	v17 =	vmul.f32 v24, v53;
	v24 =	vmul.f32 v25, v52;
	v25 =	vld [tilespmem:s31+$0x8120];
	v9 =	vadd.f32 v26, v9  }
0x2c2: {  	v16 =	vadd.f32 v16, v20;
	v20 =	vld [tilespmem:s31+$0x8130];
	v14 =	vadd.f32 v15, v14  }
0x2c3: {  	v15 =	vadd.f32 v18, v19;
	v9 =	vadd.f32 v10, v9;
	v10 =	vld [tilespmem:s31+$0x7D60]  }
0x2c4: {  	v12 =	vmul.f32 v12, v53;
	v11 =	vadd.f32 v24, v11;
	[tilespmem:s31+$0x2530] =	vst v16;
	v16 =	vld [tilespmem:s31+$0x2130]  }
0x2c5: {  	v13 =	vadd.f32 v17, v13;
	v17 =	vmul.f32 v27, v52;
	[tilespmem:s31+$0x2520] =	vst v15;
	v15 =	vld [tilespmem:s31+$0x8110]  }
0x2c6: {  	[tilespmem:s31+$0x2510] =	vst v14;
	v14 =	vld [tilespmem:s31+$0x8100];
	v11 =	vadd.f32 v12, v11;
	v21 =	vmul.f32 v21, v52  }
0x2c7: {  	v8 =	vmul.f32 v8, v53;
	v12 =	vld [tilespmem:s31+$0x7D70];
	v17 =	vadd.f32 v17, v22  }
0x2c8: {  	v7 =	vmul.f32 v7, v53;
	v18 =	vmul.f32 v25, v52;
	[tilespmem:s31+$0x2170] =	vst v11;
	v11 =	vld [tilespmem:s31+$0x1D70];
	v6 =	vadd.f32 v21, v6  }
0x2c9: {  	v5 =	vmul.f32 v5, v53;
	v4 =	vmul.f32 v4, v53;
	v8 =	vadd.f32 v8, v17;
	v17 =	vld [tilespmem:$0x1FDA0]  }
0x2ca: {  	[tilespmem:s31+$0x2500] =	vst v13;
	v13 =	vmul.f32 v20, v52;
	v3 =	vadd.f32 v18, v3;
	v6 =	vadd.f32 v7, v6;
	v7 =	vld [tilespmem:s31+$0x7D50]  }
0x2cb: {  	v1 =	vmul.f32 v1, v53;
	v0 =	vmul.f32 v0, v53;
	[tilespmem:s31+$0x2150] =	vst v8;
	v8 =	vld [tilespmem:s31+$0x7D40]  }
0x2cc: {  	[tilespmem:s31+$0x2160] =	vst v9;
	v13 =	vadd.f32 v13, v16;
	v9 =	vmul.f32 v15, v52;
	v3 =	vadd.f32 v4, v3;
	v4 =	vld [tilespmem:s31+$0x7D30]  }
0x2cd: {  	v14 =	vmul.f32 v14, v52;
	v12 =	vmul.f32 v12, v52;
	v15 =	vld [tilespmem:$0x1FE30]  }
0x2ce: {  	v16 =	vld [tilespmem:$0x1FDE0];
	v5 =	vadd.f32 v5, v13;
	v2 =	vadd.f32 v9, v2;
	v9 =	vmul.f32 v10, v52  }
0x2cf: {  	[tilespmem:s31+$0x2140] =	vst v6;
	v6 =	vld [tilespmem:s31+$0x1D50];
	v10 =	vmul.f32 v62, v53;
	v13 =	vadd.f32 v14, v63;
	v11 =	vadd.f32 v12, v11  }
0x2d0: {  	v14 =	vmul.f32 v61, v53;
	[tilespmem:s31+$0x2130] =	vst v5;
	v5 =	vld [tilespmem:s31+$0x7D20];
	v1 =	vadd.f32 v1, v2  }
0x2d1: {  	v12 =	vmul.f32 v59, v53;
	v2 =	vld [tilespmem:s31+$0x7D10];
	v0 =	vadd.f32 v0, v13;
	v10 =	vadd.f32 v10, v11  }
0x2d2: {  	[tilespmem:s31+$0x2120] =	vst v3;
	v11 =	vmul.f32 v58, v53;
	v3 =	vmul.f32 v7, v52;
	v7 =	vadd.f32 v9, v60;
	v9 =	vld [tilespmem:s31+$0x7D00]  }
0x2d3: {  	v8 =	vmul.f32 v8, v52;
	v4 =	vmul.f32 v4, v52;
	[tilespmem:s31+$0x2110] =	vst v1;
	v1 =	vld [tilespmem:s31+$0x1D10]  }
0x2d4: {  	v13 =	vmul.f32 v54, v53;
	[tilespmem:s31+$0x2100] =	vst v0;
	v0 =	vld [tilespmem:s31+$0x7970];
	v3 =	vadd.f32 v3, v6;
	v6 =	vadd.f32 v14, v7  }
0x2d5: {  	[tilespmem:s31+$0x1D70] =	vst v10;
	v10 =	vld [tilespmem:s31+$0x7960];
	v7 =	vmul.f32 v56, v53;
	v8 =	vadd.f32 v8, v57;
	v4 =	vadd.f32 v4, v55  }
0x2d6: {  	v5 =	vmul.f32 v5, v52;
	v3 =	vadd.f32 v12, v3;
	[tilespmem:s31+$0x1D60] =	vst v6;
	v6 =	vld [tilespmem:s31+$0x1970];
	v2 =	vmul.f32 v2, v52  }
0x2d7: {  	v14 =	vmul.f32 v49, v53;
	v8 =	vadd.f32 v11, v8;
	v11 =	vld [tilespmem:s31+$0x7950];
	v9 =	vmul.f32 v9, v52  }
0x2d8: {  	v12 =	vmul.f32 v50, v53;
	v5 =	vadd.f32 v5, v51;
	[tilespmem:s31+$0x1D50] =	vst v3;
	v3 =	vld [tilespmem:s31+$0x7940];
	v1 =	vadd.f32 v2, v1  }
0x2d9: {  	v2 =	vadd.f32 v7, v4;
	v4 =	vld [tilespmem:s31+$0x7930];
	v0 =	vmul.f32 v0, v52;
	v7 =	vadd.f32 v9, v48  }
0x2da: {  	[tilespmem:s31+$0x1D40] =	vst v8;
	v8 =	vld [tilespmem:s31+$0x7920];
	v9 =	vmul.f32 v10, v52;
	v10 =	vmul.f32 v47, v53;
	v5 =	vadd.f32 v13, v5  }
0x2db: {  	v1 =	vadd.f32 v12, v1;
	[tilespmem:s31+$0x1D30] =	vst v2;
	v2 =	vld [tilespmem:s31+$0x1930];
	v12 =	vmul.f32 v46, v53;
	v0 =	vadd.f32 v0, v6  }
0x2dc: {  	v6 =	vadd.f32 v14, v7;
	v7 =	vmul.f32 v11, v52;
	v9 =	vadd.f32 v9, v45;
	[tilespmem:s31+$0x1D20] =	vst v5;
	v5 =	vld [tilespmem:s31+$0x7910]  }
0x2dd: {  	v11 =	vmul.f32 v44, v53;
	[tilespmem:s31+$0x1D10] =	vst v1;
	v1 =	vld [tilespmem:s31+$0x7900];
	v3 =	vmul.f32 v3, v52;
	v10 =	vadd.f32 v10, v0  }
0x2de: {  	[tilespmem:s31+$0x1D00] =	vst v6;
	v4 =	vmul.f32 v4, v52;
	v6 =	vadd.f32 v7, v43;
	v7 =	vadd.f32 v12, v9;
	v9 =	vld [tilespmem:s31+$0x7570]  }
0x2df: {  	v8 =	vmul.f32 v8, v52;
	v3 =	vadd.f32 v3, v41;
	[tilespmem:s31+$0x1970] =	vst v10;
	v10 =	vld [tilespmem:s31+$0x7560]  }
0x2e0: {  	v13 =	vmul.f32 v42, v53;
	v2 =	vadd.f32 v4, v2;
	v4 =	vadd.f32 v11, v6;
	v6 =	vld [tilespmem:s31+$0x7550]  }
0x2e1: {  	v61 =	vld [tilespmem:$0x1FCE0];
	v14 =	vmul.f32 v39, v53;
	v12 =	vmul.f32 v40, v53;
	[tilespmem:s31+$0x1960] =	vst v7;
	v7 =	vadd.f32 v8, v38  }
0x2e2: {  	v63 =	vld [tilespmem:$0x1FCC0];
	v5 =	vmul.f32 v5, v52;
	v3 =	vadd.f32 v13, v3;
	v11 =	vmul.f32 v1, v52  }
0x2e3: {  	v60 =	vld [tilespmem:$0x1FD80];
	v13 =	vmul.f32 v37, v53;
	v7 =	vadd.f32 v14, v7;
	v9 =	vmul.f32 v9, v52  }
0x2e4: {  	v8 =	vld [tilespmem:s31+$0x7540];
	v2 =	vadd.f32 v12, v2;
	v5 =	vadd.f32 v5, v36;
	[tilespmem:s31+$0x1940] =	vst v3;
	v10 =	vmul.f32 v10, v52  }
0x2e5: {  	v12 =	vmul.f32 v33, v53;
	v3 =	vld [tilespmem:s31+$0x7530];
	[tilespmem:s31+$0x1920] =	vst v7;
	v6 =	vmul.f32 v6, v52;
	v7 =	vadd.f32 v9, v32  }
0x2e6: {  	v14 =	vmul.f32 v31, v53;
	[tilespmem:s31+$0x1930] =	vst v2;
	v2 =	vld [tilespmem:s31+$0x7520];
	v5 =	vadd.f32 v13, v5;
	v10 =	vadd.f32 v10, v30  }
0x2e7: {  	v13 =	vmul.f32 v29, v53;
	v6 =	vadd.f32 v6, v28;
	v7 =	vadd.f32 v12, v7;
	v12 =	vld [tilespmem:$0x1FE20]  }
0x2e8: {  	v10 =	vadd.f32 v14, v10;
	v14 =	vld [tilespmem:$0x1FE10]  }
0x2e9: {  	[tilespmem:s31+$0x1950] =	vst v4;
	v4 =	vmul.f32 v35, v53;
	v11 =	vadd.f32 v11, v34;
	v6 =	vadd.f32 v13, v6;
	v13 =	vld [tilespmem:$0x1FE00]  }
0x2ea: {  	v0 =	vld [tilespmem:s31+$0xE540]  }
0x2eb: {  	v8 =	vmul.f32 v8, v52;
	v4 =	vadd.f32 v4, v11;
	v11 =	vld [tilespmem:s31+$0x7510]  }
0x2ec: {  	[tilespmem:s31+$0x1910] =	vst v5;
	v5 =	vld [tilespmem:s31+$0x7500];
	v3 =	vmul.f32 v3, v52;
	v2 =	vmul.f32 v2, v52  }
0x2ed: {  	v15 =	vmul.f32 v15, v53;
	[tilespmem:s31+$0x1570] =	vst v7;
	v7 =	vld [tilespmem:$0x1FDF0];
	v8 =	vadd.f32 v8, v12  }
0x2ee: {  	v2 =	vadd.f32 v2, v16;
	v16 =	vld [tilespmem:$0x1FDB0];
	v14 =	vmul.f32 v14, v53;
	v3 =	vadd.f32 v3, v13  }
0x2ef: {  	v8 =	vadd.f32 v15, v8;
	v15 =	vld [tilespmem:$0x1FDD0]  }
0x2f0: {  	v3 =	vadd.f32 v14, v3;
	v14 =	vld [tilespmem:$0x1FDC0]  }
0x2f1: {  	v5 =	vmul.f32 v5, v52;
	v13 =	vld [tilespmem:s31+$0x7150]  }
0x2f2: {  	[tilespmem:s31+$0x1900] =	vst v4;
	v4 =	vld [tilespmem:s31+$0x7170];
	v7 =	vmul.f32 v7, v53  }
0x2f3: {  	v11 =	vmul.f32 v11, v52;
	v12 =	vld [tilespmem:s31+$0x7160];
	v5 =	vadd.f32 v5, v17;
	v16 =	vmul.f32 v16, v53  }
0x2f4: {  	v17 =	vld [tilespmem:$0x1FD70];
	v2 =	vadd.f32 v7, v2  }
0x2f5: {  	v5 =	vadd.f32 v16, v5;
	v16 =	vld [tilespmem:$0x1FD40];
	v15 =	vmul.f32 v15, v53;
	v11 =	vadd.f32 v11, v14  }
0x2f6: {  	[tilespmem:s31+$0x1520] =	vst v2;
	v2 =	vmul.f32 v13, v52;
	v13 =	vld [tilespmem:$0x1FD60]  }
0x2f7: {  	v11 =	vadd.f32 v15, v11;
	v15 =	vld [tilespmem:$0x1FD50]  }
0x2f8: {  	[tilespmem:s31+$0x1550] =	vst v6;
	v6 =	vld [tilespmem:s31+$0x7140]  }
0x2f9: {  	v12 =	vmul.f32 v12, v52;
	v14 =	vld [tilespmem:$0x1FD90]  }
0x2fa: {  	[tilespmem:s31+$0x1540] =	vst v8;
	v8 =	vld [tilespmem:s31+$0x7110]  }
0x2fb: {  	v7 =	vld [tilespmem:s31+$0x7130];
	v17 =	vmul.f32 v17, v53;
	v12 =	vadd.f32 v12, v13  }
0x2fc: {  	v4 =	vmul.f32 v4, v52;
	[tilespmem:s31+$0x1530] =	vst v3;
	v3 =	vld [tilespmem:s31+$0x7120];
	v2 =	vadd.f32 v2, v16;
	v15 =	vmul.f32 v15, v53  }
0x2fd: {  	v12 =	vadd.f32 v17, v12;
	v17 =	vld [tilespmem:$0x1FD20]  }
0x2fe: {  	v4 =	vadd.f32 v4, v60;
	v14 =	vmul.f32 v14, v53;
	v2 =	vadd.f32 v15, v2;
	v15 =	vld [tilespmem:$0x1FD00]  }
0x2ff: {  	v16 =	vld [tilespmem:$0x1FD10]  }
0x300: {  	v6 =	vmul.f32 v6, v52;
	v4 =	vadd.f32 v14, v4;
	v14 =	vld [tilespmem:$0x1FD30]  }
0x301: {  	v7 =	vmul.f32 v7, v52;
	v13 =	vld [tilespmem:s31+$0x8540]  }
0x302: {  	v6 =	vadd.f32 v6, v17;
	v17 =	vld [tilespmem:$0x1FCF0]  }
0x303: {  	[tilespmem:s31+$0x1560] =	vst v10;
	v7 =	vadd.f32 v7, v15;
	v15 =	vld [tilespmem:$0x1FCD0]  }
0x304: {  	v3 =	vmul.f32 v3, v52;
	[tilespmem:s31+$0x1170] =	vst v4;
	v4 =	vld [tilespmem:s31+$0x2540]  }
0x305: {  	[tilespmem:s31+$0x1510] =	vst v11;
	v11 =	vld [tilespmem:s31+$0x8550];
	v14 =	vmul.f32 v14, v53  }
0x306: {  	v1 =	vld [tilespmem:s31+$0xE550];
	[tilespmem:s31+$0x1500] =	vst v5;
	v8 =	vmul.f32 v8, v52;
	v3 =	vadd.f32 v3, v61;
	v16 =	vmul.f32 v16, v53  }
0x307: {  	[tilespmem:s31+$0x1150] =	vst v2;
	v2 =	vmul.f32 v13, v52;
	v6 =	vadd.f32 v14, v6;
	v14 =	vld [tilespmem:s31+$0x2550];
	v17 =	vmul.f32 v17, v53  }
0x308: {  	s10 =	sshrl.u32 s2, $0x3;
	v9 =	vld [tilespmem:s31+$0xE560];
	v8 =	vadd.f32 v8, v63;
	[tilespmem:s31+$0x1160] =	vst v12;
	v7 =	vadd.f32 v16, v7;
	v15 =	vmul.f32 v15, v53  }
0x309: {  	s0 =	sadd.s32 $0x80, s0;
	s10 =	smul.u32 $0x1800, s10;
	v0 =	vmul.f32 v0, v53;
	v2 =	vadd.f32 v2, v4;
	[tilespmem:s31+$0x1140] =	vst v6;
	v3 =	vadd.f32 v17, v3  }
0x30a: {  	s21 =	sand.u32 $0x380, s0;
	v5 =	vld [tilespmem:s31+$0x8560];
	v4 =	vmul.f32 v11, v52;
	[tilespmem:s31+$0x1130] =	vst v7;
	v8 =	vadd.f32 v15, v8  }
0x30b: {  	s10 =	sor.u32 s21, s10;
	v13 =	vld [tilespmem:s31+$0x2560];
	v0 =	vadd.f32 v0, v2;
	[tilespmem:s31+$0x1120] =	vst v3  }
0x30c: {  	v1 =	vmul.f32 v1, v53;
	v2 =	vadd.f32 v4, v14;
	v4 =	vld [tilespmem:s10+$0xD100];
	[tilespmem:s31+$0x1110] =	vst v8  }
0x30d: {  	v3 =	vmul.f32 v9, v53;
	v9 =	vld [tilespmem:s10+$0x1110];
	[tilespmem:s31+$0x2540] =	vst v0  }
0x30e: {  	v0 =	vadd.f32 v1, v2;
	v1 =	vld [tilespmem:s10+$0xD110];
	_ =	sdelay $0x1  }
0x30f: {  	v5 =	vmul.f32 v5, v52  }
0x310: {  	v12 =	vld [tilespmem:s31+$0x8570]  }
0x311: {  	v10 =	vld [tilespmem:s31+$0xE570];
	v5 =	vadd.f32 v5, v13  }
0x312: {  	v6 =	vld [tilespmem:s31+$0x2570];
	[tilespmem:$0x1FCD0] =	vst v1  }
0x313: {  	v1 =	vadd.f32 v3, v5;
	v3 =	vld [tilespmem:s10+$0x1120];
	[tilespmem:s31+$0x2550] =	vst v0  }
0x314: {  	v0 =	vld [tilespmem:s10+$0xD120]  }
0x315: {  	v62 =	vld [tilespmem:s31+$0x7100];
	v7 =	vmul.f32 v12, v52  }
0x316: {  	v11 =	vld [tilespmem:s31+$0x1100];
	v2 =	vmov v4  }
0x317: {  	v8 =	vmul.f32 v10, v53;
	v10 =	vld [tilespmem:$0x1FCB0];
	[tilespmem:$0x1FCB0] =	vst v2;
	v5 =	vadd.f32 v7, v6  }
0x318: {  	[tilespmem:s31+$0x2560] =	vst v1  }
0x319: {  	v1 =	vld [tilespmem:s10+$0x1130];
	[tilespmem:$0x1FCF0] =	vst v0;
	v0 =	vadd.f32 v8, v5  }
0x31a: {  	[tilespmem:$0x1FCC0] =	vst v9;
	v9 =	vmul.f32 v62, v52  }
0x31b: {  	v2 =	vld [tilespmem:s10+$0xD130];
	[tilespmem:s31+$0x2570] =	vst v0  }
0x31c: {  	v10 =	vmul.f32 v10, v53;
	[tilespmem:$0x1FCE0] =	vst v3;
	v3 =	vadd.f32 v9, v11;
	v0 =	vld [tilespmem:s10+$0x1140];
	_ =	sdelay $0x1  }
0x31d: {  	[tilespmem:$0x1FD00] =	vst v1;
	v1 =	vadd.f32 v10, v3;
	_ =	sdelay $0x1  }
0x31e: {  	[tilespmem:s31+$0x1100] =	vst v1;
	s31 =	smov.u32 s10  }
0x31f: {  	[tilespmem:$0x1FD20] =	vst v0;
	v0 =	vld [tilespmem:s31+$0xD140];
	_ =	sdelay $0x4  }
0x320: {  	[tilespmem:$0x1FD30] =	vst v0;
	v0 =	vld [tilespmem:s31+$0x1150];
	_ =	sdelay $0x4  }
0x321: {  	[tilespmem:$0x1FD40] =	vst v0;
	v0 =	vld [tilespmem:s31+$0xD150];
	_ =	sdelay $0x4  }
0x322: {  	[tilespmem:$0x1FD50] =	vst v0;
	v0 =	vld [tilespmem:s31+$0x1160];
	_ =	sdelay $0x4  }
0x323: {  	[tilespmem:$0x1FD60] =	vst v0;
	v0 =	vld [tilespmem:s31+$0xD160];
	_ =	sdelay $0x3  }
0x324: {  	v28 =	vld [tilespmem:s31+$0x1550]  }
0x325: {  	[tilespmem:$0x1FD70] =	vst v0;
	v0 =	vld [tilespmem:s31+$0x1170]  }
0x326: {  	v29 =	vld [tilespmem:s31+$0xD550]  }
0x327: {  	v30 =	vld [tilespmem:s31+$0x1560]  }
0x328: {  	v31 =	vld [tilespmem:s31+$0xD560]  }
0x329: {  	v32 =	vld [tilespmem:s31+$0x1570]  }
0x32a: {  	[tilespmem:$0x1FD80] =	vst v0;
	v0 =	vld [tilespmem:s31+$0xD170]  }
0x32b: {  	v33 =	vld [tilespmem:s31+$0xD570]  }
0x32c: {  	v34 =	vld [tilespmem:s31+$0x1900]  }
0x32d: {  	v35 =	vld [tilespmem:s31+$0xD900]  }
0x32e: {  	v36 =	vld [tilespmem:s31+$0x1910]  }
0x32f: {  	[tilespmem:$0x1FD90] =	vst v0;
	v0 =	vld [tilespmem:s31+$0x1500]  }
0x330: {  	v37 =	vld [tilespmem:s31+$0xD910]  }
0x331: {  	v38 =	vld [tilespmem:s31+$0x1920]  }
0x332: {  	v39 =	vld [tilespmem:s31+$0xD920]  }
0x333: {  	v40 =	vld [tilespmem:s31+$0xD930]  }
0x334: {  	[tilespmem:$0x1FDA0] =	vst v0;
	v0 =	vld [tilespmem:s31+$0xD500]  }
0x335: {  	v41 =	vld [tilespmem:s31+$0x1940]  }
0x336: {  	v42 =	vld [tilespmem:s31+$0xD940]  }
0x337: {  	v43 =	vld [tilespmem:s31+$0x1950]  }
0x338: {  	v44 =	vld [tilespmem:s31+$0xD950]  }
0x339: {  	[tilespmem:$0x1FDB0] =	vst v0;
	v0 =	vld [tilespmem:s31+$0x1510]  }
0x33a: {  	v45 =	vld [tilespmem:s31+$0x1960]  }
0x33b: {  	v46 =	vld [tilespmem:s31+$0xD960]  }
0x33c: {  	v47 =	vld [tilespmem:s31+$0xD970]  }
0x33d: {  	v48 =	vld [tilespmem:s31+$0x1D00]  }
0x33e: {  	[tilespmem:$0x1FDC0] =	vst v0;
	v0 =	vld [tilespmem:s31+$0xD510]  }
0x33f: {  	v49 =	vld [tilespmem:s31+$0xDD00]  }
0x340: {  	v50 =	vld [tilespmem:s31+$0xDD10]  }
0x341: {  	v51 =	vld [tilespmem:s31+$0x1D20]  }
0x342: {  	v54 =	vld [tilespmem:s31+$0xDD20]  }
0x343: {  	[tilespmem:$0x1FDD0] =	vst v0;
	v0 =	vld [tilespmem:s31+$0x1520]  }
0x344: {  	v55 =	vld [tilespmem:s31+$0x1D30]  }
0x345: {  	v56 =	vld [tilespmem:s31+$0xDD30]  }
0x346: {  	v57 =	vld [tilespmem:s31+$0x1D40]  }
0x347: {  	v58 =	vld [tilespmem:s31+$0xDD40]  }
0x348: {  	[tilespmem:$0x1FDE0] =	vst v0;
	v0 =	vld [tilespmem:s31+$0xD520]  }
0x349: {  	v59 =	vld [tilespmem:s31+$0xDD50]  }
0x34a: {  	v60 =	vld [tilespmem:s31+$0x1D60]  }
0x34b: {  	v61 =	vld [tilespmem:s31+$0xDD60]  }
0x34c: {  	v62 =	vld [tilespmem:s31+$0xDD70]  }
0x34d: {  	[tilespmem:$0x1FDF0] =	vst v0;
	v0 =	vld [tilespmem:s31+$0x1530]  }
0x34e: {  	v63 =	vld [tilespmem:s31+$0x2100]  }
0x34f: {  	[tilespmem:$0x1FD10] =	vst v2;
	v2 =	vld [tilespmem:s31+$0x2110]  }
0x350: {  	v1 =	vld [tilespmem:s31+$0xE110]  }
0x351: {  	v3 =	vld [tilespmem:s31+$0x2120]  }
0x352: {  	[tilespmem:$0x1FE00] =	vst v0;
	v0 =	vld [tilespmem:s31+$0xD530]  }
0x353: {  	v4 =	vld [tilespmem:s31+$0xE120]  }
0x354: {  	v5 =	vld [tilespmem:s31+$0xE130]  }
0x355: {  	v6 =	vld [tilespmem:s31+$0x2140]  }
0x356: {  	v7 =	vld [tilespmem:s31+$0xE140]  }
0x357: {  	[tilespmem:$0x1FE10] =	vst v0;
	v0 =	vld [tilespmem:s31+$0x1540]  }
0x358: {  	v8 =	vld [tilespmem:s31+$0xE150]  }
0x359: {  	v9 =	vld [tilespmem:s31+$0x2160]  }
0x35a: {  	v10 =	vld [tilespmem:s31+$0xE160]  }
0x35b: {  	v11 =	vld [tilespmem:s31+$0x2170]  }
0x35c: {  	p0 =	sne.s32 s2, $0x1F;
	[tilespmem:$0x1FE20] =	vst v0;
	v0 =	vld [tilespmem:s31+$0xD540]  }
.Ltmp1:
0x35d: {  	v12 =	vld [tilespmem:s31+$0xE170];
	(pc) =	sbr.rel @p0 .LBB2_4-.Ltmp1, $4  }
0x35e: {  	v13 =	vld [tilespmem:s31+$0x2500]  }
0x35f: {  	v14 =	vld [tilespmem:s31+$0x2510]  }
0x360: {  	v15 =	vld [tilespmem:s31+$0xE510]  }
0x361: {  	s21 =	sshll.u32 s2, $0x7;
	s2 =	sadd.s32 $0x1, s2;
	[tilespmem:$0x1FE30] =	vst v0;
	v0 =	vld [tilespmem:s31+$0xE100]  }
0x362: {  	v18 =	vld [tilespmem:s31+$0x8510]  }
0x363: {  	v19 =	vld [tilespmem:s31+$0x8520]  }
0x364: {  	v16 =	vmov s21;
	v20 =	vld [tilespmem:s31+$0x8530]  }
0x365: {  	v21 =	vld [tilespmem:s31+$0x2530]  }
0x366: {  	v22 =	vld [tilespmem:s31+$0x2520]  }
0x367: {  	v23 =	vld [tilespmem:s31+$0xE520];
	v17 =	vor.u32 $0x1, v16  }
0x368: {  	v24 =	vld [tilespmem:s31+$0xE500]  }
0x369: {  	v53 =	vld.idx.msk [tilespmem:v16+s19+$0x0], $0xffff  }
0x36a: {  	v25 =	vld [tilespmem:s31+$0x8170]  }
0x36b: {  	v16 =	vld [tilespmem:s31+$0xE530]  }
0x36c: {  	v52 =	vld.idx.msk [tilespmem:v17+s19+$0x0], $0xffff  }
0x36d: {  	v26 =	vld [tilespmem:s31+$0x8160]  }
0x36e: {  	v17 =	vld [tilespmem:s31+$0x8500];
	v20 =	vmul.f32 v20, v53  }
0x36f: {  	v27 =	vld [tilespmem:s31+$0x8150];
	v19 =	vmul.f32 v19, v53  }
0x370: {  	v18 =	vmul.f32 v18, v53;
	v25 =	vmul.f32 v25, v53;
	v20 =	vadd.f32 v20, v21;
	v21 =	vld [tilespmem:s31+$0x8140]  }
0x371: {  	v16 =	vmul.f32 v16, v52;
	v15 =	vmul.f32 v15, v52;
	v19 =	vadd.f32 v19, v22;
	v22 =	vld [tilespmem:s31+$0x8130]  }
0x372: {  	v12 =	vmul.f32 v12, v52;
	v14 =	vadd.f32 v18, v14;
	v18 =	vld [tilespmem:s31+$0x8120];
	v11 =	vadd.f32 v25, v11  }
0x373: {  	v16 =	vadd.f32 v16, v20;
	v20 =	vmul.f32 v23, v52;
	v23 =	vmul.f32 v17, v53;
	v17 =	vld [tilespmem:s31+$0x2130]  }
0x374: {  	v14 =	vadd.f32 v15, v14;
	v15 =	vld [tilespmem:s31+$0x8100]  }
0x375: {  	v11 =	vadd.f32 v12, v11;
	v12 =	vld [tilespmem:s31+$0x7970]  }
0x376: {  	[tilespmem:s31+$0x2510] =	vst v14;
	v14 =	vld [tilespmem:s31+$0x7D60]  }
0x377: {  	v19 =	vadd.f32 v20, v19;
	v20 =	vmul.f32 v26, v53;
	v26 =	vld [tilespmem:s31+$0x1D70]  }
0x378: {  	[tilespmem:s31+$0x2170] =	vst v11;
	v11 =	vld [tilespmem:s31+$0x1D10]  }
0x379: {  	[tilespmem:$0x1FC90] =	vst v21;
	v21 =	vld [tilespmem:s31+$0x2150]  }
0x37a: {  	v24 =	vmul.f32 v24, v52;
	[tilespmem:s31+$0x2530] =	vst v16;
	v13 =	vadd.f32 v23, v13;
	v16 =	vmul.f32 v18, v53;
	v18 =	vld [tilespmem:s31+$0x1D50]  }
0x37b: {  	[tilespmem:s31+$0x2520] =	vst v19;
	v19 =	vld [tilespmem:s31+$0x8110]  }
0x37c: {  	v13 =	vadd.f32 v24, v13;
	v24 =	vld [tilespmem:s31+$0x7D70]  }
0x37d: {  	v23 =	vmul.f32 v27, v53;
	v27 =	vmul.f32 v22, v53;
	v25 =	vld [tilespmem:$0x1FC90]  }
0x37e: {  	v3 =	vadd.f32 v16, v3;
	v22 =	vmul.f32 v15, v53;
	v15 =	vmul.f32 v59, v52;
	v16 =	vld [tilespmem:s31+$0x7960]  }
0x37f: {  	v59 =	vmul.f32 v12, v53;
	v12 =	vmul.f32 v46, v52;
	v46 =	vld [tilespmem:s31+$0x7170]  }
0x380: {  	v10 =	vmul.f32 v10, v52;
	v9 =	vadd.f32 v20, v9;
	[tilespmem:s31+$0x2500] =	vst v13;
	v13 =	vadd.f32 v23, v21;
	v21 =	vld [tilespmem:s31+$0x7D30]  }
0x381: {  	v8 =	vmul.f32 v8, v52;
	v7 =	vmul.f32 v7, v52;
	v23 =	vld [tilespmem:s31+$0x7D20]  }
0x382: {  	v4 =	vmul.f32 v4, v52;
	v9 =	vadd.f32 v10, v9;
	v10 =	vmul.f32 v25, v53;
	v25 =	vld [tilespmem:s31+$0x7D10]  }
0x383: {  	v1 =	vmul.f32 v1, v52;
	v20 =	vmul.f32 v19, v53;
	v19 =	vld [tilespmem:s31+$0x1970]  }
0x384: {  	v0 =	vmul.f32 v0, v52;
	v8 =	vadd.f32 v8, v13;
	v13 =	vadd.f32 v27, v17;
	v17 =	vld [tilespmem:s31+$0x7D40]  }
0x385: {  	v3 =	vadd.f32 v4, v3;
	v24 =	vmul.f32 v24, v53;
	v6 =	vadd.f32 v10, v6;
	v10 =	vld [tilespmem:s31+$0x7D50]  }
0x386: {  	v4 =	vadd.f32 v22, v63;
	v27 =	vmul.f32 v62, v52;
	v2 =	vadd.f32 v20, v2;
	v20 =	vld [tilespmem:s31+$0x7950]  }
0x387: {  	[tilespmem:s31+$0x2120] =	vst v3;
	v62 =	vmul.f32 v61, v52;
	v3 =	vadd.f32 v24, v26;
	v26 =	vmul.f32 v14, v53;
	v24 =	vld [tilespmem:s31+$0x7940]  }
0x388: {  	[tilespmem:s31+$0x2150] =	vst v8;
	v6 =	vadd.f32 v7, v6;
	v1 =	vadd.f32 v1, v2;
	v7 =	vld [tilespmem:s31+$0x7D00];
	v8 =	vmul.f32 v21, v53  }
0x389: {  	v3 =	vadd.f32 v27, v3;
	v22 =	vmul.f32 v23, v53;
	v27 =	vmul.f32 v54, v52;
	v54 =	vld [tilespmem:s31+$0x7920]  }
0x38a: {  	v21 =	vmul.f32 v56, v52;
	v56 =	vmul.f32 v50, v52;
	v50 =	vld [tilespmem:$0x1FE20]  }
0x38b: {  	v61 =	vmul.f32 v16, v53;
	[tilespmem:s31+$0x2110] =	vst v1;
	v1 =	vadd.f32 v26, v60;
	v26 =	vadd.f32 v22, v51;
	v51 =	vld [tilespmem:s31+$0x7930]  }
0x38c: {  	v14 =	vmul.f32 v17, v53;
	v60 =	vld [tilespmem:s31+$0x7910];
	v16 =	vmul.f32 v24, v53  }
0x38d: {  	v24 =	vmul.f32 v39, v52;
	v39 =	vmul.f32 v35, v52;
	v35 =	vld [tilespmem:s31+$0x8570]  }
0x38e: {  	v5 =	vmul.f32 v5, v52;
	v0 =	vadd.f32 v0, v4;
	v17 =	vadd.f32 v14, v57;
	v57 =	vld [tilespmem:s31+$0x1930]  }
0x38f: {  	v63 =	vmul.f32 v10, v53;
	v14 =	vmul.f32 v20, v53;
	v20 =	vld [tilespmem:s31+$0x7550]  }
0x390: {  	[tilespmem:s31+$0x2100] =	vst v0;
	v5 =	vadd.f32 v5, v13;
	v0 =	vadd.f32 v62, v1;
	v62 =	vmul.f32 v47, v52;
	v47 =	vld [tilespmem:s31+$0x7160]  }
0x391: {  	v2 =	vadd.f32 v27, v26;
	v13 =	vadd.f32 v63, v18;
	v63 =	vld [tilespmem:s31+$0x7900]  }
0x392: {  	v18 =	vmul.f32 v58, v52;
	v58 =	vmul.f32 v49, v52;
	v49 =	vld [tilespmem:$0x1FE30]  }
0x393: {  	[tilespmem:s31+$0x1D20] =	vst v2;
	v2 =	vadd.f32 v59, v19;
	v59 =	vld [tilespmem:$0x1FDE0]  }
0x394: {  	v19 =	vmul.f32 v42, v52;
	v42 =	vmul.f32 v33, v52;
	v33 =	vld [tilespmem:s31+$0x2540]  }
0x395: {  	v1 =	vadd.f32 v15, v13;
	v15 =	vld [tilespmem:s31+$0x7570]  }
0x396: {  	[tilespmem:s31+$0x1D60] =	vst v0;
	v0 =	vadd.f32 v18, v17;
	v18 =	vld [tilespmem:s31+$0x7560]  }
0x397: {  	v23 =	vadd.f32 v8, v55;
	v55 =	vmul.f32 v7, v53;
	v17 =	vmul.f32 v44, v52;
	v44 =	vld [tilespmem:s31+$0x7500]  }
0x398: {  	[tilespmem:s31+$0x2130] =	vst v5;
	v5 =	vmul.f32 v51, v53;
	v51 =	vld [tilespmem:s31+$0x7150]  }
0x399: {  	[tilespmem:s31+$0x1D70] =	vst v3;
	v3 =	vadd.f32 v55, v48;
	v55 =	vld [tilespmem:$0x1FE10]  }
0x39a: {  	v10 =	vmul.f32 v60, v53;
	v60 =	vld [tilespmem:$0x1FDF0]  }
0x39b: {  	v13 =	vadd.f32 v61, v45;
	v61 =	vld [tilespmem:s31+$0x7110]  }
0x39c: {  	v45 =	vmul.f32 v31, v52;
	v31 =	vld [tilespmem:$0x1FD50]  }
0x39d: {  	v25 =	vmul.f32 v25, v53;
	v2 =	vadd.f32 v62, v2;
	v62 =	vld [tilespmem:$0x1FDC0]  }
0x39e: {  	[tilespmem:s31+$0x1D50] =	vst v1;
	v1 =	vadd.f32 v21, v23;
	v21 =	vld [tilespmem:s31+$0x7540]  }
0x39f: {  	[tilespmem:s31+$0x1D40] =	vst v0;
	v0 =	vadd.f32 v25, v11;
	v25 =	vld [tilespmem:s31+$0x7530]  }
0x3a0: {  	[tilespmem:s31+$0x2140] =	vst v6;
	v6 =	vadd.f32 v14, v43;
	v23 =	vmul.f32 v40, v52;
	v40 =	vld [tilespmem:s31+$0x7510]  }
0x3a1: {  	v7 =	vmul.f32 v20, v53;
	v20 =	vld [tilespmem:s31+$0x7120]  }
0x3a2: {  	v27 =	vmul.f32 v37, v52;
	v6 =	vadd.f32 v17, v6;
	v37 =	vadd.f32 v10, v36;
	v36 =	vld [tilespmem:$0x1FD30]  }
0x3a3: {  	v22 =	vmul.f32 v54, v53;
	v26 =	vmul.f32 v63, v53;
	v63 =	vld [tilespmem:s31+$0x7130]  }
0x3a4: {  	[tilespmem:s31+$0x1950] =	vst v6;
	v6 =	vld [tilespmem:s31+$0xE550]  }
0x3a5: {  	[tilespmem:s31+$0x1D30] =	vst v1;
	v1 =	vadd.f32 v5, v57;
	v5 =	vadd.f32 v22, v38;
	v38 =	vld [tilespmem:s31+$0x7520]  }
0x3a6: {  	v0 =	vadd.f32 v56, v0;
	v56 =	vld [tilespmem:$0x1FE00]  }
0x3a7: {  	v57 =	vld [tilespmem:s31+$0x7140]  }
0x3a8: {  	v22 =	vld [tilespmem:$0x1FDB0]  }
0x3a9: {  	v3 =	vadd.f32 v58, v3;
	v4 =	vadd.f32 v27, v37;
	v27 =	vld [tilespmem:$0x1FD60]  }
0x3aa: {  	[tilespmem:s31+$0x1970] =	vst v2;
	v2 =	vadd.f32 v16, v41;
	v7 =	vadd.f32 v7, v28;
	v28 =	vld [tilespmem:$0x1FD70]  }
0x3ab: {  	[tilespmem:s31+$0x2160] =	vst v9;
	v37 =	vld [tilespmem:$0x1FD20]  }
0x3ac: {  	[tilespmem:s31+$0x1D00] =	vst v3;
	v2 =	vadd.f32 v19, v2;
	v41 =	vmul.f32 v18, v53;
	v18 =	vld [tilespmem:$0x1FDD0]  }
0x3ad: {  	v19 =	vmul.f32 v46, v53;
	v46 =	vld [tilespmem:$0x1FCF0];
	[tilespmem:s31+$0x1D10] =	vst v0;
	v1 =	vadd.f32 v23, v1  }
0x3ae: {  	v48 =	vmul.f32 v29, v52;
	v3 =	vadd.f32 v12, v13;
	v9 =	vmul.f32 v15, v53;
	v0 =	vld [tilespmem:s31+$0xE540];
	[tilespmem:s31+$0x1940] =	vst v2  }
0x3af: {  	v12 =	vmul.f32 v60, v52;
	v23 =	vld [tilespmem:$0x1FD80];
	v2 =	vadd.f32 v24, v5;
	[tilespmem:s31+$0x1930] =	vst v1;
	v1 =	vadd.f32 v26, v34  }
0x3b0: {  	v29 =	vmul.f32 v51, v53;
	[tilespmem:s31+$0x1960] =	vst v3;
	v5 =	vld [tilespmem:s31+$0xE560];
	v43 =	vadd.f32 v9, v32;
	v3 =	vmul.f32 v21, v53  }
0x3b1: {  	v11 =	vmul.f32 v25, v53;
	v21 =	vld [tilespmem:$0x1FDA0];
	[tilespmem:s31+$0x1920] =	vst v2;
	v2 =	vadd.f32 v41, v30;
	v1 =	vadd.f32 v39, v1  }
0x3b2: {  	[tilespmem:s31+$0x1910] =	vst v4;
	v58 =	vmul.f32 v40, v53;
	v9 =	vmul.f32 v44, v53;
	v25 =	vld [tilespmem:$0x1FD90];
	v4 =	vadd.f32 v42, v43  }
0x3b3: {  	v8 =	vmul.f32 v20, v53;
	v3 =	vadd.f32 v3, v50;
	v30 =	vld [tilespmem:s31+$0x8560];
	[tilespmem:s31+$0x1900] =	vst v1;
	v1 =	vadd.f32 v45, v2  }
0x3b4: {  	v54 =	vmul.f32 v38, v53;
	v34 =	vmul.f32 v57, v53;
	v42 =	vld [tilespmem:$0x1FCE0];
	[tilespmem:s31+$0x1570] =	vst v4;
	v4 =	vadd.f32 v48, v7  }
0x3b5: {  	v32 =	vld [tilespmem:$0x1FD40];
	v10 =	vadd.f32 v11, v56;
	v11 =	vmul.f32 v36, v52;
	[tilespmem:s31+$0x1560] =	vst v1;
	v1 =	vmul.f32 v49, v52  }
0x3b6: {  	v40 =	vld [tilespmem:s31+$0x2560];
	v39 =	vmul.f32 v63, v53;
	[tilespmem:s31+$0x1550] =	vst v4;
	v4 =	vmul.f32 v55, v52  }
0x3b7: {  	v44 =	vld [tilespmem:$0x1FCC0];
	v16 =	vmul.f32 v46, v52;
	v1 =	vadd.f32 v1, v3;
	v3 =	vadd.f32 v54, v59  }
0x3b8: {  	v43 =	vld [tilespmem:s31+$0x7100];
	v9 =	vadd.f32 v9, v21;
	v2 =	vmul.f32 v47, v53;
	v4 =	vadd.f32 v4, v10  }
0x3b9: {  	v50 =	vld [tilespmem:s31+$0x1100];
	v8 =	vadd.f32 v8, v42;
	v51 =	vmul.f32 v30, v53;
	v3 =	vadd.f32 v12, v3  }
0x3ba: {  	v47 =	vld [tilespmem:$0x1FCD0];
	v5 =	vmul.f32 v5, v52;
	v2 =	vadd.f32 v2, v27;
	v10 =	vmul.f32 v61, v53;
	[tilespmem:s31+$0x1530] =	vst v4  }
0x3bb: {  	v7 =	vld [tilespmem:s31+$0xE570];
	v49 =	vadd.f32 v16, v8;
	v55 =	vadd.f32 v51, v40;
	[tilespmem:s31+$0x1520] =	vst v3;
	v3 =	vmul.f32 v22, v52  }
0x3bc: {  	v59 =	vld [tilespmem:$0x1FCB0];
	v4 =	vadd.f32 v19, v23;
	[tilespmem:s31+$0x1540] =	vst v1;
	v1 =	vadd.f32 v58, v62;
	v12 =	vmul.f32 v18, v52  }
0x3bd: {  	v26 =	vld [tilespmem:s31+$0x8550];
	v60 =	vadd.f32 v5, v55;
	v3 =	vadd.f32 v3, v9;
	v9 =	vmul.f32 v25, v52  }
0x3be: {  	v24 =	vld [tilespmem:s31+$0x8540];
	v56 =	vmul.f32 v43, v53;
	v10 =	vadd.f32 v10, v44;
	[tilespmem:s31+$0x1120] =	vst v49;
	v1 =	vadd.f32 v12, v1  }
0x3bf: {  	v38 =	vld [tilespmem:s31+$0x2550];
	v17 =	vmul.f32 v47, v52;
	[tilespmem:s31+$0x2560] =	vst v60;
	v4 =	vadd.f32 v9, v4;
	v9 =	vmul.f32 v28, v52  }
0x3c0: {  	v41 =	vld [tilespmem:$0x1FD00];
	v54 =	vmul.f32 v6, v52;
	v61 =	vadd.f32 v56, v50;
	v58 =	vmul.f32 v7, v52;
	[tilespmem:s31+$0x1510] =	vst v1  }
0x3c1: {  	v48 =	vld [tilespmem:s31+$0x2570];
	v10 =	vadd.f32 v17, v10;
	v7 =	vmul.f32 v59, v52;
	[tilespmem:s31+$0x1500] =	vst v3;
	v2 =	vadd.f32 v9, v2  }
0x3c2: {  	v45 =	vld [tilespmem:$0x1FD10];
	v1 =	vmul.f32 v26, v53;
	v3 =	vadd.f32 v29, v32;
	[tilespmem:s31+$0x1170] =	vst v4;
	v4 =	vmul.f32 v31, v52  }
0x3c3: {  	v12 =	vmul.f32 v24, v53;
	v63 =	vadd.f32 v7, v61;
	[tilespmem:s31+$0x1160] =	vst v2;
	v2 =	vadd.f32 v34, v37  }
0x3c4: {  	[tilespmem:s31+$0x1110] =	vst v10;
	v1 =	vadd.f32 v1, v38;
	v3 =	vadd.f32 v4, v3;
	v4 =	vmul.f32 v35, v53  }
0x3c5: {  	v0 =	vmul.f32 v0, v52;
	[tilespmem:s31+$0x1100] =	vst v63;
	v9 =	vadd.f32 v12, v33;
	v2 =	vadd.f32 v11, v2  }
0x3c6: {  	v1 =	vadd.f32 v54, v1;
	[tilespmem:s31+$0x1150] =	vst v3;
	v57 =	vadd.f32 v4, v48  }
0x3c7: {  	v0 =	vadd.f32 v0, v9;
	v3 =	vadd.f32 v39, v41;
	[tilespmem:s31+$0x1140] =	vst v2;
	v2 =	vmul.f32 v45, v52  }
0x3c8: {  	[tilespmem:s31+$0x2550] =	vst v1;
	v62 =	vadd.f32 v58, v57  }
0x3c9: {  	s7 =	sadd.s32 $0x1, s7;
	[tilespmem:s31+$0x2540] =	vst v0;
	v2 =	vadd.f32 v2, v3  }
0x3ca: {  	p0 =	sne.s32 s7, s16;
	[tilespmem:s31+$0x2570] =	vst v62  }
.Ltmp2:
0x3cb: {  	[tilespmem:s31+$0x1130] =	vst v2;
	(pc) =	sbr.rel @p0 .LBB2_1-.Ltmp2, $4  }
0x3cc: {  	[hbm4b:s15+s1] =	stream.linear.scatter [tilespmem:s20], [sflag:$0x2], $0x6000, $0x38;
	[tilespmem:$0x13100] =	vst v63  }
0x3cd: {  	_ =	swait.ge [sflag:s17], $0x6000  }
0x3ce: {  	[sflag:s17] =	ssyncset.done $0x0  }
0x3cf: {  	[sflag:s17] =	ssyncadd.s32 $0xFFFFA000  }
0x3d0: {  	_ =	sfence.sel $0x180000  }
0x3d1: {  	[bflag:$0x0] =	sbarrier.arrive $0xFFFF  }
0x3d2: {  	_ =	strace $0x9000004A  }
0x3d3: {  	s0 =	stileid.u32;
	[bflag:$0x2] =	sbarrier.arrive $0xFFFF  }
0x3d4: {  	p0 =	sne.s32 s0, $0x0;
	s0 =	rddreg [dreg:$0x2]  }
0x3d5: {  	s0 =	sadd.s32 @!p0 $0x100000, s0  }
0x3d6: {  	[sflag:s0] =	ssyncadd.tile.s32 @!p0 $0x1;
	_ =	shalt  }
.Lfunc_end2:
_tile_overlayer_lowered:
.L_overlay_start_2:
0x3d7: {  	(tag) =	ssettag $0x2  }
0x3d8: {  	s0 =	rddreg [dreg:$0x0];
	s2 =	stileid.u32  }
0x3d9: {  	s1 =	rddreg [dreg:$0x1];
	p0 =	sne.s32 s2, $0x0  }
0x3da: {  	s3 =	rddreg [dreg:$0x2];
	[bflag:$0x3] =	sbarrier.arrive $0xFFFF;
	s2 =	simm.s32 @!p0 $0x1C02  }
0x3db: {  	[timem:s3], [sflag:s2] =	dma.local @!p0 [hbm:s0], s1  }
0x3dc: {  	s0 =	simm.s32 @!p0 $0x2  }
0x3dd: {  	_ =	swait.ge @!p0 [sflag:s0], s1  }
0x3de: {  	s1 =	ssub.s32 @!p0 $0x0, s1;
	[sflag:s0] =	ssyncset.done @!p0 $0x0  }
0x3df: {  	[sflag:s0] =	ssyncadd.s32 @!p0 s1  }
0x3e0: {  	[bflag:$0x3] =	sbarrier.arrive $0xFFFF  }
0x3e1: {  	_ =	shalt  }

// kernel: kernel.8.cloned.1.call-start
scs
__scs_entry_jumppad:
0x0: {  	(pc) =	sbr.rel $0x88, $3  }
0x1: {  	(tag) =	ssettag $0x0;
	lr =	simm.s32 $0x1  }
0x2: {  	[smem:$0x3F94] =	sst lr;
	_ =	strace $0xD0000000  }
0x3: {  	_ = 	snop  }
0x4: {  	_ = 	snop  }
0x5: {  	_ = 	snop  }
0x6: {  	_ = 	snop  }
0x7: {  	_ = 	snop  }
__scs_overlays_trampoline_lowered:
0x8: {  	[smem:$0x3FA3] =	sst s0  }
0x9: {  	[smem:$0x3FA4] =	sst s1  }
0xa: {  	[smem:$0x3FA5] =	sst s2  }
0xb: {  	[smem:$0x3FA6] =	sst s3  }
0xc: {  	[smem:$0x3FA7] =	sst s4  }
0xd: {  	[smem:$0x3FA8] =	sst s5  }
0xe: {  	[smem:$0x3FA9] =	sst s6  }
0xf: {  	[smem:$0x3FAA] =	sst s7  }
0x10: {  	[smem:$0x3FAB] =	sst s8  }
0x11: {  	[smem:$0x3FAC] =	sst s9;
	s0 =	simm.s32 @!p0 $0x0  }
0x12: {  	s1 =	sld [smem:$0x3F92];
	s0 =	simm.s32 @p0 $0x1  }
0x13: {  	[smem:$0x3FAD] =	sst s0;
	s0 =	simm.s32 @!p1 $0x0  }
0x14: {  	s2 =	sld [smem:$0x3F91];
	s0 =	simm.s32 @p1 $0x1  }
0x15: {  	[smem:$0x3FAE] =	sst s0;
	s0 =	simm.s32 @!p2 $0x0  }
0x16: {  	s3 =	sld [smem:$0x3FDB];
	s0 =	simm.s32 @p2 $0x1  }
0x17: {  	s4 =	simm.s32 $0x1BF5;
	[smem:$0x3FB0] =	sst s0  }
0x18: {  	s0 =	sld [smem:$0x3F93];
	_ =	swait.ge [sflag:s4], $0x0  }
0x19: {  	s7 =	sld [smem:$0x3F94]  }
0x1a: {  	s8 =	sadd.s32 $0xFFFFE003, lr  }
0x1b: {  	s9 =	sadd.s32 $0xFFFFFEF7, lr;
	s5 =	simm.s32 $0xFFFFFFFF;
	p2 =	slt.u32 s8, $0xFFFFF086  }
0x1c: {  	p1 =	slt.u32 s9, $0xF7A;
	s5 =	simm.s32 @!p2 $0x0  }
0x1d: {  	s5 =	simm.s32 @p1 $0x1;
	p0 =	seq.s32 s7, s2  }
0x1e: {  	s7 =	smul.u32 @!p0 $0xF7A, s2;
	p2 =	seq.s32 @!p0 s5, $0x0  }
0x1f: {  	s9 =	smul.u32 $0xF7A, s1;
	s8 =	simm.s32 @!p0 $0x1BF5;
	p2 =	por !p2, p0  }
0x20: {  	[sflag:s8] =	ssyncset.s32 @!p0 $0xFFFFF086;
	s6 =	sadd.s32 @!p0 s3, s7;
	s7 =	simm.s32 @!p0 $0x108  }
0x21: {  	s3 =	sadd.s32 s3, s9;
	s6 =	sadd.s32 @!p0 $0x88, s6;
	s7 =	simm.s32 @p2 $0x1082  }
0x22: {  	[simem:s7], [sflag:s8] =	dma.local @!p0 [hbm:s6], $0xF7A  }
0x23: {  	s9 =	sor.u32 $0xD0000000, s2;
	s6 =	simm.s32 $0x108;
	_ =	swait.ge @!p0 [sflag:s8], $0x0  }
0x24: {  	s3 =	sadd.s32 $0x88, s3;
	s6 =	simm.s32 @!p1 $0x1082;
	[sflag:s4] =	ssyncset.s32 $0xFFFFF086  }
0x25: {  	[simem:s6], [sflag:s4] =	dma.local [hbm:s3], $0xF7A  }
0x26: {  	[smem:$0x3F94] =	sst s1;
	(tag) =	ssettag s2;
	_ =	strace s9  }
0x27: {  	s1 =	sld [smem:$0x3FA4]  }
0x28: {  	s2 =	sld [smem:$0x3FA5]  }
0x29: {  	s4 =	sld [smem:$0x3FA7]  }
0x2a: {  	p0 =	seq.s32 s5, $0x0;
	s5 =	sld [smem:$0x3FA8]  }
0x2b: {  	s6 =	sld [smem:$0x3FA9]  }
0x2c: {  	s7 =	sld [smem:$0x3FAA]  }
0x2d: {  	s3 =	simm.s32 $0x108;
	s8 =	sld [smem:$0x3FAB]  }
0x2e: {  	s3 =	simm.s32 @!p0 $0x1082;
	s9 =	sld [smem:$0x3FAC]  }
0x2f: {  	lr =	sadd.s32 s0, s3;
	s0 =	sld [smem:$0x3FA3]  }
0x30: {  	s3 =	sld [smem:$0x3FA6]  }
0x31: {  	[smem:$0x3FAF] =	sst s10  }
0x32: {  	s10 =	sld [smem:$0x3FAD];
	_ =	sdelay $0x3  }
0x33: {  	p0 =	seq.s32 s10, $0x1;
	s10 =	sld [smem:$0x3FAF];
	_ =	sdelay $0x3  }
0x34: {  	[smem:$0x3FAF] =	sst s10  }
0x35: {  	s10 =	sld [smem:$0x3FAE];
	_ =	sdelay $0x3  }
0x36: {  	p1 =	seq.s32 s10, $0x1;
	s10 =	sld [smem:$0x3FAF];
	_ =	sdelay $0x3  }
0x37: {  	[smem:$0x3FAF] =	sst s10  }
0x38: {  	s10 =	sld [smem:$0x3FB0]  }
0x39: {  	_ = 	snop;
	(pc) =	sbr.ind lr, $3  }
0x3a: {  	_ = 	snop  }
0x3b: {  	_ = 	snop  }
0x3c: {  	p2 =	seq.s32 s10, $0x1;
	s10 =	sld [smem:$0x3FAF]  }
0x3d: {  	_ =	shalt  }
0x3e: {  	_ =	shalt  }
0x3f: {  	_ =	shalt  }
0x40: {  	_ =	shalt  }
0x41: {  	_ =	shalt  }
0x42: {  	_ =	shalt  }
0x43: {  	_ =	shalt  }
0x44: {  	_ =	shalt  }
0x45: {  	_ =	shalt  }
0x46: {  	_ =	shalt  }
0x47: {  	_ =	shalt  }
0x48: {  	_ =	shalt  }
0x49: {  	_ =	shalt  }
0x4a: {  	_ =	shalt  }
0x4b: {  	_ =	shalt  }
0x4c: {  	_ =	shalt  }
0x4d: {  	_ =	shalt  }
0x4e: {  	_ =	shalt  }
0x4f: {  	_ =	shalt  }
0x50: {  	_ =	shalt  }
0x51: {  	_ =	shalt  }
0x52: {  	_ =	shalt  }
0x53: {  	_ =	shalt  }
0x54: {  	_ =	shalt  }
0x55: {  	_ =	shalt  }
0x56: {  	_ =	shalt  }
0x57: {  	_ =	shalt  }
0x58: {  	_ =	shalt  }
0x59: {  	_ =	shalt  }
0x5a: {  	_ =	shalt  }
0x5b: {  	_ =	shalt  }
0x5c: {  	_ =	shalt  }
0x5d: {  	_ =	shalt  }
0x5e: {  	_ =	shalt  }
0x5f: {  	_ =	shalt  }
0x60: {  	_ =	shalt  }
0x61: {  	_ =	shalt  }
0x62: {  	_ =	shalt  }
0x63: {  	_ =	shalt  }
0x64: {  	_ =	shalt  }
0x65: {  	_ =	shalt  }
0x66: {  	_ =	shalt  }
0x67: {  	_ =	shalt  }
0x68: {  	_ =	shalt  }
0x69: {  	_ =	shalt  }
0x6a: {  	_ =	shalt  }
0x6b: {  	_ =	shalt  }
0x6c: {  	_ =	shalt  }
0x6d: {  	_ =	shalt  }
0x6e: {  	_ =	shalt  }
0x6f: {  	_ =	shalt  }
0x70: {  	_ =	shalt  }
0x71: {  	_ =	shalt  }
0x72: {  	_ =	shalt  }
0x73: {  	_ =	shalt  }
0x74: {  	_ =	shalt  }
0x75: {  	_ =	shalt  }
0x76: {  	_ =	shalt  }
0x77: {  	_ =	shalt  }
0x78: {  	_ =	shalt  }
0x79: {  	_ =	shalt  }
0x7a: {  	_ =	shalt  }
0x7b: {  	_ =	shalt  }
0x7c: {  	_ =	shalt  }
0x7d: {  	_ =	shalt  }
0x7e: {  	_ =	shalt  }
0x7f: {  	_ =	shalt  }
0x80: {  	_ =	shalt  }
0x81: {  	_ =	shalt  }
0x82: {  	_ =	shalt  }
0x83: {  	_ =	shalt  }
0x84: {  	_ =	shalt  }
0x85: {  	_ =	shalt  }
0x86: {  	_ =	shalt  }
0x87: {  	_ =	shalt  }
.Lfunc_end0:
.L_simem_size_0:
called_computation_lowered:
.L_overlay_start_0:
0x88: {  	s2 =	sld [smem:$0x3FD9]  }
0x89: {  	s3 =	sld [smem:$0x3FFE];
	_ =	sdelay $0x1  }
0x8a: {  	s1 =	srdreg.scid  }
0x8b: {  	s0 =	sand.u32 $0x1, s1  }
0x8c: {  	s14 =	sshll.u32 s0, $0xA;
	s2 =	sadd.s32 s3, s2  }
0x8d: {  	s2 =	sadd.s32 s2, s14  }
0x8e: {  	[smem:$0x3FBB] =	sst s2  }
0x8f: {  	_ = 	snop  }
0x90: {  	s2 =	sld [smem:$0x3FD0];
	_ =	sdelay $0x2  }
0x91: {  	s15 =	simm.s32 $0xA;
	s4 =	simm.s32 $0x10  }
0x92: {  	[smem:s4], [sflag:s15] =	dma.local [hbm:s2], $0x1  }
0x93: {  	_ =	swait.eq [sflag:s15], $0x1  }
0x94: {  	[sflag:s15] =	ssyncset.done $0x0  }
0x95: {  	[sflag:s15] =	ssyncadd.s32 $0xFFFFFFFF  }
0x96: {  	s16 =	sld [smem:$0x10];
	(tm) =	ssettm $0x1  }
0x97: {  	s17 =	sld [smem:$0x3FFB];
	_ =	sdelay $0x3  }
0x98: {  	_ =	strace s17  }
0x99: {  	s3 =	sld [smem:$0x3FFC];
	_ =	sdelay $0x3  }
0x9a: {  	_ =	strace s3  }
0x9b: {  	s3 =	sld [smem:$0x3FFD];
	_ =	sdelay $0x3  }
0x9c: {  	_ =	strace s3  }
0x9d: {  	_ =	strace $0x8FFFFFFF  }
0x9e: {  	s18 =	sld [smem:$0x3FDB];
	_ =	sdelay $0x1  }
0x9f: {  	s19 =	simm.s32 $_scs_section_size  }
0xa0: {  	s5 =	simm.s32 $_size__tile_overlayer_lowered;
	s6 =	simm.s32 $_tile_overlayer_lowered  }
0xa1: {  	s22 =	simm.s32 $0x1BFF;
	s21 =	sshll.u32 s6, $0x1;
	s3 =	sadd.s32 s19, s18  }
0xa2: {  	s7 =	simm.s32 $0x0;
	s20 =	sshll.u32 s5, $0x1;
	s5 =	sadd.s32 s21, s3  }
0xa3: {  	[timem:s7], [sflag:s22] =	dma.local [hbm:s5], s20  }
0xa4: {  	_ =	swait.ge [sflag:s22], s20  }
0xa5: {  	s4 =	ssub.s32 $0x0, s20;
	[sflag:s22] =	ssyncset.done $0x0  }
0xa6: {  	[sflag:s22] =	ssyncadd.s32 s4;
	_ =	sdelay $0x1  }
0xa7: {  	s23 =	simm.s32 $0x1B8B  }
0xa8: {  	_ =	swait.ge [sflag:s23], $0x1  }
0xa9: {  	[sflag:s23] =	ssyncset.done $0x0  }
0xaa: {  	s25 =	simm.s32 $0x1B8E;
	s24 =	sld [smem:$0x3FFE];
	[sflag:s23] =	ssyncadd.s32 $0xFFFFFFFF  }
0xab: {  	s26 =	simm.s32 $execute0_lowered;
	[smem:$0x3FD2] =	sst s25  }
0xac: {  	s5 =	sshll.u32 s26, $0x1;
	_ =	strace $0x80000046;
	[dreg:$0x1] =	wrdreg $0xFFFFFFFF  }
0xad: {  	s28 =	simm.s32 $_size_execute0_lowered;
	s3 =	sadd.s32 s3, s5;
	[dreg:$0x0] =	wrdreg $0x0  }
0xae: {  	s5 =	sshll.u32 s28, $0x1;
	[dreg:$0x2] =	wrdreg s3  }
0xaf: {  	[dreg:$0x3] =	wrdreg s5  }
0xb0: {  	[dreg:$0x4] =	wrdreg $0xC0  }
0xb1: {  	_ =	task [dreg:s7], $0x5FFFF  }
0xb2: {  	[dreg:$0x1] =	wrdreg $0xFFFFFFFF  }
0xb3: {  	[dreg:$0x0] =	wrdreg $0x60  }
0xb4: {  	[dreg:$0x2] =	wrdreg s16  }
0xb5: {  	[dreg:$0x3] =	wrdreg s24  }
0xb6: {  	[dreg:$0x4] =	wrdreg $0x9  }
0xb7: {  	_ =	task.clear_ibuf [dreg:s7], $0x5FFFF;
	_ =	strace $0x90000046  }
0xb8: {  	s29 =	simm.s32 $0x9;
	_ =	strace $0x80000048  }
0xb9: {  	_ =	swait.ge [sflag:s29], $0x1  }
0xba: {  	[sflag:s29] =	ssyncadd.s32 $0xFFFFFFFF  }
0xbb: {  	_ =	strace $0x90000048  }
0xbc: {  	_ =	sfence  }
0xbd: {  	s30 =	sld [smem:$0x0];
	_ =	sdelay $0x2  }
0xbe: {  	s31 =	sshll.u32 s1, $0xD;
	s1 =	sshrl.u32 s1, $0x2  }
0xbf: {  	s3 =	sand.u32 $0x4000, s31;
	s1 =	sadd.s32 s1, s30  }
0xc0: {  	s0 =	sor.u32 s3, s0;
	s1 =	sshll.u32 s1, $0x11  }
0xc1: {  	s0 =	sor.u32 s1, s0  }
0xc2: {  	s0 =	sadd.s32 $0x8F2B, s0  }
0xc3: {  	[sflag:s0] =	ssyncadd.remote.s32 $0x1  }
0xc4: {  	_ =	sfence.sel $0xFFFF  }
0xc5: {  	[dreg:$0x0] =	wrdreg $0xFFFFFFFF;
	(pc) =	sbr.abs _section_cstart, $3  }
0xc6: {  	[dreg:$0x1] =	wrdreg $0xFFFFFFFF  }
0xc7: {  	_ =	task.clear_ibuf [dreg:s7], $0x2FFFF;
	_ =	strace $0x9FFFFFFF  }
0xc8: {  	(tm) =	ssettm $0x7FFFFFFF  }
0xc9: {  	_ =	shalt  }
tec
execute0_lowered:
.L_overlay_start_1:
0x0: {  	(tag) =	ssettag $0x1  }
0x1: {  	s0 =	rddreg [dreg:$0x0]  }
0x2: {  	s1 =	rddreg [dreg:$0x1];
	s2 =	srdreg.scid  }
0x3: {  	s3 =	stileid.u32;
	s25 =	simm.s32 $0xE180;
	s26 =	simm.s32 $0xE200  }
0x4: {  	s15 =	simm.s32 $0x3980;
	s16 =	simm.s32 $0x4180;
	s17 =	simm.s32 $0x4980  }
0x5: {  	s18 =	simm.s32 $0x5180;
	s28 =	simm.s32 $0x9980;
	s29 =	simm.s32 $0xA180  }
0x6: {  	s30 =	simm.s32 $0xA980;
	s31 =	simm.s32 $0xB180;
	s4 =	sand.u32 $0x1, s2  }
0x7: {  	s2 =	simm.s32 $0x0;
	s3 =	sshll.u32 s3, $0x7;
	s7 =	sadd.s32 $0xAC00, s1  }
0x8: {  	s19 =	sadd.s32 $0xC4E00, s1;
	s5 =	sshll.u32 s4, $0x6;
	[smem:$0x7FF] =	sst s2  }
0x9: {  	s4 =	ssub.s32 $0x2, s4;
	_ =	strace $0x80000047;
	[dreg:$0x3] =	wrdreg s7  }
0xa: {  	s6 =	sor.u32 s5, s3;
	s9 =	sshrl.u32 s4, $0x1;
	[dreg:$0x8] =	wrdreg s25  }
0xb: {  	s7 =	simm.s32 $0x2;
	[dreg:$0x9] =	wrdreg s26;
	s25 =	simm.s32 $0x8980  }
0xc: {  	s26 =	simm.s32 $0x9180;
	s3 =	sshll.u32 s6, $0x4;
	s10 =	sshrl.u32 s6, $0x3  }
0xd: {  	s6 =	sshll.u32 s6, $0x1;
	s23 =	ssub.s32 s4, s9;
	s4 =	sadd.s32 $0x3AF00, s1  }
0xe: {  	s9 =	simm.s32 $0xD980;
	s8 =	sadd.s32 s3, s1;
	s3 =	sadd.s32 $0x3AE00, s1  }
0xf: {  	v19 =	vlaneseq.u32;
	s10 =	smul.u32 $0x300, s10;
	s11 =	sand.u32 $0xF00, s6;
	s8 =	sadd.s32 $0x2C00, s8  }
0x10: {  	v0 =	vimm.s32 $0x0;
	v16 =	vmul.u32 $0x80, v19;
	s20 =	sor.u32 s5, s11;
	s5 =	sor.u32 s5, s6;
	s6 =	smax.u32 s23, $0x1  }
0x11: {  	vm0 =	vmmov $0xffff;
	v18 =	vshrl.u32 v19, $0x3;
	v17 =	vand.u32 $0x7, v19;
	s23 =	simm.s32 $0x7980;
	s11 =	simm.s32 $0xC980;
	[dreg:$0x4] =	wrdreg s8  }
0x12: {  	v19 =	vor.u32 $0x8, v19;
	v18 =	vmul.u32 $0x8, v18;
	v1 =	vor.u32 $0x2, v16;
	s0 =	sadd.s32 s0, s10;
	s21 =	sshrl.u32 s20, $0x3;
	s5 =	sshrl.u32 s5, $0x3  }
0x13: {  	v2 =	vor.u32 $0x3, v16;
	v3 =	vor.u32 $0x4, v16;
	v4 =	vor.u32 $0x5, v16;
	s8 =	simm.s32 $0x180;
	s20 =	simm.s32 $0x6180;
	s10 =	simm.s32 $0xD180  }
0x14: {  	v5 =	vor.u32 $0x802, v16;
	v6 =	vor.u32 $0x803, v16;
	v7 =	vor.u32 $0x804, v16;
	[dreg:$0x5] =	wrdreg s0;
	s22 =	sadd.s32 s19, s21;
	s5 =	sor.u32 $0x10, s5  }
0x15: {  	v8 =	vor.u32 $0x805, v16;
	v9 =	vor.u32 $0x1002, v16;
	v10 =	vor.u32 $0x1003, v16;
	s21 =	simm.s32 $0x6980;
	[dreg:$0x6] =	wrdreg s22;
	s24 =	sadd.s32 s19, s5  }
0x16: {  	v11 =	vor.u32 $0x1004, v16;
	v12 =	vor.u32 $0x1005, v16;
	v13 =	vor.u32 $0x1802, v16;
	s5 =	sadd.s32 $0x3B000, s1;
	s19 =	simm.s32 $0x5980;
	s22 =	simm.s32 $0x7180  }
0x17: {  	v14 =	vor.u32 $0x1803, v16;
	v15 =	vor.u32 $0x1804, v16;
	v16 =	vor.u32 $0x1805, v16;
	s1 =	simm.s32 $0xC180;
	[dreg:$0x7] =	wrdreg s24;
	s24 =	simm.s32 $0x8180  }
.LBB2_1:
0x18: {  	s13 =	rddreg [dreg:$0x3]  }
0x19: {  	[tilespmem:s2], [sflag:$0x2] =	stream.linear.gather [hbm4b:s13+s2], $0x80, $0x38;
	[tilespmem:$0xE280] =	vst v63  }
0x1a: {  	_ =	swait.ge [sflag:s7], $0x80  }
0x1b: {  	[sflag:s7] =	ssyncset.done $0x0  }
0x1c: {  	[sflag:s7] =	ssyncadd.s32 $0xFFFFFF80  }
0x1d: {  	v20 =	vld [tilespmem:$0x0];
	_ =	sdelay $0x4  }
0x1e: {  	v20 =	vtrunc.f32 v20  }
0x1f: {  	v20 =	vcvt.f32.s32 v20;
	_ =	sdelay $0x1  }
0x20: {  	v20 =	vadd.s32 $0xFF, v20  }
0x21: {  	v21 =	vshra.s32 v20, $0x1F;
	v22 =	vand.u32 $0xFF, v20  }
0x22: {  	vm1 =	vlt.s32 v20, $0x1;
	v21 =	vshrl.u32 v21, $0x18;
	vm2 =	vne.s32 v22, $0x0  }
0x23: {  	v20 =	vadd.s32 v21, v20;
	vm1 =	vmand vm1, vm2  }
0x24: {  	v20 =	vshra.s32 v20, $0x8;
	v39 =	vsel vm1, $0xFFFFFFFF, v0  }
0x25: {  	v20 =	vadd.s32 v39, v20  }
0x26: {  	(xrf0) =	vadd.scan.msk.s32 $0xffff, v20;
	_ =	sdelay $0x5  }
0x27: {  	v40, _, _ =	vpop (xrf0)  }
0x28: {  	v20 =	vsub.s32 v40, v20  }
0x29: {  	[tilespmem:$0x80] =	vst v40;
	v20 =	vshll.u32 v20, $0x8  }
0x2a: {  	s14 =	rddreg [dreg:$0x4];
	[tilespmem:$0x100] =	vst v20  }
0x2b: {  	[tilespmem:s8], [sflag:$0x2] =	stream.linear.gather [hbm4b:s14+s2], $0x2000, $0x38;
	[tilespmem:$0xE280] =	vst v63  }
0x2c: {  	_ =	swait.ge [sflag:s7], $0x2000  }
0x2d: {  	[sflag:s7] =	ssyncset.done $0x0  }
0x2e: {  	[sflag:s7] =	ssyncadd.s32 $0xFFFFE000  }
0x2f: {  	v20 =	vld.idx.msk [tilespmem:v1+s8+$0x0], $0xffff;
	_ =	sdelay $0x4  }
0x30: {  	v20 =	vtrunc.f32 v20  }
0x31: {  	v20 =	vcvt.f32.s32 v20  }
0x32: {  	v41 =	vld.idx.msk [tilespmem:v2+s8+$0x0], $0xffff;
	_ =	sdelay $0x1  }
0x33: {  	v42 =	vld.idx.msk [tilespmem:v3+s8+$0x0], $0xffff;
	_ =	sdelay $0x1  }
0x34: {  	s0 =	simm.s32 $0x100  }
0x35: {  	v21 =	vtrunc.f32 v41;
	v20 =	vld.idx.msk [tilespmem:v20+s0+$0x0], $0xffff  }
0x36: {  	v21 =	vcvt.f32.s32 v21  }
0x37: {  	v22 =	vtrunc.f32 v42  }
0x38: {  	v22 =	vcvt.f32.s32 v22  }
0x39: {  	v23 =	vld.idx.msk [tilespmem:v4+s8+$0x0], $0xffff  }
0x3a: {  	v20 =	vadd.s32 v22, v20  }
0x3b: {  	[tilespmem:$0xE180] =	vst v20  }
0x3c: {  	v20 =	vld.idx.msk [tilespmem:v21+s0+$0x0], $0xffff;
	_ =	sdelay $0x1  }
0x3d: {  	v43 =	vtrunc.f32 v23  }
0x3e: {  	v21 =	vcvt.f32.s32 v43;
	_ =	sdelay $0x1  }
0x3f: {  	v20 =	vadd.s32 v21, v20  }
0x40: {  	[tilespmem:$0xE200] =	vst v20  }
0x41: {  	v20 =	vld.idx.msk [tilespmem:v5+s8+$0x0], $0xffff;
	_ =	sdelay $0x4  }
0x42: {  	v20 =	vtrunc.f32 v20  }
0x43: {  	v20 =	vcvt.f32.s32 v20  }
0x44: {  	v44 =	vld.idx.msk [tilespmem:v6+s8+$0x0], $0xffff;
	_ =	sdelay $0x1  }
0x45: {  	v45 =	vld.idx.msk [tilespmem:v7+s8+$0x0], $0xffff;
	_ =	sdelay $0x2  }
0x46: {  	v21 =	vtrunc.f32 v44;
	v20 =	vld.idx.msk [tilespmem:v20+s0+$0x0], $0xffff  }
0x47: {  	v21 =	vcvt.f32.s32 v21  }
0x48: {  	v22 =	vtrunc.f32 v45  }
0x49: {  	v22 =	vcvt.f32.s32 v22  }
0x4a: {  	v46 =	vld.idx.msk [tilespmem:v8+s8+$0x0], $0xffff  }
0x4b: {  	v20 =	vadd.s32 v22, v20  }
0x4c: {  	[tilespmem:$0xE190] =	vst v20  }
0x4d: {  	v20 =	vld.idx.msk [tilespmem:v21+s0+$0x0], $0xffff;
	_ =	sdelay $0x1  }
0x4e: {  	v47 =	vtrunc.f32 v46  }
0x4f: {  	v21 =	vcvt.f32.s32 v47;
	_ =	sdelay $0x1  }
0x50: {  	v20 =	vadd.s32 v21, v20  }
0x51: {  	[tilespmem:$0xE210] =	vst v20  }
0x52: {  	v20 =	vld.idx.msk [tilespmem:v9+s8+$0x0], $0xffff;
	_ =	sdelay $0x4  }
0x53: {  	v20 =	vtrunc.f32 v20  }
0x54: {  	v20 =	vcvt.f32.s32 v20  }
0x55: {  	v48 =	vld.idx.msk [tilespmem:v10+s8+$0x0], $0xffff;
	_ =	sdelay $0x1  }
0x56: {  	v49 =	vld.idx.msk [tilespmem:v11+s8+$0x0], $0xffff;
	_ =	sdelay $0x2  }
0x57: {  	v21 =	vtrunc.f32 v48;
	v20 =	vld.idx.msk [tilespmem:v20+s0+$0x0], $0xffff  }
0x58: {  	v21 =	vcvt.f32.s32 v21  }
0x59: {  	v22 =	vtrunc.f32 v49  }
0x5a: {  	v22 =	vcvt.f32.s32 v22  }
0x5b: {  	v50 =	vld.idx.msk [tilespmem:v12+s8+$0x0], $0xffff  }
0x5c: {  	v20 =	vadd.s32 v22, v20  }
0x5d: {  	[tilespmem:$0xE1A0] =	vst v20  }
0x5e: {  	v20 =	vld.idx.msk [tilespmem:v21+s0+$0x0], $0xffff;
	_ =	sdelay $0x1  }
0x5f: {  	v51 =	vtrunc.f32 v50  }
0x60: {  	v21 =	vcvt.f32.s32 v51;
	_ =	sdelay $0x1  }
0x61: {  	v20 =	vadd.s32 v21, v20  }
0x62: {  	[tilespmem:$0xE220] =	vst v20  }
0x63: {  	v20 =	vld.idx.msk [tilespmem:v13+s8+$0x0], $0xffff;
	_ =	sdelay $0x4  }
0x64: {  	v20 =	vtrunc.f32 v20  }
0x65: {  	v20 =	vcvt.f32.s32 v20  }
0x66: {  	v52 =	vld.idx.msk [tilespmem:v14+s8+$0x0], $0xffff;
	_ =	sdelay $0x1  }
0x67: {  	v53 =	vld.idx.msk [tilespmem:v15+s8+$0x0], $0xffff;
	_ =	sdelay $0x2  }
0x68: {  	v21 =	vtrunc.f32 v52;
	v20 =	vld.idx.msk [tilespmem:v20+s0+$0x0], $0xffff  }
0x69: {  	v21 =	vcvt.f32.s32 v21  }
0x6a: {  	v22 =	vtrunc.f32 v53  }
0x6b: {  	v22 =	vcvt.f32.s32 v22  }
0x6c: {  	v54 =	vld.idx.msk [tilespmem:v16+s8+$0x0], $0xffff  }
0x6d: {  	v20 =	vadd.s32 v22, v20  }
0x6e: {  	[tilespmem:$0xE1B0] =	vst v20  }
0x6f: {  	v20 =	vld.idx.msk [tilespmem:v21+s0+$0x0], $0xffff;
	_ =	sdelay $0x1  }
0x70: {  	v55 =	vtrunc.f32 v54  }
0x71: {  	v21 =	vcvt.f32.s32 v55;
	_ =	sdelay $0x1  }
0x72: {  	v20 =	vadd.s32 v21, v20  }
0x73: {  	s12 =	simm.s32 $0x2180;
	s0 =	rddreg [dreg:$0x5];
	[tilespmem:$0xE230] =	vst v20  }
0x74: {  	[tilespmem:s12], [sflag:$0x2] =	stream.linear.gather [hbm4b:s0+s2], $0xC000, $0x38;
	[tilespmem:$0xE280] =	vst v63  }
0x75: {  	_ =	swait.ge [sflag:s7], $0xC000  }
0x76: {  	[sflag:s7] =	ssyncset.done $0x0  }
0x77: {  	[sflag:s7] =	ssyncadd.s32 $0xFFFF4000  }
0x78: {  	v20 =	vld [tilespmem:$0xE180];
	_ =	sdelay $0x4  }
0x79: {  	v56 =	vshrl.u32 v20, $0x3  }
0x7a: {  	v21 =	vmul.u32 $0x30, v56  }
0x7b: {  	v20 =	vand.u32 $0x7, v20  }
0x7c: {  	v20 =	vor.u32 v20, v21  }
0x7d: {  	v21 =	vperm.xlane v20, v17;
	_ =	sdelay $0x1  }
0x7e: {  	v21 =	vadd.s32 v18, v21;
	_ =	sdelay $0x3  }
0x7f: {  	v20 =	vperm.xlane v20, v19  }
0x80: {  	[hbm4b:s3+s2] =	stream.indirect_vreg.scatter [tilespmem:s12], [sflag:$0x1], $0x80, v21, vm0, $0xb8;
	[tilespmem:$0xE280] =	vst v63  }
0x81: {  	s13 =	simm.s32 $0x2980;
	v20 =	vadd.s32 v18, v20  }
0x82: {  	[hbm4b:s4+s2] =	stream.indirect_vreg.scatter [tilespmem:s13], [sflag:$0x1], $0x80, v21, vm0, $0xb8;
	[tilespmem:$0xE280] =	vst v63  }
0x83: {  	s14 =	simm.s32 $0x3180  }
0x84: {  	[hbm4b:s5+s2] =	stream.indirect_vreg.scatter [tilespmem:s14], [sflag:$0x1], $0x80, v21, vm0, $0xb8;
	[tilespmem:$0xE280] =	vst v63  }
0x85: {  	_ = 	snop  }
0x86: {  	[hbm4b:s3+s2] =	stream.indirect_vreg.scatter [tilespmem:s15], [sflag:$0x1], $0x80, v20, vm0, $0xb8;
	[tilespmem:$0xE280] =	vst v63  }
0x87: {  	_ = 	snop  }
0x88: {  	[hbm4b:s4+s2] =	stream.indirect_vreg.scatter [tilespmem:s16], [sflag:$0x1], $0x80, v20, vm0, $0xb8;
	[tilespmem:$0xE280] =	vst v63  }
0x89: {  	_ = 	snop  }
0x8a: {  	[hbm4b:s5+s2] =	stream.indirect_vreg.scatter [tilespmem:s17], [sflag:$0x1], $0x80, v20, vm0, $0xb8;
	[tilespmem:$0xE280] =	vst v63  }
0x8b: {  	v20 =	vld [tilespmem:$0xE190];
	_ =	sdelay $0x4  }
0x8c: {  	v57 =	vshrl.u32 v20, $0x3  }
0x8d: {  	v21 =	vmul.u32 $0x30, v57  }
0x8e: {  	v20 =	vand.u32 $0x7, v20  }
0x8f: {  	v20 =	vor.u32 v20, v21  }
0x90: {  	v21 =	vperm.xlane v20, v17;
	_ =	sdelay $0x1  }
0x91: {  	v21 =	vadd.s32 v18, v21;
	_ =	sdelay $0x3  }
0x92: {  	v20 =	vperm.xlane v20, v19  }
0x93: {  	[hbm4b:s3+s2] =	stream.indirect_vreg.scatter [tilespmem:s18], [sflag:$0x1], $0x80, v21, vm0, $0xb8;
	[tilespmem:$0xE280] =	vst v63  }
0x94: {  	v20 =	vadd.s32 v18, v20  }
0x95: {  	[hbm4b:s4+s2] =	stream.indirect_vreg.scatter [tilespmem:s19], [sflag:$0x1], $0x80, v21, vm0, $0xb8;
	[tilespmem:$0xE280] =	vst v63  }
0x96: {  	_ = 	snop  }
0x97: {  	[hbm4b:s5+s2] =	stream.indirect_vreg.scatter [tilespmem:s20], [sflag:$0x1], $0x80, v21, vm0, $0xb8;
	[tilespmem:$0xE280] =	vst v63  }
0x98: {  	_ = 	snop  }
0x99: {  	[hbm4b:s3+s2] =	stream.indirect_vreg.scatter [tilespmem:s21], [sflag:$0x1], $0x80, v20, vm0, $0xb8;
	[tilespmem:$0xE280] =	vst v63  }
0x9a: {  	_ = 	snop  }
0x9b: {  	[hbm4b:s4+s2] =	stream.indirect_vreg.scatter [tilespmem:s22], [sflag:$0x1], $0x80, v20, vm0, $0xb8;
	[tilespmem:$0xE280] =	vst v63  }
0x9c: {  	_ = 	snop  }
0x9d: {  	[hbm4b:s5+s2] =	stream.indirect_vreg.scatter [tilespmem:s23], [sflag:$0x1], $0x80, v20, vm0, $0xb8;
	[tilespmem:$0xE280] =	vst v63  }
0x9e: {  	v20 =	vld [tilespmem:$0xE1A0];
	_ =	sdelay $0x4  }
0x9f: {  	v58 =	vshrl.u32 v20, $0x3  }
0xa0: {  	v21 =	vmul.u32 $0x30, v58  }
0xa1: {  	v20 =	vand.u32 $0x7, v20  }
0xa2: {  	v20 =	vor.u32 v20, v21  }
0xa3: {  	v21 =	vperm.xlane v20, v17;
	_ =	sdelay $0x1  }
0xa4: {  	v21 =	vadd.s32 v18, v21;
	_ =	sdelay $0x3  }
0xa5: {  	v20 =	vperm.xlane v20, v19  }
0xa6: {  	[hbm4b:s3+s2] =	stream.indirect_vreg.scatter [tilespmem:s24], [sflag:$0x1], $0x80, v21, vm0, $0xb8;
	[tilespmem:$0xE280] =	vst v63  }
0xa7: {  	v20 =	vadd.s32 v18, v20  }
0xa8: {  	[hbm4b:s4+s2] =	stream.indirect_vreg.scatter [tilespmem:s25], [sflag:$0x1], $0x80, v21, vm0, $0xb8;
	[tilespmem:$0xE280] =	vst v63  }
0xa9: {  	_ = 	snop  }
0xaa: {  	[hbm4b:s5+s2] =	stream.indirect_vreg.scatter [tilespmem:s26], [sflag:$0x1], $0x80, v21, vm0, $0xb8;
	[tilespmem:$0xE280] =	vst v63  }
0xab: {  	_ = 	snop  }
0xac: {  	[hbm4b:s3+s2] =	stream.indirect_vreg.scatter [tilespmem:s28], [sflag:$0x1], $0x80, v20, vm0, $0xb8;
	[tilespmem:$0xE280] =	vst v63  }
0xad: {  	_ = 	snop  }
0xae: {  	[hbm4b:s4+s2] =	stream.indirect_vreg.scatter [tilespmem:s29], [sflag:$0x1], $0x80, v20, vm0, $0xb8;
	[tilespmem:$0xE280] =	vst v63  }
0xaf: {  	_ = 	snop  }
0xb0: {  	[hbm4b:s5+s2] =	stream.indirect_vreg.scatter [tilespmem:s30], [sflag:$0x1], $0x80, v20, vm0, $0xb8;
	[tilespmem:$0xE280] =	vst v63  }
0xb1: {  	v20 =	vld [tilespmem:$0xE1B0];
	_ =	sdelay $0x4  }
0xb2: {  	v59 =	vshrl.u32 v20, $0x3  }
0xb3: {  	v21 =	vmul.u32 $0x30, v59  }
0xb4: {  	v20 =	vand.u32 $0x7, v20  }
0xb5: {  	v20 =	vor.u32 v20, v21  }
0xb6: {  	v21 =	vperm.xlane v20, v17;
	_ =	sdelay $0x1  }
0xb7: {  	v21 =	vadd.s32 v18, v21;
	_ =	sdelay $0x3  }
0xb8: {  	v20 =	vperm.xlane v20, v19  }
0xb9: {  	[hbm4b:s3+s2] =	stream.indirect_vreg.scatter [tilespmem:s31], [sflag:$0x1], $0x80, v21, vm0, $0xb8;
	[tilespmem:$0xE280] =	vst v63  }
0xba: {  	s0 =	simm.s32 $0xB980;
	v20 =	vadd.s32 v18, v20  }
0xbb: {  	[hbm4b:s4+s2] =	stream.indirect_vreg.scatter [tilespmem:s0], [sflag:$0x1], $0x80, v21, vm0, $0xb8;
	[tilespmem:$0xE280] =	vst v63  }
0xbc: {  	_ = 	snop  }
0xbd: {  	[hbm4b:s5+s2] =	stream.indirect_vreg.scatter [tilespmem:s1], [sflag:$0x1], $0x80, v21, vm0, $0xb8;
	[tilespmem:$0xE280] =	vst v63  }
0xbe: {  	_ = 	snop  }
0xbf: {  	[hbm4b:s3+s2] =	stream.indirect_vreg.scatter [tilespmem:s11], [sflag:$0x1], $0x80, v20, vm0, $0xb8;
	[tilespmem:$0xE280] =	vst v63  }
0xc0: {  	_ = 	snop  }
0xc1: {  	[hbm4b:s4+s2] =	stream.indirect_vreg.scatter [tilespmem:s10], [sflag:$0x1], $0x80, v20, vm0, $0xb8;
	[tilespmem:$0xE280] =	vst v63  }
0xc2: {  	s0 =	simm.s32 $0x1  }
0xc3: {  	[hbm4b:s5+s2] =	stream.indirect_vreg.scatter [tilespmem:s9], [sflag:$0x1], $0x80, v20, vm0, $0xb8;
	[tilespmem:$0xE280] =	vst v63  }
0xc4: {  	_ =	swait.ge [sflag:s0], $0xC000  }
0xc5: {  	[sflag:s0] =	ssyncset.done $0x0  }
0xc6: {  	[sflag:s0] =	ssyncadd.s32 $0xFFFF4000  }
0xc7: {  	v20 =	vld [tilespmem:$0xE200];
	_ =	sdelay $0x4  }
0xc8: {  	v60 =	vshrl.u32 v20, $0x3  }
0xc9: {  	v21 =	vmul.u32 $0x30, v60  }
0xca: {  	v20 =	vand.u32 $0x7, v20  }
0xcb: {  	v20 =	vor.u32 v20, v21  }
0xcc: {  	v21 =	vperm.xlane v20, v17;
	_ =	sdelay $0x1  }
0xcd: {  	v21 =	vadd.s32 v18, v21;
	_ =	sdelay $0x3  }
0xce: {  	v20 =	vperm.xlane v20, v19  }
0xcf: {  	[hbm4b:s3+s2] =	stream.indirect_vreg.scatter [tilespmem:s12], [sflag:$0x1], $0x80, v21, vm0, $0xb8;
	[tilespmem:$0xE280] =	vst v63  }
0xd0: {  	v20 =	vadd.s32 v18, v20  }
0xd1: {  	[hbm4b:s4+s2] =	stream.indirect_vreg.scatter [tilespmem:s13], [sflag:$0x1], $0x80, v21, vm0, $0xb8;
	[tilespmem:$0xE280] =	vst v63  }
0xd2: {  	_ = 	snop  }
0xd3: {  	[hbm4b:s5+s2] =	stream.indirect_vreg.scatter [tilespmem:s14], [sflag:$0x1], $0x80, v21, vm0, $0xb8;
	[tilespmem:$0xE280] =	vst v63  }
0xd4: {  	_ = 	snop  }
0xd5: {  	[hbm4b:s3+s2] =	stream.indirect_vreg.scatter [tilespmem:s15], [sflag:$0x1], $0x80, v20, vm0, $0xb8;
	[tilespmem:$0xE280] =	vst v63  }
0xd6: {  	_ = 	snop  }
0xd7: {  	[hbm4b:s4+s2] =	stream.indirect_vreg.scatter [tilespmem:s16], [sflag:$0x1], $0x80, v20, vm0, $0xb8;
	[tilespmem:$0xE280] =	vst v63  }
0xd8: {  	_ = 	snop  }
0xd9: {  	[hbm4b:s5+s2] =	stream.indirect_vreg.scatter [tilespmem:s17], [sflag:$0x1], $0x80, v20, vm0, $0xb8;
	[tilespmem:$0xE280] =	vst v63  }
0xda: {  	v20 =	vld [tilespmem:$0xE210];
	_ =	sdelay $0x4  }
0xdb: {  	v61 =	vshrl.u32 v20, $0x3  }
0xdc: {  	v21 =	vmul.u32 $0x30, v61  }
0xdd: {  	v20 =	vand.u32 $0x7, v20  }
0xde: {  	v20 =	vor.u32 v20, v21  }
0xdf: {  	v21 =	vperm.xlane v20, v17;
	_ =	sdelay $0x1  }
0xe0: {  	v21 =	vadd.s32 v18, v21;
	_ =	sdelay $0x3  }
0xe1: {  	v20 =	vperm.xlane v20, v19  }
0xe2: {  	[hbm4b:s3+s2] =	stream.indirect_vreg.scatter [tilespmem:s18], [sflag:$0x1], $0x80, v21, vm0, $0xb8;
	[tilespmem:$0xE280] =	vst v63  }
0xe3: {  	v20 =	vadd.s32 v18, v20  }
0xe4: {  	[hbm4b:s4+s2] =	stream.indirect_vreg.scatter [tilespmem:s19], [sflag:$0x1], $0x80, v21, vm0, $0xb8;
	[tilespmem:$0xE280] =	vst v63  }
0xe5: {  	_ = 	snop  }
0xe6: {  	[hbm4b:s5+s2] =	stream.indirect_vreg.scatter [tilespmem:s20], [sflag:$0x1], $0x80, v21, vm0, $0xb8;
	[tilespmem:$0xE280] =	vst v63  }
0xe7: {  	_ = 	snop  }
0xe8: {  	[hbm4b:s3+s2] =	stream.indirect_vreg.scatter [tilespmem:s21], [sflag:$0x1], $0x80, v20, vm0, $0xb8;
	[tilespmem:$0xE280] =	vst v63  }
0xe9: {  	_ = 	snop  }
0xea: {  	[hbm4b:s4+s2] =	stream.indirect_vreg.scatter [tilespmem:s22], [sflag:$0x1], $0x80, v20, vm0, $0xb8;
	[tilespmem:$0xE280] =	vst v63  }
0xeb: {  	_ = 	snop  }
0xec: {  	[hbm4b:s5+s2] =	stream.indirect_vreg.scatter [tilespmem:s23], [sflag:$0x1], $0x80, v20, vm0, $0xb8;
	[tilespmem:$0xE280] =	vst v63  }
0xed: {  	v20 =	vld [tilespmem:$0xE220];
	_ =	sdelay $0x4  }
0xee: {  	v62 =	vshrl.u32 v20, $0x3  }
0xef: {  	v21 =	vmul.u32 $0x30, v62  }
0xf0: {  	v20 =	vand.u32 $0x7, v20  }
0xf1: {  	v20 =	vor.u32 v20, v21  }
0xf2: {  	v21 =	vperm.xlane v20, v17;
	_ =	sdelay $0x1  }
0xf3: {  	v21 =	vadd.s32 v18, v21;
	_ =	sdelay $0x3  }
0xf4: {  	v20 =	vperm.xlane v20, v19  }
0xf5: {  	[hbm4b:s3+s2] =	stream.indirect_vreg.scatter [tilespmem:s24], [sflag:$0x1], $0x80, v21, vm0, $0xb8;
	[tilespmem:$0xE280] =	vst v63  }
0xf6: {  	v20 =	vadd.s32 v18, v20  }
0xf7: {  	[hbm4b:s4+s2] =	stream.indirect_vreg.scatter [tilespmem:s25], [sflag:$0x1], $0x80, v21, vm0, $0xb8;
	[tilespmem:$0xE280] =	vst v63  }
0xf8: {  	_ = 	snop  }
0xf9: {  	[hbm4b:s5+s2] =	stream.indirect_vreg.scatter [tilespmem:s26], [sflag:$0x1], $0x80, v21, vm0, $0xb8;
	[tilespmem:$0xE280] =	vst v63  }
0xfa: {  	_ = 	snop  }
0xfb: {  	[hbm4b:s3+s2] =	stream.indirect_vreg.scatter [tilespmem:s28], [sflag:$0x1], $0x80, v20, vm0, $0xb8;
	[tilespmem:$0xE280] =	vst v63  }
0xfc: {  	_ = 	snop  }
0xfd: {  	[hbm4b:s4+s2] =	stream.indirect_vreg.scatter [tilespmem:s29], [sflag:$0x1], $0x80, v20, vm0, $0xb8;
	[tilespmem:$0xE280] =	vst v63  }
0xfe: {  	_ = 	snop  }
0xff: {  	[hbm4b:s5+s2] =	stream.indirect_vreg.scatter [tilespmem:s30], [sflag:$0x1], $0x80, v20, vm0, $0xb8;
	[tilespmem:$0xE280] =	vst v63  }
0x100: {  	v20 =	vld [tilespmem:$0xE230];
	_ =	sdelay $0x4  }
0x101: {  	v63 =	vshrl.u32 v20, $0x3  }
0x102: {  	v21 =	vmul.u32 $0x30, v63  }
0x103: {  	v20 =	vand.u32 $0x7, v20  }
0x104: {  	v20 =	vor.u32 v20, v21  }
0x105: {  	v21 =	vperm.xlane v20, v17;
	_ =	sdelay $0x1  }
0x106: {  	v21 =	vadd.s32 v18, v21;
	_ =	sdelay $0x3  }
0x107: {  	v20 =	vperm.xlane v20, v19  }
0x108: {  	[hbm4b:s3+s2] =	stream.indirect_vreg.scatter [tilespmem:s31], [sflag:$0x1], $0x80, v21, vm0, $0xb8;
	[tilespmem:$0xE280] =	vst v63  }
0x109: {  	s13 =	simm.s32 $0xB980;
	v20 =	vadd.s32 v18, v20  }
0x10a: {  	[hbm4b:s4+s2] =	stream.indirect_vreg.scatter [tilespmem:s13], [sflag:$0x1], $0x80, v21, vm0, $0xb8;
	[tilespmem:$0xE280] =	vst v63  }
0x10b: {  	_ = 	snop  }
0x10c: {  	[hbm4b:s5+s2] =	stream.indirect_vreg.scatter [tilespmem:s1], [sflag:$0x1], $0x80, v21, vm0, $0xb8;
	[tilespmem:$0xE280] =	vst v63  }
0x10d: {  	_ = 	snop  }
0x10e: {  	[hbm4b:s3+s2] =	stream.indirect_vreg.scatter [tilespmem:s11], [sflag:$0x1], $0x80, v20, vm0, $0xb8;
	[tilespmem:$0xE280] =	vst v63  }
0x10f: {  	_ = 	snop  }
0x110: {  	[hbm4b:s4+s2] =	stream.indirect_vreg.scatter [tilespmem:s10], [sflag:$0x1], $0x80, v20, vm0, $0xb8;
	[tilespmem:$0xE280] =	vst v63  }
0x111: {  	_ = 	snop  }
0x112: {  	[hbm4b:s5+s2] =	stream.indirect_vreg.scatter [tilespmem:s9], [sflag:$0x1], $0x80, v20, vm0, $0xb8;
	[tilespmem:$0xE280] =	vst v63  }
0x113: {  	_ =	swait.ge [sflag:s0], $0xC000  }
0x114: {  	s14 =	rddreg [dreg:$0x6];
	[sflag:s0] =	ssyncset.done $0x0  }
0x115: {  	s12 =	rddreg [dreg:$0x8];
	[sflag:s0] =	ssyncadd.s32 $0xFFFF4000  }
0x116: {  	[hbm4b:s14+s2] =	stream.linear.scatter [tilespmem:s12], [sflag:$0x2], $0x40, $0x38;
	[tilespmem:$0xE280] =	vst v63  }
0x117: {  	_ =	swait.ge [sflag:s7], $0x40  }
0x118: {  	p0 =	sne.s32 s6, $0x1;
	s0 =	rddreg [dreg:$0x7];
	[sflag:s7] =	ssyncset.done $0x0  }
.Ltmp0:
0x119: {  	s12 =	rddreg [dreg:$0x9];
	[sflag:s7] =	ssyncadd.s32 $0xFFFFFFC0;
	(pc) =	sbr.rel @p0 .LBB2_1-.Ltmp0, $4  }
0x11a: {  	[hbm4b:s0+s2] =	stream.linear.scatter [tilespmem:s12], [sflag:$0x2], $0x40, $0x38;
	[tilespmem:$0xE280] =	vst v63  }
0x11b: {  	_ =	swait.ge [sflag:s7], $0x40  }
0x11c: {  	[sflag:s7] =	ssyncset.done $0x0  }
0x11d: {  	s6 =	sadd.s32 $0xFFFFFFFF, s6;
	[sflag:s7] =	ssyncadd.s32 $0xFFFFFFC0  }
0x11e: {  	_ =	sfence.sel $0x180000  }
0x11f: {  	[bflag:$0x0] =	sbarrier.arrive $0xFFFF  }
0x120: {  	_ =	strace $0x90000047  }
0x121: {  	s0 =	stileid.u32;
	[bflag:$0x2] =	sbarrier.arrive $0xFFFF  }
0x122: {  	p0 =	sne.s32 s0, $0x0;
	s0 =	rddreg [dreg:$0x2]  }
0x123: {  	s0 =	sadd.s32 @!p0 $0x100000, s0  }
0x124: {  	[sflag:s0] =	ssyncadd.tile.s32 @!p0 $0x1;
	_ =	shalt  }
.Lfunc_end2:
_tile_overlayer_lowered:
.L_overlay_start_2:
0x125: {  	(tag) =	ssettag $0x2  }
0x126: {  	s0 =	rddreg [dreg:$0x0];
	s2 =	stileid.u32  }
0x127: {  	s1 =	rddreg [dreg:$0x1];
	p0 =	sne.s32 s2, $0x0  }
0x128: {  	s3 =	rddreg [dreg:$0x2];
	[bflag:$0x3] =	sbarrier.arrive $0xFFFF;
	s2 =	simm.s32 @!p0 $0x1C02  }
0x129: {  	[timem:s3], [sflag:s2] =	dma.local @!p0 [hbm:s0], s1  }
0x12a: {  	s0 =	simm.s32 @!p0 $0x2  }
0x12b: {  	_ =	swait.ge @!p0 [sflag:s0], s1  }
0x12c: {  	s1 =	ssub.s32 @!p0 $0x0, s1;
	[sflag:s0] =	ssyncset.done @!p0 $0x0  }
0x12d: {  	[sflag:s0] =	ssyncadd.s32 @!p0 s1  }
0x12e: {  	[bflag:$0x3] =	sbarrier.arrive $0xFFFF  }
0x12f: {  	_ =	shalt  }

</sc_bundles>
